<compile_context>
chip_gen: v7x
topology: tpu7x:2x2x1
jax: 0.10.2.dev20260603
libtpu: 0.0.44.dev20260713+nightly
codegen_flags: <defaults>
</compile_context>

<pallas_src>
import functools
import math

import jax
import jax.numpy as jnp
from jax import lax
from jax.experimental import pallas as pl
from jax.experimental.pallas import tpu as pltpu
from jax.experimental.pallas import tpu_sc as plsc

_NC = 2
_NS = 16
_LANES = 16
_NW = _NC * _NS

_RB = 32768


def _sc_gather_body(x_hbm, e0_hbm, e1_hbm, mw_hbm, bw_hbm, out_hbm,
                    x_v, e0_v, e1_v, mw_v, bw_v, xx_v, sem):
    chunk = x_v.shape[0]
    wid = lax.axis_index("s") * _NC + lax.axis_index("c")
    base = wid * chunk
    copies = [
        pltpu.make_async_copy(mw_hbm, mw_v, sem),
        pltpu.make_async_copy(bw_hbm, bw_v, sem),
        pltpu.make_async_copy(x_hbm.at[pl.ds(base, chunk)], x_v, sem),
        pltpu.make_async_copy(e0_hbm.at[pl.ds(base, chunk)], e0_v, sem),
        pltpu.make_async_copy(e1_hbm.at[pl.ds(base, chunk)], e1_v, sem),
    ]
    for c in copies:
        c.start()
    for c in copies:
        c.wait()

    @plsc.parallel_loop(0, chunk // _LANES, unroll=16)
    def _step(i):
        sl = pl.ds(i * _LANES, _LANES)
        i0 = e0_v[sl]
        i1 = e1_v[sl]
        m = plsc.load_gather(mw_v, [i0]) + plsc.load_gather(mw_v, [i1])
        b = plsc.load_gather(bw_v, [i0]) + plsc.load_gather(bw_v, [i1])
        xx_v[sl] = m * x_v[sl] + b

    pltpu.sync_copy(xx_v, out_hbm.at[pl.ds(base, chunk)])


def _sc_gather(x_flat, e0, e1, mw, bw):
    t = x_flat.shape[0]
    chunk = t // _NW
    e = mw.shape[0]
    kern = functools.partial(
        pl.kernel,
        mesh=plsc.VectorSubcoreMesh(core_axis_name="c", subcore_axis_name="s"),
        out_type=jax.ShapeDtypeStruct((t,), jnp.float32),
        compiler_params=pltpu.CompilerParams(needs_layout_passes=False),
        scratch_types=[
            pltpu.VMEM((chunk,), jnp.float32),
            pltpu.VMEM((chunk,), jnp.int32),
            pltpu.VMEM((chunk,), jnp.int32),
            pltpu.VMEM((e,), jnp.float32),
            pltpu.VMEM((e,), jnp.float32),
            pltpu.VMEM((chunk,), jnp.float32),
            pltpu.SemaphoreType.DMA,
        ],
    )(_sc_gather_body)
    return kern(x_flat, e0, e1, mw, bw)


def _rbf_body(xx_ref, means_ref, stds_ref, out_ref):
    std = jnp.abs(stds_ref[...]) + 0.01
    inv = 1.0 / std
    ls = jnp.log(inv * (1.0 / math.sqrt(2.0 * math.pi)))
    xxt = xx_ref[...].T
    for g in range(xxt.shape[1]):
        col = xxt[:, g:g + 1]
        z = (col - means_ref[...]) * inv
        out_ref[g * 128:(g + 1) * 128, :] = jnp.exp(ls - 0.5 * (z * z))


def _rbf(xx, means, stds):
    t = xx.shape[0]
    k = means.shape[-1]
    return pl.pallas_call(
        _rbf_body,
        grid=(t // _RB,),
        in_specs=[
            pl.BlockSpec((_RB // 128, 128), lambda g: (g, 0)),
            pl.BlockSpec((1, k), lambda g: (0, 0)),
            pl.BlockSpec((1, k), lambda g: (0, 0)),
        ],
        out_specs=pl.BlockSpec((_RB, k), lambda g: (g, 0)),
        out_shape=jax.ShapeDtypeStruct((t, k), jnp.float32),
    )(xx.reshape(t // 128, 128), means, stds)


def kernel(x, edge_types, means, stds, mul_w, bias_w):
    out_shape = x.shape
    k = means.shape[-1]
    t = x.size
    x_flat = x.reshape(t).astype(jnp.float32)
    et = edge_types.reshape(t, 2).astype(jnp.int32)
    e0 = et[:, 0]
    e1 = et[:, 1]
    mw = mul_w.reshape(-1).astype(jnp.float32)
    bw = bias_w.reshape(-1).astype(jnp.float32)
    xx = _sc_gather(x_flat, e0, e1, mw, bw)
    out = _rbf(xx, means.astype(jnp.float32), stds.astype(jnp.float32))
    return out.reshape(out_shape + (k,)).astype(means.dtype)

# --- scband reference (transcript-rebuilt; emitter-appended) ---
"""Pipeline reference for scband-gaussian-layer-edgetype-89979564851626 (READ-ONLY COPY).

The authoritative reference and input builder live on the scoring server;
editing this copy changes nothing except your own understanding.
"""

import jax, jax.numpy as jnp
import numpy as np

K = 128
EDGE_TYPES = 1536
B, N = 4, 256

def setup_inputs(seed: int = 0) -> dict:
    key = jax.random.key(seed)
    k1, k2, k3, k4 = jax.random.split(key, 4)
    x = jax.random.uniform(k1, (B, N, N), dtype=jnp.float32)
    edge_types = jax.random.randint(k2, (B, N, N, 2), 0, EDGE_TYPES, dtype=jnp.int64)
    # learned parameters, matching torch init
    means = jax.random.uniform(k3, (1, K), dtype=jnp.float32, minval=0.0, maxval=3.0)
    stds = jax.random.uniform(k4, (1, K), dtype=jnp.float32, minval=0.0, maxval=3.0)
    mul_w = jnp.ones((EDGE_TYPES, 1), dtype=jnp.float32)   # nn.init.constant_(mul.weight, 1)
    bias_w = jnp.zeros((EDGE_TYPES, 1), dtype=jnp.float32)  # nn.init.constant_(bias.weight, 0)
    return {"x": x, "edge_types": edge_types, "means": means, "stds": stds, "mul_w": mul_w, "bias_w": bias_w}

def _gaussian(x, mean, std):
    a = (2.0 * jnp.pi) ** 0.5
    return jnp.exp(-0.5 * ((x - mean) / std) ** 2) / (a * std)

def reference(x, edge_types, means, stds, mul_w, bias_w):
    out_shape = x.shape
    T = x.size
    xf = x.reshape(-1)                       # [T]
    et = edge_types.reshape(T, 2)            # [T, 2]
    mul = jnp.take(mul_w, et, axis=0).sum(axis=-2)   # [T, 1]
    bias = jnp.take(bias_w, et, axis=0).sum(axis=-2) # [T, 1]
    xx = mul * xf[:, None] + bias            # [T, 1]
    mean = means.astype(jnp.float32).reshape(1, -1)
    std = jnp.abs(stds.astype(jnp.float32).reshape(1, -1)) + 0.01
    x_rbf = _gaussian(xx.astype(jnp.float32), mean, std).astype(means.dtype)  # [T, K]
    return x_rbf.reshape(out_shape + (means.shape[-1],))

if __name__ == "__main__":
    import jax
    _d = setup_inputs()
    print(jax.jit(kernel)(*tuple(_d.values())))

</pallas_src>

<mosaic_0001>
#map = affine_map<(d0, d1) -> (0)>
module attributes {stable_mosaic.version = 14 : i64} {
  func.func @_sc_gather_body(%arg0: i32, %arg1: i32, %arg2: memref<262144xf32, #tpu.memory_space<hbm>>, %arg3: memref<262144xi32, #tpu.memory_space<hbm>>, %arg4: memref<262144xi32, #tpu.memory_space<hbm>>, %arg5: memref<1536xf32, #tpu.memory_space<hbm>>, %arg6: memref<1536xf32, #tpu.memory_space<hbm>>, %arg7: memref<262144xf32, #tpu.memory_space<hbm>>, %arg8: memref<8192xf32, #tpu.memory_space<vmem>>, %arg9: memref<8192xi32, #tpu.memory_space<vmem>>, %arg10: memref<8192xi32, #tpu.memory_space<vmem>>, %arg11: memref<1536xf32, #tpu.memory_space<vmem>>, %arg12: memref<1536xf32, #tpu.memory_space<vmem>>, %arg13: memref<8192xf32, #tpu.memory_space<vmem>>, %arg14: memref<!tpu.dma_semaphore, #tpu.memory_space<semaphore_mem>>) attributes {dimension_semantics = [#tpu.dimension_semantics<core_parallel>, #tpu.dimension_semantics<subcore_parallel>], iteration_bounds = array<i64: 2, 16>, scalar_prefetch = 0 : i64, scratch_operands = 7 : i64, tpu.core_type = #tpu.core_type<sc_vector_subcore>, window_params = [{transform_indices = #map}, {transform_indices = #map}, {transform_indices = #map}, {transform_indices = #map}, {transform_indices = #map}, {transform_indices = #map}]} {
    %mul3A = arith.constant 2 : i32
    %mul3A_0 = arith.muli %arg1, %mul3A : i32
    %add3A = arith.addi %mul3A_0, %arg0 : i32
    %mul3A_1 = arith.constant 8192 : i32
    %mul3A_2 = arith.muli %add3A, %mul3A_1 : i32
    tpu.enqueue_dma source(%arg5 : memref<1536xf32, #tpu.memory_space<hbm>>) target(%arg11 : memref<1536xf32, #tpu.memory_space<vmem>>) target_semaphore(%arg14 : memref<!tpu.dma_semaphore, #tpu.memory_space<semaphore_mem>>)
    tpu.enqueue_dma source(%arg6 : memref<1536xf32, #tpu.memory_space<hbm>>) target(%arg12 : memref<1536xf32, #tpu.memory_space<vmem>>) target_semaphore(%arg14 : memref<!tpu.dma_semaphore, #tpu.memory_space<semaphore_mem>>)
    %dma_start3A = tpu.memref_slice %arg2[%mul3A_2] : memref<262144xf32, #tpu.memory_space<hbm>> -> memref<8192xf32, #tpu.memory_space<hbm>>
    %dma_start3A_3 = tpu.memref_slice %arg2[%mul3A_2] : memref<262144xf32, #tpu.memory_space<hbm>> -> memref<8192xf32, #tpu.memory_space<hbm>>
    tpu.enqueue_dma source(%dma_start3A_3 : memref<8192xf32, #tpu.memory_space<hbm>>) target(%arg8 : memref<8192xf32, #tpu.memory_space<vmem>>) target_semaphore(%arg14 : memref<!tpu.dma_semaphore, #tpu.memory_space<semaphore_mem>>)
    %dma_start3A_4 = tpu.memref_slice %arg3[%mul3A_2] : memref<262144xi32, #tpu.memory_space<hbm>> -> memref<8192xi32, #tpu.memory_space<hbm>>
    %dma_start3A_5 = tpu.memref_slice %arg3[%mul3A_2] : memref<262144xi32, #tpu.memory_space<hbm>> -> memref<8192xi32, #tpu.memory_space<hbm>>
    tpu.enqueue_dma source(%dma_start3A_5 : memref<8192xi32, #tpu.memory_space<hbm>>) target(%arg9 : memref<8192xi32, #tpu.memory_space<vmem>>) target_semaphore(%arg14 : memref<!tpu.dma_semaphore, #tpu.memory_space<semaphore_mem>>)
    %dma_start3A_6 = tpu.memref_slice %arg4[%mul3A_2] : memref<262144xi32, #tpu.memory_space<hbm>> -> memref<8192xi32, #tpu.memory_space<hbm>>
    %dma_start3A_7 = tpu.memref_slice %arg4[%mul3A_2] : memref<262144xi32, #tpu.memory_space<hbm>> -> memref<8192xi32, #tpu.memory_space<hbm>>
    tpu.enqueue_dma source(%dma_start3A_7 : memref<8192xi32, #tpu.memory_space<hbm>>) target(%arg10 : memref<8192xi32, #tpu.memory_space<vmem>>) target_semaphore(%arg14 : memref<!tpu.dma_semaphore, #tpu.memory_space<semaphore_mem>>)
    tpu.wait_dma2 semaphore(%arg14 : memref<!tpu.dma_semaphore, #tpu.memory_space<semaphore_mem>>) src(%arg5 : memref<1536xf32, #tpu.memory_space<hbm>>) dst(%arg11 : memref<1536xf32, #tpu.memory_space<vmem>>)
    tpu.wait_dma2 semaphore(%arg14 : memref<!tpu.dma_semaphore, #tpu.memory_space<semaphore_mem>>) src(%arg6 : memref<1536xf32, #tpu.memory_space<hbm>>) dst(%arg12 : memref<1536xf32, #tpu.memory_space<vmem>>)
    %dma_wait3A = tpu.memref_slice %arg2[%mul3A_2] : memref<262144xf32, #tpu.memory_space<hbm>> -> memref<8192xf32, #tpu.memory_space<hbm>>
    %dma_wait3A_8 = tpu.memref_slice %arg2[%mul3A_2] : memref<262144xf32, #tpu.memory_space<hbm>> -> memref<8192xf32, #tpu.memory_space<hbm>>
    tpu.wait_dma2 semaphore(%arg14 : memref<!tpu.dma_semaphore, #tpu.memory_space<semaphore_mem>>) src(%dma_wait3A_8 : memref<8192xf32, #tpu.memory_space<hbm>>) dst(%arg8 : memref<8192xf32, #tpu.memory_space<vmem>>)
    %dma_wait3A_9 = tpu.memref_slice %arg3[%mul3A_2] : memref<262144xi32, #tpu.memory_space<hbm>> -> memref<8192xi32, #tpu.memory_space<hbm>>
    %dma_wait3A_10 = tpu.memref_slice %arg3[%mul3A_2] : memref<262144xi32, #tpu.memory_space<hbm>> -> memref<8192xi32, #tpu.memory_space<hbm>>
    tpu.wait_dma2 semaphore(%arg14 : memref<!tpu.dma_semaphore, #tpu.memory_space<semaphore_mem>>) src(%dma_wait3A_10 : memref<8192xi32, #tpu.memory_space<hbm>>) dst(%arg9 : memref<8192xi32, #tpu.memory_space<vmem>>)
    %dma_wait3A_11 = tpu.memref_slice %arg4[%mul3A_2] : memref<262144xi32, #tpu.memory_space<hbm>> -> memref<8192xi32, #tpu.memory_space<hbm>>
    %dma_wait3A_12 = tpu.memref_slice %arg4[%mul3A_2] : memref<262144xi32, #tpu.memory_space<hbm>> -> memref<8192xi32, #tpu.memory_space<hbm>>
    tpu.wait_dma2 semaphore(%arg14 : memref<!tpu.dma_semaphore, #tpu.memory_space<semaphore_mem>>) src(%dma_wait3A_12 : memref<8192xi32, #tpu.memory_space<hbm>>) dst(%arg10 : memref<8192xi32, #tpu.memory_space<vmem>>)
    %parallel_loop3A = arith.constant 0 : i32
    %parallel_loop3A_13 = arith.constant 512 : i32
    %parallel_loop3A_14 = arith.constant 1 : i32
    scf.for %parallel_loop3A_15 = %parallel_loop3A to %parallel_loop3A_13 step %parallel_loop3A_14  : i32 {
      %parallel_loop3A_16 = arith.constant 16 : i32
      %parallel_loop3A_17 = arith.muli %parallel_loop3A_15, %parallel_loop3A_16 : i32
      %parallel_loop3A_18 = arith.index_cast %parallel_loop3A_17 : i32 to index
      %parallel_loop3A_19 = tpu.vector_load %arg9[%parallel_loop3A_18] {strides = array<i32>} : memref<8192xi32, #tpu.memory_space<vmem>>, vector<16xi32>,
      %parallel_loop3A_20 = arith.index_cast %parallel_loop3A_17 : i32 to index
      %parallel_loop3A_21 = tpu.vector_load %arg10[%parallel_loop3A_20] {strides = array<i32>} : memref<8192xi32, #tpu.memory_space<vmem>>, vector<16xi32>,
      %parallel_loop3A_22 = tpu.vector_load_idx %arg11[%parallel_loop3A_19] : memref<1536xf32, #tpu.memory_space<vmem>>[vector<16xi32>], vector<16xf32>,
      %parallel_loop3A_23 = tpu.vector_load_idx %arg11[%parallel_loop3A_21] : memref<1536xf32, #tpu.memory_space<vmem>>[vector<16xi32>], vector<16xf32>,
      %parallel_loop3A_24 = arith.addf %parallel_loop3A_22, %parallel_loop3A_23 : vector<16xf32>
      %parallel_loop3A_25 = tpu.vector_load_idx %arg12[%parallel_loop3A_19] : memref<1536xf32, #tpu.memory_space<vmem>>[vector<16xi32>], vector<16xf32>,
      %parallel_loop3A_26 = tpu.vector_load_idx %arg12[%parallel_loop3A_21] : memref<1536xf32, #tpu.memory_space<vmem>>[vector<16xi32>], vector<16xf32>,
      %parallel_loop3A_27 = arith.addf %parallel_loop3A_25, %parallel_loop3A_26 : vector<16xf32>
      %parallel_loop3A_28 = arith.index_cast %parallel_loop3A_17 : i32 to index
      %parallel_loop3A_29 = tpu.vector_load %arg8[%parallel_loop3A_28] {strides = array<i32>} : memref<8192xf32, #tpu.memory_space<vmem>>, vector<16xf32>,
      %parallel_loop3A_30 = arith.mulf %parallel_loop3A_24, %parallel_loop3A_29 : vector<16xf32>
      %parallel_loop3A_31 = arith.addf %parallel_loop3A_30, %parallel_loop3A_27 : vector<16xf32>
      %parallel_loop3A_32 = arith.index_cast %parallel_loop3A_17 : i32 to index
      %parallel_loop3A_33 = tpu.vector_load %arg13[%parallel_loop3A_32] {strides = array<i32>} : memref<8192xf32, #tpu.memory_space<vmem>>, vector<16xf32>,
      tpu.vector_store %arg13[%parallel_loop3A_32], %parallel_loop3A_31 {strides = array<i32>} : memref<8192xf32, #tpu.memory_space<vmem>>, vector<16xf32>,
    } {sc.loop_unroll_factor = 16 : i64, sc.parallel_access}
    "tpu.region"() ({
      %run_scoped3A = tpu.sem_alloc : memref<!tpu.dma_semaphore, #tpu.memory_space<semaphore_mem>>
      %dma_start3A_15 = tpu.memref_slice %arg7[%mul3A_2] : memref<262144xf32, #tpu.memory_space<hbm>> -> memref<8192xf32, #tpu.memory_space<hbm>>
      %dma_start3A_16 = tpu.memref_slice %arg7[%mul3A_2] : memref<262144xf32, #tpu.memory_space<hbm>> -> memref<8192xf32, #tpu.memory_space<hbm>>
      tpu.enqueue_dma source(%arg13 : memref<8192xf32, #tpu.memory_space<vmem>>) target(%dma_start3A_16 : memref<8192xf32, #tpu.memory_space<hbm>>) target_semaphore(%run_scoped3A : memref<!tpu.dma_semaphore, #tpu.memory_space<semaphore_mem>>)
      %dma_wait3A_17 = tpu.memref_slice %arg7[%mul3A_2] : memref<262144xf32, #tpu.memory_space<hbm>> -> memref<8192xf32, #tpu.memory_space<hbm>>
      %dma_wait3A_18 = tpu.memref_slice %arg7[%mul3A_2] : memref<262144xf32, #tpu.memory_space<hbm>> -> memref<8192xf32, #tpu.memory_space<hbm>>
      tpu.wait_dma2 semaphore(%run_scoped3A : memref<!tpu.dma_semaphore, #tpu.memory_space<semaphore_mem>>) src(%arg13 : memref<8192xf32, #tpu.memory_space<vmem>>) dst(%dma_wait3A_18 : memref<8192xf32, #tpu.memory_space<hbm>>)
      tpu.yield
    }) : () -> ()
    return
  }
}

module attributes {stable_mosaic.version = 14 : i64} {
  func.func @_rbf_body(%arg0: i32, %arg1: memref<256x128xf32, #tpu.memory_space<vmem>>, %arg2: memref<1x128xf32, #tpu.memory_space<vmem>>, %arg3: memref<1x128xf32, #tpu.memory_space<vmem>>, %arg4: memref<32768x128xf32, #tpu.memory_space<vmem>>) attributes {dimension_semantics = [#tpu.dimension_semantics<arbitrary>], iteration_bounds = array<i64: 8>, scalar_prefetch = 0 : i64, scratch_operands = 0 : i64, tpu.core_type = #tpu.core_type<tc>, window_params = [{transform_indices = @transform_0, window_bounds = array<i64: 256, 128>}, {pipeline_mode = #tpu.pipeline_mode<synchronous>, transform_indices = @transform_1, window_bounds = array<i64: 1, 128>}, {pipeline_mode = #tpu.pipeline_mode<synchronous>, transform_indices = @transform_2, window_bounds = array<i64: 1, 128>}, {transform_indices = @transform_3, window_bounds = array<i64: 32768, 128>}]} {
    %get3A = arith.constant 0 : index
    %get3A_0 = arith.constant 0 : index
    %get3A_1 = vector.load %arg3[%get3A, %get3A_0] : memref<1x128xf32, #tpu.memory_space<vmem>>, vector<1x128xf32>
    %abs3A = math.absf %get3A_1 : vector<1x128xf32>
    %add3A = arith.constant 0.00999999977 : f32
    %add3A_2 = vector.broadcast %add3A : f32 to vector<1x128xf32>
    %add3A_3 = arith.addf %abs3A, %add3A_2 : vector<1x128xf32>
    %div3A = arith.constant 1.000000e+00 : f32
    %div3A_4 = vector.broadcast %div3A : f32 to vector<1x128xf32>
    %div3A_5 = arith.divf %div3A_4, %add3A_3 : vector<1x128xf32>
    %mul3A = arith.constant 0.398942292 : f32
    %mul3A_6 = vector.broadcast %mul3A : f32 to vector<1x128xf32>
    %mul3A_7 = arith.mulf %div3A_5, %mul3A_6 : vector<1x128xf32>
    %log3A = math.log %mul3A_7 : vector<1x128xf32>
    %get3A_8 = arith.constant 0 : index
    %get3A_9 = arith.constant 0 : index
    %get3A_10 = vector.load %arg1[%get3A_8, %get3A_9] : memref<256x128xf32, #tpu.memory_space<vmem>>, vector<256x128xf32>
    %transpose3A = tpu.transpose %get3A_10, [1, 0] : vector<256x128xf32> -> vector<128x256xf32>
    %slice3A = vector.extract_strided_slice %transpose3A {offsets = [0, 0], sizes = [128, 1], strides = [1, 1]} : vector<128x256xf32> to vector<128x1xf32>
    %get3A_11 = arith.constant 0 : index
    %get3A_12 = arith.constant 0 : index
    %get3A_13 = vector.load %arg2[%get3A_11, %get3A_12] : memref<1x128xf32, #tpu.memory_space<vmem>>, vector<1x128xf32>
    %sub3A = vector.broadcast %slice3A : vector<128x1xf32> to vector<128x128xf32>
    %sub3A_14 = vector.broadcast %get3A_13 : vector<1x128xf32> to vector<128x128xf32>
    %sub3A_15 = arith.subf %sub3A, %sub3A_14 : vector<128x128xf32>
    %mul3A_16 = vector.broadcast %div3A_5 : vector<1x128xf32> to vector<128x128xf32>
    %mul3A_17 = arith.mulf %sub3A_15, %mul3A_16 : vector<128x128xf32>
    %mul3A_18 = arith.mulf %mul3A_17, %mul3A_17 : vector<128x128xf32>
    %mul3A_19 = arith.constant 5.000000e-01 : f32
    %mul3A_20 = vector.broadcast %mul3A_19 : f32 to vector<128x128xf32>
    %mul3A_21 = arith.mulf %mul3A_20, %mul3A_18 : vector<128x128xf32>
    %sub3A_22 = vector.broadcast %log3A : vector<1x128xf32> to vector<128x128xf32>
    %sub3A_23 = arith.subf %sub3A_22, %mul3A_21 : vector<128x128xf32>
    %exp3A = math.exp %sub3A_23 : vector<128x128xf32>
    %swap3A = arith.constant 0 : index
    %swap3A_24 = arith.constant 0 : index
    %swap3A_25 = vector.load %arg4[%swap3A, %swap3A_24] : memref<32768x128xf32, #tpu.memory_space<vmem>>, vector<128x128xf32>
    tpu.vector_store %arg4[%swap3A, %swap3A_24], %exp3A {strides = array<i32>} : memref<32768x128xf32, #tpu.memory_space<vmem>>, vector<128x128xf32>,
    %slice3A_26 = vector.extract_strided_slice %transpose3A {offsets = [0, 1], sizes = [128, 1], strides = [1, 1]} : vector<128x256xf32> to vector<128x1xf32>
    %get3A_27 = arith.constant 0 : index
    %get3A_28 = arith.constant 0 : index
    %get3A_29 = vector.load %arg2[%get3A_27, %get3A_28] : memref<1x128xf32, #tpu.memory_space<vmem>>, vector<1x128xf32>
    %sub3A_30 = vector.broadcast %slice3A_26 : vector<128x1xf32> to vector<128x128xf32>
    %sub3A_31 = vector.broadcast %get3A_29 : vector<1x128xf32> to vector<128x128xf32>
    %sub3A_32 = arith.subf %sub3A_30, %sub3A_31 : vector<128x128xf32>
    %mul3A_33 = vector.broadcast %div3A_5 : vector<1x128xf32> to vector<128x128xf32>
    %mul3A_34 = arith.mulf %sub3A_32, %mul3A_33 : vector<128x128xf32>
    %mul3A_35 = arith.mulf %mul3A_34, %mul3A_34 : vector<128x128xf32>
    %mul3A_36 = arith.constant 5.000000e-01 : f32
    %mul3A_37 = vector.broadcast %mul3A_36 : f32 to vector<128x128xf32>
    %mul3A_38 = arith.mulf %mul3A_37, %mul3A_35 : vector<128x128xf32>
    %sub3A_39 = vector.broadcast %log3A : vector<1x128xf32> to vector<128x128xf32>
    %sub3A_40 = arith.subf %sub3A_39, %mul3A_38 : vector<128x128xf32>
    %exp3A_41 = math.exp %sub3A_40 : vector<128x128xf32>
    %swap3A_42 = arith.constant 128 : index
    %swap3A_43 = arith.constant 0 : index
    %swap3A_44 = vector.load %arg4[%swap3A_42, %swap3A_43] : memref<32768x128xf32, #tpu.memory_space<vmem>>, vector<128x128xf32>
    tpu.vector_store %arg4[%swap3A_42, %swap3A_43], %exp3A_41 {strides = array<i32>} : memref<32768x128xf32, #tpu.memory_space<vmem>>, vector<128x128xf32>,
    %slice3A_45 = vector.extract_strided_slice %transpose3A {offsets = [0, 2], sizes = [128, 1], strides = [1, 1]} : vector<128x256xf32> to vector<128x1xf32>
    %get3A_46 = arith.constant 0 : index
    %get3A_47 = arith.constant 0 : index
    %get3A_48 = vector.load %arg2[%get3A_46, %get3A_47] : memref<1x128xf32, #tpu.memory_space<vmem>>, vector<1x128xf32>
    %sub3A_49 = vector.broadcast %slice3A_45 : vector<128x1xf32> to vector<128x128xf32>
    %sub3A_50 = vector.broadcast %get3A_48 : vector<1x128xf32> to vector<128x128xf32>
    %sub3A_51 = arith.subf %sub3A_49, %sub3A_50 : vector<128x128xf32>
    %mul3A_52 = vector.broadcast %div3A_5 : vector<1x128xf32> to vector<128x128xf32>
    %mul3A_53 = arith.mulf %sub3A_51, %mul3A_52 : vector<128x128xf32>
    %mul3A_54 = arith.mulf %mul3A_53, %mul3A_53 : vector<128x128xf32>
    %mul3A_55 = arith.constant 5.000000e-01 : f32
    %mul3A_56 = vector.broadcast %mul3A_55 : f32 to vector<128x128xf32>
    %mul3A_57 = arith.mulf %mul3A_56, %mul3A_54 : vector<128x128xf32>
    %sub3A_58 = vector.broadcast %log3A : vector<1x128xf32> to vector<128x128xf32>
    %sub3A_59 = arith.subf %sub3A_58, %mul3A_57 : vector<128x128xf32>
    %exp3A_60 = math.exp %sub3A_59 : vector<128x128xf32>
    %swap3A_61 = arith.constant 256 : index
    %swap3A_62 = arith.constant 0 : index
    %swap3A_63 = vector.load %arg4[%swap3A_61, %swap3A_62] : memref<32768x128xf32, #tpu.memory_space<vmem>>, vector<128x128xf32>
    tpu.vector_store %arg4[%swap3A_61, %swap3A_62], %exp3A_60 {strides = array<i32>} : memref<32768x128xf32, #tpu.memory_space<vmem>>, vector<128x128xf32>,
    %slice3A_64 = vector.extract_strided_slice %transpose3A {offsets = [0, 3], sizes = [128, 1], strides = [1, 1]} : vector<128x256xf32> to vector<128x1xf32>
    %get3A_65 = arith.constant 0 : index
    %get3A_66 = arith.constant 0 : index
    %get3A_67 = vector.load %arg2[%get3A_65, %get3A_66] : memref<1x128xf32, #tpu.memory_space<vmem>>, vector<1x128xf32>
    %sub3A_68 = vector.broadcast %slice3A_64 : vector<128x1xf32> to vector<128x128xf32>
    %sub3A_69 = vector.broadcast %get3A_67 : vector<1x128xf32> to vector<128x128xf32>
    %sub3A_70 = arith.subf %sub3A_68, %sub3A_69 : vector<128x128xf32>
    %mul3A_71 = vector.broadcast %div3A_5 : vector<1x128xf32> to vector<128x128xf32>
    %mul3A_72 = arith.mulf %sub3A_70, %mul3A_71 : vector<128x128xf32>
    %mul3A_73 = arith.mulf %mul3A_72, %mul3A_72 : vector<128x128xf32>
    %mul3A_74 = arith.constant 5.000000e-01 : f32
    %mul3A_75 = vector.broadcast %mul3A_74 : f32 to vector<128x128xf32>
    %mul3A_76 = arith.mulf %mul3A_75, %mul3A_73 : vector<128x128xf32>
    %sub3A_77 = vector.broadcast %log3A : vector<1x128xf32> to vector<128x128xf32>
    %sub3A_78 = arith.subf %sub3A_77, %mul3A_76 : vector<128x128xf32>
    %exp3A_79 = math.exp %sub3A_78 : vector<128x128xf32>
    %swap3A_80 = arith.constant 384 : index
    %swap3A_81 = arith.constant 0 : index
    %swap3A_82 = vector.load %arg4[%swap3A_80, %swap3A_81] : memref<32768x128xf32, #tpu.memory_space<vmem>>, vector<128x128xf32>
    tpu.vector_store %arg4[%swap3A_80, %swap3A_81], %exp3A_79 {strides = array<i32>} : memref<32768x128xf32, #tpu.memory_space<vmem>>, vector<128x128xf32>,
    %slice3A_83 = vector.extract_strided_slice %transpose3A {offsets = [0, 4], sizes = [128, 1], strides = [1, 1]} : vector<128x256xf32> to vector<128x1xf32>
    %get3A_84 = arith.constant 0 : index
    %get3A_85 = arith.constant 0 : index
    %get3A_86 = vector.load %arg2[%get3A_84, %get3A_85] : memref<1x128xf32, #tpu.memory_space<vmem>>, vector<1x128xf32>
    %sub3A_87 = vector.broadcast %slice3A_83 : vector<128x1xf32> to vector<128x128xf32>
    %sub3A_88 = vector.broadcast %get3A_86 : vector<1x128xf32> to vector<128x128xf32>
    %sub3A_89 = arith.subf %sub3A_87, %sub3A_88 : vector<128x128xf32>
    %mul3A_90 = vector.broadcast %div3A_5 : vector<1x128xf32> to vector<128x128xf32>
    %mul3A_91 = arith.mulf %sub3A_89, %mul3A_90 : vector<128x128xf32>
    %mul3A_92 = arith.mulf %mul3A_91, %mul3A_91 : vector<128x128xf32>
    %mul3A_93 = arith.constant 5.000000e-01 : f32
    %mul3A_94 = vector.broadcast %mul3A_93 : f32 to vector<128x128xf32>
    %mul3A_95 = arith.mulf %mul3A_94, %mul3A_92 : vector<128x128xf32>
    %sub3A_96 = vector.broadcast %log3A : vector<1x128xf32> to vector<128x128xf32>
    %sub3A_97 = arith.subf %sub3A_96, %mul3A_95 : vector<128x128xf32>
    %exp3A_98 = math.exp %sub3A_97 : vector<128x128xf32>
    %swap3A_99 = arith.constant 512 : index
    %swap3A_100 = arith.constant 0 : index
    %swap3A_101 = vector.load %arg4[%swap3A_99, %swap3A_100] : memref<32768x128xf32, #tpu.memory_space<vmem>>, vector<128x128xf32>
    tpu.vector_store %arg4[%swap3A_99, %swap3A_100], %exp3A_98 {strides = array<i32>} : memref<32768x128xf32, #tpu.memory_space<vmem>>, vector<128x128xf32>,
    %slice3A_102 = vector.extract_strided_slice %transpose3A {offsets = [0, 5], sizes = [128, 1], strides = [1, 1]} : vector<128x256xf32> to vector<128x1xf32>
    %get3A_103 = arith.constant 0 : index
    %get3A_104 = arith.constant 0 : index
    %get3A_105 = vector.load %arg2[%get3A_103, %get3A_104] : memref<1x128xf32, #tpu.memory_space<vmem>>, vector<1x128xf32>
    %sub3A_106 = vector.broadcast %slice3A_102 : vector<128x1xf32> to vector<128x128xf32>
    %sub3A_107 = vector.broadcast %get3A_105 : vector<1x128xf32> to vector<128x128xf32>
    %sub3A_108 = arith.subf %sub3A_106, %sub3A_107 : vector<128x128xf32>
    %mul3A_109 = vector.broadcast %div3A_5 : vector<1x128xf32> to vector<128x128xf32>
    %mul3A_110 = arith.mulf %sub3A_108, %mul3A_109 : vector<128x128xf32>
    %mul3A_111 = arith.mulf %mul3A_110, %mul3A_110 : vector<128x128xf32>
    %mul3A_112 = arith.constant 5.000000e-01 : f32
    %mul3A_113 = vector.broadcast %mul3A_112 : f32 to vector<128x128xf32>
    %mul3A_114 = arith.mulf %mul3A_113, %mul3A_111 : vector<128x128xf32>
    %sub3A_115 = vector.broadcast %log3A : vector<1x128xf32> to vector<128x128xf32>
    %sub3A_116 = arith.subf %sub3A_115, %mul3A_114 : vector<128x128xf32>
    %exp3A_117 = math.exp %sub3A_116 : vector<128x128xf32>
    %swap3A_118 = arith.constant 640 : index
    %swap3A_119 = arith.constant 0 : index
    %swap3A_120 = vector.load %arg4[%swap3A_118, %swap3A_119] : memref<32768x128xf32, #tpu.memory_space<vmem>>, vector<128x128xf32>
    tpu.vector_store %arg4[%swap3A_118, %swap3A_119], %exp3A_117 {strides = array<i32>} : memref<32768x128xf32, #tpu.memory_space<vmem>>, vector<128x128xf32>,
    %slice3A_121 = vector.extract_strided_slice %transpose3A {offsets = [0, 6], sizes = [128, 1], strides = [1, 1]} : vector<128x256xf32> to vector<128x1xf32>
    %get3A_122 = arith.constant 0 : index
    %get3A_123 = arith.constant 0 : index
    %get3A_124 = vector.load %arg2[%get3A_122, %get3A_123] : memref<1x128xf32, #tpu.memory_space<vmem>>, vector<1x128xf32>
    %sub3A_125 = vector.broadcast %slice3A_121 : vector<128x1xf32> to vector<128x128xf32>
    %sub3A_126 = vector.broadcast %get3A_124 : vector<1x128xf32> to vector<128x128xf32>
    %sub3A_127 = arith.subf %sub3A_125, %sub3A_126 : vector<128x128xf32>
    %mul3A_128 = vector.broadcast %div3A_5 : vector<1x128xf32> to vector<128x128xf32>
    %mul3A_129 = arith.mulf %sub3A_127, %mul3A_128 : vector<128x128xf32>
    %mul3A_130 = arith.mulf %mul3A_129, %mul3A_129 : vector<128x128xf32>
    %mul3A_131 = arith.constant 5.000000e-01 : f32
    %mul3A_132 = vector.broadcast %mul3A_131 : f32 to vector<128x128xf32>
    %mul3A_133 = arith.mulf %mul3A_132, %mul3A_130 : vector<128x128xf32>
    %sub3A_134 = vector.broadcast %log3A : vector<1x128xf32> to vector<128x128xf32>
    %sub3A_135 = arith.subf %sub3A_134, %mul3A_133 : vector<128x128xf32>
    %exp3A_136 = math.exp %sub3A_135 : vector<128x128xf32>
    %swap3A_137 = arith.constant 768 : index
    %swap3A_138 = arith.constant 0 : index
    %swap3A_139 = vector.load %arg4[%swap3A_137, %swap3A_138] : memref<32768x128xf32, #tpu.memory_space<vmem>>, vector<128x128xf32>
    tpu.vector_store %arg4[%swap3A_137, %swap3A_138], %exp3A_136 {strides = array<i32>} : memref<32768x128xf32, #tpu.memory_space<vmem>>, vector<128x128xf32>,
    %slice3A_140 = vector.extract_strided_slice %transpose3A {offsets = [0, 7], sizes = [128, 1], strides = [1, 1]} : vector<128x256xf32> to vector<128x1xf32>
    %get3A_141 = arith.constant 0 : index
    %get3A_142 = arith.constant 0 : index
    %get3A_143 = vector.load %arg2[%get3A_141, %get3A_142] : memref<1x128xf32, #tpu.memory_space<vmem>>, vector<1x128xf32>
    %sub3A_144 = vector.broadcast %slice3A_140 : vector<128x1xf32> to vector<128x128xf32>
    %sub3A_145 = vector.broadcast %get3A_143 : vector<1x128xf32> to vector<128x128xf32>
    %sub3A_146 = arith.subf %sub3A_144, %sub3A_145 : vector<128x128xf32>
    %mul3A_147 = vector.broadcast %div3A_5 : vector<1x128xf32> to vector<128x128xf32>
    %mul3A_148 = arith.mulf %sub3A_146, %mul3A_147 : vector<128x128xf32>
    %mul3A_149 = arith.mulf %mul3A_148, %mul3A_148 : vector<128x128xf32>
    %mul3A_150 = arith.constant 5.000000e-01 : f32
    %mul3A_151 = vector.broadcast %mul3A_150 : f32 to vector<128x128xf32>
    %mul3A_152 = arith.mulf %mul3A_151, %mul3A_149 : vector<128x128xf32>
    %sub3A_153 = vector.broadcast %log3A : vector<1x128xf32> to vector<128x128xf32>
    %sub3A_154 = arith.subf %sub3A_153, %mul3A_152 : vector<128x128xf32>
    %exp3A_155 = math.exp %sub3A_154 : vector<128x128xf32>
    %swap3A_156 = arith.constant 896 : index
    %swap3A_157 = arith.constant 0 : index
    %swap3A_158 = vector.load %arg4[%swap3A_156, %swap3A_157] : memref<32768x128xf32, #tpu.memory_space<vmem>>, vector<128x128xf32>
    tpu.vector_store %arg4[%swap3A_156, %swap3A_157], %exp3A_155 {strides = array<i32>} : memref<32768x128xf32, #tpu.memory_space<vmem>>, vector<128x128xf32>,
    %slice3A_159 = vector.extract_strided_slice %transpose3A {offsets = [0, 8], sizes = [128, 1], strides = [1, 1]} : vector<128x256xf32> to vector<128x1xf32>
    %get3A_160 = arith.constant 0 : index
    %get3A_161 = arith.constant 0 : index
    %get3A_162 = vector.load %arg2[%get3A_160, %get3A_161] : memref<1x128xf32, #tpu.memory_space<vmem>>, vector<1x128xf32>
    %sub3A_163 = vector.broadcast %slice3A_159 : vector<128x1xf32> to vector<128x128xf32>
    %sub3A_164 = vector.broadcast %get3A_162 : vector<1x128xf32> to vector<128x128xf32>
    %sub3A_165 = arith.subf %sub3A_163, %sub3A_164 : vector<128x128xf32>
    %mul3A_166 = vector.broadcast %div3A_5 : vector<1x128xf32> to vector<128x128xf32>
    %mul3A_167 = arith.mulf %sub3A_165, %mul3A_166 : vector<128x128xf32>
    %mul3A_168 = arith.mulf %mul3A_167, %mul3A_167 : vector<128x128xf32>
    %mul3A_169 = arith.constant 5.000000e-01 : f32
    %mul3A_170 = vector.broadcast %mul3A_169 : f32 to vector<128x128xf32>
    %mul3A_171 = arith.mulf %mul3A_170, %mul3A_168 : vector<128x128xf32>
    %sub3A_172 = vector.broadcast %log3A : vector<1x128xf32> to vector<128x128xf32>
    %sub3A_173 = arith.subf %sub3A_172, %mul3A_171 : vector<128x128xf32>
    %exp3A_174 = math.exp %sub3A_173 : vector<128x128xf32>
    %swap3A_175 = arith.constant 1024 : index
    %swap3A_176 = arith.constant 0 : index
    %swap3A_177 = vector.load %arg4[%swap3A_175, %swap3A_176] : memref<32768x128xf32, #tpu.memory_space<vmem>>, vector<128x128xf32>
    tpu.vector_store %arg4[%swap3A_175, %swap3A_176], %exp3A_174 {strides = array<i32>} : memref<32768x128xf32, #tpu.memory_space<vmem>>, vector<128x128xf32>,
    %slice3A_178 = vector.extract_strided_slice %transpose3A {offsets = [0, 9], sizes = [128, 1], strides = [1, 1]} : vector<128x256xf32> to vector<128x1xf32>
    %get3A_179 = arith.constant 0 : index
    %get3A_180 = arith.constant 0 : index
    %get3A_181 = vector.load %arg2[%get3A_179, %get3A_180] : memref<1x128xf32, #tpu.memory_space<vmem>>, vector<1x128xf32>
    %sub3A_182 = vector.broadcast %slice3A_178 : vector<128x1xf32> to vector<128x128xf32>
    %sub3A_183 = vector.broadcast %get3A_181 : vector<1x128xf32> to vector<128x128xf32>
    %sub3A_184 = arith.subf %sub3A_182, %sub3A_183 : vector<128x128xf32>
    %mul3A_185 = vector.broadcast %div3A_5 : vector<1x128xf32> to vector<128x128xf32>
    %mul3A_186 = arith.mulf %sub3A_184, %mul3A_185 : vector<128x128xf32>
    %mul3A_187 = arith.mulf %mul3A_186, %mul3A_186 : vector<128x128xf32>
    %mul3A_188 = arith.constant 5.000000e-01 : f32
    %mul3A_189 = vector.broadcast %mul3A_188 : f32 to vector<128x128xf32>
    %mul3A_190 = arith.mulf %mul3A_189, %mul3A_187 : vector<128x128xf32>
    %sub3A_191 = vector.broadcast %log3A : vector<1x128xf32> to vector<128x128xf32>
    %sub3A_192 = arith.subf %sub3A_191, %mul3A_190 : vector<128x128xf32>
    %exp3A_193 = math.exp %sub3A_192 : vector<128x128xf32>
    %swap3A_194 = arith.constant 1152 : index
    %swap3A_195 = arith.constant 0 : index
    %swap3A_196 = vector.load %arg4[%swap3A_194, %swap3A_195] : memref<32768x128xf32, #tpu.memory_space<vmem>>, vector<128x128xf32>
    tpu.vector_store %arg4[%swap3A_194, %swap3A_195], %exp3A_193 {strides = array<i32>} : memref<32768x128xf32, #tpu.memory_space<vmem>>, vector<128x128xf32>,
    %slice3A_197 = vector.extract_strided_slice %transpose3A {offsets = [0, 10], sizes = [128, 1], strides = [1, 1]} : vector<128x256xf32> to vector<128x1xf32>
    %get3A_198 = arith.constant 0 : index
    %get3A_199 = arith.constant 0 : index
    %get3A_200 = vector.load %arg2[%get3A_198, %get3A_199] : memref<1x128xf32, #tpu.memory_space<vmem>>, vector<1x128xf32>
    %sub3A_201 = vector.broadcast %slice3A_197 : vector<128x1xf32> to vector<128x128xf32>
    %sub3A_202 = vector.broadcast %get3A_200 : vector<1x128xf32> to vector<128x128xf32>
    %sub3A_203 = arith.subf %sub3A_201, %sub3A_202 : vector<128x128xf32>
    %mul3A_204 = vector.broadcast %div3A_5 : vector<1x128xf32> to vector<128x128xf32>
    %mul3A_205 = arith.mulf %sub3A_203, %mul3A_204 : vector<128x128xf32>
    %mul3A_206 = arith.mulf %mul3A_205, %mul3A_205 : vector<128x128xf32>
    %mul3A_207 = arith.constant 5.000000e-01 : f32
    %mul3A_208 = vector.broadcast %mul3A_207 : f32 to vector<128x128xf32>
    %mul3A_209 = arith.mulf %mul3A_208, %mul3A_206 : vector<128x128xf32>
    %sub3A_210 = vector.broadcast %log3A : vector<1x128xf32> to vector<128x128xf32>
    %sub3A_211 = arith.subf %sub3A_210, %mul3A_209 : vector<128x128xf32>
    %exp3A_212 = math.exp %sub3A_211 : vector<128x128xf32>
    %swap3A_213 = arith.constant 1280 : index
    %swap3A_214 = arith.constant 0 : index
    %swap3A_215 = vector.load %arg4[%swap3A_213, %swap3A_214] : memref<32768x128xf32, #tpu.memory_space<vmem>>, vector<128x128xf32>
    tpu.vector_store %arg4[%swap3A_213, %swap3A_214], %exp3A_212 {strides = array<i32>} : memref<32768x128xf32, #tpu.memory_space<vmem>>, vector<128x128xf32>,
    %slice3A_216 = vector.extract_strided_slice %transpose3A {offsets = [0, 11], sizes = [128, 1], strides = [1, 1]} : vector<128x256xf32> to vector<128x1xf32>
    %get3A_217 = arith.constant 0 : index
    %get3A_218 = arith.constant 0 : index
    %get3A_219 = vector.load %arg2[%get3A_217, %get3A_218] : memref<1x128xf32, #tpu.memory_space<vmem>>, vector<1x128xf32>
    %sub3A_220 = vector.broadcast %slice3A_216 : vector<128x1xf32> to vector<128x128xf32>
    %sub3A_221 = vector.broadcast %get3A_219 : vector<1x128xf32> to vector<128x128xf32>
    %sub3A_222 = arith.subf %sub3A_220, %sub3A_221 : vector<128x128xf32>
    %mul3A_223 = vector.broadcast %div3A_5 : vector<1x128xf32> to vector<128x128xf32>
    %mul3A_224 = arith.mulf %sub3A_222, %mul3A_223 : vector<128x128xf32>
    %mul3A_225 = arith.mulf %mul3A_224, %mul3A_224 : vector<128x128xf32>
    %mul3A_226 = arith.constant 5.000000e-01 : f32
    %mul3A_227 = vector.broadcast %mul3A_226 : f32 to vector<128x128xf32>
    %mul3A_228 = arith.mulf %mul3A_227, %mul3A_225 : vector<128x128xf32>
    %sub3A_229 = vector.broadcast %log3A : vector<1x128xf32> to vector<128x128xf32>
    %sub3A_230 = arith.subf %sub3A_229, %mul3A_228 : vector<128x128xf32>
    %exp3A_231 = math.exp %sub3A_230 : vector<128x128xf32>
    %swap3A_232 = arith.constant 1408 : index
    %swap3A_233 = arith.constant 0 : index
    %swap3A_234 = vector.load %arg4[%swap3A_232, %swap3A_233] : memref<32768x128xf32, #tpu.memory_space<vmem>>, vector<128x128xf32>
    tpu.vector_store %arg4[%swap3A_232, %swap3A_233], %exp3A_231 {strides = array<i32>} : memref<32768x128xf32, #tpu.memory_space<vmem>>, vector<128x128xf32>,
    %slice3A_235 = vector.extract_strided_slice %transpose3A {offsets = [0, 12], sizes = [128, 1], strides = [1, 1]} : vector<128x256xf32> to vector<128x1xf32>
    %get3A_236 = arith.constant 0 : index
    %get3A_237 = arith.constant 0 : index
    %get3A_238 = vector.load %arg2[%get3A_236, %get3A_237] : memref<1x128xf32, #tpu.memory_space<vmem>>, vector<1x128xf32>
    %sub3A_239 = vector.broadcast %slice3A_235 : vector<128x1xf32> to vector<128x128xf32>
    %sub3A_240 = vector.broadcast %get3A_238 : vector<1x128xf32> to vector<128x128xf32>
    %sub3A_241 = arith.subf %sub3A_239, %sub3A_240 : vector<128x128xf32>
    %mul3A_242 = vector.broadcast %div3A_5 : vector<1x128xf32> to vector<128x128xf32>
    %mul3A_243 = arith.mulf %sub3A_241, %mul3A_242 : vector<128x128xf32>
    %mul3A_244 = arith.mulf %mul3A_243, %mul3A_243 : vector<128x128xf32>
    %mul3A_245 = arith.constant 5.000000e-01 : f32
    %mul3A_246 = vector.broadcast %mul3A_245 : f32 to vector<128x128xf32>
    %mul3A_247 = arith.mulf %mul3A_246, %mul3A_244 : vector<128x128xf32>
    %sub3A_248 = vector.broadcast %log3A : vector<1x128xf32> to vector<128x128xf32>
    %sub3A_249 = arith.subf %sub3A_248, %mul3A_247 : vector<128x128xf32>
    %exp3A_250 = math.exp %sub3A_249 : vector<128x128xf32>
    %swap3A_251 = arith.constant 1536 : index
    %swap3A_252 = arith.constant 0 : index
    %swap3A_253 = vector.load %arg4[%swap3A_251, %swap3A_252] : memref<32768x128xf32, #tpu.memory_space<vmem>>, vector<128x128xf32>
    tpu.vector_store %arg4[%swap3A_251, %swap3A_252], %exp3A_250 {strides = array<i32>} : memref<32768x128xf32, #tpu.memory_space<vmem>>, vector<128x128xf32>,
    %slice3A_254 = vector.extract_strided_slice %transpose3A {offsets = [0, 13], sizes = [128, 1], strides = [1, 1]} : vector<128x256xf32> to vector<128x1xf32>
    %get3A_255 = arith.constant 0 : index
    %get3A_256 = arith.constant 0 : index
    %get3A_257 = vector.load %arg2[%get3A_255, %get3A_256] : memref<1x128xf32, #tpu.memory_space<vmem>>, vector<1x128xf32>
    %sub3A_258 = vector.broadcast %slice3A_254 : vector<128x1xf32> to vector<128x128xf32>
    %sub3A_259 = vector.broadcast %get3A_257 : vector<1x128xf32> to vector<128x128xf32>
    %sub3A_260 = arith.subf %sub3A_258, %sub3A_259 : vector<128x128xf32>
    %mul3A_261 = vector.broadcast %div3A_5 : vector<1x128xf32> to vector<128x128xf32>
    %mul3A_262 = arith.mulf %sub3A_260, %mul3A_261 : vector<128x128xf32>
    %mul3A_263 = arith.mulf %mul3A_262, %mul3A_262 : vector<128x128xf32>
    %mul3A_264 = arith.constant 5.000000e-01 : f32
    %mul3A_265 = vector.broadcast %mul3A_264 : f32 to vector<128x128xf32>
    %mul3A_266 = arith.mulf %mul3A_265, %mul3A_263 : vector<128x128xf32>
    %sub3A_267 = vector.broadcast %log3A : vector<1x128xf32> to vector<128x128xf32>
    %sub3A_268 = arith.subf %sub3A_267, %mul3A_266 : vector<128x128xf32>
    %exp3A_269 = math.exp %sub3A_268 : vector<128x128xf32>
    %swap3A_270 = arith.constant 1664 : index
    %swap3A_271 = arith.constant 0 : index
    %swap3A_272 = vector.load %arg4[%swap3A_270, %swap3A_271] : memref<32768x128xf32, #tpu.memory_space<vmem>>, vector<128x128xf32>
    tpu.vector_store %arg4[%swap3A_270, %swap3A_271], %exp3A_269 {strides = array<i32>} : memref<32768x128xf32, #tpu.memory_space<vmem>>, vector<128x128xf32>,
    %slice3A_273 = vector.extract_strided_slice %transpose3A {offsets = [0, 14], sizes = [128, 1], strides = [1, 1]} : vector<128x256xf32> to vector<128x1xf32>
    %get3A_274 = arith.constant 0 : index
    %get3A_275 = arith.constant 0 : index
    %get3A_276 = vector.load %arg2[%get3A_274, %get3A_275] : memref<1x128xf32, #tpu.memory_space<vmem>>, vector<1x128xf32>
    %sub3A_277 = vector.broadcast %slice3A_273 : vector<128x1xf32> to vector<128x128xf32>
    %sub3A_278 = vector.broadcast %get3A_276 : vector<1x128xf32> to vector<128x128xf32>
    %sub3A_279 = arith.subf %sub3A_277, %sub3A_278 : vector<128x128xf32>
    %mul3A_280 = vector.broadcast %div3A_5 : vector<1x128xf32> to vector<128x128xf32>
    %mul3A_281 = arith.mulf %sub3A_279, %mul3A_280 : vector<128x128xf32>
    %mul3A_282 = arith.mulf %mul3A_281, %mul3A_281 : vector<128x128xf32>
    %mul3A_283 = arith.constant 5.000000e-01 : f32
    %mul3A_284 = vector.broadcast %mul3A_283 : f32 to vector<128x128xf32>
    %mul3A_285 = arith.mulf %mul3A_284, %mul3A_282 : vector<128x128xf32>
    %sub3A_286 = vector.broadcast %log3A : vector<1x128xf32> to vector<128x128xf32>
    %sub3A_287 = arith.subf %sub3A_286, %mul3A_285 : vector<128x128xf32>
    %exp3A_288 = math.exp %sub3A_287 : vector<128x128xf32>
    %swap3A_289 = arith.constant 1792 : index
    %swap3A_290 = arith.constant 0 : index
    %swap3A_291 = vector.load %arg4[%swap3A_289, %swap3A_290] : memref<32768x128xf32, #tpu.memory_space<vmem>>, vector<128x128xf32>
    tpu.vector_store %arg4[%swap3A_289, %swap3A_290], %exp3A_288 {strides = array<i32>} : memref<32768x128xf32, #tpu.memory_space<vmem>>, vector<128x128xf32>,
    %slice3A_292 = vector.extract_strided_slice %transpose3A {offsets = [0, 15], sizes = [128, 1], strides = [1, 1]} : vector<128x256xf32> to vector<128x1xf32>
    %get3A_293 = arith.constant 0 : index
    %get3A_294 = arith.constant 0 : index
    %get3A_295 = vector.load %arg2[%get3A_293, %get3A_294] : memref<1x128xf32, #tpu.memory_space<vmem>>, vector<1x128xf32>
    %sub3A_296 = vector.broadcast %slice3A_292 : vector<128x1xf32> to vector<128x128xf32>
    %sub3A_297 = vector.broadcast %get3A_295 : vector<1x128xf32> to vector<128x128xf32>
    %sub3A_298 = arith.subf %sub3A_296, %sub3A_297 : vector<128x128xf32>
    %mul3A_299 = vector.broadcast %div3A_5 : vector<1x128xf32> to vector<128x128xf32>
    %mul3A_300 = arith.mulf %sub3A_298, %mul3A_299 : vector<128x128xf32>
    %mul3A_301 = arith.mulf %mul3A_300, %mul3A_300 : vector<128x128xf32>
    %mul3A_302 = arith.constant 5.000000e-01 : f32
    %mul3A_303 = vector.broadcast %mul3A_302 : f32 to vector<128x128xf32>
    %mul3A_304 = arith.mulf %mul3A_303, %mul3A_301 : vector<128x128xf32>
    %sub3A_305 = vector.broadcast %log3A : vector<1x128xf32> to vector<128x128xf32>
    %sub3A_306 = arith.subf %sub3A_305, %mul3A_304 : vector<128x128xf32>
    %exp3A_307 = math.exp %sub3A_306 : vector<128x128xf32>
    %swap3A_308 = arith.constant 1920 : index
    %swap3A_309 = arith.constant 0 : index
    %swap3A_310 = vector.load %arg4[%swap3A_308, %swap3A_309] : memref<32768x128xf32, #tpu.memory_space<vmem>>, vector<128x128xf32>
    tpu.vector_store %arg4[%swap3A_308, %swap3A_309], %exp3A_307 {strides = array<i32>} : memref<32768x128xf32, #tpu.memory_space<vmem>>, vector<128x128xf32>,
    %slice3A_311 = vector.extract_strided_slice %transpose3A {offsets = [0, 16], sizes = [128, 1], strides = [1, 1]} : vector<128x256xf32> to vector<128x1xf32>
    %get3A_312 = arith.constant 0 : index
    %get3A_313 = arith.constant 0 : index
    %get3A_314 = vector.load %arg2[%get3A_312, %get3A_313] : memref<1x128xf32, #tpu.memory_space<vmem>>, vector<1x128xf32>
    %sub3A_315 = vector.broadcast %slice3A_311 : vector<128x1xf32> to vector<128x128xf32>
    %sub3A_316 = vector.broadcast %get3A_314 : vector<1x128xf32> to vector<128x128xf32>
    %sub3A_317 = arith.subf %sub3A_315, %sub3A_316 : vector<128x128xf32>
    %mul3A_318 = vector.broadcast %div3A_5 : vector<1x128xf32> to vector<128x128xf32>
    %mul3A_319 = arith.mulf %sub3A_317, %mul3A_318 : vector<128x128xf32>
    %mul3A_320 = arith.mulf %mul3A_319, %mul3A_319 : vector<128x128xf32>
    %mul3A_321 = arith.constant 5.000000e-01 : f32
    %mul3A_322 = vector.broadcast %mul3A_321 : f32 to vector<128x128xf32>
    %mul3A_323 = arith.mulf %mul3A_322, %mul3A_320 : vector<128x128xf32>
    %sub3A_324 = vector.broadcast %log3A : vector<1x128xf32> to vector<128x128xf32>
    %sub3A_325 = arith.subf %sub3A_324, %mul3A_323 : vector<128x128xf32>
    %exp3A_326 = math.exp %sub3A_325 : vector<128x128xf32>
    %swap3A_327 = arith.constant 2048 : index
    %swap3A_328 = arith.constant 0 : index
    %swap3A_329 = vector.load %arg4[%swap3A_327, %swap3A_328] : memref<32768x128xf32, #tpu.memory_space<vmem>>, vector<128x128xf32>
    tpu.vector_store %arg4[%swap3A_327, %swap3A_328], %exp3A_326 {strides = array<i32>} : memref<32768x128xf32, #tpu.memory_space<vmem>>, vector<128x128xf32>,
    %slice3A_330 = vector.extract_strided_slice %transpose3A {offsets = [0, 17], sizes = [128, 1], strides = [1, 1]} : vector<128x256xf32> to vector<128x1xf32>
    %get3A_331 = arith.constant 0 : index
    %get3A_332 = arith.constant 0 : index
    %get3A_333 = vector.load %arg2[%get3A_331, %get3A_332] : memref<1x128xf32, #tpu.memory_space<vmem>>, vector<1x128xf32>
    %sub3A_334 = vector.broadcast %slice3A_330 : vector<128x1xf32> to vector<128x128xf32>
    %sub3A_335 = vector.broadcast %get3A_333 : vector<1x128xf32> to vector<128x128xf32>
    %sub3A_336 = arith.subf %sub3A_334, %sub3A_335 : vector<128x128xf32>
    %mul3A_337 = vector.broadcast %div3A_5 : vector<1x128xf32> to vector<128x128xf32>
    %mul3A_338 = arith.mulf %sub3A_336, %mul3A_337 : vector<128x128xf32>
    %mul3A_339 = arith.mulf %mul3A_338, %mul3A_338 : vector<128x128xf32>
    %mul3A_340 = arith.constant 5.000000e-01 : f32
    %mul3A_341 = vector.broadcast %mul3A_340 : f32 to vector<128x128xf32>
    %mul3A_342 = arith.mulf %mul3A_341, %mul3A_339 : vector<128x128xf32>
    %sub3A_343 = vector.broadcast %log3A : vector<1x128xf32> to vector<128x128xf32>
    %sub3A_344 = arith.subf %sub3A_343, %mul3A_342 : vector<128x128xf32>
    %exp3A_345 = math.exp %sub3A_344 : vector<128x128xf32>
    %swap3A_346 = arith.constant 2176 : index
    %swap3A_347 = arith.constant 0 : index
    %swap3A_348 = vector.load %arg4[%swap3A_346, %swap3A_347] : memref<32768x128xf32, #tpu.memory_space<vmem>>, vector<128x128xf32>
    tpu.vector_store %arg4[%swap3A_346, %swap3A_347], %exp3A_345 {strides = array<i32>} : memref<32768x128xf32, #tpu.memory_space<vmem>>, vector<128x128xf32>,
    %slice3A_349 = vector.extract_strided_slice %transpose3A {offsets = [0, 18], sizes = [128, 1], strides = [1, 1]} : vector<128x256xf32> to vector<128x1xf32>
    %get3A_350 = arith.constant 0 : index
    %get3A_351 = arith.constant 0 : index
    %get3A_352 = vector.load %arg2[%get3A_350, %get3A_351] : memref<1x128xf32, #tpu.memory_space<vmem>>, vector<1x128xf32>
    %sub3A_353 = vector.broadcast %slice3A_349 : vector<128x1xf32> to vector<128x128xf32>
    %sub3A_354 = vector.broadcast %get3A_352 : vector<1x128xf32> to vector<128x128xf32>
    %sub3A_355 = arith.subf %sub3A_353, %sub3A_354 : vector<128x128xf32>
    %mul3A_356 = vector.broadcast %div3A_5 : vector<1x128xf32> to vector<128x128xf32>
    %mul3A_357 = arith.mulf %sub3A_355, %mul3A_356 : vector<128x128xf32>
    %mul3A_358 = arith.mulf %mul3A_357, %mul3A_357 : vector<128x128xf32>
    %mul3A_359 = arith.constant 5.000000e-01 : f32
    %mul3A_360 = vector.broadcast %mul3A_359 : f32 to vector<128x128xf32>
    %mul3A_361 = arith.mulf %mul3A_360, %mul3A_358 : vector<128x128xf32>
    %sub3A_362 = vector.broadcast %log3A : vector<1x128xf32> to vector<128x128xf32>
    %sub3A_363 = arith.subf %sub3A_362, %mul3A_361 : vector<128x128xf32>
    %exp3A_364 = math.exp %sub3A_363 : vector<128x128xf32>
    %swap3A_365 = arith.constant 2304 : index
    %swap3A_366 = arith.constant 0 : index
    %swap3A_367 = vector.load %arg4[%swap3A_365, %swap3A_366] : memref<32768x128xf32, #tpu.memory_space<vmem>>, vector<128x128xf32>
    tpu.vector_store %arg4[%swap3A_365, %swap3A_366], %exp3A_364 {strides = array<i32>} : memref<32768x128xf32, #tpu.memory_space<vmem>>, vector<128x128xf32>,
    %slice3A_368 = vector.extract_strided_slice %transpose3A {offsets = [0, 19], sizes = [128, 1], strides = [1, 1]} : vector<128x256xf32> to vector<128x1xf32>
    %get3A_369 = arith.constant 0 : index
    %get3A_370 = arith.constant 0 : index
    %get3A_371 = vector.load %arg2[%get3A_369, %get3A_370] : memref<1x128xf32, #tpu.memory_space<vmem>>, vector<1x128xf32>
    %sub3A_372 = vector.broadcast %slice3A_368 : vector<128x1xf32> to vector<128x128xf32>
    %sub3A_373 = vector.broadcast %get3A_371 : vector<1x128xf32> to vector<128x128xf32>
    %sub3A_374 = arith.subf %sub3A_372, %sub3A_373 : vector<128x128xf32>
    %mul3A_375 = vector.broadcast %div3A_5 : vector<1x128xf32> to vector<128x128xf32>
    %mul3A_376 = arith.mulf %sub3A_374, %mul3A_375 : vector<128x128xf32>
    %mul3A_377 = arith.mulf %mul3A_376, %mul3A_376 : vector<128x128xf32>
    %mul3A_378 = arith.constant 5.000000e-01 : f32
    %mul3A_379 = vector.broadcast %mul3A_378 : f32 to vector<128x128xf32>
    %mul3A_380 = arith.mulf %mul3A_379, %mul3A_377 : vector<128x128xf32>
    %sub3A_381 = vector.broadcast %log3A : vector<1x128xf32> to vector<128x128xf32>
    %sub3A_382 = arith.subf %sub3A_381, %mul3A_380 : vector<128x128xf32>
    %exp3A_383 = math.exp %sub3A_382 : vector<128x128xf32>
    %swap3A_384 = arith.constant 2432 : index
    %swap3A_385 = arith.constant 0 : index
    %swap3A_386 = vector.load %arg4[%swap3A_384, %swap3A_385] : memref<32768x128xf32, #tpu.memory_space<vmem>>, vector<128x128xf32>
    tpu.vector_store %arg4[%swap3A_384, %swap3A_385], %exp3A_383 {strides = array<i32>} : memref<32768x128xf32, #tpu.memory_space<vmem>>, vector<128x128xf32>,
    %slice3A_387 = vector.extract_strided_slice %transpose3A {offsets = [0, 20], sizes = [128, 1], strides = [1, 1]} : vector<128x256xf32> to vector<128x1xf32>
    %get3A_388 = arith.constant 0 : index
    %get3A_389 = arith.constant 0 : index
    %get3A_390 = vector.load %arg2[%get3A_388, %get3A_389] : memref<1x128xf32, #tpu.memory_space<vmem>>, vector<1x128xf32>
    %sub3A_391 = vector.broadcast %slice3A_387 : vector<128x1xf32> to vector<128x128xf32>
    %sub3A_392 = vector.broadcast %get3A_390 : vector<1x128xf32> to vector<128x128xf32>
    %sub3A_393 = arith.subf %sub3A_391, %sub3A_392 : vector<128x128xf32>
    %mul3A_394 = vector.broadcast %div3A_5 : vector<1x128xf32> to vector<128x128xf32>
    %mul3A_395 = arith.mulf %sub3A_393, %mul3A_394 : vector<128x128xf32>
    %mul3A_396 = arith.mulf %mul3A_395, %mul3A_395 : vector<128x128xf32>
    %mul3A_397 = arith.constant 5.000000e-01 : f32
    %mul3A_398 = vector.broadcast %mul3A_397 : f32 to vector<128x128xf32>
    %mul3A_399 = arith.mulf %mul3A_398, %mul3A_396 : vector<128x128xf32>
    %sub3A_400 = vector.broadcast %log3A : vector<1x128xf32> to vector<128x128xf32>
    %sub3A_401 = arith.subf %sub3A_400, %mul3A_399 : vector<128x128xf32>
    %exp3A_402 = math.exp %sub3A_401 : vector<128x128xf32>
    %swap3A_403 = arith.constant 2560 : index
    %swap3A_404 = arith.constant 0 : index
    %swap3A_405 = vector.load %arg4[%swap3A_403, %swap3A_404] : memref<32768x128xf32, #tpu.memory_space<vmem>>, vector<128x128xf32>
    tpu.vector_store %arg4[%swap3A_403, %swap3A_404], %exp3A_402 {strides = array<i32>} : memref<32768x128xf32, #tpu.memory_space<vmem>>, vector<128x128xf32>,
    %slice3A_406 = vector.extract_strided_slice %transpose3A {offsets = [0, 21], sizes = [128, 1], strides = [1, 1]} : vector<128x256xf32> to vector<128x1xf32>
    %get3A_407 = arith.constant 0 : index
    %get3A_408 = arith.constant 0 : index
    %get3A_409 = vector.load %arg2[%get3A_407, %get3A_408] : memref<1x128xf32, #tpu.memory_space<vmem>>, vector<1x128xf32>
    %sub3A_410 = vector.broadcast %slice3A_406 : vector<128x1xf32> to vector<128x128xf32>
    %sub3A_411 = vector.broadcast %get3A_409 : vector<1x128xf32> to vector<128x128xf32>
    %sub3A_412 = arith.subf %sub3A_410, %sub3A_411 : vector<128x128xf32>
    %mul3A_413 = vector.broadcast %div3A_5 : vector<1x128xf32> to vector<128x128xf32>
    %mul3A_414 = arith.mulf %sub3A_412, %mul3A_413 : vector<128x128xf32>
    %mul3A_415 = arith.mulf %mul3A_414, %mul3A_414 : vector<128x128xf32>
    %mul3A_416 = arith.constant 5.000000e-01 : f32
    %mul3A_417 = vector.broadcast %mul3A_416 : f32 to vector<128x128xf32>
    %mul3A_418 = arith.mulf %mul3A_417, %mul3A_415 : vector<128x128xf32>
    %sub3A_419 = vector.broadcast %log3A : vector<1x128xf32> to vector<128x128xf32>
    %sub3A_420 = arith.subf %sub3A_419, %mul3A_418 : vector<128x128xf32>
    %exp3A_421 = math.exp %sub3A_420 : vector<128x128xf32>
    %swap3A_422 = arith.constant 2688 : index
    %swap3A_423 = arith.constant 0 : index
    %swap3A_424 = vector.load %arg4[%swap3A_422, %swap3A_423] : memref<32768x128xf32, #tpu.memory_space<vmem>>, vector<128x128xf32>
    tpu.vector_store %arg4[%swap3A_422, %swap3A_423], %exp3A_421 {strides = array<i32>} : memref<32768x128xf32, #tpu.memory_space<vmem>>, vector<128x128xf32>,
    %slice3A_425 = vector.extract_strided_slice %transpose3A {offsets = [0, 22], sizes = [128, 1], strides = [1, 1]} : vector<128x256xf32> to vector<128x1xf32>
    %get3A_426 = arith.constant 0 : index
    %get3A_427 = arith.constant 0 : index
    %get3A_428 = vector.load %arg2[%get3A_426, %get3A_427] : memref<1x128xf32, #tpu.memory_space<vmem>>, vector<1x128xf32>
    %sub3A_429 = vector.broadcast %slice3A_425 : vector<128x1xf32> to vector<128x128xf32>
    %sub3A_430 = vector.broadcast %get3A_428 : vector<1x128xf32> to vector<128x128xf32>
    %sub3A_431 = arith.subf %sub3A_429, %sub3A_430 : vector<128x128xf32>
    %mul3A_432 = vector.broadcast %div3A_5 : vector<1x128xf32> to vector<128x128xf32>
    %mul3A_433 = arith.mulf %sub3A_431, %mul3A_432 : vector<128x128xf32>
    %mul3A_434 = arith.mulf %mul3A_433, %mul3A_433 : vector<128x128xf32>
    %mul3A_435 = arith.constant 5.000000e-01 : f32
    %mul3A_436 = vector.broadcast %mul3A_435 : f32 to vector<128x128xf32>
    %mul3A_437 = arith.mulf %mul3A_436, %mul3A_434 : vector<128x128xf32>
    %sub3A_438 = vector.broadcast %log3A : vector<1x128xf32> to vector<128x128xf32>
    %sub3A_439 = arith.subf %sub3A_438, %mul3A_437 : vector<128x128xf32>
    %exp3A_440 = math.exp %sub3A_439 : vector<128x128xf32>
    %swap3A_441 = arith.constant 2816 : index
    %swap3A_442 = arith.constant 0 : index
    %swap3A_443 = vector.load %arg4[%swap3A_441, %swap3A_442] : memref<32768x128xf32, #tpu.memory_space<vmem>>, vector<128x128xf32>
    tpu.vector_store %arg4[%swap3A_441, %swap3A_442], %exp3A_440 {strides = array<i32>} : memref<32768x128xf32, #tpu.memory_space<vmem>>, vector<128x128xf32>,
    %slice3A_444 = vector.extract_strided_slice %transpose3A {offsets = [0, 23], sizes = [128, 1], strides = [1, 1]} : vector<128x256xf32> to vector<128x1xf32>
    %get3A_445 = arith.constant 0 : index
    %get3A_446 = arith.constant 0 : index
    %get3A_447 = vector.load %arg2[%get3A_445, %get3A_446] : memref<1x128xf32, #tpu.memory_space<vmem>>, vector<1x128xf32>
    %sub3A_448 = vector.broadcast %slice3A_444 : vector<128x1xf32> to vector<128x128xf32>
    %sub3A_449 = vector.broadcast %get3A_447 : vector<1x128xf32> to vector<128x128xf32>
    %sub3A_450 = arith.subf %sub3A_448, %sub3A_449 : vector<128x128xf32>
    %mul3A_451 = vector.broadcast %div3A_5 : vector<1x128xf32> to vector<128x128xf32>
    %mul3A_452 = arith.mulf %sub3A_450, %mul3A_451 : vector<128x128xf32>
    %mul3A_453 = arith.mulf %mul3A_452, %mul3A_452 : vector<128x128xf32>
    %mul3A_454 = arith.constant 5.000000e-01 : f32
    %mul3A_455 = vector.broadcast %mul3A_454 : f32 to vector<128x128xf32>
    %mul3A_456 = arith.mulf %mul3A_455, %mul3A_453 : vector<128x128xf32>
    %sub3A_457 = vector.broadcast %log3A : vector<1x128xf32> to vector<128x128xf32>
    %sub3A_458 = arith.subf %sub3A_457, %mul3A_456 : vector<128x128xf32>
    %exp3A_459 = math.exp %sub3A_458 : vector<128x128xf32>
    %swap3A_460 = arith.constant 2944 : index
    %swap3A_461 = arith.constant 0 : index
    %swap3A_462 = vector.load %arg4[%swap3A_460, %swap3A_461] : memref<32768x128xf32, #tpu.memory_space<vmem>>, vector<128x128xf32>
    tpu.vector_store %arg4[%swap3A_460, %swap3A_461], %exp3A_459 {strides = array<i32>} : memref<32768x128xf32, #tpu.memory_space<vmem>>, vector<128x128xf32>,
    %slice3A_463 = vector.extract_strided_slice %transpose3A {offsets = [0, 24], sizes = [128, 1], strides = [1, 1]} : vector<128x256xf32> to vector<128x1xf32>
    %get3A_464 = arith.constant 0 : index
    %get3A_465 = arith.constant 0 : index
    %get3A_466 = vector.load %arg2[%get3A_464, %get3A_465] : memref<1x128xf32, #tpu.memory_space<vmem>>, vector<1x128xf32>
    %sub3A_467 = vector.broadcast %slice3A_463 : vector<128x1xf32> to vector<128x128xf32>
    %sub3A_468 = vector.broadcast %get3A_466 : vector<1x128xf32> to vector<128x128xf32>
    %sub3A_469 = arith.subf %sub3A_467, %sub3A_468 : vector<128x128xf32>
    %mul3A_470 = vector.broadcast %div3A_5 : vector<1x128xf32> to vector<128x128xf32>
    %mul3A_471 = arith.mulf %sub3A_469, %mul3A_470 : vector<128x128xf32>
    %mul3A_472 = arith.mulf %mul3A_471, %mul3A_471 : vector<128x128xf32>
    %mul3A_473 = arith.constant 5.000000e-01 : f32
    %mul3A_474 = vector.broadcast %mul3A_473 : f32 to vector<128x128xf32>
    %mul3A_475 = arith.mulf %mul3A_474, %mul3A_472 : vector<128x128xf32>
    %sub3A_476 = vector.broadcast %log3A : vector<1x128xf32> to vector<128x128xf32>
    %sub3A_477 = arith.subf %sub3A_476, %mul3A_475 : vector<128x128xf32>
    %exp3A_478 = math.exp %sub3A_477 : vector<128x128xf32>
    %swap3A_479 = arith.constant 3072 : index
    %swap3A_480 = arith.constant 0 : index
    %swap3A_481 = vector.load %arg4[%swap3A_479, %swap3A_480] : memref<32768x128xf32, #tpu.memory_space<vmem>>, vector<128x128xf32>
    tpu.vector_store %arg4[%swap3A_479, %swap3A_480], %exp3A_478 {strides = array<i32>} : memref<32768x128xf32, #tpu.memory_space<vmem>>, vector<128x128xf32>,
    %slice3A_482 = vector.extract_strided_slice %transpose3A {offsets = [0, 25], sizes = [128, 1], strides = [1, 1]} : vector<128x256xf32> to vector<128x1xf32>
    %get3A_483 = arith.constant 0 : index
    %get3A_484 = arith.constant 0 : index
    %get3A_485 = vector.load %arg2[%get3A_483, %get3A_484] : memref<1x128xf32, #tpu.memory_space<vmem>>, vector<1x128xf32>
    %sub3A_486 = vector.broadcast %slice3A_482 : vector<128x1xf32> to vector<128x128xf32>
    %sub3A_487 = vector.broadcast %get3A_485 : vector<1x128xf32> to vector<128x128xf32>
    %sub3A_488 = arith.subf %sub3A_486, %sub3A_487 : vector<128x128xf32>
    %mul3A_489 = vector.broadcast %div3A_5 : vector<1x128xf32> to vector<128x128xf32>
    %mul3A_490 = arith.mulf %sub3A_488, %mul3A_489 : vector<128x128xf32>
    %mul3A_491 = arith.mulf %mul3A_490, %mul3A_490 : vector<128x128xf32>
    %mul3A_492 = arith.constant 5.000000e-01 : f32
    %mul3A_493 = vector.broadcast %mul3A_492 : f32 to vector<128x128xf32>
    %mul3A_494 = arith.mulf %mul3A_493, %mul3A_491 : vector<128x128xf32>
    %sub3A_495 = vector.broadcast %log3A : vector<1x128xf32> to vector<128x128xf32>
    %sub3A_496 = arith.subf %sub3A_495, %mul3A_494 : vector<128x128xf32>
    %exp3A_497 = math.exp %sub3A_496 : vector<128x128xf32>
    %swap3A_498 = arith.constant 3200 : index
    %swap3A_499 = arith.constant 0 : index
    %swap3A_500 = vector.load %arg4[%swap3A_498, %swap3A_499] : memref<32768x128xf32, #tpu.memory_space<vmem>>, vector<128x128xf32>
    tpu.vector_store %arg4[%swap3A_498, %swap3A_499], %exp3A_497 {strides = array<i32>} : memref<32768x128xf32, #tpu.memory_space<vmem>>, vector<128x128xf32>,
    %slice3A_501 = vector.extract_strided_slice %transpose3A {offsets = [0, 26], sizes = [128, 1], strides = [1, 1]} : vector<128x256xf32> to vector<128x1xf32>
    %get3A_502 = arith.constant 0 : index
    %get3A_503 = arith.constant 0 : index
    %get3A_504 = vector.load %arg2[%get3A_502, %get3A_503] : memref<1x128xf32, #tpu.memory_space<vmem>>, vector<1x128xf32>
    %sub3A_505 = vector.broadcast %slice3A_501 : vector<128x1xf32> to vector<128x128xf32>
    %sub3A_506 = vector.broadcast %get3A_504 : vector<1x128xf32> to vector<128x128xf32>
    %sub3A_507 = arith.subf %sub3A_505, %sub3A_506 : vector<128x128xf32>
    %mul3A_508 = vector.broadcast %div3A_5 : vector<1x128xf32> to vector<128x128xf32>
    %mul3A_509 = arith.mulf %sub3A_507, %mul3A_508 : vector<128x128xf32>
    %mul3A_510 = arith.mulf %mul3A_509, %mul3A_509 : vector<128x128xf32>
    %mul3A_511 = arith.constant 5.000000e-01 : f32
    %mul3A_512 = vector.broadcast %mul3A_511 : f32 to vector<128x128xf32>
    %mul3A_513 = arith.mulf %mul3A_512, %mul3A_510 : vector<128x128xf32>
    %sub3A_514 = vector.broadcast %log3A : vector<1x128xf32> to vector<128x128xf32>
    %sub3A_515 = arith.subf %sub3A_514, %mul3A_513 : vector<128x128xf32>
    %exp3A_516 = math.exp %sub3A_515 : vector<128x128xf32>
    %swap3A_517 = arith.constant 3328 : index
    %swap3A_518 = arith.constant 0 : index
    %swap3A_519 = vector.load %arg4[%swap3A_517, %swap3A_518] : memref<32768x128xf32, #tpu.memory_space<vmem>>, vector<128x128xf32>
    tpu.vector_store %arg4[%swap3A_517, %swap3A_518], %exp3A_516 {strides = array<i32>} : memref<32768x128xf32, #tpu.memory_space<vmem>>, vector<128x128xf32>,
    %slice3A_520 = vector.extract_strided_slice %transpose3A {offsets = [0, 27], sizes = [128, 1], strides = [1, 1]} : vector<128x256xf32> to vector<128x1xf32>
    %get3A_521 = arith.constant 0 : index
    %get3A_522 = arith.constant 0 : index
    %get3A_523 = vector.load %arg2[%get3A_521, %get3A_522] : memref<1x128xf32, #tpu.memory_space<vmem>>, vector<1x128xf32>
    %sub3A_524 = vector.broadcast %slice3A_520 : vector<128x1xf32> to vector<128x128xf32>
    %sub3A_525 = vector.broadcast %get3A_523 : vector<1x128xf32> to vector<128x128xf32>
    %sub3A_526 = arith.subf %sub3A_524, %sub3A_525 : vector<128x128xf32>
    %mul3A_527 = vector.broadcast %div3A_5 : vector<1x128xf32> to vector<128x128xf32>
    %mul3A_528 = arith.mulf %sub3A_526, %mul3A_527 : vector<128x128xf32>
    %mul3A_529 = arith.mulf %mul3A_528, %mul3A_528 : vector<128x128xf32>
    %mul3A_530 = arith.constant 5.000000e-01 : f32
    %mul3A_531 = vector.broadcast %mul3A_530 : f32 to vector<128x128xf32>
    %mul3A_532 = arith.mulf %mul3A_531, %mul3A_529 : vector<128x128xf32>
    %sub3A_533 = vector.broadcast %log3A : vector<1x128xf32> to vector<128x128xf32>
    %sub3A_534 = arith.subf %sub3A_533, %mul3A_532 : vector<128x128xf32>
    %exp3A_535 = math.exp %sub3A_534 : vector<128x128xf32>
    %swap3A_536 = arith.constant 3456 : index
    %swap3A_537 = arith.constant 0 : index
    %swap3A_538 = vector.load %arg4[%swap3A_536, %swap3A_537] : memref<32768x128xf32, #tpu.memory_space<vmem>>, vector<128x128xf32>
    tpu.vector_store %arg4[%swap3A_536, %swap3A_537], %exp3A_535 {strides = array<i32>} : memref<32768x128xf32, #tpu.memory_space<vmem>>, vector<128x128xf32>,
    %slice3A_539 = vector.extract_strided_slice %transpose3A {offsets = [0, 28], sizes = [128, 1], strides = [1, 1]} : vector<128x256xf32> to vector<128x1xf32>
    %get3A_540 = arith.constant 0 : index
    %get3A_541 = arith.constant 0 : index
    %get3A_542 = vector.load %arg2[%get3A_540, %get3A_541] : memref<1x128xf32, #tpu.memory_space<vmem>>, vector<1x128xf32>
    %sub3A_543 = vector.broadcast %slice3A_539 : vector<128x1xf32> to vector<128x128xf32>
    %sub3A_544 = vector.broadcast %get3A_542 : vector<1x128xf32> to vector<128x128xf32>
    %sub3A_545 = arith.subf %sub3A_543, %sub3A_544 : vector<128x128xf32>
    %mul3A_546 = vector.broadcast %div3A_5 : vector<1x128xf32> to vector<128x128xf32>
    %mul3A_547 = arith.mulf %sub3A_545, %mul3A_546 : vector<128x128xf32>
    %mul3A_548 = arith.mulf %mul3A_547, %mul3A_547 : vector<128x128xf32>
    %mul3A_549 = arith.constant 5.000000e-01 : f32
    %mul3A_550 = vector.broadcast %mul3A_549 : f32 to vector<128x128xf32>
    %mul3A_551 = arith.mulf %mul3A_550, %mul3A_548 : vector<128x128xf32>
    %sub3A_552 = vector.broadcast %log3A : vector<1x128xf32> to vector<128x128xf32>
    %sub3A_553 = arith.subf %sub3A_552, %mul3A_551 : vector<128x128xf32>
    %exp3A_554 = math.exp %sub3A_553 : vector<128x128xf32>
    %swap3A_555 = arith.constant 3584 : index
    %swap3A_556 = arith.constant 0 : index
    %swap3A_557 = vector.load %arg4[%swap3A_555, %swap3A_556] : memref<32768x128xf32, #tpu.memory_space<vmem>>, vector<128x128xf32>
    tpu.vector_store %arg4[%swap3A_555, %swap3A_556], %exp3A_554 {strides = array<i32>} : memref<32768x128xf32, #tpu.memory_space<vmem>>, vector<128x128xf32>,
    %slice3A_558 = vector.extract_strided_slice %transpose3A {offsets = [0, 29], sizes = [128, 1], strides = [1, 1]} : vector<128x256xf32> to vector<128x1xf32>
    %get3A_559 = arith.constant 0 : index
    %get3A_560 = arith.constant 0 : index
    %get3A_561 = vector.load %arg2[%get3A_559, %get3A_560] : memref<1x128xf32, #tpu.memory_space<vmem>>, vector<1x128xf32>
    %sub3A_562 = vector.broadcast %slice3A_558 : vector<128x1xf32> to vector<128x128xf32>
    %sub3A_563 = vector.broadcast %get3A_561 : vector<1x128xf32> to vector<128x128xf32>
    %sub3A_564 = arith.subf %sub3A_562, %sub3A_563 : vector<128x128xf32>
    %mul3A_565 = vector.broadcast %div3A_5 : vector<1x128xf32> to vector<128x128xf32>
    %mul3A_566 = arith.mulf %sub3A_564, %mul3A_565 : vector<128x128xf32>
    %mul3A_567 = arith.mulf %mul3A_566, %mul3A_566 : vector<128x128xf32>
    %mul3A_568 = arith.constant 5.000000e-01 : f32
    %mul3A_569 = vector.broadcast %mul3A_568 : f32 to vector<128x128xf32>
    %mul3A_570 = arith.mulf %mul3A_569, %mul3A_567 : vector<128x128xf32>
    %sub3A_571 = vector.broadcast %log3A : vector<1x128xf32> to vector<128x128xf32>
    %sub3A_572 = arith.subf %sub3A_571, %mul3A_570 : vector<128x128xf32>
    %exp3A_573 = math.exp %sub3A_572 : vector<128x128xf32>
    %swap3A_574 = arith.constant 3712 : index
    %swap3A_575 = arith.constant 0 : index
    %swap3A_576 = vector.load %arg4[%swap3A_574, %swap3A_575] : memref<32768x128xf32, #tpu.memory_space<vmem>>, vector<128x128xf32>
    tpu.vector_store %arg4[%swap3A_574, %swap3A_575], %exp3A_573 {strides = array<i32>} : memref<32768x128xf32, #tpu.memory_space<vmem>>, vector<128x128xf32>,
    %slice3A_577 = vector.extract_strided_slice %transpose3A {offsets = [0, 30], sizes = [128, 1], strides = [1, 1]} : vector<128x256xf32> to vector<128x1xf32>
    %get3A_578 = arith.constant 0 : index
    %get3A_579 = arith.constant 0 : index
    %get3A_580 = vector.load %arg2[%get3A_578, %get3A_579] : memref<1x128xf32, #tpu.memory_space<vmem>>, vector<1x128xf32>
    %sub3A_581 = vector.broadcast %slice3A_577 : vector<128x1xf32> to vector<128x128xf32>
    %sub3A_582 = vector.broadcast %get3A_580 : vector<1x128xf32> to vector<128x128xf32>
    %sub3A_583 = arith.subf %sub3A_581, %sub3A_582 : vector<128x128xf32>
    %mul3A_584 = vector.broadcast %div3A_5 : vector<1x128xf32> to vector<128x128xf32>
    %mul3A_585 = arith.mulf %sub3A_583, %mul3A_584 : vector<128x128xf32>
    %mul3A_586 = arith.mulf %mul3A_585, %mul3A_585 : vector<128x128xf32>
    %mul3A_587 = arith.constant 5.000000e-01 : f32
    %mul3A_588 = vector.broadcast %mul3A_587 : f32 to vector<128x128xf32>
    %mul3A_589 = arith.mulf %mul3A_588, %mul3A_586 : vector<128x128xf32>
    %sub3A_590 = vector.broadcast %log3A : vector<1x128xf32> to vector<128x128xf32>
    %sub3A_591 = arith.subf %sub3A_590, %mul3A_589 : vector<128x128xf32>
    %exp3A_592 = math.exp %sub3A_591 : vector<128x128xf32>
    %swap3A_593 = arith.constant 3840 : index
    %swap3A_594 = arith.constant 0 : index
    %swap3A_595 = vector.load %arg4[%swap3A_593, %swap3A_594] : memref<32768x128xf32, #tpu.memory_space<vmem>>, vector<128x128xf32>
    tpu.vector_store %arg4[%swap3A_593, %swap3A_594], %exp3A_592 {strides = array<i32>} : memref<32768x128xf32, #tpu.memory_space<vmem>>, vector<128x128xf32>,
    %slice3A_596 = vector.extract_strided_slice %transpose3A {offsets = [0, 31], sizes = [128, 1], strides = [1, 1]} : vector<128x256xf32> to vector<128x1xf32>
    %get3A_597 = arith.constant 0 : index
    %get3A_598 = arith.constant 0 : index
    %get3A_599 = vector.load %arg2[%get3A_597, %get3A_598] : memref<1x128xf32, #tpu.memory_space<vmem>>, vector<1x128xf32>
    %sub3A_600 = vector.broadcast %slice3A_596 : vector<128x1xf32> to vector<128x128xf32>
    %sub3A_601 = vector.broadcast %get3A_599 : vector<1x128xf32> to vector<128x128xf32>
    %sub3A_602 = arith.subf %sub3A_600, %sub3A_601 : vector<128x128xf32>
    %mul3A_603 = vector.broadcast %div3A_5 : vector<1x128xf32> to vector<128x128xf32>
    %mul3A_604 = arith.mulf %sub3A_602, %mul3A_603 : vector<128x128xf32>
    %mul3A_605 = arith.mulf %mul3A_604, %mul3A_604 : vector<128x128xf32>
    %mul3A_606 = arith.constant 5.000000e-01 : f32
    %mul3A_607 = vector.broadcast %mul3A_606 : f32 to vector<128x128xf32>
    %mul3A_608 = arith.mulf %mul3A_607, %mul3A_605 : vector<128x128xf32>
    %sub3A_609 = vector.broadcast %log3A : vector<1x128xf32> to vector<128x128xf32>
    %sub3A_610 = arith.subf %sub3A_609, %mul3A_608 : vector<128x128xf32>
    %exp3A_611 = math.exp %sub3A_610 : vector<128x128xf32>
    %swap3A_612 = arith.constant 3968 : index
    %swap3A_613 = arith.constant 0 : index
    %swap3A_614 = vector.load %arg4[%swap3A_612, %swap3A_613] : memref<32768x128xf32, #tpu.memory_space<vmem>>, vector<128x128xf32>
    tpu.vector_store %arg4[%swap3A_612, %swap3A_613], %exp3A_611 {strides = array<i32>} : memref<32768x128xf32, #tpu.memory_space<vmem>>, vector<128x128xf32>,
    %slice3A_615 = vector.extract_strided_slice %transpose3A {offsets = [0, 32], sizes = [128, 1], strides = [1, 1]} : vector<128x256xf32> to vector<128x1xf32>
    %get3A_616 = arith.constant 0 : index
    %get3A_617 = arith.constant 0 : index
    %get3A_618 = vector.load %arg2[%get3A_616, %get3A_617] : memref<1x128xf32, #tpu.memory_space<vmem>>, vector<1x128xf32>
    %sub3A_619 = vector.broadcast %slice3A_615 : vector<128x1xf32> to vector<128x128xf32>
    %sub3A_620 = vector.broadcast %get3A_618 : vector<1x128xf32> to vector<128x128xf32>
    %sub3A_621 = arith.subf %sub3A_619, %sub3A_620 : vector<128x128xf32>
    %mul3A_622 = vector.broadcast %div3A_5 : vector<1x128xf32> to vector<128x128xf32>
    %mul3A_623 = arith.mulf %sub3A_621, %mul3A_622 : vector<128x128xf32>
    %mul3A_624 = arith.mulf %mul3A_623, %mul3A_623 : vector<128x128xf32>
    %mul3A_625 = arith.constant 5.000000e-01 : f32
    %mul3A_626 = vector.broadcast %mul3A_625 : f32 to vector<128x128xf32>
    %mul3A_627 = arith.mulf %mul3A_626, %mul3A_624 : vector<128x128xf32>
    %sub3A_628 = vector.broadcast %log3A : vector<1x128xf32> to vector<128x128xf32>
    %sub3A_629 = arith.subf %sub3A_628, %mul3A_627 : vector<128x128xf32>
    %exp3A_630 = math.exp %sub3A_629 : vector<128x128xf32>
    %swap3A_631 = arith.constant 4096 : index
    %swap3A_632 = arith.constant 0 : index
    %swap3A_633 = vector.load %arg4[%swap3A_631, %swap3A_632] : memref<32768x128xf32, #tpu.memory_space<vmem>>, vector<128x128xf32>
    tpu.vector_store %arg4[%swap3A_631, %swap3A_632], %exp3A_630 {strides = array<i32>} : memref<32768x128xf32, #tpu.memory_space<vmem>>, vector<128x128xf32>,
    %slice3A_634 = vector.extract_strided_slice %transpose3A {offsets = [0, 33], sizes = [128, 1], strides = [1, 1]} : vector<128x256xf32> to vector<128x1xf32>
    %get3A_635 = arith.constant 0 : index
    %get3A_636 = arith.constant 0 : index
    %get3A_637 = vector.load %arg2[%get3A_635, %get3A_636] : memref<1x128xf32, #tpu.memory_space<vmem>>, vector<1x128xf32>
    %sub3A_638 = vector.broadcast %slice3A_634 : vector<128x1xf32> to vector<128x128xf32>
    %sub3A_639 = vector.broadcast %get3A_637 : vector<1x128xf32> to vector<128x128xf32>
    %sub3A_640 = arith.subf %sub3A_638, %sub3A_639 : vector<128x128xf32>
    %mul3A_641 = vector.broadcast %div3A_5 : vector<1x128xf32> to vector<128x128xf32>
    %mul3A_642 = arith.mulf %sub3A_640, %mul3A_641 : vector<128x128xf32>
    %mul3A_643 = arith.mulf %mul3A_642, %mul3A_642 : vector<128x128xf32>
    %mul3A_644 = arith.constant 5.000000e-01 : f32
    %mul3A_645 = vector.broadcast %mul3A_644 : f32 to vector<128x128xf32>
    %mul3A_646 = arith.mulf %mul3A_645, %mul3A_643 : vector<128x128xf32>
    %sub3A_647 = vector.broadcast %log3A : vector<1x128xf32> to vector<128x128xf32>
    %sub3A_648 = arith.subf %sub3A_647, %mul3A_646 : vector<128x128xf32>
    %exp3A_649 = math.exp %sub3A_648 : vector<128x128xf32>
    %swap3A_650 = arith.constant 4224 : index
    %swap3A_651 = arith.constant 0 : index
    %swap3A_652 = vector.load %arg4[%swap3A_650, %swap3A_651] : memref<32768x128xf32, #tpu.memory_space<vmem>>, vector<128x128xf32>
    tpu.vector_store %arg4[%swap3A_650, %swap3A_651], %exp3A_649 {strides = array<i32>} : memref<32768x128xf32, #tpu.memory_space<vmem>>, vector<128x128xf32>,
    %slice3A_653 = vector.extract_strided_slice %transpose3A {offsets = [0, 34], sizes = [128, 1], strides = [1, 1]} : vector<128x256xf32> to vector<128x1xf32>
    %get3A_654 = arith.constant 0 : index
    %get3A_655 = arith.constant 0 : index
    %get3A_656 = vector.load %arg2[%get3A_654, %get3A_655] : memref<1x128xf32, #tpu.memory_space<vmem>>, vector<1x128xf32>
    %sub3A_657 = vector.broadcast %slice3A_653 : vector<128x1xf32> to vector<128x128xf32>
    %sub3A_658 = vector.broadcast %get3A_656 : vector<1x128xf32> to vector<128x128xf32>
    %sub3A_659 = arith.subf %sub3A_657, %sub3A_658 : vector<128x128xf32>
    %mul3A_660 = vector.broadcast %div3A_5 : vector<1x128xf32> to vector<128x128xf32>
    %mul3A_661 = arith.mulf %sub3A_659, %mul3A_660 : vector<128x128xf32>
    %mul3A_662 = arith.mulf %mul3A_661, %mul3A_661 : vector<128x128xf32>
    %mul3A_663 = arith.constant 5.000000e-01 : f32
    %mul3A_664 = vector.broadcast %mul3A_663 : f32 to vector<128x128xf32>
    %mul3A_665 = arith.mulf %mul3A_664, %mul3A_662 : vector<128x128xf32>
    %sub3A_666 = vector.broadcast %log3A : vector<1x128xf32> to vector<128x128xf32>
    %sub3A_667 = arith.subf %sub3A_666, %mul3A_665 : vector<128x128xf32>
    %exp3A_668 = math.exp %sub3A_667 : vector<128x128xf32>
    %swap3A_669 = arith.constant 4352 : index
    %swap3A_670 = arith.constant 0 : index
    %swap3A_671 = vector.load %arg4[%swap3A_669, %swap3A_670] : memref<32768x128xf32, #tpu.memory_space<vmem>>, vector<128x128xf32>
    tpu.vector_store %arg4[%swap3A_669, %swap3A_670], %exp3A_668 {strides = array<i32>} : memref<32768x128xf32, #tpu.memory_space<vmem>>, vector<128x128xf32>,
    %slice3A_672 = vector.extract_strided_slice %transpose3A {offsets = [0, 35], sizes = [128, 1], strides = [1, 1]} : vector<128x256xf32> to vector<128x1xf32>
    %get3A_673 = arith.constant 0 : index
    %get3A_674 = arith.constant 0 : index
    %get3A_675 = vector.load %arg2[%get3A_673, %get3A_674] : memref<1x128xf32, #tpu.memory_space<vmem>>, vector<1x128xf32>
    %sub3A_676 = vector.broadcast %slice3A_672 : vector<128x1xf32> to vector<128x128xf32>
    %sub3A_677 = vector.broadcast %get3A_675 : vector<1x128xf32> to vector<128x128xf32>
    %sub3A_678 = arith.subf %sub3A_676, %sub3A_677 : vector<128x128xf32>
    %mul3A_679 = vector.broadcast %div3A_5 : vector<1x128xf32> to vector<128x128xf32>
    %mul3A_680 = arith.mulf %sub3A_678, %mul3A_679 : vector<128x128xf32>
    %mul3A_681 = arith.mulf %mul3A_680, %mul3A_680 : vector<128x128xf32>
    %mul3A_682 = arith.constant 5.000000e-01 : f32
    %mul3A_683 = vector.broadcast %mul3A_682 : f32 to vector<128x128xf32>
    %mul3A_684 = arith.mulf %mul3A_683, %mul3A_681 : vector<128x128xf32>
    %sub3A_685 = vector.broadcast %log3A : vector<1x128xf32> to vector<128x128xf32>
    %sub3A_686 = arith.subf %sub3A_685, %mul3A_684 : vector<128x128xf32>
    %exp3A_687 = math.exp %sub3A_686 : vector<128x128xf32>
    %swap3A_688 = arith.constant 4480 : index
    %swap3A_689 = arith.constant 0 : index
    %swap3A_690 = vector.load %arg4[%swap3A_688, %swap3A_689] : memref<32768x128xf32, #tpu.memory_space<vmem>>, vector<128x128xf32>
    tpu.vector_store %arg4[%swap3A_688, %swap3A_689], %exp3A_687 {strides = array<i32>} : memref<32768x128xf32, #tpu.memory_space<vmem>>, vector<128x128xf32>,
    %slice3A_691 = vector.extract_strided_slice %transpose3A {offsets = [0, 36], sizes = [128, 1], strides = [1, 1]} : vector<128x256xf32> to vector<128x1xf32>
    %get3A_692 = arith.constant 0 : index
    %get3A_693 = arith.constant 0 : index
    %get3A_694 = vector.load %arg2[%get3A_692, %get3A_693] : memref<1x128xf32, #tpu.memory_space<vmem>>, vector<1x128xf32>
    %sub3A_695 = vector.broadcast %slice3A_691 : vector<128x1xf32> to vector<128x128xf32>
    %sub3A_696 = vector.broadcast %get3A_694 : vector<1x128xf32> to vector<128x128xf32>
    %sub3A_697 = arith.subf %sub3A_695, %sub3A_696 : vector<128x128xf32>
    %mul3A_698 = vector.broadcast %div3A_5 : vector<1x128xf32> to vector<128x128xf32>
    %mul3A_699 = arith.mulf %sub3A_697, %mul3A_698 : vector<128x128xf32>
    %mul3A_700 = arith.mulf %mul3A_699, %mul3A_699 : vector<128x128xf32>
    %mul3A_701 = arith.constant 5.000000e-01 : f32
    %mul3A_702 = vector.broadcast %mul3A_701 : f32 to vector<128x128xf32>
    %mul3A_703 = arith.mulf %mul3A_702, %mul3A_700 : vector<128x128xf32>
    %sub3A_704 = vector.broadcast %log3A : vector<1x128xf32> to vector<128x128xf32>
    %sub3A_705 = arith.subf %sub3A_704, %mul3A_703 : vector<128x128xf32>
    %exp3A_706 = math.exp %sub3A_705 : vector<128x128xf32>
    %swap3A_707 = arith.constant 4608 : index
    %swap3A_708 = arith.constant 0 : index
    %swap3A_709 = vector.load %arg4[%swap3A_707, %swap3A_708] : memref<32768x128xf32, #tpu.memory_space<vmem>>, vector<128x128xf32>
    tpu.vector_store %arg4[%swap3A_707, %swap3A_708], %exp3A_706 {strides = array<i32>} : memref<32768x128xf32, #tpu.memory_space<vmem>>, vector<128x128xf32>,
    %slice3A_710 = vector.extract_strided_slice %transpose3A {offsets = [0, 37], sizes = [128, 1], strides = [1, 1]} : vector<128x256xf32> to vector<128x1xf32>
    %get3A_711 = arith.constant 0 : index
    %get3A_712 = arith.constant 0 : index
    %get3A_713 = vector.load %arg2[%get3A_711, %get3A_712] : memref<1x128xf32, #tpu.memory_space<vmem>>, vector<1x128xf32>
    %sub3A_714 = vector.broadcast %slice3A_710 : vector<128x1xf32> to vector<128x128xf32>
    %sub3A_715 = vector.broadcast %get3A_713 : vector<1x128xf32> to vector<128x128xf32>
    %sub3A_716 = arith.subf %sub3A_714, %sub3A_715 : vector<128x128xf32>
    %mul3A_717 = vector.broadcast %div3A_5 : vector<1x128xf32> to vector<128x128xf32>
    %mul3A_718 = arith.mulf %sub3A_716, %mul3A_717 : vector<128x128xf32>
    %mul3A_719 = arith.mulf %mul3A_718, %mul3A_718 : vector<128x128xf32>
    %mul3A_720 = arith.constant 5.000000e-01 : f32
    %mul3A_721 = vector.broadcast %mul3A_720 : f32 to vector<128x128xf32>
    %mul3A_722 = arith.mulf %mul3A_721, %mul3A_719 : vector<128x128xf32>
    %sub3A_723 = vector.broadcast %log3A : vector<1x128xf32> to vector<128x128xf32>
    %sub3A_724 = arith.subf %sub3A_723, %mul3A_722 : vector<128x128xf32>
    %exp3A_725 = math.exp %sub3A_724 : vector<128x128xf32>
    %swap3A_726 = arith.constant 4736 : index
    %swap3A_727 = arith.constant 0 : index
    %swap3A_728 = vector.load %arg4[%swap3A_726, %swap3A_727] : memref<32768x128xf32, #tpu.memory_space<vmem>>, vector<128x128xf32>
    tpu.vector_store %arg4[%swap3A_726, %swap3A_727], %exp3A_725 {strides = array<i32>} : memref<32768x128xf32, #tpu.memory_space<vmem>>, vector<128x128xf32>,
    %slice3A_729 = vector.extract_strided_slice %transpose3A {offsets = [0, 38], sizes = [128, 1], strides = [1, 1]} : vector<128x256xf32> to vector<128x1xf32>
    %get3A_730 = arith.constant 0 : index
    %get3A_731 = arith.constant 0 : index
    %get3A_732 = vector.load %arg2[%get3A_730, %get3A_731] : memref<1x128xf32, #tpu.memory_space<vmem>>, vector<1x128xf32>
    %sub3A_733 = vector.broadcast %slice3A_729 : vector<128x1xf32> to vector<128x128xf32>
    %sub3A_734 = vector.broadcast %get3A_732 : vector<1x128xf32> to vector<128x128xf32>
    %sub3A_735 = arith.subf %sub3A_733, %sub3A_734 : vector<128x128xf32>
    %mul3A_736 = vector.broadcast %div3A_5 : vector<1x128xf32> to vector<128x128xf32>
    %mul3A_737 = arith.mulf %sub3A_735, %mul3A_736 : vector<128x128xf32>
    %mul3A_738 = arith.mulf %mul3A_737, %mul3A_737 : vector<128x128xf32>
    %mul3A_739 = arith.constant 5.000000e-01 : f32
    %mul3A_740 = vector.broadcast %mul3A_739 : f32 to vector<128x128xf32>
    %mul3A_741 = arith.mulf %mul3A_740, %mul3A_738 : vector<128x128xf32>
    %sub3A_742 = vector.broadcast %log3A : vector<1x128xf32> to vector<128x128xf32>
    %sub3A_743 = arith.subf %sub3A_742, %mul3A_741 : vector<128x128xf32>
    %exp3A_744 = math.exp %sub3A_743 : vector<128x128xf32>
    %swap3A_745 = arith.constant 4864 : index
    %swap3A_746 = arith.constant 0 : index
    %swap3A_747 = vector.load %arg4[%swap3A_745, %swap3A_746] : memref<32768x128xf32, #tpu.memory_space<vmem>>, vector<128x128xf32>
    tpu.vector_store %arg4[%swap3A_745, %swap3A_746], %exp3A_744 {strides = array<i32>} : memref<32768x128xf32, #tpu.memory_space<vmem>>, vector<128x128xf32>,
    %slice3A_748 = vector.extract_strided_slice %transpose3A {offsets = [0, 39], sizes = [128, 1], strides = [1, 1]} : vector<128x256xf32> to vector<128x1xf32>
    %get3A_749 = arith.constant 0 : index
    %get3A_750 = arith.constant 0 : index
    %get3A_751 = vector.load %arg2[%get3A_749, %get3A_750] : memref<1x128xf32, #tpu.memory_space<vmem>>, vector<1x128xf32>
    %sub3A_752 = vector.broadcast %slice3A_748 : vector<128x1xf32> to vector<128x128xf32>
    %sub3A_753 = vector.broadcast %get3A_751 : vector<1x128xf32> to vector<128x128xf32>
    %sub3A_754 = arith.subf %sub3A_752, %sub3A_753 : vector<128x128xf32>
    %mul3A_755 = vector.broadcast %div3A_5 : vector<1x128xf32> to vector<128x128xf32>
    %mul3A_756 = arith.mulf %sub3A_754, %mul3A_755 : vector<128x128xf32>
    %mul3A_757 = arith.mulf %mul3A_756, %mul3A_756 : vector<128x128xf32>
    %mul3A_758 = arith.constant 5.000000e-01 : f32
    %mul3A_759 = vector.broadcast %mul3A_758 : f32 to vector<128x128xf32>
    %mul3A_760 = arith.mulf %mul3A_759, %mul3A_757 : vector<128x128xf32>
    %sub3A_761 = vector.broadcast %log3A : vector<1x128xf32> to vector<128x128xf32>
    %sub3A_762 = arith.subf %sub3A_761, %mul3A_760 : vector<128x128xf32>
    %exp3A_763 = math.exp %sub3A_762 : vector<128x128xf32>
    %swap3A_764 = arith.constant 4992 : index
    %swap3A_765 = arith.constant 0 : index
    %swap3A_766 = vector.load %arg4[%swap3A_764, %swap3A_765] : memref<32768x128xf32, #tpu.memory_space<vmem>>, vector<128x128xf32>
    tpu.vector_store %arg4[%swap3A_764, %swap3A_765], %exp3A_763 {strides = array<i32>} : memref<32768x128xf32, #tpu.memory_space<vmem>>, vector<128x128xf32>,
    %slice3A_767 = vector.extract_strided_slice %transpose3A {offsets = [0, 40], sizes = [128, 1], strides = [1, 1]} : vector<128x256xf32> to vector<128x1xf32>
    %get3A_768 = arith.constant 0 : index
    %get3A_769 = arith.constant 0 : index
    %get3A_770 = vector.load %arg2[%get3A_768, %get3A_769] : memref<1x128xf32, #tpu.memory_space<vmem>>, vector<1x128xf32>
    %sub3A_771 = vector.broadcast %slice3A_767 : vector<128x1xf32> to vector<128x128xf32>
    %sub3A_772 = vector.broadcast %get3A_770 : vector<1x128xf32> to vector<128x128xf32>
    %sub3A_773 = arith.subf %sub3A_771, %sub3A_772 : vector<128x128xf32>
    %mul3A_774 = vector.broadcast %div3A_5 : vector<1x128xf32> to vector<128x128xf32>
    %mul3A_775 = arith.mulf %sub3A_773, %mul3A_774 : vector<128x128xf32>
    %mul3A_776 = arith.mulf %mul3A_775, %mul3A_775 : vector<128x128xf32>
    %mul3A_777 = arith.constant 5.000000e-01 : f32
    %mul3A_778 = vector.broadcast %mul3A_777 : f32 to vector<128x128xf32>
    %mul3A_779 = arith.mulf %mul3A_778, %mul3A_776 : vector<128x128xf32>
    %sub3A_780 = vector.broadcast %log3A : vector<1x128xf32> to vector<128x128xf32>
    %sub3A_781 = arith.subf %sub3A_780, %mul3A_779 : vector<128x128xf32>
    %exp3A_782 = math.exp %sub3A_781 : vector<128x128xf32>
    %swap3A_783 = arith.constant 5120 : index
    %swap3A_784 = arith.constant 0 : index
    %swap3A_785 = vector.load %arg4[%swap3A_783, %swap3A_784] : memref<32768x128xf32, #tpu.memory_space<vmem>>, vector<128x128xf32>
    tpu.vector_store %arg4[%swap3A_783, %swap3A_784], %exp3A_782 {strides = array<i32>} : memref<32768x128xf32, #tpu.memory_space<vmem>>, vector<128x128xf32>,
    %slice3A_786 = vector.extract_strided_slice %transpose3A {offsets = [0, 41], sizes = [128, 1], strides = [1, 1]} : vector<128x256xf32> to vector<128x1xf32>
    %get3A_787 = arith.constant 0 : index
    %get3A_788 = arith.constant 0 : index
    %get3A_789 = vector.load %arg2[%get3A_787, %get3A_788] : memref<1x128xf32, #tpu.memory_space<vmem>>, vector<1x128xf32>
    %sub3A_790 = vector.broadcast %slice3A_786 : vector<128x1xf32> to vector<128x128xf32>
    %sub3A_791 = vector.broadcast %get3A_789 : vector<1x128xf32> to vector<128x128xf32>
    %sub3A_792 = arith.subf %sub3A_790, %sub3A_791 : vector<128x128xf32>
    %mul3A_793 = vector.broadcast %div3A_5 : vector<1x128xf32> to vector<128x128xf32>
    %mul3A_794 = arith.mulf %sub3A_792, %mul3A_793 : vector<128x128xf32>
    %mul3A_795 = arith.mulf %mul3A_794, %mul3A_794 : vector<128x128xf32>
    %mul3A_796 = arith.constant 5.000000e-01 : f32
    %mul3A_797 = vector.broadcast %mul3A_796 : f32 to vector<128x128xf32>
    %mul3A_798 = arith.mulf %mul3A_797, %mul3A_795 : vector<128x128xf32>
    %sub3A_799 = vector.broadcast %log3A : vector<1x128xf32> to vector<128x128xf32>
    %sub3A_800 = arith.subf %sub3A_799, %mul3A_798 : vector<128x128xf32>
    %exp3A_801 = math.exp %sub3A_800 : vector<128x128xf32>
    %swap3A_802 = arith.constant 5248 : index
    %swap3A_803 = arith.constant 0 : index
    %swap3A_804 = vector.load %arg4[%swap3A_802, %swap3A_803] : memref<32768x128xf32, #tpu.memory_space<vmem>>, vector<128x128xf32>
    tpu.vector_store %arg4[%swap3A_802, %swap3A_803], %exp3A_801 {strides = array<i32>} : memref<32768x128xf32, #tpu.memory_space<vmem>>, vector<128x128xf32>,
    %slice3A_805 = vector.extract_strided_slice %transpose3A {offsets = [0, 42], sizes = [128, 1], strides = [1, 1]} : vector<128x256xf32> to vector<128x1xf32>
    %get3A_806 = arith.constant 0 : index
    %get3A_807 = arith.constant 0 : index
    %get3A_808 = vector.load %arg2[%get3A_806, %get3A_807] : memref<1x128xf32, #tpu.memory_space<vmem>>, vector<1x128xf32>
    %sub3A_809 = vector.broadcast %slice3A_805 : vector<128x1xf32> to vector<128x128xf32>
    %sub3A_810 = vector.broadcast %get3A_808 : vector<1x128xf32> to vector<128x128xf32>
    %sub3A_811 = arith.subf %sub3A_809, %sub3A_810 : vector<128x128xf32>
    %mul3A_812 = vector.broadcast %div3A_5 : vector<1x128xf32> to vector<128x128xf32>
    %mul3A_813 = arith.mulf %sub3A_811, %mul3A_812 : vector<128x128xf32>
    %mul3A_814 = arith.mulf %mul3A_813, %mul3A_813 : vector<128x128xf32>
    %mul3A_815 = arith.constant 5.000000e-01 : f32
    %mul3A_816 = vector.broadcast %mul3A_815 : f32 to vector<128x128xf32>
    %mul3A_817 = arith.mulf %mul3A_816, %mul3A_814 : vector<128x128xf32>
    %sub3A_818 = vector.broadcast %log3A : vector<1x128xf32> to vector<128x128xf32>
    %sub3A_819 = arith.subf %sub3A_818, %mul3A_817 : vector<128x128xf32>
    %exp3A_820 = math.exp %sub3A_819 : vector<128x128xf32>
    %swap3A_821 = arith.constant 5376 : index
    %swap3A_822 = arith.constant 0 : index
    %swap3A_823 = vector.load %arg4[%swap3A_821, %swap3A_822] : memref<32768x128xf32, #tpu.memory_space<vmem>>, vector<128x128xf32>
    tpu.vector_store %arg4[%swap3A_821, %swap3A_822], %exp3A_820 {strides = array<i32>} : memref<32768x128xf32, #tpu.memory_space<vmem>>, vector<128x128xf32>,
    %slice3A_824 = vector.extract_strided_slice %transpose3A {offsets = [0, 43], sizes = [128, 1], strides = [1, 1]} : vector<128x256xf32> to vector<128x1xf32>
    %get3A_825 = arith.constant 0 : index
    %get3A_826 = arith.constant 0 : index
    %get3A_827 = vector.load %arg2[%get3A_825, %get3A_826] : memref<1x128xf32, #tpu.memory_space<vmem>>, vector<1x128xf32>
    %sub3A_828 = vector.broadcast %slice3A_824 : vector<128x1xf32> to vector<128x128xf32>
    %sub3A_829 = vector.broadcast %get3A_827 : vector<1x128xf32> to vector<128x128xf32>
    %sub3A_830 = arith.subf %sub3A_828, %sub3A_829 : vector<128x128xf32>
    %mul3A_831 = vector.broadcast %div3A_5 : vector<1x128xf32> to vector<128x128xf32>
    %mul3A_832 = arith.mulf %sub3A_830, %mul3A_831 : vector<128x128xf32>
    %mul3A_833 = arith.mulf %mul3A_832, %mul3A_832 : vector<128x128xf32>
    %mul3A_834 = arith.constant 5.000000e-01 : f32
    %mul3A_835 = vector.broadcast %mul3A_834 : f32 to vector<128x128xf32>
    %mul3A_836 = arith.mulf %mul3A_835, %mul3A_833 : vector<128x128xf32>
    %sub3A_837 = vector.broadcast %log3A : vector<1x128xf32> to vector<128x128xf32>
    %sub3A_838 = arith.subf %sub3A_837, %mul3A_836 : vector<128x128xf32>
    %exp3A_839 = math.exp %sub3A_838 : vector<128x128xf32>
    %swap3A_840 = arith.constant 5504 : index
    %swap3A_841 = arith.constant 0 : index
    %swap3A_842 = vector.load %arg4[%swap3A_840, %swap3A_841] : memref<32768x128xf32, #tpu.memory_space<vmem>>, vector<128x128xf32>
    tpu.vector_store %arg4[%swap3A_840, %swap3A_841], %exp3A_839 {strides = array<i32>} : memref<32768x128xf32, #tpu.memory_space<vmem>>, vector<128x128xf32>,
    %slice3A_843 = vector.extract_strided_slice %transpose3A {offsets = [0, 44], sizes = [128, 1], strides = [1, 1]} : vector<128x256xf32> to vector<128x1xf32>
    %get3A_844 = arith.constant 0 : index
    %get3A_845 = arith.constant 0 : index
    %get3A_846 = vector.load %arg2[%get3A_844, %get3A_845] : memref<1x128xf32, #tpu.memory_space<vmem>>, vector<1x128xf32>
    %sub3A_847 = vector.broadcast %slice3A_843 : vector<128x1xf32> to vector<128x128xf32>
    %sub3A_848 = vector.broadcast %get3A_846 : vector<1x128xf32> to vector<128x128xf32>
    %sub3A_849 = arith.subf %sub3A_847, %sub3A_848 : vector<128x128xf32>
    %mul3A_850 = vector.broadcast %div3A_5 : vector<1x128xf32> to vector<128x128xf32>
    %mul3A_851 = arith.mulf %sub3A_849, %mul3A_850 : vector<128x128xf32>
    %mul3A_852 = arith.mulf %mul3A_851, %mul3A_851 : vector<128x128xf32>
    %mul3A_853 = arith.constant 5.000000e-01 : f32
    %mul3A_854 = vector.broadcast %mul3A_853 : f32 to vector<128x128xf32>
    %mul3A_855 = arith.mulf %mul3A_854, %mul3A_852 : vector<128x128xf32>
    %sub3A_856 = vector.broadcast %log3A : vector<1x128xf32> to vector<128x128xf32>
    %sub3A_857 = arith.subf %sub3A_856, %mul3A_855 : vector<128x128xf32>
    %exp3A_858 = math.exp %sub3A_857 : vector<128x128xf32>
    %swap3A_859 = arith.constant 5632 : index
    %swap3A_860 = arith.constant 0 : index
    %swap3A_861 = vector.load %arg4[%swap3A_859, %swap3A_860] : memref<32768x128xf32, #tpu.memory_space<vmem>>, vector<128x128xf32>
    tpu.vector_store %arg4[%swap3A_859, %swap3A_860], %exp3A_858 {strides = array<i32>} : memref<32768x128xf32, #tpu.memory_space<vmem>>, vector<128x128xf32>,
    %slice3A_862 = vector.extract_strided_slice %transpose3A {offsets = [0, 45], sizes = [128, 1], strides = [1, 1]} : vector<128x256xf32> to vector<128x1xf32>
    %get3A_863 = arith.constant 0 : index
    %get3A_864 = arith.constant 0 : index
    %get3A_865 = vector.load %arg2[%get3A_863, %get3A_864] : memref<1x128xf32, #tpu.memory_space<vmem>>, vector<1x128xf32>
    %sub3A_866 = vector.broadcast %slice3A_862 : vector<128x1xf32> to vector<128x128xf32>
    %sub3A_867 = vector.broadcast %get3A_865 : vector<1x128xf32> to vector<128x128xf32>
    %sub3A_868 = arith.subf %sub3A_866, %sub3A_867 : vector<128x128xf32>
    %mul3A_869 = vector.broadcast %div3A_5 : vector<1x128xf32> to vector<128x128xf32>
    %mul3A_870 = arith.mulf %sub3A_868, %mul3A_869 : vector<128x128xf32>
    %mul3A_871 = arith.mulf %mul3A_870, %mul3A_870 : vector<128x128xf32>
    %mul3A_872 = arith.constant 5.000000e-01 : f32
    %mul3A_873 = vector.broadcast %mul3A_872 : f32 to vector<128x128xf32>
    %mul3A_874 = arith.mulf %mul3A_873, %mul3A_871 : vector<128x128xf32>
    %sub3A_875 = vector.broadcast %log3A : vector<1x128xf32> to vector<128x128xf32>
    %sub3A_876 = arith.subf %sub3A_875, %mul3A_874 : vector<128x128xf32>
    %exp3A_877 = math.exp %sub3A_876 : vector<128x128xf32>
    %swap3A_878 = arith.constant 5760 : index
    %swap3A_879 = arith.constant 0 : index
    %swap3A_880 = vector.load %arg4[%swap3A_878, %swap3A_879] : memref<32768x128xf32, #tpu.memory_space<vmem>>, vector<128x128xf32>
    tpu.vector_store %arg4[%swap3A_878, %swap3A_879], %exp3A_877 {strides = array<i32>} : memref<32768x128xf32, #tpu.memory_space<vmem>>, vector<128x128xf32>,
    %slice3A_881 = vector.extract_strided_slice %transpose3A {offsets = [0, 46], sizes = [128, 1], strides = [1, 1]} : vector<128x256xf32> to vector<128x1xf32>
    %get3A_882 = arith.constant 0 : index
    %get3A_883 = arith.constant 0 : index
    %get3A_884 = vector.load %arg2[%get3A_882, %get3A_883] : memref<1x128xf32, #tpu.memory_space<vmem>>, vector<1x128xf32>
    %sub3A_885 = vector.broadcast %slice3A_881 : vector<128x1xf32> to vector<128x128xf32>
    %sub3A_886 = vector.broadcast %get3A_884 : vector<1x128xf32> to vector<128x128xf32>
    %sub3A_887 = arith.subf %sub3A_885, %sub3A_886 : vector<128x128xf32>
    %mul3A_888 = vector.broadcast %div3A_5 : vector<1x128xf32> to vector<128x128xf32>
    %mul3A_889 = arith.mulf %sub3A_887, %mul3A_888 : vector<128x128xf32>
    %mul3A_890 = arith.mulf %mul3A_889, %mul3A_889 : vector<128x128xf32>
    %mul3A_891 = arith.constant 5.000000e-01 : f32
    %mul3A_892 = vector.broadcast %mul3A_891 : f32 to vector<128x128xf32>
    %mul3A_893 = arith.mulf %mul3A_892, %mul3A_890 : vector<128x128xf32>
    %sub3A_894 = vector.broadcast %log3A : vector<1x128xf32> to vector<128x128xf32>
    %sub3A_895 = arith.subf %sub3A_894, %mul3A_893 : vector<128x128xf32>
    %exp3A_896 = math.exp %sub3A_895 : vector<128x128xf32>
    %swap3A_897 = arith.constant 5888 : index
    %swap3A_898 = arith.constant 0 : index
    %swap3A_899 = vector.load %arg4[%swap3A_897, %swap3A_898] : memref<32768x128xf32, #tpu.memory_space<vmem>>, vector<128x128xf32>
    tpu.vector_store %arg4[%swap3A_897, %swap3A_898], %exp3A_896 {strides = array<i32>} : memref<32768x128xf32, #tpu.memory_space<vmem>>, vector<128x128xf32>,
    %slice3A_900 = vector.extract_strided_slice %transpose3A {offsets = [0, 47], sizes = [128, 1], strides = [1, 1]} : vector<128x256xf32> to vector<128x1xf32>
    %get3A_901 = arith.constant 0 : index
    %get3A_902 = arith.constant 0 : index
    %get3A_903 = vector.load %arg2[%get3A_901, %get3A_902] : memref<1x128xf32, #tpu.memory_space<vmem>>, vector<1x128xf32>
    %sub3A_904 = vector.broadcast %slice3A_900 : vector<128x1xf32> to vector<128x128xf32>
    %sub3A_905 = vector.broadcast %get3A_903 : vector<1x128xf32> to vector<128x128xf32>
    %sub3A_906 = arith.subf %sub3A_904, %sub3A_905 : vector<128x128xf32>
    %mul3A_907 = vector.broadcast %div3A_5 : vector<1x128xf32> to vector<128x128xf32>
    %mul3A_908 = arith.mulf %sub3A_906, %mul3A_907 : vector<128x128xf32>
    %mul3A_909 = arith.mulf %mul3A_908, %mul3A_908 : vector<128x128xf32>
    %mul3A_910 = arith.constant 5.000000e-01 : f32
    %mul3A_911 = vector.broadcast %mul3A_910 : f32 to vector<128x128xf32>
    %mul3A_912 = arith.mulf %mul3A_911, %mul3A_909 : vector<128x128xf32>
    %sub3A_913 = vector.broadcast %log3A : vector<1x128xf32> to vector<128x128xf32>
    %sub3A_914 = arith.subf %sub3A_913, %mul3A_912 : vector<128x128xf32>
    %exp3A_915 = math.exp %sub3A_914 : vector<128x128xf32>
    %swap3A_916 = arith.constant 6016 : index
    %swap3A_917 = arith.constant 0 : index
    %swap3A_918 = vector.load %arg4[%swap3A_916, %swap3A_917] : memref<32768x128xf32, #tpu.memory_space<vmem>>, vector<128x128xf32>
    tpu.vector_store %arg4[%swap3A_916, %swap3A_917], %exp3A_915 {strides = array<i32>} : memref<32768x128xf32, #tpu.memory_space<vmem>>, vector<128x128xf32>,
    %slice3A_919 = vector.extract_strided_slice %transpose3A {offsets = [0, 48], sizes = [128, 1], strides = [1, 1]} : vector<128x256xf32> to vector<128x1xf32>
    %get3A_920 = arith.constant 0 : index
    %get3A_921 = arith.constant 0 : index
    %get3A_922 = vector.load %arg2[%get3A_920, %get3A_921] : memref<1x128xf32, #tpu.memory_space<vmem>>, vector<1x128xf32>
    %sub3A_923 = vector.broadcast %slice3A_919 : vector<128x1xf32> to vector<128x128xf32>
    %sub3A_924 = vector.broadcast %get3A_922 : vector<1x128xf32> to vector<128x128xf32>
    %sub3A_925 = arith.subf %sub3A_923, %sub3A_924 : vector<128x128xf32>
    %mul3A_926 = vector.broadcast %div3A_5 : vector<1x128xf32> to vector<128x128xf32>
    %mul3A_927 = arith.mulf %sub3A_925, %mul3A_926 : vector<128x128xf32>
    %mul3A_928 = arith.mulf %mul3A_927, %mul3A_927 : vector<128x128xf32>
    %mul3A_929 = arith.constant 5.000000e-01 : f32
    %mul3A_930 = vector.broadcast %mul3A_929 : f32 to vector<128x128xf32>
    %mul3A_931 = arith.mulf %mul3A_930, %mul3A_928 : vector<128x128xf32>
    %sub3A_932 = vector.broadcast %log3A : vector<1x128xf32> to vector<128x128xf32>
    %sub3A_933 = arith.subf %sub3A_932, %mul3A_931 : vector<128x128xf32>
    %exp3A_934 = math.exp %sub3A_933 : vector<128x128xf32>
    %swap3A_935 = arith.constant 6144 : index
    %swap3A_936 = arith.constant 0 : index
    %swap3A_937 = vector.load %arg4[%swap3A_935, %swap3A_936] : memref<32768x128xf32, #tpu.memory_space<vmem>>, vector<128x128xf32>
    tpu.vector_store %arg4[%swap3A_935, %swap3A_936], %exp3A_934 {strides = array<i32>} : memref<32768x128xf32, #tpu.memory_space<vmem>>, vector<128x128xf32>,
    %slice3A_938 = vector.extract_strided_slice %transpose3A {offsets = [0, 49], sizes = [128, 1], strides = [1, 1]} : vector<128x256xf32> to vector<128x1xf32>
    %get3A_939 = arith.constant 0 : index
    %get3A_940 = arith.constant 0 : index
    %get3A_941 = vector.load %arg2[%get3A_939, %get3A_940] : memref<1x128xf32, #tpu.memory_space<vmem>>, vector<1x128xf32>
    %sub3A_942 = vector.broadcast %slice3A_938 : vector<128x1xf32> to vector<128x128xf32>
    %sub3A_943 = vector.broadcast %get3A_941 : vector<1x128xf32> to vector<128x128xf32>
    %sub3A_944 = arith.subf %sub3A_942, %sub3A_943 : vector<128x128xf32>
    %mul3A_945 = vector.broadcast %div3A_5 : vector<1x128xf32> to vector<128x128xf32>
    %mul3A_946 = arith.mulf %sub3A_944, %mul3A_945 : vector<128x128xf32>
    %mul3A_947 = arith.mulf %mul3A_946, %mul3A_946 : vector<128x128xf32>
    %mul3A_948 = arith.constant 5.000000e-01 : f32
    %mul3A_949 = vector.broadcast %mul3A_948 : f32 to vector<128x128xf32>
    %mul3A_950 = arith.mulf %mul3A_949, %mul3A_947 : vector<128x128xf32>
    %sub3A_951 = vector.broadcast %log3A : vector<1x128xf32> to vector<128x128xf32>
    %sub3A_952 = arith.subf %sub3A_951, %mul3A_950 : vector<128x128xf32>
    %exp3A_953 = math.exp %sub3A_952 : vector<128x128xf32>
    %swap3A_954 = arith.constant 6272 : index
    %swap3A_955 = arith.constant 0 : index
    %swap3A_956 = vector.load %arg4[%swap3A_954, %swap3A_955] : memref<32768x128xf32, #tpu.memory_space<vmem>>, vector<128x128xf32>
    tpu.vector_store %arg4[%swap3A_954, %swap3A_955], %exp3A_953 {strides = array<i32>} : memref<32768x128xf32, #tpu.memory_space<vmem>>, vector<128x128xf32>,
    %slice3A_957 = vector.extract_strided_slice %transpose3A {offsets = [0, 50], sizes = [128, 1], strides = [1, 1]} : vector<128x256xf32> to vector<128x1xf32>
    %get3A_958 = arith.constant 0 : index
    %get3A_959 = arith.constant 0 : index
    %get3A_960 = vector.load %arg2[%get3A_958, %get3A_959] : memref<1x128xf32, #tpu.memory_space<vmem>>, vector<1x128xf32>
    %sub3A_961 = vector.broadcast %slice3A_957 : vector<128x1xf32> to vector<128x128xf32>
    %sub3A_962 = vector.broadcast %get3A_960 : vector<1x128xf32> to vector<128x128xf32>
    %sub3A_963 = arith.subf %sub3A_961, %sub3A_962 : vector<128x128xf32>
    %mul3A_964 = vector.broadcast %div3A_5 : vector<1x128xf32> to vector<128x128xf32>
    %mul3A_965 = arith.mulf %sub3A_963, %mul3A_964 : vector<128x128xf32>
    %mul3A_966 = arith.mulf %mul3A_965, %mul3A_965 : vector<128x128xf32>
    %mul3A_967 = arith.constant 5.000000e-01 : f32
    %mul3A_968 = vector.broadcast %mul3A_967 : f32 to vector<128x128xf32>
    %mul3A_969 = arith.mulf %mul3A_968, %mul3A_966 : vector<128x128xf32>
    %sub3A_970 = vector.broadcast %log3A : vector<1x128xf32> to vector<128x128xf32>
    %sub3A_971 = arith.subf %sub3A_970, %mul3A_969 : vector<128x128xf32>
    %exp3A_972 = math.exp %sub3A_971 : vector<128x128xf32>
    %swap3A_973 = arith.constant 6400 : index
    %swap3A_974 = arith.constant 0 : index
    %swap3A_975 = vector.load %arg4[%swap3A_973, %swap3A_974] : memref<32768x128xf32, #tpu.memory_space<vmem>>, vector<128x128xf32>
    tpu.vector_store %arg4[%swap3A_973, %swap3A_974], %exp3A_972 {strides = array<i32>} : memref<32768x128xf32, #tpu.memory_space<vmem>>, vector<128x128xf32>,
    %slice3A_976 = vector.extract_strided_slice %transpose3A {offsets = [0, 51], sizes = [128, 1], strides = [1, 1]} : vector<128x256xf32> to vector<128x1xf32>
    %get3A_977 = arith.constant 0 : index
    %get3A_978 = arith.constant 0 : index
    %get3A_979 = vector.load %arg2[%get3A_977, %get3A_978] : memref<1x128xf32, #tpu.memory_space<vmem>>, vector<1x128xf32>
    %sub3A_980 = vector.broadcast %slice3A_976 : vector<128x1xf32> to vector<128x128xf32>
    %sub3A_981 = vector.broadcast %get3A_979 : vector<1x128xf32> to vector<128x128xf32>
    %sub3A_982 = arith.subf %sub3A_980, %sub3A_981 : vector<128x128xf32>
    %mul3A_983 = vector.broadcast %div3A_5 : vector<1x128xf32> to vector<128x128xf32>
    %mul3A_984 = arith.mulf %sub3A_982, %mul3A_983 : vector<128x128xf32>
    %mul3A_985 = arith.mulf %mul3A_984, %mul3A_984 : vector<128x128xf32>
    %mul3A_986 = arith.constant 5.000000e-01 : f32
    %mul3A_987 = vector.broadcast %mul3A_986 : f32 to vector<128x128xf32>
    %mul3A_988 = arith.mulf %mul3A_987, %mul3A_985 : vector<128x128xf32>
    %sub3A_989 = vector.broadcast %log3A : vector<1x128xf32> to vector<128x128xf32>
    %sub3A_990 = arith.subf %sub3A_989, %mul3A_988 : vector<128x128xf32>
    %exp3A_991 = math.exp %sub3A_990 : vector<128x128xf32>
    %swap3A_992 = arith.constant 6528 : index
    %swap3A_993 = arith.constant 0 : index
    %swap3A_994 = vector.load %arg4[%swap3A_992, %swap3A_993] : memref<32768x128xf32, #tpu.memory_space<vmem>>, vector<128x128xf32>
    tpu.vector_store %arg4[%swap3A_992, %swap3A_993], %exp3A_991 {strides = array<i32>} : memref<32768x128xf32, #tpu.memory_space<vmem>>, vector<128x128xf32>,
    %slice3A_995 = vector.extract_strided_slice %transpose3A {offsets = [0, 52], sizes = [128, 1], strides = [1, 1]} : vector<128x256xf32> to vector<128x1xf32>
    %get3A_996 = arith.constant 0 : index
    %get3A_997 = arith.constant 0 : index
    %get3A_998 = vector.load %arg2[%get3A_996, %get3A_997] : memref<1x128xf32, #tpu.memory_space<vmem>>, vector<1x128xf32>
    %sub3A_999 = vector.broadcast %slice3A_995 : vector<128x1xf32> to vector<128x128xf32>
    %sub3A_1000 = vector.broadcast %get3A_998 : vector<1x128xf32> to vector<128x128xf32>
    %sub3A_1001 = arith.subf %sub3A_999, %sub3A_1000 : vector<128x128xf32>
    %mul3A_1002 = vector.broadcast %div3A_5 : vector<1x128xf32> to vector<128x128xf32>
    %mul3A_1003 = arith.mulf %sub3A_1001, %mul3A_1002 : vector<128x128xf32>
    %mul3A_1004 = arith.mulf %mul3A_1003, %mul3A_1003 : vector<128x128xf32>
    %mul3A_1005 = arith.constant 5.000000e-01 : f32
    %mul3A_1006 = vector.broadcast %mul3A_1005 : f32 to vector<128x128xf32>
    %mul3A_1007 = arith.mulf %mul3A_1006, %mul3A_1004 : vector<128x128xf32>
    %sub3A_1008 = vector.broadcast %log3A : vector<1x128xf32> to vector<128x128xf32>
    %sub3A_1009 = arith.subf %sub3A_1008, %mul3A_1007 : vector<128x128xf32>
    %exp3A_1010 = math.exp %sub3A_1009 : vector<128x128xf32>
    %swap3A_1011 = arith.constant 6656 : index
    %swap3A_1012 = arith.constant 0 : index
    %swap3A_1013 = vector.load %arg4[%swap3A_1011, %swap3A_1012] : memref<32768x128xf32, #tpu.memory_space<vmem>>, vector<128x128xf32>
    tpu.vector_store %arg4[%swap3A_1011, %swap3A_1012], %exp3A_1010 {strides = array<i32>} : memref<32768x128xf32, #tpu.memory_space<vmem>>, vector<128x128xf32>,
    %slice3A_1014 = vector.extract_strided_slice %transpose3A {offsets = [0, 53], sizes = [128, 1], strides = [1, 1]} : vector<128x256xf32> to vector<128x1xf32>
    %get3A_1015 = arith.constant 0 : index
    %get3A_1016 = arith.constant 0 : index
    %get3A_1017 = vector.load %arg2[%get3A_1015, %get3A_1016] : memref<1x128xf32, #tpu.memory_space<vmem>>, vector<1x128xf32>
    %sub3A_1018 = vector.broadcast %slice3A_1014 : vector<128x1xf32> to vector<128x128xf32>
    %sub3A_1019 = vector.broadcast %get3A_1017 : vector<1x128xf32> to vector<128x128xf32>
    %sub3A_1020 = arith.subf %sub3A_1018, %sub3A_1019 : vector<128x128xf32>
    %mul3A_1021 = vector.broadcast %div3A_5 : vector<1x128xf32> to vector<128x128xf32>
    %mul3A_1022 = arith.mulf %sub3A_1020, %mul3A_1021 : vector<128x128xf32>
    %mul3A_1023 = arith.mulf %mul3A_1022, %mul3A_1022 : vector<128x128xf32>
    %mul3A_1024 = arith.constant 5.000000e-01 : f32
    %mul3A_1025 = vector.broadcast %mul3A_1024 : f32 to vector<128x128xf32>
    %mul3A_1026 = arith.mulf %mul3A_1025, %mul3A_1023 : vector<128x128xf32>
    %sub3A_1027 = vector.broadcast %log3A : vector<1x128xf32> to vector<128x128xf32>
    %sub3A_1028 = arith.subf %sub3A_1027, %mul3A_1026 : vector<128x128xf32>
    %exp3A_1029 = math.exp %sub3A_1028 : vector<128x128xf32>
    %swap3A_1030 = arith.constant 6784 : index
    %swap3A_1031 = arith.constant 0 : index
    %swap3A_1032 = vector.load %arg4[%swap3A_1030, %swap3A_1031] : memref<32768x128xf32, #tpu.memory_space<vmem>>, vector<128x128xf32>
    tpu.vector_store %arg4[%swap3A_1030, %swap3A_1031], %exp3A_1029 {strides = array<i32>} : memref<32768x128xf32, #tpu.memory_space<vmem>>, vector<128x128xf32>,
    %slice3A_1033 = vector.extract_strided_slice %transpose3A {offsets = [0, 54], sizes = [128, 1], strides = [1, 1]} : vector<128x256xf32> to vector<128x1xf32>
    %get3A_1034 = arith.constant 0 : index
    %get3A_1035 = arith.constant 0 : index
    %get3A_1036 = vector.load %arg2[%get3A_1034, %get3A_1035] : memref<1x128xf32, #tpu.memory_space<vmem>>, vector<1x128xf32>
    %sub3A_1037 = vector.broadcast %slice3A_1033 : vector<128x1xf32> to vector<128x128xf32>
    %sub3A_1038 = vector.broadcast %get3A_1036 : vector<1x128xf32> to vector<128x128xf32>
    %sub3A_1039 = arith.subf %sub3A_1037, %sub3A_1038 : vector<128x128xf32>
    %mul3A_1040 = vector.broadcast %div3A_5 : vector<1x128xf32> to vector<128x128xf32>
    %mul3A_1041 = arith.mulf %sub3A_1039, %mul3A_1040 : vector<128x128xf32>
    %mul3A_1042 = arith.mulf %mul3A_1041, %mul3A_1041 : vector<128x128xf32>
    %mul3A_1043 = arith.constant 5.000000e-01 : f32
    %mul3A_1044 = vector.broadcast %mul3A_1043 : f32 to vector<128x128xf32>
    %mul3A_1045 = arith.mulf %mul3A_1044, %mul3A_1042 : vector<128x128xf32>
    %sub3A_1046 = vector.broadcast %log3A : vector<1x128xf32> to vector<128x128xf32>
    %sub3A_1047 = arith.subf %sub3A_1046, %mul3A_1045 : vector<128x128xf32>
    %exp3A_1048 = math.exp %sub3A_1047 : vector<128x128xf32>
    %swap3A_1049 = arith.constant 6912 : index
    %swap3A_1050 = arith.constant 0 : index
    %swap3A_1051 = vector.load %arg4[%swap3A_1049, %swap3A_1050] : memref<32768x128xf32, #tpu.memory_space<vmem>>, vector<128x128xf32>
    tpu.vector_store %arg4[%swap3A_1049, %swap3A_1050], %exp3A_1048 {strides = array<i32>} : memref<32768x128xf32, #tpu.memory_space<vmem>>, vector<128x128xf32>,
    %slice3A_1052 = vector.extract_strided_slice %transpose3A {offsets = [0, 55], sizes = [128, 1], strides = [1, 1]} : vector<128x256xf32> to vector<128x1xf32>
    %get3A_1053 = arith.constant 0 : index
    %get3A_1054 = arith.constant 0 : index
    %get3A_1055 = vector.load %arg2[%get3A_1053, %get3A_1054] : memref<1x128xf32, #tpu.memory_space<vmem>>, vector<1x128xf32>
    %sub3A_1056 = vector.broadcast %slice3A_1052 : vector<128x1xf32> to vector<128x128xf32>
    %sub3A_1057 = vector.broadcast %get3A_1055 : vector<1x128xf32> to vector<128x128xf32>
    %sub3A_1058 = arith.subf %sub3A_1056, %sub3A_1057 : vector<128x128xf32>
    %mul3A_1059 = vector.broadcast %div3A_5 : vector<1x128xf32> to vector<128x128xf32>
    %mul3A_1060 = arith.mulf %sub3A_1058, %mul3A_1059 : vector<128x128xf32>
    %mul3A_1061 = arith.mulf %mul3A_1060, %mul3A_1060 : vector<128x128xf32>
    %mul3A_1062 = arith.constant 5.000000e-01 : f32
    %mul3A_1063 = vector.broadcast %mul3A_1062 : f32 to vector<128x128xf32>
    %mul3A_1064 = arith.mulf %mul3A_1063, %mul3A_1061 : vector<128x128xf32>
    %sub3A_1065 = vector.broadcast %log3A : vector<1x128xf32> to vector<128x128xf32>
    %sub3A_1066 = arith.subf %sub3A_1065, %mul3A_1064 : vector<128x128xf32>
    %exp3A_1067 = math.exp %sub3A_1066 : vector<128x128xf32>
    %swap3A_1068 = arith.constant 7040 : index
    %swap3A_1069 = arith.constant 0 : index
    %swap3A_1070 = vector.load %arg4[%swap3A_1068, %swap3A_1069] : memref<32768x128xf32, #tpu.memory_space<vmem>>, vector<128x128xf32>
    tpu.vector_store %arg4[%swap3A_1068, %swap3A_1069], %exp3A_1067 {strides = array<i32>} : memref<32768x128xf32, #tpu.memory_space<vmem>>, vector<128x128xf32>,
    %slice3A_1071 = vector.extract_strided_slice %transpose3A {offsets = [0, 56], sizes = [128, 1], strides = [1, 1]} : vector<128x256xf32> to vector<128x1xf32>
    %get3A_1072 = arith.constant 0 : index
    %get3A_1073 = arith.constant 0 : index
    %get3A_1074 = vector.load %arg2[%get3A_1072, %get3A_1073] : memref<1x128xf32, #tpu.memory_space<vmem>>, vector<1x128xf32>
    %sub3A_1075 = vector.broadcast %slice3A_1071 : vector<128x1xf32> to vector<128x128xf32>
    %sub3A_1076 = vector.broadcast %get3A_1074 : vector<1x128xf32> to vector<128x128xf32>
    %sub3A_1077 = arith.subf %sub3A_1075, %sub3A_1076 : vector<128x128xf32>
    %mul3A_1078 = vector.broadcast %div3A_5 : vector<1x128xf32> to vector<128x128xf32>
    %mul3A_1079 = arith.mulf %sub3A_1077, %mul3A_1078 : vector<128x128xf32>
    %mul3A_1080 = arith.mulf %mul3A_1079, %mul3A_1079 : vector<128x128xf32>
    %mul3A_1081 = arith.constant 5.000000e-01 : f32
    %mul3A_1082 = vector.broadcast %mul3A_1081 : f32 to vector<128x128xf32>
    %mul3A_1083 = arith.mulf %mul3A_1082, %mul3A_1080 : vector<128x128xf32>
    %sub3A_1084 = vector.broadcast %log3A : vector<1x128xf32> to vector<128x128xf32>
    %sub3A_1085 = arith.subf %sub3A_1084, %mul3A_1083 : vector<128x128xf32>
    %exp3A_1086 = math.exp %sub3A_1085 : vector<128x128xf32>
    %swap3A_1087 = arith.constant 7168 : index
    %swap3A_1088 = arith.constant 0 : index
    %swap3A_1089 = vector.load %arg4[%swap3A_1087, %swap3A_1088] : memref<32768x128xf32, #tpu.memory_space<vmem>>, vector<128x128xf32>
    tpu.vector_store %arg4[%swap3A_1087, %swap3A_1088], %exp3A_1086 {strides = array<i32>} : memref<32768x128xf32, #tpu.memory_space<vmem>>, vector<128x128xf32>,
    %slice3A_1090 = vector.extract_strided_slice %transpose3A {offsets = [0, 57], sizes = [128, 1], strides = [1, 1]} : vector<128x256xf32> to vector<128x1xf32>
    %get3A_1091 = arith.constant 0 : index
    %get3A_1092 = arith.constant 0 : index
    %get3A_1093 = vector.load %arg2[%get3A_1091, %get3A_1092] : memref<1x128xf32, #tpu.memory_space<vmem>>, vector<1x128xf32>
    %sub3A_1094 = vector.broadcast %slice3A_1090 : vector<128x1xf32> to vector<128x128xf32>
    %sub3A_1095 = vector.broadcast %get3A_1093 : vector<1x128xf32> to vector<128x128xf32>
    %sub3A_1096 = arith.subf %sub3A_1094, %sub3A_1095 : vector<128x128xf32>
    %mul3A_1097 = vector.broadcast %div3A_5 : vector<1x128xf32> to vector<128x128xf32>
    %mul3A_1098 = arith.mulf %sub3A_1096, %mul3A_1097 : vector<128x128xf32>
    %mul3A_1099 = arith.mulf %mul3A_1098, %mul3A_1098 : vector<128x128xf32>
    %mul3A_1100 = arith.constant 5.000000e-01 : f32
    %mul3A_1101 = vector.broadcast %mul3A_1100 : f32 to vector<128x128xf32>
    %mul3A_1102 = arith.mulf %mul3A_1101, %mul3A_1099 : vector<128x128xf32>
    %sub3A_1103 = vector.broadcast %log3A : vector<1x128xf32> to vector<128x128xf32>
    %sub3A_1104 = arith.subf %sub3A_1103, %mul3A_1102 : vector<128x128xf32>
    %exp3A_1105 = math.exp %sub3A_1104 : vector<128x128xf32>
    %swap3A_1106 = arith.constant 7296 : index
    %swap3A_1107 = arith.constant 0 : index
    %swap3A_1108 = vector.load %arg4[%swap3A_1106, %swap3A_1107] : memref<32768x128xf32, #tpu.memory_space<vmem>>, vector<128x128xf32>
    tpu.vector_store %arg4[%swap3A_1106, %swap3A_1107], %exp3A_1105 {strides = array<i32>} : memref<32768x128xf32, #tpu.memory_space<vmem>>, vector<128x128xf32>,
    %slice3A_1109 = vector.extract_strided_slice %transpose3A {offsets = [0, 58], sizes = [128, 1], strides = [1, 1]} : vector<128x256xf32> to vector<128x1xf32>
    %get3A_1110 = arith.constant 0 : index
    %get3A_1111 = arith.constant 0 : index
    %get3A_1112 = vector.load %arg2[%get3A_1110, %get3A_1111] : memref<1x128xf32, #tpu.memory_space<vmem>>, vector<1x128xf32>
    %sub3A_1113 = vector.broadcast %slice3A_1109 : vector<128x1xf32> to vector<128x128xf32>
    %sub3A_1114 = vector.broadcast %get3A_1112 : vector<1x128xf32> to vector<128x128xf32>
    %sub3A_1115 = arith.subf %sub3A_1113, %sub3A_1114 : vector<128x128xf32>
    %mul3A_1116 = vector.broadcast %div3A_5 : vector<1x128xf32> to vector<128x128xf32>
    %mul3A_1117 = arith.mulf %sub3A_1115, %mul3A_1116 : vector<128x128xf32>
    %mul3A_1118 = arith.mulf %mul3A_1117, %mul3A_1117 : vector<128x128xf32>
    %mul3A_1119 = arith.constant 5.000000e-01 : f32
    %mul3A_1120 = vector.broadcast %mul3A_1119 : f32 to vector<128x128xf32>
    %mul3A_1121 = arith.mulf %mul3A_1120, %mul3A_1118 : vector<128x128xf32>
    %sub3A_1122 = vector.broadcast %log3A : vector<1x128xf32> to vector<128x128xf32>
    %sub3A_1123 = arith.subf %sub3A_1122, %mul3A_1121 : vector<128x128xf32>
    %exp3A_1124 = math.exp %sub3A_1123 : vector<128x128xf32>
    %swap3A_1125 = arith.constant 7424 : index
    %swap3A_1126 = arith.constant 0 : index
    %swap3A_1127 = vector.load %arg4[%swap3A_1125, %swap3A_1126] : memref<32768x128xf32, #tpu.memory_space<vmem>>, vector<128x128xf32>
    tpu.vector_store %arg4[%swap3A_1125, %swap3A_1126], %exp3A_1124 {strides = array<i32>} : memref<32768x128xf32, #tpu.memory_space<vmem>>, vector<128x128xf32>,
    %slice3A_1128 = vector.extract_strided_slice %transpose3A {offsets = [0, 59], sizes = [128, 1], strides = [1, 1]} : vector<128x256xf32> to vector<128x1xf32>
    %get3A_1129 = arith.constant 0 : index
    %get3A_1130 = arith.constant 0 : index
    %get3A_1131 = vector.load %arg2[%get3A_1129, %get3A_1130] : memref<1x128xf32, #tpu.memory_space<vmem>>, vector<1x128xf32>
    %sub3A_1132 = vector.broadcast %slice3A_1128 : vector<128x1xf32> to vector<128x128xf32>
    %sub3A_1133 = vector.broadcast %get3A_1131 : vector<1x128xf32> to vector<128x128xf32>
    %sub3A_1134 = arith.subf %sub3A_1132, %sub3A_1133 : vector<128x128xf32>
    %mul3A_1135 = vector.broadcast %div3A_5 : vector<1x128xf32> to vector<128x128xf32>
    %mul3A_1136 = arith.mulf %sub3A_1134, %mul3A_1135 : vector<128x128xf32>
    %mul3A_1137 = arith.mulf %mul3A_1136, %mul3A_1136 : vector<128x128xf32>
    %mul3A_1138 = arith.constant 5.000000e-01 : f32
    %mul3A_1139 = vector.broadcast %mul3A_1138 : f32 to vector<128x128xf32>
    %mul3A_1140 = arith.mulf %mul3A_1139, %mul3A_1137 : vector<128x128xf32>
    %sub3A_1141 = vector.broadcast %log3A : vector<1x128xf32> to vector<128x128xf32>
    %sub3A_1142 = arith.subf %sub3A_1141, %mul3A_1140 : vector<128x128xf32>
    %exp3A_1143 = math.exp %sub3A_1142 : vector<128x128xf32>
    %swap3A_1144 = arith.constant 7552 : index
    %swap3A_1145 = arith.constant 0 : index
    %swap3A_1146 = vector.load %arg4[%swap3A_1144, %swap3A_1145] : memref<32768x128xf32, #tpu.memory_space<vmem>>, vector<128x128xf32>
    tpu.vector_store %arg4[%swap3A_1144, %swap3A_1145], %exp3A_1143 {strides = array<i32>} : memref<32768x128xf32, #tpu.memory_space<vmem>>, vector<128x128xf32>,
    %slice3A_1147 = vector.extract_strided_slice %transpose3A {offsets = [0, 60], sizes = [128, 1], strides = [1, 1]} : vector<128x256xf32> to vector<128x1xf32>
    %get3A_1148 = arith.constant 0 : index
    %get3A_1149 = arith.constant 0 : index
    %get3A_1150 = vector.load %arg2[%get3A_1148, %get3A_1149] : memref<1x128xf32, #tpu.memory_space<vmem>>, vector<1x128xf32>
    %sub3A_1151 = vector.broadcast %slice3A_1147 : vector<128x1xf32> to vector<128x128xf32>
    %sub3A_1152 = vector.broadcast %get3A_1150 : vector<1x128xf32> to vector<128x128xf32>
    %sub3A_1153 = arith.subf %sub3A_1151, %sub3A_1152 : vector<128x128xf32>
    %mul3A_1154 = vector.broadcast %div3A_5 : vector<1x128xf32> to vector<128x128xf32>
    %mul3A_1155 = arith.mulf %sub3A_1153, %mul3A_1154 : vector<128x128xf32>
    %mul3A_1156 = arith.mulf %mul3A_1155, %mul3A_1155 : vector<128x128xf32>
    %mul3A_1157 = arith.constant 5.000000e-01 : f32
    %mul3A_1158 = vector.broadcast %mul3A_1157 : f32 to vector<128x128xf32>
    %mul3A_1159 = arith.mulf %mul3A_1158, %mul3A_1156 : vector<128x128xf32>
    %sub3A_1160 = vector.broadcast %log3A : vector<1x128xf32> to vector<128x128xf32>
    %sub3A_1161 = arith.subf %sub3A_1160, %mul3A_1159 : vector<128x128xf32>
    %exp3A_1162 = math.exp %sub3A_1161 : vector<128x128xf32>
    %swap3A_1163 = arith.constant 7680 : index
    %swap3A_1164 = arith.constant 0 : index
    %swap3A_1165 = vector.load %arg4[%swap3A_1163, %swap3A_1164] : memref<32768x128xf32, #tpu.memory_space<vmem>>, vector<128x128xf32>
    tpu.vector_store %arg4[%swap3A_1163, %swap3A_1164], %exp3A_1162 {strides = array<i32>} : memref<32768x128xf32, #tpu.memory_space<vmem>>, vector<128x128xf32>,
    %slice3A_1166 = vector.extract_strided_slice %transpose3A {offsets = [0, 61], sizes = [128, 1], strides = [1, 1]} : vector<128x256xf32> to vector<128x1xf32>
    %get3A_1167 = arith.constant 0 : index
    %get3A_1168 = arith.constant 0 : index
    %get3A_1169 = vector.load %arg2[%get3A_1167, %get3A_1168] : memref<1x128xf32, #tpu.memory_space<vmem>>, vector<1x128xf32>
    %sub3A_1170 = vector.broadcast %slice3A_1166 : vector<128x1xf32> to vector<128x128xf32>
    %sub3A_1171 = vector.broadcast %get3A_1169 : vector<1x128xf32> to vector<128x128xf32>
    %sub3A_1172 = arith.subf %sub3A_1170, %sub3A_1171 : vector<128x128xf32>
    %mul3A_1173 = vector.broadcast %div3A_5 : vector<1x128xf32> to vector<128x128xf32>
    %mul3A_1174 = arith.mulf %sub3A_1172, %mul3A_1173 : vector<128x128xf32>
    %mul3A_1175 = arith.mulf %mul3A_1174, %mul3A_1174 : vector<128x128xf32>
    %mul3A_1176 = arith.constant 5.000000e-01 : f32
    %mul3A_1177 = vector.broadcast %mul3A_1176 : f32 to vector<128x128xf32>
    %mul3A_1178 = arith.mulf %mul3A_1177, %mul3A_1175 : vector<128x128xf32>
    %sub3A_1179 = vector.broadcast %log3A : vector<1x128xf32> to vector<128x128xf32>
    %sub3A_1180 = arith.subf %sub3A_1179, %mul3A_1178 : vector<128x128xf32>
    %exp3A_1181 = math.exp %sub3A_1180 : vector<128x128xf32>
    %swap3A_1182 = arith.constant 7808 : index
    %swap3A_1183 = arith.constant 0 : index
    %swap3A_1184 = vector.load %arg4[%swap3A_1182, %swap3A_1183] : memref<32768x128xf32, #tpu.memory_space<vmem>>, vector<128x128xf32>
    tpu.vector_store %arg4[%swap3A_1182, %swap3A_1183], %exp3A_1181 {strides = array<i32>} : memref<32768x128xf32, #tpu.memory_space<vmem>>, vector<128x128xf32>,
    %slice3A_1185 = vector.extract_strided_slice %transpose3A {offsets = [0, 62], sizes = [128, 1], strides = [1, 1]} : vector<128x256xf32> to vector<128x1xf32>
    %get3A_1186 = arith.constant 0 : index
    %get3A_1187 = arith.constant 0 : index
    %get3A_1188 = vector.load %arg2[%get3A_1186, %get3A_1187] : memref<1x128xf32, #tpu.memory_space<vmem>>, vector<1x128xf32>
    %sub3A_1189 = vector.broadcast %slice3A_1185 : vector<128x1xf32> to vector<128x128xf32>
    %sub3A_1190 = vector.broadcast %get3A_1188 : vector<1x128xf32> to vector<128x128xf32>
    %sub3A_1191 = arith.subf %sub3A_1189, %sub3A_1190 : vector<128x128xf32>
    %mul3A_1192 = vector.broadcast %div3A_5 : vector<1x128xf32> to vector<128x128xf32>
    %mul3A_1193 = arith.mulf %sub3A_1191, %mul3A_1192 : vector<128x128xf32>
    %mul3A_1194 = arith.mulf %mul3A_1193, %mul3A_1193 : vector<128x128xf32>
    %mul3A_1195 = arith.constant 5.000000e-01 : f32
    %mul3A_1196 = vector.broadcast %mul3A_1195 : f32 to vector<128x128xf32>
    %mul3A_1197 = arith.mulf %mul3A_1196, %mul3A_1194 : vector<128x128xf32>
    %sub3A_1198 = vector.broadcast %log3A : vector<1x128xf32> to vector<128x128xf32>
    %sub3A_1199 = arith.subf %sub3A_1198, %mul3A_1197 : vector<128x128xf32>
    %exp3A_1200 = math.exp %sub3A_1199 : vector<128x128xf32>
    %swap3A_1201 = arith.constant 7936 : index
    %swap3A_1202 = arith.constant 0 : index
    %swap3A_1203 = vector.load %arg4[%swap3A_1201, %swap3A_1202] : memref<32768x128xf32, #tpu.memory_space<vmem>>, vector<128x128xf32>
    tpu.vector_store %arg4[%swap3A_1201, %swap3A_1202], %exp3A_1200 {strides = array<i32>} : memref<32768x128xf32, #tpu.memory_space<vmem>>, vector<128x128xf32>,
    %slice3A_1204 = vector.extract_strided_slice %transpose3A {offsets = [0, 63], sizes = [128, 1], strides = [1, 1]} : vector<128x256xf32> to vector<128x1xf32>
    %get3A_1205 = arith.constant 0 : index
    %get3A_1206 = arith.constant 0 : index
    %get3A_1207 = vector.load %arg2[%get3A_1205, %get3A_1206] : memref<1x128xf32, #tpu.memory_space<vmem>>, vector<1x128xf32>
    %sub3A_1208 = vector.broadcast %slice3A_1204 : vector<128x1xf32> to vector<128x128xf32>
    %sub3A_1209 = vector.broadcast %get3A_1207 : vector<1x128xf32> to vector<128x128xf32>
    %sub3A_1210 = arith.subf %sub3A_1208, %sub3A_1209 : vector<128x128xf32>
    %mul3A_1211 = vector.broadcast %div3A_5 : vector<1x128xf32> to vector<128x128xf32>
    %mul3A_1212 = arith.mulf %sub3A_1210, %mul3A_1211 : vector<128x128xf32>
    %mul3A_1213 = arith.mulf %mul3A_1212, %mul3A_1212 : vector<128x128xf32>
    %mul3A_1214 = arith.constant 5.000000e-01 : f32
    %mul3A_1215 = vector.broadcast %mul3A_1214 : f32 to vector<128x128xf32>
    %mul3A_1216 = arith.mulf %mul3A_1215, %mul3A_1213 : vector<128x128xf32>
    %sub3A_1217 = vector.broadcast %log3A : vector<1x128xf32> to vector<128x128xf32>
    %sub3A_1218 = arith.subf %sub3A_1217, %mul3A_1216 : vector<128x128xf32>
    %exp3A_1219 = math.exp %sub3A_1218 : vector<128x128xf32>
    %swap3A_1220 = arith.constant 8064 : index
    %swap3A_1221 = arith.constant 0 : index
    %swap3A_1222 = vector.load %arg4[%swap3A_1220, %swap3A_1221] : memref<32768x128xf32, #tpu.memory_space<vmem>>, vector<128x128xf32>
    tpu.vector_store %arg4[%swap3A_1220, %swap3A_1221], %exp3A_1219 {strides = array<i32>} : memref<32768x128xf32, #tpu.memory_space<vmem>>, vector<128x128xf32>,
    %slice3A_1223 = vector.extract_strided_slice %transpose3A {offsets = [0, 64], sizes = [128, 1], strides = [1, 1]} : vector<128x256xf32> to vector<128x1xf32>
    %get3A_1224 = arith.constant 0 : index
    %get3A_1225 = arith.constant 0 : index
    %get3A_1226 = vector.load %arg2[%get3A_1224, %get3A_1225] : memref<1x128xf32, #tpu.memory_space<vmem>>, vector<1x128xf32>
    %sub3A_1227 = vector.broadcast %slice3A_1223 : vector<128x1xf32> to vector<128x128xf32>
    %sub3A_1228 = vector.broadcast %get3A_1226 : vector<1x128xf32> to vector<128x128xf32>
    %sub3A_1229 = arith.subf %sub3A_1227, %sub3A_1228 : vector<128x128xf32>
    %mul3A_1230 = vector.broadcast %div3A_5 : vector<1x128xf32> to vector<128x128xf32>
    %mul3A_1231 = arith.mulf %sub3A_1229, %mul3A_1230 : vector<128x128xf32>
    %mul3A_1232 = arith.mulf %mul3A_1231, %mul3A_1231 : vector<128x128xf32>
    %mul3A_1233 = arith.constant 5.000000e-01 : f32
    %mul3A_1234 = vector.broadcast %mul3A_1233 : f32 to vector<128x128xf32>
    %mul3A_1235 = arith.mulf %mul3A_1234, %mul3A_1232 : vector<128x128xf32>
    %sub3A_1236 = vector.broadcast %log3A : vector<1x128xf32> to vector<128x128xf32>
    %sub3A_1237 = arith.subf %sub3A_1236, %mul3A_1235 : vector<128x128xf32>
    %exp3A_1238 = math.exp %sub3A_1237 : vector<128x128xf32>
    %swap3A_1239 = arith.constant 8192 : index
    %swap3A_1240 = arith.constant 0 : index
    %swap3A_1241 = vector.load %arg4[%swap3A_1239, %swap3A_1240] : memref<32768x128xf32, #tpu.memory_space<vmem>>, vector<128x128xf32>
    tpu.vector_store %arg4[%swap3A_1239, %swap3A_1240], %exp3A_1238 {strides = array<i32>} : memref<32768x128xf32, #tpu.memory_space<vmem>>, vector<128x128xf32>,
    %slice3A_1242 = vector.extract_strided_slice %transpose3A {offsets = [0, 65], sizes = [128, 1], strides = [1, 1]} : vector<128x256xf32> to vector<128x1xf32>
    %get3A_1243 = arith.constant 0 : index
    %get3A_1244 = arith.constant 0 : index
    %get3A_1245 = vector.load %arg2[%get3A_1243, %get3A_1244] : memref<1x128xf32, #tpu.memory_space<vmem>>, vector<1x128xf32>
    %sub3A_1246 = vector.broadcast %slice3A_1242 : vector<128x1xf32> to vector<128x128xf32>
    %sub3A_1247 = vector.broadcast %get3A_1245 : vector<1x128xf32> to vector<128x128xf32>
    %sub3A_1248 = arith.subf %sub3A_1246, %sub3A_1247 : vector<128x128xf32>
    %mul3A_1249 = vector.broadcast %div3A_5 : vector<1x128xf32> to vector<128x128xf32>
    %mul3A_1250 = arith.mulf %sub3A_1248, %mul3A_1249 : vector<128x128xf32>
    %mul3A_1251 = arith.mulf %mul3A_1250, %mul3A_1250 : vector<128x128xf32>
    %mul3A_1252 = arith.constant 5.000000e-01 : f32
    %mul3A_1253 = vector.broadcast %mul3A_1252 : f32 to vector<128x128xf32>
    %mul3A_1254 = arith.mulf %mul3A_1253, %mul3A_1251 : vector<128x128xf32>
    %sub3A_1255 = vector.broadcast %log3A : vector<1x128xf32> to vector<128x128xf32>
    %sub3A_1256 = arith.subf %sub3A_1255, %mul3A_1254 : vector<128x128xf32>
    %exp3A_1257 = math.exp %sub3A_1256 : vector<128x128xf32>
    %swap3A_1258 = arith.constant 8320 : index
    %swap3A_1259 = arith.constant 0 : index
    %swap3A_1260 = vector.load %arg4[%swap3A_1258, %swap3A_1259] : memref<32768x128xf32, #tpu.memory_space<vmem>>, vector<128x128xf32>
    tpu.vector_store %arg4[%swap3A_1258, %swap3A_1259], %exp3A_1257 {strides = array<i32>} : memref<32768x128xf32, #tpu.memory_space<vmem>>, vector<128x128xf32>,
    %slice3A_1261 = vector.extract_strided_slice %transpose3A {offsets = [0, 66], sizes = [128, 1], strides = [1, 1]} : vector<128x256xf32> to vector<128x1xf32>
    %get3A_1262 = arith.constant 0 : index
    %get3A_1263 = arith.constant 0 : index
    %get3A_1264 = vector.load %arg2[%get3A_1262, %get3A_1263] : memref<1x128xf32, #tpu.memory_space<vmem>>, vector<1x128xf32>
    %sub3A_1265 = vector.broadcast %slice3A_1261 : vector<128x1xf32> to vector<128x128xf32>
    %sub3A_1266 = vector.broadcast %get3A_1264 : vector<1x128xf32> to vector<128x128xf32>
    %sub3A_1267 = arith.subf %sub3A_1265, %sub3A_1266 : vector<128x128xf32>
    %mul3A_1268 = vector.broadcast %div3A_5 : vector<1x128xf32> to vector<128x128xf32>
    %mul3A_1269 = arith.mulf %sub3A_1267, %mul3A_1268 : vector<128x128xf32>
    %mul3A_1270 = arith.mulf %mul3A_1269, %mul3A_1269 : vector<128x128xf32>
    %mul3A_1271 = arith.constant 5.000000e-01 : f32
    %mul3A_1272 = vector.broadcast %mul3A_1271 : f32 to vector<128x128xf32>
    %mul3A_1273 = arith.mulf %mul3A_1272, %mul3A_1270 : vector<128x128xf32>
    %sub3A_1274 = vector.broadcast %log3A : vector<1x128xf32> to vector<128x128xf32>
    %sub3A_1275 = arith.subf %sub3A_1274, %mul3A_1273 : vector<128x128xf32>
    %exp3A_1276 = math.exp %sub3A_1275 : vector<128x128xf32>
    %swap3A_1277 = arith.constant 8448 : index
    %swap3A_1278 = arith.constant 0 : index
    %swap3A_1279 = vector.load %arg4[%swap3A_1277, %swap3A_1278] : memref<32768x128xf32, #tpu.memory_space<vmem>>, vector<128x128xf32>
    tpu.vector_store %arg4[%swap3A_1277, %swap3A_1278], %exp3A_1276 {strides = array<i32>} : memref<32768x128xf32, #tpu.memory_space<vmem>>, vector<128x128xf32>,
    %slice3A_1280 = vector.extract_strided_slice %transpose3A {offsets = [0, 67], sizes = [128, 1], strides = [1, 1]} : vector<128x256xf32> to vector<128x1xf32>
    %get3A_1281 = arith.constant 0 : index
    %get3A_1282 = arith.constant 0 : index
    %get3A_1283 = vector.load %arg2[%get3A_1281, %get3A_1282] : memref<1x128xf32, #tpu.memory_space<vmem>>, vector<1x128xf32>
    %sub3A_1284 = vector.broadcast %slice3A_1280 : vector<128x1xf32> to vector<128x128xf32>
    %sub3A_1285 = vector.broadcast %get3A_1283 : vector<1x128xf32> to vector<128x128xf32>
    %sub3A_1286 = arith.subf %sub3A_1284, %sub3A_1285 : vector<128x128xf32>
    %mul3A_1287 = vector.broadcast %div3A_5 : vector<1x128xf32> to vector<128x128xf32>
    %mul3A_1288 = arith.mulf %sub3A_1286, %mul3A_1287 : vector<128x128xf32>
    %mul3A_1289 = arith.mulf %mul3A_1288, %mul3A_1288 : vector<128x128xf32>
    %mul3A_1290 = arith.constant 5.000000e-01 : f32
    %mul3A_1291 = vector.broadcast %mul3A_1290 : f32 to vector<128x128xf32>
    %mul3A_1292 = arith.mulf %mul3A_1291, %mul3A_1289 : vector<128x128xf32>
    %sub3A_1293 = vector.broadcast %log3A : vector<1x128xf32> to vector<128x128xf32>
    %sub3A_1294 = arith.subf %sub3A_1293, %mul3A_1292 : vector<128x128xf32>
    %exp3A_1295 = math.exp %sub3A_1294 : vector<128x128xf32>
    %swap3A_1296 = arith.constant 8576 : index
    %swap3A_1297 = arith.constant 0 : index
    %swap3A_1298 = vector.load %arg4[%swap3A_1296, %swap3A_1297] : memref<32768x128xf32, #tpu.memory_space<vmem>>, vector<128x128xf32>
    tpu.vector_store %arg4[%swap3A_1296, %swap3A_1297], %exp3A_1295 {strides = array<i32>} : memref<32768x128xf32, #tpu.memory_space<vmem>>, vector<128x128xf32>,
    %slice3A_1299 = vector.extract_strided_slice %transpose3A {offsets = [0, 68], sizes = [128, 1], strides = [1, 1]} : vector<128x256xf32> to vector<128x1xf32>
    %get3A_1300 = arith.constant 0 : index
    %get3A_1301 = arith.constant 0 : index
    %get3A_1302 = vector.load %arg2[%get3A_1300, %get3A_1301] : memref<1x128xf32, #tpu.memory_space<vmem>>, vector<1x128xf32>
    %sub3A_1303 = vector.broadcast %slice3A_1299 : vector<128x1xf32> to vector<128x128xf32>
    %sub3A_1304 = vector.broadcast %get3A_1302 : vector<1x128xf32> to vector<128x128xf32>
    %sub3A_1305 = arith.subf %sub3A_1303, %sub3A_1304 : vector<128x128xf32>
    %mul3A_1306 = vector.broadcast %div3A_5 : vector<1x128xf32> to vector<128x128xf32>
    %mul3A_1307 = arith.mulf %sub3A_1305, %mul3A_1306 : vector<128x128xf32>
    %mul3A_1308 = arith.mulf %mul3A_1307, %mul3A_1307 : vector<128x128xf32>
    %mul3A_1309 = arith.constant 5.000000e-01 : f32
    %mul3A_1310 = vector.broadcast %mul3A_1309 : f32 to vector<128x128xf32>
    %mul3A_1311 = arith.mulf %mul3A_1310, %mul3A_1308 : vector<128x128xf32>
    %sub3A_1312 = vector.broadcast %log3A : vector<1x128xf32> to vector<128x128xf32>
    %sub3A_1313 = arith.subf %sub3A_1312, %mul3A_1311 : vector<128x128xf32>
    %exp3A_1314 = math.exp %sub3A_1313 : vector<128x128xf32>
    %swap3A_1315 = arith.constant 8704 : index
    %swap3A_1316 = arith.constant 0 : index
    %swap3A_1317 = vector.load %arg4[%swap3A_1315, %swap3A_1316] : memref<32768x128xf32, #tpu.memory_space<vmem>>, vector<128x128xf32>
    tpu.vector_store %arg4[%swap3A_1315, %swap3A_1316], %exp3A_1314 {strides = array<i32>} : memref<32768x128xf32, #tpu.memory_space<vmem>>, vector<128x128xf32>,
    %slice3A_1318 = vector.extract_strided_slice %transpose3A {offsets = [0, 69], sizes = [128, 1], strides = [1, 1]} : vector<128x256xf32> to vector<128x1xf32>
    %get3A_1319 = arith.constant 0 : index
    %get3A_1320 = arith.constant 0 : index
    %get3A_1321 = vector.load %arg2[%get3A_1319, %get3A_1320] : memref<1x128xf32, #tpu.memory_space<vmem>>, vector<1x128xf32>
    %sub3A_1322 = vector.broadcast %slice3A_1318 : vector<128x1xf32> to vector<128x128xf32>
    %sub3A_1323 = vector.broadcast %get3A_1321 : vector<1x128xf32> to vector<128x128xf32>
    %sub3A_1324 = arith.subf %sub3A_1322, %sub3A_1323 : vector<128x128xf32>
    %mul3A_1325 = vector.broadcast %div3A_5 : vector<1x128xf32> to vector<128x128xf32>
    %mul3A_1326 = arith.mulf %sub3A_1324, %mul3A_1325 : vector<128x128xf32>
    %mul3A_1327 = arith.mulf %mul3A_1326, %mul3A_1326 : vector<128x128xf32>
    %mul3A_1328 = arith.constant 5.000000e-01 : f32
    %mul3A_1329 = vector.broadcast %mul3A_1328 : f32 to vector<128x128xf32>
    %mul3A_1330 = arith.mulf %mul3A_1329, %mul3A_1327 : vector<128x128xf32>
    %sub3A_1331 = vector.broadcast %log3A : vector<1x128xf32> to vector<128x128xf32>
    %sub3A_1332 = arith.subf %sub3A_1331, %mul3A_1330 : vector<128x128xf32>
    %exp3A_1333 = math.exp %sub3A_1332 : vector<128x128xf32>
    %swap3A_1334 = arith.constant 8832 : index
    %swap3A_1335 = arith.constant 0 : index
    %swap3A_1336 = vector.load %arg4[%swap3A_1334, %swap3A_1335] : memref<32768x128xf32, #tpu.memory_space<vmem>>, vector<128x128xf32>
    tpu.vector_store %arg4[%swap3A_1334, %swap3A_1335], %exp3A_1333 {strides = array<i32>} : memref<32768x128xf32, #tpu.memory_space<vmem>>, vector<128x128xf32>,
    %slice3A_1337 = vector.extract_strided_slice %transpose3A {offsets = [0, 70], sizes = [128, 1], strides = [1, 1]} : vector<128x256xf32> to vector<128x1xf32>
    %get3A_1338 = arith.constant 0 : index
    %get3A_1339 = arith.constant 0 : index
    %get3A_1340 = vector.load %arg2[%get3A_1338, %get3A_1339] : memref<1x128xf32, #tpu.memory_space<vmem>>, vector<1x128xf32>
    %sub3A_1341 = vector.broadcast %slice3A_1337 : vector<128x1xf32> to vector<128x128xf32>
    %sub3A_1342 = vector.broadcast %get3A_1340 : vector<1x128xf32> to vector<128x128xf32>
    %sub3A_1343 = arith.subf %sub3A_1341, %sub3A_1342 : vector<128x128xf32>
    %mul3A_1344 = vector.broadcast %div3A_5 : vector<1x128xf32> to vector<128x128xf32>
    %mul3A_1345 = arith.mulf %sub3A_1343, %mul3A_1344 : vector<128x128xf32>
    %mul3A_1346 = arith.mulf %mul3A_1345, %mul3A_1345 : vector<128x128xf32>
    %mul3A_1347 = arith.constant 5.000000e-01 : f32
    %mul3A_1348 = vector.broadcast %mul3A_1347 : f32 to vector<128x128xf32>
    %mul3A_1349 = arith.mulf %mul3A_1348, %mul3A_1346 : vector<128x128xf32>
    %sub3A_1350 = vector.broadcast %log3A : vector<1x128xf32> to vector<128x128xf32>
    %sub3A_1351 = arith.subf %sub3A_1350, %mul3A_1349 : vector<128x128xf32>
    %exp3A_1352 = math.exp %sub3A_1351 : vector<128x128xf32>
    %swap3A_1353 = arith.constant 8960 : index
    %swap3A_1354 = arith.constant 0 : index
    %swap3A_1355 = vector.load %arg4[%swap3A_1353, %swap3A_1354] : memref<32768x128xf32, #tpu.memory_space<vmem>>, vector<128x128xf32>
    tpu.vector_store %arg4[%swap3A_1353, %swap3A_1354], %exp3A_1352 {strides = array<i32>} : memref<32768x128xf32, #tpu.memory_space<vmem>>, vector<128x128xf32>,
    %slice3A_1356 = vector.extract_strided_slice %transpose3A {offsets = [0, 71], sizes = [128, 1], strides = [1, 1]} : vector<128x256xf32> to vector<128x1xf32>
    %get3A_1357 = arith.constant 0 : index
    %get3A_1358 = arith.constant 0 : index
    %get3A_1359 = vector.load %arg2[%get3A_1357, %get3A_1358] : memref<1x128xf32, #tpu.memory_space<vmem>>, vector<1x128xf32>
    %sub3A_1360 = vector.broadcast %slice3A_1356 : vector<128x1xf32> to vector<128x128xf32>
    %sub3A_1361 = vector.broadcast %get3A_1359 : vector<1x128xf32> to vector<128x128xf32>
    %sub3A_1362 = arith.subf %sub3A_1360, %sub3A_1361 : vector<128x128xf32>
    %mul3A_1363 = vector.broadcast %div3A_5 : vector<1x128xf32> to vector<128x128xf32>
    %mul3A_1364 = arith.mulf %sub3A_1362, %mul3A_1363 : vector<128x128xf32>
    %mul3A_1365 = arith.mulf %mul3A_1364, %mul3A_1364 : vector<128x128xf32>
    %mul3A_1366 = arith.constant 5.000000e-01 : f32
    %mul3A_1367 = vector.broadcast %mul3A_1366 : f32 to vector<128x128xf32>
    %mul3A_1368 = arith.mulf %mul3A_1367, %mul3A_1365 : vector<128x128xf32>
    %sub3A_1369 = vector.broadcast %log3A : vector<1x128xf32> to vector<128x128xf32>
    %sub3A_1370 = arith.subf %sub3A_1369, %mul3A_1368 : vector<128x128xf32>
    %exp3A_1371 = math.exp %sub3A_1370 : vector<128x128xf32>
    %swap3A_1372 = arith.constant 9088 : index
    %swap3A_1373 = arith.constant 0 : index
    %swap3A_1374 = vector.load %arg4[%swap3A_1372, %swap3A_1373] : memref<32768x128xf32, #tpu.memory_space<vmem>>, vector<128x128xf32>
    tpu.vector_store %arg4[%swap3A_1372, %swap3A_1373], %exp3A_1371 {strides = array<i32>} : memref<32768x128xf32, #tpu.memory_space<vmem>>, vector<128x128xf32>,
    %slice3A_1375 = vector.extract_strided_slice %transpose3A {offsets = [0, 72], sizes = [128, 1], strides = [1, 1]} : vector<128x256xf32> to vector<128x1xf32>
    %get3A_1376 = arith.constant 0 : index
    %get3A_1377 = arith.constant 0 : index
    %get3A_1378 = vector.load %arg2[%get3A_1376, %get3A_1377] : memref<1x128xf32, #tpu.memory_space<vmem>>, vector<1x128xf32>
    %sub3A_1379 = vector.broadcast %slice3A_1375 : vector<128x1xf32> to vector<128x128xf32>
    %sub3A_1380 = vector.broadcast %get3A_1378 : vector<1x128xf32> to vector<128x128xf32>
    %sub3A_1381 = arith.subf %sub3A_1379, %sub3A_1380 : vector<128x128xf32>
    %mul3A_1382 = vector.broadcast %div3A_5 : vector<1x128xf32> to vector<128x128xf32>
    %mul3A_1383 = arith.mulf %sub3A_1381, %mul3A_1382 : vector<128x128xf32>
    %mul3A_1384 = arith.mulf %mul3A_1383, %mul3A_1383 : vector<128x128xf32>
    %mul3A_1385 = arith.constant 5.000000e-01 : f32
    %mul3A_1386 = vector.broadcast %mul3A_1385 : f32 to vector<128x128xf32>
    %mul3A_1387 = arith.mulf %mul3A_1386, %mul3A_1384 : vector<128x128xf32>
    %sub3A_1388 = vector.broadcast %log3A : vector<1x128xf32> to vector<128x128xf32>
    %sub3A_1389 = arith.subf %sub3A_1388, %mul3A_1387 : vector<128x128xf32>
    %exp3A_1390 = math.exp %sub3A_1389 : vector<128x128xf32>
    %swap3A_1391 = arith.constant 9216 : index
    %swap3A_1392 = arith.constant 0 : index
    %swap3A_1393 = vector.load %arg4[%swap3A_1391, %swap3A_1392] : memref<32768x128xf32, #tpu.memory_space<vmem>>, vector<128x128xf32>
    tpu.vector_store %arg4[%swap3A_1391, %swap3A_1392], %exp3A_1390 {strides = array<i32>} : memref<32768x128xf32, #tpu.memory_space<vmem>>, vector<128x128xf32>,
    %slice3A_1394 = vector.extract_strided_slice %transpose3A {offsets = [0, 73], sizes = [128, 1], strides = [1, 1]} : vector<128x256xf32> to vector<128x1xf32>
    %get3A_1395 = arith.constant 0 : index
    %get3A_1396 = arith.constant 0 : index
    %get3A_1397 = vector.load %arg2[%get3A_1395, %get3A_1396] : memref<1x128xf32, #tpu.memory_space<vmem>>, vector<1x128xf32>
    %sub3A_1398 = vector.broadcast %slice3A_1394 : vector<128x1xf32> to vector<128x128xf32>
    %sub3A_1399 = vector.broadcast %get3A_1397 : vector<1x128xf32> to vector<128x128xf32>
    %sub3A_1400 = arith.subf %sub3A_1398, %sub3A_1399 : vector<128x128xf32>
    %mul3A_1401 = vector.broadcast %div3A_5 : vector<1x128xf32> to vector<128x128xf32>
    %mul3A_1402 = arith.mulf %sub3A_1400, %mul3A_1401 : vector<128x128xf32>
    %mul3A_1403 = arith.mulf %mul3A_1402, %mul3A_1402 : vector<128x128xf32>
    %mul3A_1404 = arith.constant 5.000000e-01 : f32
    %mul3A_1405 = vector.broadcast %mul3A_1404 : f32 to vector<128x128xf32>
    %mul3A_1406 = arith.mulf %mul3A_1405, %mul3A_1403 : vector<128x128xf32>
    %sub3A_1407 = vector.broadcast %log3A : vector<1x128xf32> to vector<128x128xf32>
    %sub3A_1408 = arith.subf %sub3A_1407, %mul3A_1406 : vector<128x128xf32>
    %exp3A_1409 = math.exp %sub3A_1408 : vector<128x128xf32>
    %swap3A_1410 = arith.constant 9344 : index
    %swap3A_1411 = arith.constant 0 : index
    %swap3A_1412 = vector.load %arg4[%swap3A_1410, %swap3A_1411] : memref<32768x128xf32, #tpu.memory_space<vmem>>, vector<128x128xf32>
    tpu.vector_store %arg4[%swap3A_1410, %swap3A_1411], %exp3A_1409 {strides = array<i32>} : memref<32768x128xf32, #tpu.memory_space<vmem>>, vector<128x128xf32>,
    %slice3A_1413 = vector.extract_strided_slice %transpose3A {offsets = [0, 74], sizes = [128, 1], strides = [1, 1]} : vector<128x256xf32> to vector<128x1xf32>
    %get3A_1414 = arith.constant 0 : index
    %get3A_1415 = arith.constant 0 : index
    %get3A_1416 = vector.load %arg2[%get3A_1414, %get3A_1415] : memref<1x128xf32, #tpu.memory_space<vmem>>, vector<1x128xf32>
    %sub3A_1417 = vector.broadcast %slice3A_1413 : vector<128x1xf32> to vector<128x128xf32>
    %sub3A_1418 = vector.broadcast %get3A_1416 : vector<1x128xf32> to vector<128x128xf32>
    %sub3A_1419 = arith.subf %sub3A_1417, %sub3A_1418 : vector<128x128xf32>
    %mul3A_1420 = vector.broadcast %div3A_5 : vector<1x128xf32> to vector<128x128xf32>
    %mul3A_1421 = arith.mulf %sub3A_1419, %mul3A_1420 : vector<128x128xf32>
    %mul3A_1422 = arith.mulf %mul3A_1421, %mul3A_1421 : vector<128x128xf32>
    %mul3A_1423 = arith.constant 5.000000e-01 : f32
    %mul3A_1424 = vector.broadcast %mul3A_1423 : f32 to vector<128x128xf32>
    %mul3A_1425 = arith.mulf %mul3A_1424, %mul3A_1422 : vector<128x128xf32>
    %sub3A_1426 = vector.broadcast %log3A : vector<1x128xf32> to vector<128x128xf32>
    %sub3A_1427 = arith.subf %sub3A_1426, %mul3A_1425 : vector<128x128xf32>
    %exp3A_1428 = math.exp %sub3A_1427 : vector<128x128xf32>
    %swap3A_1429 = arith.constant 9472 : index
    %swap3A_1430 = arith.constant 0 : index
    %swap3A_1431 = vector.load %arg4[%swap3A_1429, %swap3A_1430] : memref<32768x128xf32, #tpu.memory_space<vmem>>, vector<128x128xf32>
    tpu.vector_store %arg4[%swap3A_1429, %swap3A_1430], %exp3A_1428 {strides = array<i32>} : memref<32768x128xf32, #tpu.memory_space<vmem>>, vector<128x128xf32>,
    %slice3A_1432 = vector.extract_strided_slice %transpose3A {offsets = [0, 75], sizes = [128, 1], strides = [1, 1]} : vector<128x256xf32> to vector<128x1xf32>
    %get3A_1433 = arith.constant 0 : index
    %get3A_1434 = arith.constant 0 : index
    %get3A_1435 = vector.load %arg2[%get3A_1433, %get3A_1434] : memref<1x128xf32, #tpu.memory_space<vmem>>, vector<1x128xf32>
    %sub3A_1436 = vector.broadcast %slice3A_1432 : vector<128x1xf32> to vector<128x128xf32>
    %sub3A_1437 = vector.broadcast %get3A_1435 : vector<1x128xf32> to vector<128x128xf32>
    %sub3A_1438 = arith.subf %sub3A_1436, %sub3A_1437 : vector<128x128xf32>
    %mul3A_1439 = vector.broadcast %div3A_5 : vector<1x128xf32> to vector<128x128xf32>
    %mul3A_1440 = arith.mulf %sub3A_1438, %mul3A_1439 : vector<128x128xf32>
    %mul3A_1441 = arith.mulf %mul3A_1440, %mul3A_1440 : vector<128x128xf32>
    %mul3A_1442 = arith.constant 5.000000e-01 : f32
    %mul3A_1443 = vector.broadcast %mul3A_1442 : f32 to vector<128x128xf32>
    %mul3A_1444 = arith.mulf %mul3A_1443, %mul3A_1441 : vector<128x128xf32>
    %sub3A_1445 = vector.broadcast %log3A : vector<1x128xf32> to vector<128x128xf32>
    %sub3A_1446 = arith.subf %sub3A_1445, %mul3A_1444 : vector<128x128xf32>
    %exp3A_1447 = math.exp %sub3A_1446 : vector<128x128xf32>
    %swap3A_1448 = arith.constant 9600 : index
    %swap3A_1449 = arith.constant 0 : index
    %swap3A_1450 = vector.load %arg4[%swap3A_1448, %swap3A_1449] : memref<32768x128xf32, #tpu.memory_space<vmem>>, vector<128x128xf32>
    tpu.vector_store %arg4[%swap3A_1448, %swap3A_1449], %exp3A_1447 {strides = array<i32>} : memref<32768x128xf32, #tpu.memory_space<vmem>>, vector<128x128xf32>,
    %slice3A_1451 = vector.extract_strided_slice %transpose3A {offsets = [0, 76], sizes = [128, 1], strides = [1, 1]} : vector<128x256xf32> to vector<128x1xf32>
    %get3A_1452 = arith.constant 0 : index
    %get3A_1453 = arith.constant 0 : index
    %get3A_1454 = vector.load %arg2[%get3A_1452, %get3A_1453] : memref<1x128xf32, #tpu.memory_space<vmem>>, vector<1x128xf32>
    %sub3A_1455 = vector.broadcast %slice3A_1451 : vector<128x1xf32> to vector<128x128xf32>
    %sub3A_1456 = vector.broadcast %get3A_1454 : vector<1x128xf32> to vector<128x128xf32>
    %sub3A_1457 = arith.subf %sub3A_1455, %sub3A_1456 : vector<128x128xf32>
    %mul3A_1458 = vector.broadcast %div3A_5 : vector<1x128xf32> to vector<128x128xf32>
    %mul3A_1459 = arith.mulf %sub3A_1457, %mul3A_1458 : vector<128x128xf32>
    %mul3A_1460 = arith.mulf %mul3A_1459, %mul3A_1459 : vector<128x128xf32>
    %mul3A_1461 = arith.constant 5.000000e-01 : f32
    %mul3A_1462 = vector.broadcast %mul3A_1461 : f32 to vector<128x128xf32>
    %mul3A_1463 = arith.mulf %mul3A_1462, %mul3A_1460 : vector<128x128xf32>
    %sub3A_1464 = vector.broadcast %log3A : vector<1x128xf32> to vector<128x128xf32>
    %sub3A_1465 = arith.subf %sub3A_1464, %mul3A_1463 : vector<128x128xf32>
    %exp3A_1466 = math.exp %sub3A_1465 : vector<128x128xf32>
    %swap3A_1467 = arith.constant 9728 : index
    %swap3A_1468 = arith.constant 0 : index
    %swap3A_1469 = vector.load %arg4[%swap3A_1467, %swap3A_1468] : memref<32768x128xf32, #tpu.memory_space<vmem>>, vector<128x128xf32>
    tpu.vector_store %arg4[%swap3A_1467, %swap3A_1468], %exp3A_1466 {strides = array<i32>} : memref<32768x128xf32, #tpu.memory_space<vmem>>, vector<128x128xf32>,
    %slice3A_1470 = vector.extract_strided_slice %transpose3A {offsets = [0, 77], sizes = [128, 1], strides = [1, 1]} : vector<128x256xf32> to vector<128x1xf32>
    %get3A_1471 = arith.constant 0 : index
    %get3A_1472 = arith.constant 0 : index
    %get3A_1473 = vector.load %arg2[%get3A_1471, %get3A_1472] : memref<1x128xf32, #tpu.memory_space<vmem>>, vector<1x128xf32>
    %sub3A_1474 = vector.broadcast %slice3A_1470 : vector<128x1xf32> to vector<128x128xf32>
    %sub3A_1475 = vector.broadcast %get3A_1473 : vector<1x128xf32> to vector<128x128xf32>
    %sub3A_1476 = arith.subf %sub3A_1474, %sub3A_1475 : vector<128x128xf32>
    %mul3A_1477 = vector.broadcast %div3A_5 : vector<1x128xf32> to vector<128x128xf32>
    %mul3A_1478 = arith.mulf %sub3A_1476, %mul3A_1477 : vector<128x128xf32>
    %mul3A_1479 = arith.mulf %mul3A_1478, %mul3A_1478 : vector<128x128xf32>
    %mul3A_1480 = arith.constant 5.000000e-01 : f32
    %mul3A_1481 = vector.broadcast %mul3A_1480 : f32 to vector<128x128xf32>
    %mul3A_1482 = arith.mulf %mul3A_1481, %mul3A_1479 : vector<128x128xf32>
    %sub3A_1483 = vector.broadcast %log3A : vector<1x128xf32> to vector<128x128xf32>
    %sub3A_1484 = arith.subf %sub3A_1483, %mul3A_1482 : vector<128x128xf32>
    %exp3A_1485 = math.exp %sub3A_1484 : vector<128x128xf32>
    %swap3A_1486 = arith.constant 9856 : index
    %swap3A_1487 = arith.constant 0 : index
    %swap3A_1488 = vector.load %arg4[%swap3A_1486, %swap3A_1487] : memref<32768x128xf32, #tpu.memory_space<vmem>>, vector<128x128xf32>
    tpu.vector_store %arg4[%swap3A_1486, %swap3A_1487], %exp3A_1485 {strides = array<i32>} : memref<32768x128xf32, #tpu.memory_space<vmem>>, vector<128x128xf32>,
    %slice3A_1489 = vector.extract_strided_slice %transpose3A {offsets = [0, 78], sizes = [128, 1], strides = [1, 1]} : vector<128x256xf32> to vector<128x1xf32>
    %get3A_1490 = arith.constant 0 : index
    %get3A_1491 = arith.constant 0 : index
    %get3A_1492 = vector.load %arg2[%get3A_1490, %get3A_1491] : memref<1x128xf32, #tpu.memory_space<vmem>>, vector<1x128xf32>
    %sub3A_1493 = vector.broadcast %slice3A_1489 : vector<128x1xf32> to vector<128x128xf32>
    %sub3A_1494 = vector.broadcast %get3A_1492 : vector<1x128xf32> to vector<128x128xf32>
    %sub3A_1495 = arith.subf %sub3A_1493, %sub3A_1494 : vector<128x128xf32>
    %mul3A_1496 = vector.broadcast %div3A_5 : vector<1x128xf32> to vector<128x128xf32>
    %mul3A_1497 = arith.mulf %sub3A_1495, %mul3A_1496 : vector<128x128xf32>
    %mul3A_1498 = arith.mulf %mul3A_1497, %mul3A_1497 : vector<128x128xf32>
    %mul3A_1499 = arith.constant 5.000000e-01 : f32
    %mul3A_1500 = vector.broadcast %mul3A_1499 : f32 to vector<128x128xf32>
    %mul3A_1501 = arith.mulf %mul3A_1500, %mul3A_1498 : vector<128x128xf32>
    %sub3A_1502 = vector.broadcast %log3A : vector<1x128xf32> to vector<128x128xf32>
    %sub3A_1503 = arith.subf %sub3A_1502, %mul3A_1501 : vector<128x128xf32>
    %exp3A_1504 = math.exp %sub3A_1503 : vector<128x128xf32>
    %swap3A_1505 = arith.constant 9984 : index
    %swap3A_1506 = arith.constant 0 : index
    %swap3A_1507 = vector.load %arg4[%swap3A_1505, %swap3A_1506] : memref<32768x128xf32, #tpu.memory_space<vmem>>, vector<128x128xf32>
    tpu.vector_store %arg4[%swap3A_1505, %swap3A_1506], %exp3A_1504 {strides = array<i32>} : memref<32768x128xf32, #tpu.memory_space<vmem>>, vector<128x128xf32>,
    %slice3A_1508 = vector.extract_strided_slice %transpose3A {offsets = [0, 79], sizes = [128, 1], strides = [1, 1]} : vector<128x256xf32> to vector<128x1xf32>
    %get3A_1509 = arith.constant 0 : index
    %get3A_1510 = arith.constant 0 : index
    %get3A_1511 = vector.load %arg2[%get3A_1509, %get3A_1510] : memref<1x128xf32, #tpu.memory_space<vmem>>, vector<1x128xf32>
    %sub3A_1512 = vector.broadcast %slice3A_1508 : vector<128x1xf32> to vector<128x128xf32>
    %sub3A_1513 = vector.broadcast %get3A_1511 : vector<1x128xf32> to vector<128x128xf32>
    %sub3A_1514 = arith.subf %sub3A_1512, %sub3A_1513 : vector<128x128xf32>
    %mul3A_1515 = vector.broadcast %div3A_5 : vector<1x128xf32> to vector<128x128xf32>
    %mul3A_1516 = arith.mulf %sub3A_1514, %mul3A_1515 : vector<128x128xf32>
    %mul3A_1517 = arith.mulf %mul3A_1516, %mul3A_1516 : vector<128x128xf32>
    %mul3A_1518 = arith.constant 5.000000e-01 : f32
    %mul3A_1519 = vector.broadcast %mul3A_1518 : f32 to vector<128x128xf32>
    %mul3A_1520 = arith.mulf %mul3A_1519, %mul3A_1517 : vector<128x128xf32>
    %sub3A_1521 = vector.broadcast %log3A : vector<1x128xf32> to vector<128x128xf32>
    %sub3A_1522 = arith.subf %sub3A_1521, %mul3A_1520 : vector<128x128xf32>
    %exp3A_1523 = math.exp %sub3A_1522 : vector<128x128xf32>
    %swap3A_1524 = arith.constant 10112 : index
    %swap3A_1525 = arith.constant 0 : index
    %swap3A_1526 = vector.load %arg4[%swap3A_1524, %swap3A_1525] : memref<32768x128xf32, #tpu.memory_space<vmem>>, vector<128x128xf32>
    tpu.vector_store %arg4[%swap3A_1524, %swap3A_1525], %exp3A_1523 {strides = array<i32>} : memref<32768x128xf32, #tpu.memory_space<vmem>>, vector<128x128xf32>,
    %slice3A_1527 = vector.extract_strided_slice %transpose3A {offsets = [0, 80], sizes = [128, 1], strides = [1, 1]} : vector<128x256xf32> to vector<128x1xf32>
    %get3A_1528 = arith.constant 0 : index
    %get3A_1529 = arith.constant 0 : index
    %get3A_1530 = vector.load %arg2[%get3A_1528, %get3A_1529] : memref<1x128xf32, #tpu.memory_space<vmem>>, vector<1x128xf32>
    %sub3A_1531 = vector.broadcast %slice3A_1527 : vector<128x1xf32> to vector<128x128xf32>
    %sub3A_1532 = vector.broadcast %get3A_1530 : vector<1x128xf32> to vector<128x128xf32>
    %sub3A_1533 = arith.subf %sub3A_1531, %sub3A_1532 : vector<128x128xf32>
    %mul3A_1534 = vector.broadcast %div3A_5 : vector<1x128xf32> to vector<128x128xf32>
    %mul3A_1535 = arith.mulf %sub3A_1533, %mul3A_1534 : vector<128x128xf32>
    %mul3A_1536 = arith.mulf %mul3A_1535, %mul3A_1535 : vector<128x128xf32>
    %mul3A_1537 = arith.constant 5.000000e-01 : f32
    %mul3A_1538 = vector.broadcast %mul3A_1537 : f32 to vector<128x128xf32>
    %mul3A_1539 = arith.mulf %mul3A_1538, %mul3A_1536 : vector<128x128xf32>
    %sub3A_1540 = vector.broadcast %log3A : vector<1x128xf32> to vector<128x128xf32>
    %sub3A_1541 = arith.subf %sub3A_1540, %mul3A_1539 : vector<128x128xf32>
    %exp3A_1542 = math.exp %sub3A_1541 : vector<128x128xf32>
    %swap3A_1543 = arith.constant 10240 : index
    %swap3A_1544 = arith.constant 0 : index
    %swap3A_1545 = vector.load %arg4[%swap3A_1543, %swap3A_1544] : memref<32768x128xf32, #tpu.memory_space<vmem>>, vector<128x128xf32>
    tpu.vector_store %arg4[%swap3A_1543, %swap3A_1544], %exp3A_1542 {strides = array<i32>} : memref<32768x128xf32, #tpu.memory_space<vmem>>, vector<128x128xf32>,
    %slice3A_1546 = vector.extract_strided_slice %transpose3A {offsets = [0, 81], sizes = [128, 1], strides = [1, 1]} : vector<128x256xf32> to vector<128x1xf32>
    %get3A_1547 = arith.constant 0 : index
    %get3A_1548 = arith.constant 0 : index
    %get3A_1549 = vector.load %arg2[%get3A_1547, %get3A_1548] : memref<1x128xf32, #tpu.memory_space<vmem>>, vector<1x128xf32>
    %sub3A_1550 = vector.broadcast %slice3A_1546 : vector<128x1xf32> to vector<128x128xf32>
    %sub3A_1551 = vector.broadcast %get3A_1549 : vector<1x128xf32> to vector<128x128xf32>
    %sub3A_1552 = arith.subf %sub3A_1550, %sub3A_1551 : vector<128x128xf32>
    %mul3A_1553 = vector.broadcast %div3A_5 : vector<1x128xf32> to vector<128x128xf32>
    %mul3A_1554 = arith.mulf %sub3A_1552, %mul3A_1553 : vector<128x128xf32>
    %mul3A_1555 = arith.mulf %mul3A_1554, %mul3A_1554 : vector<128x128xf32>
    %mul3A_1556 = arith.constant 5.000000e-01 : f32
    %mul3A_1557 = vector.broadcast %mul3A_1556 : f32 to vector<128x128xf32>
    %mul3A_1558 = arith.mulf %mul3A_1557, %mul3A_1555 : vector<128x128xf32>
    %sub3A_1559 = vector.broadcast %log3A : vector<1x128xf32> to vector<128x128xf32>
    %sub3A_1560 = arith.subf %sub3A_1559, %mul3A_1558 : vector<128x128xf32>
    %exp3A_1561 = math.exp %sub3A_1560 : vector<128x128xf32>
    %swap3A_1562 = arith.constant 10368 : index
    %swap3A_1563 = arith.constant 0 : index
    %swap3A_1564 = vector.load %arg4[%swap3A_1562, %swap3A_1563] : memref<32768x128xf32, #tpu.memory_space<vmem>>, vector<128x128xf32>
    tpu.vector_store %arg4[%swap3A_1562, %swap3A_1563], %exp3A_1561 {strides = array<i32>} : memref<32768x128xf32, #tpu.memory_space<vmem>>, vector<128x128xf32>,
    %slice3A_1565 = vector.extract_strided_slice %transpose3A {offsets = [0, 82], sizes = [128, 1], strides = [1, 1]} : vector<128x256xf32> to vector<128x1xf32>
    %get3A_1566 = arith.constant 0 : index
    %get3A_1567 = arith.constant 0 : index
    %get3A_1568 = vector.load %arg2[%get3A_1566, %get3A_1567] : memref<1x128xf32, #tpu.memory_space<vmem>>, vector<1x128xf32>
    %sub3A_1569 = vector.broadcast %slice3A_1565 : vector<128x1xf32> to vector<128x128xf32>
    %sub3A_1570 = vector.broadcast %get3A_1568 : vector<1x128xf32> to vector<128x128xf32>
    %sub3A_1571 = arith.subf %sub3A_1569, %sub3A_1570 : vector<128x128xf32>
    %mul3A_1572 = vector.broadcast %div3A_5 : vector<1x128xf32> to vector<128x128xf32>
    %mul3A_1573 = arith.mulf %sub3A_1571, %mul3A_1572 : vector<128x128xf32>
    %mul3A_1574 = arith.mulf %mul3A_1573, %mul3A_1573 : vector<128x128xf32>
    %mul3A_1575 = arith.constant 5.000000e-01 : f32
    %mul3A_1576 = vector.broadcast %mul3A_1575 : f32 to vector<128x128xf32>
    %mul3A_1577 = arith.mulf %mul3A_1576, %mul3A_1574 : vector<128x128xf32>
    %sub3A_1578 = vector.broadcast %log3A : vector<1x128xf32> to vector<128x128xf32>
    %sub3A_1579 = arith.subf %sub3A_1578, %mul3A_1577 : vector<128x128xf32>
    %exp3A_1580 = math.exp %sub3A_1579 : vector<128x128xf32>
    %swap3A_1581 = arith.constant 10496 : index
    %swap3A_1582 = arith.constant 0 : index
    %swap3A_1583 = vector.load %arg4[%swap3A_1581, %swap3A_1582] : memref<32768x128xf32, #tpu.memory_space<vmem>>, vector<128x128xf32>
    tpu.vector_store %arg4[%swap3A_1581, %swap3A_1582], %exp3A_1580 {strides = array<i32>} : memref<32768x128xf32, #tpu.memory_space<vmem>>, vector<128x128xf32>,
    %slice3A_1584 = vector.extract_strided_slice %transpose3A {offsets = [0, 83], sizes = [128, 1], strides = [1, 1]} : vector<128x256xf32> to vector<128x1xf32>
    %get3A_1585 = arith.constant 0 : index
    %get3A_1586 = arith.constant 0 : index
    %get3A_1587 = vector.load %arg2[%get3A_1585, %get3A_1586] : memref<1x128xf32, #tpu.memory_space<vmem>>, vector<1x128xf32>
    %sub3A_1588 = vector.broadcast %slice3A_1584 : vector<128x1xf32> to vector<128x128xf32>
    %sub3A_1589 = vector.broadcast %get3A_1587 : vector<1x128xf32> to vector<128x128xf32>
    %sub3A_1590 = arith.subf %sub3A_1588, %sub3A_1589 : vector<128x128xf32>
    %mul3A_1591 = vector.broadcast %div3A_5 : vector<1x128xf32> to vector<128x128xf32>
    %mul3A_1592 = arith.mulf %sub3A_1590, %mul3A_1591 : vector<128x128xf32>
    %mul3A_1593 = arith.mulf %mul3A_1592, %mul3A_1592 : vector<128x128xf32>
    %mul3A_1594 = arith.constant 5.000000e-01 : f32
    %mul3A_1595 = vector.broadcast %mul3A_1594 : f32 to vector<128x128xf32>
    %mul3A_1596 = arith.mulf %mul3A_1595, %mul3A_1593 : vector<128x128xf32>
    %sub3A_1597 = vector.broadcast %log3A : vector<1x128xf32> to vector<128x128xf32>
    %sub3A_1598 = arith.subf %sub3A_1597, %mul3A_1596 : vector<128x128xf32>
    %exp3A_1599 = math.exp %sub3A_1598 : vector<128x128xf32>
    %swap3A_1600 = arith.constant 10624 : index
    %swap3A_1601 = arith.constant 0 : index
    %swap3A_1602 = vector.load %arg4[%swap3A_1600, %swap3A_1601] : memref<32768x128xf32, #tpu.memory_space<vmem>>, vector<128x128xf32>
    tpu.vector_store %arg4[%swap3A_1600, %swap3A_1601], %exp3A_1599 {strides = array<i32>} : memref<32768x128xf32, #tpu.memory_space<vmem>>, vector<128x128xf32>,
    %slice3A_1603 = vector.extract_strided_slice %transpose3A {offsets = [0, 84], sizes = [128, 1], strides = [1, 1]} : vector<128x256xf32> to vector<128x1xf32>
    %get3A_1604 = arith.constant 0 : index
    %get3A_1605 = arith.constant 0 : index
    %get3A_1606 = vector.load %arg2[%get3A_1604, %get3A_1605] : memref<1x128xf32, #tpu.memory_space<vmem>>, vector<1x128xf32>
    %sub3A_1607 = vector.broadcast %slice3A_1603 : vector<128x1xf32> to vector<128x128xf32>
    %sub3A_1608 = vector.broadcast %get3A_1606 : vector<1x128xf32> to vector<128x128xf32>
    %sub3A_1609 = arith.subf %sub3A_1607, %sub3A_1608 : vector<128x128xf32>
    %mul3A_1610 = vector.broadcast %div3A_5 : vector<1x128xf32> to vector<128x128xf32>
    %mul3A_1611 = arith.mulf %sub3A_1609, %mul3A_1610 : vector<128x128xf32>
    %mul3A_1612 = arith.mulf %mul3A_1611, %mul3A_1611 : vector<128x128xf32>
    %mul3A_1613 = arith.constant 5.000000e-01 : f32
    %mul3A_1614 = vector.broadcast %mul3A_1613 : f32 to vector<128x128xf32>
    %mul3A_1615 = arith.mulf %mul3A_1614, %mul3A_1612 : vector<128x128xf32>
    %sub3A_1616 = vector.broadcast %log3A : vector<1x128xf32> to vector<128x128xf32>
    %sub3A_1617 = arith.subf %sub3A_1616, %mul3A_1615 : vector<128x128xf32>
    %exp3A_1618 = math.exp %sub3A_1617 : vector<128x128xf32>
    %swap3A_1619 = arith.constant 10752 : index
    %swap3A_1620 = arith.constant 0 : index
    %swap3A_1621 = vector.load %arg4[%swap3A_1619, %swap3A_1620] : memref<32768x128xf32, #tpu.memory_space<vmem>>, vector<128x128xf32>
    tpu.vector_store %arg4[%swap3A_1619, %swap3A_1620], %exp3A_1618 {strides = array<i32>} : memref<32768x128xf32, #tpu.memory_space<vmem>>, vector<128x128xf32>,
    %slice3A_1622 = vector.extract_strided_slice %transpose3A {offsets = [0, 85], sizes = [128, 1], strides = [1, 1]} : vector<128x256xf32> to vector<128x1xf32>
    %get3A_1623 = arith.constant 0 : index
    %get3A_1624 = arith.constant 0 : index
    %get3A_1625 = vector.load %arg2[%get3A_1623, %get3A_1624] : memref<1x128xf32, #tpu.memory_space<vmem>>, vector<1x128xf32>
    %sub3A_1626 = vector.broadcast %slice3A_1622 : vector<128x1xf32> to vector<128x128xf32>
    %sub3A_1627 = vector.broadcast %get3A_1625 : vector<1x128xf32> to vector<128x128xf32>
    %sub3A_1628 = arith.subf %sub3A_1626, %sub3A_1627 : vector<128x128xf32>
    %mul3A_1629 = vector.broadcast %div3A_5 : vector<1x128xf32> to vector<128x128xf32>
    %mul3A_1630 = arith.mulf %sub3A_1628, %mul3A_1629 : vector<128x128xf32>
    %mul3A_1631 = arith.mulf %mul3A_1630, %mul3A_1630 : vector<128x128xf32>
    %mul3A_1632 = arith.constant 5.000000e-01 : f32
    %mul3A_1633 = vector.broadcast %mul3A_1632 : f32 to vector<128x128xf32>
    %mul3A_1634 = arith.mulf %mul3A_1633, %mul3A_1631 : vector<128x128xf32>
    %sub3A_1635 = vector.broadcast %log3A : vector<1x128xf32> to vector<128x128xf32>
    %sub3A_1636 = arith.subf %sub3A_1635, %mul3A_1634 : vector<128x128xf32>
    %exp3A_1637 = math.exp %sub3A_1636 : vector<128x128xf32>
    %swap3A_1638 = arith.constant 10880 : index
    %swap3A_1639 = arith.constant 0 : index
    %swap3A_1640 = vector.load %arg4[%swap3A_1638, %swap3A_1639] : memref<32768x128xf32, #tpu.memory_space<vmem>>, vector<128x128xf32>
    tpu.vector_store %arg4[%swap3A_1638, %swap3A_1639], %exp3A_1637 {strides = array<i32>} : memref<32768x128xf32, #tpu.memory_space<vmem>>, vector<128x128xf32>,
    %slice3A_1641 = vector.extract_strided_slice %transpose3A {offsets = [0, 86], sizes = [128, 1], strides = [1, 1]} : vector<128x256xf32> to vector<128x1xf32>
    %get3A_1642 = arith.constant 0 : index
    %get3A_1643 = arith.constant 0 : index
    %get3A_1644 = vector.load %arg2[%get3A_1642, %get3A_1643] : memref<1x128xf32, #tpu.memory_space<vmem>>, vector<1x128xf32>
    %sub3A_1645 = vector.broadcast %slice3A_1641 : vector<128x1xf32> to vector<128x128xf32>
    %sub3A_1646 = vector.broadcast %get3A_1644 : vector<1x128xf32> to vector<128x128xf32>
    %sub3A_1647 = arith.subf %sub3A_1645, %sub3A_1646 : vector<128x128xf32>
    %mul3A_1648 = vector.broadcast %div3A_5 : vector<1x128xf32> to vector<128x128xf32>
    %mul3A_1649 = arith.mulf %sub3A_1647, %mul3A_1648 : vector<128x128xf32>
    %mul3A_1650 = arith.mulf %mul3A_1649, %mul3A_1649 : vector<128x128xf32>
    %mul3A_1651 = arith.constant 5.000000e-01 : f32
    %mul3A_1652 = vector.broadcast %mul3A_1651 : f32 to vector<128x128xf32>
    %mul3A_1653 = arith.mulf %mul3A_1652, %mul3A_1650 : vector<128x128xf32>
    %sub3A_1654 = vector.broadcast %log3A : vector<1x128xf32> to vector<128x128xf32>
    %sub3A_1655 = arith.subf %sub3A_1654, %mul3A_1653 : vector<128x128xf32>
    %exp3A_1656 = math.exp %sub3A_1655 : vector<128x128xf32>
    %swap3A_1657 = arith.constant 11008 : index
    %swap3A_1658 = arith.constant 0 : index
    %swap3A_1659 = vector.load %arg4[%swap3A_1657, %swap3A_1658] : memref<32768x128xf32, #tpu.memory_space<vmem>>, vector<128x128xf32>
    tpu.vector_store %arg4[%swap3A_1657, %swap3A_1658], %exp3A_1656 {strides = array<i32>} : memref<32768x128xf32, #tpu.memory_space<vmem>>, vector<128x128xf32>,
    %slice3A_1660 = vector.extract_strided_slice %transpose3A {offsets = [0, 87], sizes = [128, 1], strides = [1, 1]} : vector<128x256xf32> to vector<128x1xf32>
    %get3A_1661 = arith.constant 0 : index
    %get3A_1662 = arith.constant 0 : index
    %get3A_1663 = vector.load %arg2[%get3A_1661, %get3A_1662] : memref<1x128xf32, #tpu.memory_space<vmem>>, vector<1x128xf32>
    %sub3A_1664 = vector.broadcast %slice3A_1660 : vector<128x1xf32> to vector<128x128xf32>
    %sub3A_1665 = vector.broadcast %get3A_1663 : vector<1x128xf32> to vector<128x128xf32>
    %sub3A_1666 = arith.subf %sub3A_1664, %sub3A_1665 : vector<128x128xf32>
    %mul3A_1667 = vector.broadcast %div3A_5 : vector<1x128xf32> to vector<128x128xf32>
    %mul3A_1668 = arith.mulf %sub3A_1666, %mul3A_1667 : vector<128x128xf32>
    %mul3A_1669 = arith.mulf %mul3A_1668, %mul3A_1668 : vector<128x128xf32>
    %mul3A_1670 = arith.constant 5.000000e-01 : f32
    %mul3A_1671 = vector.broadcast %mul3A_1670 : f32 to vector<128x128xf32>
    %mul3A_1672 = arith.mulf %mul3A_1671, %mul3A_1669 : vector<128x128xf32>
    %sub3A_1673 = vector.broadcast %log3A : vector<1x128xf32> to vector<128x128xf32>
    %sub3A_1674 = arith.subf %sub3A_1673, %mul3A_1672 : vector<128x128xf32>
    %exp3A_1675 = math.exp %sub3A_1674 : vector<128x128xf32>
    %swap3A_1676 = arith.constant 11136 : index
    %swap3A_1677 = arith.constant 0 : index
    %swap3A_1678 = vector.load %arg4[%swap3A_1676, %swap3A_1677] : memref<32768x128xf32, #tpu.memory_space<vmem>>, vector<128x128xf32>
    tpu.vector_store %arg4[%swap3A_1676, %swap3A_1677], %exp3A_1675 {strides = array<i32>} : memref<32768x128xf32, #tpu.memory_space<vmem>>, vector<128x128xf32>,
    %slice3A_1679 = vector.extract_strided_slice %transpose3A {offsets = [0, 88], sizes = [128, 1], strides = [1, 1]} : vector<128x256xf32> to vector<128x1xf32>
    %get3A_1680 = arith.constant 0 : index
    %get3A_1681 = arith.constant 0 : index
    %get3A_1682 = vector.load %arg2[%get3A_1680, %get3A_1681] : memref<1x128xf32, #tpu.memory_space<vmem>>, vector<1x128xf32>
    %sub3A_1683 = vector.broadcast %slice3A_1679 : vector<128x1xf32> to vector<128x128xf32>
    %sub3A_1684 = vector.broadcast %get3A_1682 : vector<1x128xf32> to vector<128x128xf32>
    %sub3A_1685 = arith.subf %sub3A_1683, %sub3A_1684 : vector<128x128xf32>
    %mul3A_1686 = vector.broadcast %div3A_5 : vector<1x128xf32> to vector<128x128xf32>
    %mul3A_1687 = arith.mulf %sub3A_1685, %mul3A_1686 : vector<128x128xf32>
    %mul3A_1688 = arith.mulf %mul3A_1687, %mul3A_1687 : vector<128x128xf32>
    %mul3A_1689 = arith.constant 5.000000e-01 : f32
    %mul3A_1690 = vector.broadcast %mul3A_1689 : f32 to vector<128x128xf32>
    %mul3A_1691 = arith.mulf %mul3A_1690, %mul3A_1688 : vector<128x128xf32>
    %sub3A_1692 = vector.broadcast %log3A : vector<1x128xf32> to vector<128x128xf32>
    %sub3A_1693 = arith.subf %sub3A_1692, %mul3A_1691 : vector<128x128xf32>
    %exp3A_1694 = math.exp %sub3A_1693 : vector<128x128xf32>
    %swap3A_1695 = arith.constant 11264 : index
    %swap3A_1696 = arith.constant 0 : index
    %swap3A_1697 = vector.load %arg4[%swap3A_1695, %swap3A_1696] : memref<32768x128xf32, #tpu.memory_space<vmem>>, vector<128x128xf32>
    tpu.vector_store %arg4[%swap3A_1695, %swap3A_1696], %exp3A_1694 {strides = array<i32>} : memref<32768x128xf32, #tpu.memory_space<vmem>>, vector<128x128xf32>,
    %slice3A_1698 = vector.extract_strided_slice %transpose3A {offsets = [0, 89], sizes = [128, 1], strides = [1, 1]} : vector<128x256xf32> to vector<128x1xf32>
    %get3A_1699 = arith.constant 0 : index
    %get3A_1700 = arith.constant 0 : index
    %get3A_1701 = vector.load %arg2[%get3A_1699, %get3A_1700] : memref<1x128xf32, #tpu.memory_space<vmem>>, vector<1x128xf32>
    %sub3A_1702 = vector.broadcast %slice3A_1698 : vector<128x1xf32> to vector<128x128xf32>
    %sub3A_1703 = vector.broadcast %get3A_1701 : vector<1x128xf32> to vector<128x128xf32>
    %sub3A_1704 = arith.subf %sub3A_1702, %sub3A_1703 : vector<128x128xf32>
    %mul3A_1705 = vector.broadcast %div3A_5 : vector<1x128xf32> to vector<128x128xf32>
    %mul3A_1706 = arith.mulf %sub3A_1704, %mul3A_1705 : vector<128x128xf32>
    %mul3A_1707 = arith.mulf %mul3A_1706, %mul3A_1706 : vector<128x128xf32>
    %mul3A_1708 = arith.constant 5.000000e-01 : f32
    %mul3A_1709 = vector.broadcast %mul3A_1708 : f32 to vector<128x128xf32>
    %mul3A_1710 = arith.mulf %mul3A_1709, %mul3A_1707 : vector<128x128xf32>
    %sub3A_1711 = vector.broadcast %log3A : vector<1x128xf32> to vector<128x128xf32>
    %sub3A_1712 = arith.subf %sub3A_1711, %mul3A_1710 : vector<128x128xf32>
    %exp3A_1713 = math.exp %sub3A_1712 : vector<128x128xf32>
    %swap3A_1714 = arith.constant 11392 : index
    %swap3A_1715 = arith.constant 0 : index
    %swap3A_1716 = vector.load %arg4[%swap3A_1714, %swap3A_1715] : memref<32768x128xf32, #tpu.memory_space<vmem>>, vector<128x128xf32>
    tpu.vector_store %arg4[%swap3A_1714, %swap3A_1715], %exp3A_1713 {strides = array<i32>} : memref<32768x128xf32, #tpu.memory_space<vmem>>, vector<128x128xf32>,
    %slice3A_1717 = vector.extract_strided_slice %transpose3A {offsets = [0, 90], sizes = [128, 1], strides = [1, 1]} : vector<128x256xf32> to vector<128x1xf32>
    %get3A_1718 = arith.constant 0 : index
    %get3A_1719 = arith.constant 0 : index
    %get3A_1720 = vector.load %arg2[%get3A_1718, %get3A_1719] : memref<1x128xf32, #tpu.memory_space<vmem>>, vector<1x128xf32>
    %sub3A_1721 = vector.broadcast %slice3A_1717 : vector<128x1xf32> to vector<128x128xf32>
    %sub3A_1722 = vector.broadcast %get3A_1720 : vector<1x128xf32> to vector<128x128xf32>
    %sub3A_1723 = arith.subf %sub3A_1721, %sub3A_1722 : vector<128x128xf32>
    %mul3A_1724 = vector.broadcast %div3A_5 : vector<1x128xf32> to vector<128x128xf32>
    %mul3A_1725 = arith.mulf %sub3A_1723, %mul3A_1724 : vector<128x128xf32>
    %mul3A_1726 = arith.mulf %mul3A_1725, %mul3A_1725 : vector<128x128xf32>
    %mul3A_1727 = arith.constant 5.000000e-01 : f32
    %mul3A_1728 = vector.broadcast %mul3A_1727 : f32 to vector<128x128xf32>
    %mul3A_1729 = arith.mulf %mul3A_1728, %mul3A_1726 : vector<128x128xf32>
    %sub3A_1730 = vector.broadcast %log3A : vector<1x128xf32> to vector<128x128xf32>
    %sub3A_1731 = arith.subf %sub3A_1730, %mul3A_1729 : vector<128x128xf32>
    %exp3A_1732 = math.exp %sub3A_1731 : vector<128x128xf32>
    %swap3A_1733 = arith.constant 11520 : index
    %swap3A_1734 = arith.constant 0 : index
    %swap3A_1735 = vector.load %arg4[%swap3A_1733, %swap3A_1734] : memref<32768x128xf32, #tpu.memory_space<vmem>>, vector<128x128xf32>
    tpu.vector_store %arg4[%swap3A_1733, %swap3A_1734], %exp3A_1732 {strides = array<i32>} : memref<32768x128xf32, #tpu.memory_space<vmem>>, vector<128x128xf32>,
    %slice3A_1736 = vector.extract_strided_slice %transpose3A {offsets = [0, 91], sizes = [128, 1], strides = [1, 1]} : vector<128x256xf32> to vector<128x1xf32>
    %get3A_1737 = arith.constant 0 : index
    %get3A_1738 = arith.constant 0 : index
    %get3A_1739 = vector.load %arg2[%get3A_1737, %get3A_1738] : memref<1x128xf32, #tpu.memory_space<vmem>>, vector<1x128xf32>
    %sub3A_1740 = vector.broadcast %slice3A_1736 : vector<128x1xf32> to vector<128x128xf32>
    %sub3A_1741 = vector.broadcast %get3A_1739 : vector<1x128xf32> to vector<128x128xf32>
    %sub3A_1742 = arith.subf %sub3A_1740, %sub3A_1741 : vector<128x128xf32>
    %mul3A_1743 = vector.broadcast %div3A_5 : vector<1x128xf32> to vector<128x128xf32>
    %mul3A_1744 = arith.mulf %sub3A_1742, %mul3A_1743 : vector<128x128xf32>
    %mul3A_1745 = arith.mulf %mul3A_1744, %mul3A_1744 : vector<128x128xf32>
    %mul3A_1746 = arith.constant 5.000000e-01 : f32
    %mul3A_1747 = vector.broadcast %mul3A_1746 : f32 to vector<128x128xf32>
    %mul3A_1748 = arith.mulf %mul3A_1747, %mul3A_1745 : vector<128x128xf32>
    %sub3A_1749 = vector.broadcast %log3A : vector<1x128xf32> to vector<128x128xf32>
    %sub3A_1750 = arith.subf %sub3A_1749, %mul3A_1748 : vector<128x128xf32>
    %exp3A_1751 = math.exp %sub3A_1750 : vector<128x128xf32>
    %swap3A_1752 = arith.constant 11648 : index
    %swap3A_1753 = arith.constant 0 : index
    %swap3A_1754 = vector.load %arg4[%swap3A_1752, %swap3A_1753] : memref<32768x128xf32, #tpu.memory_space<vmem>>, vector<128x128xf32>
    tpu.vector_store %arg4[%swap3A_1752, %swap3A_1753], %exp3A_1751 {strides = array<i32>} : memref<32768x128xf32, #tpu.memory_space<vmem>>, vector<128x128xf32>,
    %slice3A_1755 = vector.extract_strided_slice %transpose3A {offsets = [0, 92], sizes = [128, 1], strides = [1, 1]} : vector<128x256xf32> to vector<128x1xf32>
    %get3A_1756 = arith.constant 0 : index
    %get3A_1757 = arith.constant 0 : index
    %get3A_1758 = vector.load %arg2[%get3A_1756, %get3A_1757] : memref<1x128xf32, #tpu.memory_space<vmem>>, vector<1x128xf32>
    %sub3A_1759 = vector.broadcast %slice3A_1755 : vector<128x1xf32> to vector<128x128xf32>
    %sub3A_1760 = vector.broadcast %get3A_1758 : vector<1x128xf32> to vector<128x128xf32>
    %sub3A_1761 = arith.subf %sub3A_1759, %sub3A_1760 : vector<128x128xf32>
    %mul3A_1762 = vector.broadcast %div3A_5 : vector<1x128xf32> to vector<128x128xf32>
    %mul3A_1763 = arith.mulf %sub3A_1761, %mul3A_1762 : vector<128x128xf32>
    %mul3A_1764 = arith.mulf %mul3A_1763, %mul3A_1763 : vector<128x128xf32>
    %mul3A_1765 = arith.constant 5.000000e-01 : f32
    %mul3A_1766 = vector.broadcast %mul3A_1765 : f32 to vector<128x128xf32>
    %mul3A_1767 = arith.mulf %mul3A_1766, %mul3A_1764 : vector<128x128xf32>
    %sub3A_1768 = vector.broadcast %log3A : vector<1x128xf32> to vector<128x128xf32>
    %sub3A_1769 = arith.subf %sub3A_1768, %mul3A_1767 : vector<128x128xf32>
    %exp3A_1770 = math.exp %sub3A_1769 : vector<128x128xf32>
    %swap3A_1771 = arith.constant 11776 : index
    %swap3A_1772 = arith.constant 0 : index
    %swap3A_1773 = vector.load %arg4[%swap3A_1771, %swap3A_1772] : memref<32768x128xf32, #tpu.memory_space<vmem>>, vector<128x128xf32>
    tpu.vector_store %arg4[%swap3A_1771, %swap3A_1772], %exp3A_1770 {strides = array<i32>} : memref<32768x128xf32, #tpu.memory_space<vmem>>, vector<128x128xf32>,
    %slice3A_1774 = vector.extract_strided_slice %transpose3A {offsets = [0, 93], sizes = [128, 1], strides = [1, 1]} : vector<128x256xf32> to vector<128x1xf32>
    %get3A_1775 = arith.constant 0 : index
    %get3A_1776 = arith.constant 0 : index
    %get3A_1777 = vector.load %arg2[%get3A_1775, %get3A_1776] : memref<1x128xf32, #tpu.memory_space<vmem>>, vector<1x128xf32>
    %sub3A_1778 = vector.broadcast %slice3A_1774 : vector<128x1xf32> to vector<128x128xf32>
    %sub3A_1779 = vector.broadcast %get3A_1777 : vector<1x128xf32> to vector<128x128xf32>
    %sub3A_1780 = arith.subf %sub3A_1778, %sub3A_1779 : vector<128x128xf32>
    %mul3A_1781 = vector.broadcast %div3A_5 : vector<1x128xf32> to vector<128x128xf32>
    %mul3A_1782 = arith.mulf %sub3A_1780, %mul3A_1781 : vector<128x128xf32>
    %mul3A_1783 = arith.mulf %mul3A_1782, %mul3A_1782 : vector<128x128xf32>
    %mul3A_1784 = arith.constant 5.000000e-01 : f32
    %mul3A_1785 = vector.broadcast %mul3A_1784 : f32 to vector<128x128xf32>
    %mul3A_1786 = arith.mulf %mul3A_1785, %mul3A_1783 : vector<128x128xf32>
    %sub3A_1787 = vector.broadcast %log3A : vector<1x128xf32> to vector<128x128xf32>
    %sub3A_1788 = arith.subf %sub3A_1787, %mul3A_1786 : vector<128x128xf32>
    %exp3A_1789 = math.exp %sub3A_1788 : vector<128x128xf32>
    %swap3A_1790 = arith.constant 11904 : index
    %swap3A_1791 = arith.constant 0 : index
    %swap3A_1792 = vector.load %arg4[%swap3A_1790, %swap3A_1791] : memref<32768x128xf32, #tpu.memory_space<vmem>>, vector<128x128xf32>
    tpu.vector_store %arg4[%swap3A_1790, %swap3A_1791], %exp3A_1789 {strides = array<i32>} : memref<32768x128xf32, #tpu.memory_space<vmem>>, vector<128x128xf32>,
    %slice3A_1793 = vector.extract_strided_slice %transpose3A {offsets = [0, 94], sizes = [128, 1], strides = [1, 1]} : vector<128x256xf32> to vector<128x1xf32>
    %get3A_1794 = arith.constant 0 : index
    %get3A_1795 = arith.constant 0 : index
    %get3A_1796 = vector.load %arg2[%get3A_1794, %get3A_1795] : memref<1x128xf32, #tpu.memory_space<vmem>>, vector<1x128xf32>
    %sub3A_1797 = vector.broadcast %slice3A_1793 : vector<128x1xf32> to vector<128x128xf32>
    %sub3A_1798 = vector.broadcast %get3A_1796 : vector<1x128xf32> to vector<128x128xf32>
    %sub3A_1799 = arith.subf %sub3A_1797, %sub3A_1798 : vector<128x128xf32>
    %mul3A_1800 = vector.broadcast %div3A_5 : vector<1x128xf32> to vector<128x128xf32>
    %mul3A_1801 = arith.mulf %sub3A_1799, %mul3A_1800 : vector<128x128xf32>
    %mul3A_1802 = arith.mulf %mul3A_1801, %mul3A_1801 : vector<128x128xf32>
    %mul3A_1803 = arith.constant 5.000000e-01 : f32
    %mul3A_1804 = vector.broadcast %mul3A_1803 : f32 to vector<128x128xf32>
    %mul3A_1805 = arith.mulf %mul3A_1804, %mul3A_1802 : vector<128x128xf32>
    %sub3A_1806 = vector.broadcast %log3A : vector<1x128xf32> to vector<128x128xf32>
    %sub3A_1807 = arith.subf %sub3A_1806, %mul3A_1805 : vector<128x128xf32>
    %exp3A_1808 = math.exp %sub3A_1807 : vector<128x128xf32>
    %swap3A_1809 = arith.constant 12032 : index
    %swap3A_1810 = arith.constant 0 : index
    %swap3A_1811 = vector.load %arg4[%swap3A_1809, %swap3A_1810] : memref<32768x128xf32, #tpu.memory_space<vmem>>, vector<128x128xf32>
    tpu.vector_store %arg4[%swap3A_1809, %swap3A_1810], %exp3A_1808 {strides = array<i32>} : memref<32768x128xf32, #tpu.memory_space<vmem>>, vector<128x128xf32>,
    %slice3A_1812 = vector.extract_strided_slice %transpose3A {offsets = [0, 95], sizes = [128, 1], strides = [1, 1]} : vector<128x256xf32> to vector<128x1xf32>
    %get3A_1813 = arith.constant 0 : index
    %get3A_1814 = arith.constant 0 : index
    %get3A_1815 = vector.load %arg2[%get3A_1813, %get3A_1814] : memref<1x128xf32, #tpu.memory_space<vmem>>, vector<1x128xf32>
    %sub3A_1816 = vector.broadcast %slice3A_1812 : vector<128x1xf32> to vector<128x128xf32>
    %sub3A_1817 = vector.broadcast %get3A_1815 : vector<1x128xf32> to vector<128x128xf32>
    %sub3A_1818 = arith.subf %sub3A_1816, %sub3A_1817 : vector<128x128xf32>
    %mul3A_1819 = vector.broadcast %div3A_5 : vector<1x128xf32> to vector<128x128xf32>
    %mul3A_1820 = arith.mulf %sub3A_1818, %mul3A_1819 : vector<128x128xf32>
    %mul3A_1821 = arith.mulf %mul3A_1820, %mul3A_1820 : vector<128x128xf32>
    %mul3A_1822 = arith.constant 5.000000e-01 : f32
    %mul3A_1823 = vector.broadcast %mul3A_1822 : f32 to vector<128x128xf32>
    %mul3A_1824 = arith.mulf %mul3A_1823, %mul3A_1821 : vector<128x128xf32>
    %sub3A_1825 = vector.broadcast %log3A : vector<1x128xf32> to vector<128x128xf32>
    %sub3A_1826 = arith.subf %sub3A_1825, %mul3A_1824 : vector<128x128xf32>
    %exp3A_1827 = math.exp %sub3A_1826 : vector<128x128xf32>
    %swap3A_1828 = arith.constant 12160 : index
    %swap3A_1829 = arith.constant 0 : index
    %swap3A_1830 = vector.load %arg4[%swap3A_1828, %swap3A_1829] : memref<32768x128xf32, #tpu.memory_space<vmem>>, vector<128x128xf32>
    tpu.vector_store %arg4[%swap3A_1828, %swap3A_1829], %exp3A_1827 {strides = array<i32>} : memref<32768x128xf32, #tpu.memory_space<vmem>>, vector<128x128xf32>,
    %slice3A_1831 = vector.extract_strided_slice %transpose3A {offsets = [0, 96], sizes = [128, 1], strides = [1, 1]} : vector<128x256xf32> to vector<128x1xf32>
    %get3A_1832 = arith.constant 0 : index
    %get3A_1833 = arith.constant 0 : index
    %get3A_1834 = vector.load %arg2[%get3A_1832, %get3A_1833] : memref<1x128xf32, #tpu.memory_space<vmem>>, vector<1x128xf32>
    %sub3A_1835 = vector.broadcast %slice3A_1831 : vector<128x1xf32> to vector<128x128xf32>
    %sub3A_1836 = vector.broadcast %get3A_1834 : vector<1x128xf32> to vector<128x128xf32>
    %sub3A_1837 = arith.subf %sub3A_1835, %sub3A_1836 : vector<128x128xf32>
    %mul3A_1838 = vector.broadcast %div3A_5 : vector<1x128xf32> to vector<128x128xf32>
    %mul3A_1839 = arith.mulf %sub3A_1837, %mul3A_1838 : vector<128x128xf32>
    %mul3A_1840 = arith.mulf %mul3A_1839, %mul3A_1839 : vector<128x128xf32>
    %mul3A_1841 = arith.constant 5.000000e-01 : f32
    %mul3A_1842 = vector.broadcast %mul3A_1841 : f32 to vector<128x128xf32>
    %mul3A_1843 = arith.mulf %mul3A_1842, %mul3A_1840 : vector<128x128xf32>
    %sub3A_1844 = vector.broadcast %log3A : vector<1x128xf32> to vector<128x128xf32>
    %sub3A_1845 = arith.subf %sub3A_1844, %mul3A_1843 : vector<128x128xf32>
    %exp3A_1846 = math.exp %sub3A_1845 : vector<128x128xf32>
    %swap3A_1847 = arith.constant 12288 : index
    %swap3A_1848 = arith.constant 0 : index
    %swap3A_1849 = vector.load %arg4[%swap3A_1847, %swap3A_1848] : memref<32768x128xf32, #tpu.memory_space<vmem>>, vector<128x128xf32>
    tpu.vector_store %arg4[%swap3A_1847, %swap3A_1848], %exp3A_1846 {strides = array<i32>} : memref<32768x128xf32, #tpu.memory_space<vmem>>, vector<128x128xf32>,
    %slice3A_1850 = vector.extract_strided_slice %transpose3A {offsets = [0, 97], sizes = [128, 1], strides = [1, 1]} : vector<128x256xf32> to vector<128x1xf32>
    %get3A_1851 = arith.constant 0 : index
    %get3A_1852 = arith.constant 0 : index
    %get3A_1853 = vector.load %arg2[%get3A_1851, %get3A_1852] : memref<1x128xf32, #tpu.memory_space<vmem>>, vector<1x128xf32>
    %sub3A_1854 = vector.broadcast %slice3A_1850 : vector<128x1xf32> to vector<128x128xf32>
    %sub3A_1855 = vector.broadcast %get3A_1853 : vector<1x128xf32> to vector<128x128xf32>
    %sub3A_1856 = arith.subf %sub3A_1854, %sub3A_1855 : vector<128x128xf32>
    %mul3A_1857 = vector.broadcast %div3A_5 : vector<1x128xf32> to vector<128x128xf32>
    %mul3A_1858 = arith.mulf %sub3A_1856, %mul3A_1857 : vector<128x128xf32>
    %mul3A_1859 = arith.mulf %mul3A_1858, %mul3A_1858 : vector<128x128xf32>
    %mul3A_1860 = arith.constant 5.000000e-01 : f32
    %mul3A_1861 = vector.broadcast %mul3A_1860 : f32 to vector<128x128xf32>
    %mul3A_1862 = arith.mulf %mul3A_1861, %mul3A_1859 : vector<128x128xf32>
    %sub3A_1863 = vector.broadcast %log3A : vector<1x128xf32> to vector<128x128xf32>
    %sub3A_1864 = arith.subf %sub3A_1863, %mul3A_1862 : vector<128x128xf32>
    %exp3A_1865 = math.exp %sub3A_1864 : vector<128x128xf32>
    %swap3A_1866 = arith.constant 12416 : index
    %swap3A_1867 = arith.constant 0 : index
    %swap3A_1868 = vector.load %arg4[%swap3A_1866, %swap3A_1867] : memref<32768x128xf32, #tpu.memory_space<vmem>>, vector<128x128xf32>
    tpu.vector_store %arg4[%swap3A_1866, %swap3A_1867], %exp3A_1865 {strides = array<i32>} : memref<32768x128xf32, #tpu.memory_space<vmem>>, vector<128x128xf32>,
    %slice3A_1869 = vector.extract_strided_slice %transpose3A {offsets = [0, 98], sizes = [128, 1], strides = [1, 1]} : vector<128x256xf32> to vector<128x1xf32>
    %get3A_1870 = arith.constant 0 : index
    %get3A_1871 = arith.constant 0 : index
    %get3A_1872 = vector.load %arg2[%get3A_1870, %get3A_1871] : memref<1x128xf32, #tpu.memory_space<vmem>>, vector<1x128xf32>
    %sub3A_1873 = vector.broadcast %slice3A_1869 : vector<128x1xf32> to vector<128x128xf32>
    %sub3A_1874 = vector.broadcast %get3A_1872 : vector<1x128xf32> to vector<128x128xf32>
    %sub3A_1875 = arith.subf %sub3A_1873, %sub3A_1874 : vector<128x128xf32>
    %mul3A_1876 = vector.broadcast %div3A_5 : vector<1x128xf32> to vector<128x128xf32>
    %mul3A_1877 = arith.mulf %sub3A_1875, %mul3A_1876 : vector<128x128xf32>
    %mul3A_1878 = arith.mulf %mul3A_1877, %mul3A_1877 : vector<128x128xf32>
    %mul3A_1879 = arith.constant 5.000000e-01 : f32
    %mul3A_1880 = vector.broadcast %mul3A_1879 : f32 to vector<128x128xf32>
    %mul3A_1881 = arith.mulf %mul3A_1880, %mul3A_1878 : vector<128x128xf32>
    %sub3A_1882 = vector.broadcast %log3A : vector<1x128xf32> to vector<128x128xf32>
    %sub3A_1883 = arith.subf %sub3A_1882, %mul3A_1881 : vector<128x128xf32>
    %exp3A_1884 = math.exp %sub3A_1883 : vector<128x128xf32>
    %swap3A_1885 = arith.constant 12544 : index
    %swap3A_1886 = arith.constant 0 : index
    %swap3A_1887 = vector.load %arg4[%swap3A_1885, %swap3A_1886] : memref<32768x128xf32, #tpu.memory_space<vmem>>, vector<128x128xf32>
    tpu.vector_store %arg4[%swap3A_1885, %swap3A_1886], %exp3A_1884 {strides = array<i32>} : memref<32768x128xf32, #tpu.memory_space<vmem>>, vector<128x128xf32>,
    %slice3A_1888 = vector.extract_strided_slice %transpose3A {offsets = [0, 99], sizes = [128, 1], strides = [1, 1]} : vector<128x256xf32> to vector<128x1xf32>
    %get3A_1889 = arith.constant 0 : index
    %get3A_1890 = arith.constant 0 : index
    %get3A_1891 = vector.load %arg2[%get3A_1889, %get3A_1890] : memref<1x128xf32, #tpu.memory_space<vmem>>, vector<1x128xf32>
    %sub3A_1892 = vector.broadcast %slice3A_1888 : vector<128x1xf32> to vector<128x128xf32>
    %sub3A_1893 = vector.broadcast %get3A_1891 : vector<1x128xf32> to vector<128x128xf32>
    %sub3A_1894 = arith.subf %sub3A_1892, %sub3A_1893 : vector<128x128xf32>
    %mul3A_1895 = vector.broadcast %div3A_5 : vector<1x128xf32> to vector<128x128xf32>
    %mul3A_1896 = arith.mulf %sub3A_1894, %mul3A_1895 : vector<128x128xf32>
    %mul3A_1897 = arith.mulf %mul3A_1896, %mul3A_1896 : vector<128x128xf32>
    %mul3A_1898 = arith.constant 5.000000e-01 : f32
    %mul3A_1899 = vector.broadcast %mul3A_1898 : f32 to vector<128x128xf32>
    %mul3A_1900 = arith.mulf %mul3A_1899, %mul3A_1897 : vector<128x128xf32>
    %sub3A_1901 = vector.broadcast %log3A : vector<1x128xf32> to vector<128x128xf32>
    %sub3A_1902 = arith.subf %sub3A_1901, %mul3A_1900 : vector<128x128xf32>
    %exp3A_1903 = math.exp %sub3A_1902 : vector<128x128xf32>
    %swap3A_1904 = arith.constant 12672 : index
    %swap3A_1905 = arith.constant 0 : index
    %swap3A_1906 = vector.load %arg4[%swap3A_1904, %swap3A_1905] : memref<32768x128xf32, #tpu.memory_space<vmem>>, vector<128x128xf32>
    tpu.vector_store %arg4[%swap3A_1904, %swap3A_1905], %exp3A_1903 {strides = array<i32>} : memref<32768x128xf32, #tpu.memory_space<vmem>>, vector<128x128xf32>,
    %slice3A_1907 = vector.extract_strided_slice %transpose3A {offsets = [0, 100], sizes = [128, 1], strides = [1, 1]} : vector<128x256xf32> to vector<128x1xf32>
    %get3A_1908 = arith.constant 0 : index
    %get3A_1909 = arith.constant 0 : index
    %get3A_1910 = vector.load %arg2[%get3A_1908, %get3A_1909] : memref<1x128xf32, #tpu.memory_space<vmem>>, vector<1x128xf32>
    %sub3A_1911 = vector.broadcast %slice3A_1907 : vector<128x1xf32> to vector<128x128xf32>
    %sub3A_1912 = vector.broadcast %get3A_1910 : vector<1x128xf32> to vector<128x128xf32>
    %sub3A_1913 = arith.subf %sub3A_1911, %sub3A_1912 : vector<128x128xf32>
    %mul3A_1914 = vector.broadcast %div3A_5 : vector<1x128xf32> to vector<128x128xf32>
    %mul3A_1915 = arith.mulf %sub3A_1913, %mul3A_1914 : vector<128x128xf32>
    %mul3A_1916 = arith.mulf %mul3A_1915, %mul3A_1915 : vector<128x128xf32>
    %mul3A_1917 = arith.constant 5.000000e-01 : f32
    %mul3A_1918 = vector.broadcast %mul3A_1917 : f32 to vector<128x128xf32>
    %mul3A_1919 = arith.mulf %mul3A_1918, %mul3A_1916 : vector<128x128xf32>
    %sub3A_1920 = vector.broadcast %log3A : vector<1x128xf32> to vector<128x128xf32>
    %sub3A_1921 = arith.subf %sub3A_1920, %mul3A_1919 : vector<128x128xf32>
    %exp3A_1922 = math.exp %sub3A_1921 : vector<128x128xf32>
    %swap3A_1923 = arith.constant 12800 : index
    %swap3A_1924 = arith.constant 0 : index
    %swap3A_1925 = vector.load %arg4[%swap3A_1923, %swap3A_1924] : memref<32768x128xf32, #tpu.memory_space<vmem>>, vector<128x128xf32>
    tpu.vector_store %arg4[%swap3A_1923, %swap3A_1924], %exp3A_1922 {strides = array<i32>} : memref<32768x128xf32, #tpu.memory_space<vmem>>, vector<128x128xf32>,
    %slice3A_1926 = vector.extract_strided_slice %transpose3A {offsets = [0, 101], sizes = [128, 1], strides = [1, 1]} : vector<128x256xf32> to vector<128x1xf32>
    %get3A_1927 = arith.constant 0 : index
    %get3A_1928 = arith.constant 0 : index
    %get3A_1929 = vector.load %arg2[%get3A_1927, %get3A_1928] : memref<1x128xf32, #tpu.memory_space<vmem>>, vector<1x128xf32>
    %sub3A_1930 = vector.broadcast %slice3A_1926 : vector<128x1xf32> to vector<128x128xf32>
    %sub3A_1931 = vector.broadcast %get3A_1929 : vector<1x128xf32> to vector<128x128xf32>
    %sub3A_1932 = arith.subf %sub3A_1930, %sub3A_1931 : vector<128x128xf32>
    %mul3A_1933 = vector.broadcast %div3A_5 : vector<1x128xf32> to vector<128x128xf32>
    %mul3A_1934 = arith.mulf %sub3A_1932, %mul3A_1933 : vector<128x128xf32>
    %mul3A_1935 = arith.mulf %mul3A_1934, %mul3A_1934 : vector<128x128xf32>
    %mul3A_1936 = arith.constant 5.000000e-01 : f32
    %mul3A_1937 = vector.broadcast %mul3A_1936 : f32 to vector<128x128xf32>
    %mul3A_1938 = arith.mulf %mul3A_1937, %mul3A_1935 : vector<128x128xf32>
    %sub3A_1939 = vector.broadcast %log3A : vector<1x128xf32> to vector<128x128xf32>
    %sub3A_1940 = arith.subf %sub3A_1939, %mul3A_1938 : vector<128x128xf32>
    %exp3A_1941 = math.exp %sub3A_1940 : vector<128x128xf32>
    %swap3A_1942 = arith.constant 12928 : index
    %swap3A_1943 = arith.constant 0 : index
    %swap3A_1944 = vector.load %arg4[%swap3A_1942, %swap3A_1943] : memref<32768x128xf32, #tpu.memory_space<vmem>>, vector<128x128xf32>
    tpu.vector_store %arg4[%swap3A_1942, %swap3A_1943], %exp3A_1941 {strides = array<i32>} : memref<32768x128xf32, #tpu.memory_space<vmem>>, vector<128x128xf32>,
    %slice3A_1945 = vector.extract_strided_slice %transpose3A {offsets = [0, 102], sizes = [128, 1], strides = [1, 1]} : vector<128x256xf32> to vector<128x1xf32>
    %get3A_1946 = arith.constant 0 : index
    %get3A_1947 = arith.constant 0 : index
    %get3A_1948 = vector.load %arg2[%get3A_1946, %get3A_1947] : memref<1x128xf32, #tpu.memory_space<vmem>>, vector<1x128xf32>
    %sub3A_1949 = vector.broadcast %slice3A_1945 : vector<128x1xf32> to vector<128x128xf32>
    %sub3A_1950 = vector.broadcast %get3A_1948 : vector<1x128xf32> to vector<128x128xf32>
    %sub3A_1951 = arith.subf %sub3A_1949, %sub3A_1950 : vector<128x128xf32>
    %mul3A_1952 = vector.broadcast %div3A_5 : vector<1x128xf32> to vector<128x128xf32>
    %mul3A_1953 = arith.mulf %sub3A_1951, %mul3A_1952 : vector<128x128xf32>
    %mul3A_1954 = arith.mulf %mul3A_1953, %mul3A_1953 : vector<128x128xf32>
    %mul3A_1955 = arith.constant 5.000000e-01 : f32
    %mul3A_1956 = vector.broadcast %mul3A_1955 : f32 to vector<128x128xf32>
    %mul3A_1957 = arith.mulf %mul3A_1956, %mul3A_1954 : vector<128x128xf32>
    %sub3A_1958 = vector.broadcast %log3A : vector<1x128xf32> to vector<128x128xf32>
    %sub3A_1959 = arith.subf %sub3A_1958, %mul3A_1957 : vector<128x128xf32>
    %exp3A_1960 = math.exp %sub3A_1959 : vector<128x128xf32>
    %swap3A_1961 = arith.constant 13056 : index
    %swap3A_1962 = arith.constant 0 : index
    %swap3A_1963 = vector.load %arg4[%swap3A_1961, %swap3A_1962] : memref<32768x128xf32, #tpu.memory_space<vmem>>, vector<128x128xf32>
    tpu.vector_store %arg4[%swap3A_1961, %swap3A_1962], %exp3A_1960 {strides = array<i32>} : memref<32768x128xf32, #tpu.memory_space<vmem>>, vector<128x128xf32>,
    %slice3A_1964 = vector.extract_strided_slice %transpose3A {offsets = [0, 103], sizes = [128, 1], strides = [1, 1]} : vector<128x256xf32> to vector<128x1xf32>
    %get3A_1965 = arith.constant 0 : index
    %get3A_1966 = arith.constant 0 : index
    %get3A_1967 = vector.load %arg2[%get3A_1965, %get3A_1966] : memref<1x128xf32, #tpu.memory_space<vmem>>, vector<1x128xf32>
    %sub3A_1968 = vector.broadcast %slice3A_1964 : vector<128x1xf32> to vector<128x128xf32>
    %sub3A_1969 = vector.broadcast %get3A_1967 : vector<1x128xf32> to vector<128x128xf32>
    %sub3A_1970 = arith.subf %sub3A_1968, %sub3A_1969 : vector<128x128xf32>
    %mul3A_1971 = vector.broadcast %div3A_5 : vector<1x128xf32> to vector<128x128xf32>
    %mul3A_1972 = arith.mulf %sub3A_1970, %mul3A_1971 : vector<128x128xf32>
    %mul3A_1973 = arith.mulf %mul3A_1972, %mul3A_1972 : vector<128x128xf32>
    %mul3A_1974 = arith.constant 5.000000e-01 : f32
    %mul3A_1975 = vector.broadcast %mul3A_1974 : f32 to vector<128x128xf32>
    %mul3A_1976 = arith.mulf %mul3A_1975, %mul3A_1973 : vector<128x128xf32>
    %sub3A_1977 = vector.broadcast %log3A : vector<1x128xf32> to vector<128x128xf32>
    %sub3A_1978 = arith.subf %sub3A_1977, %mul3A_1976 : vector<128x128xf32>
    %exp3A_1979 = math.exp %sub3A_1978 : vector<128x128xf32>
    %swap3A_1980 = arith.constant 13184 : index
    %swap3A_1981 = arith.constant 0 : index
    %swap3A_1982 = vector.load %arg4[%swap3A_1980, %swap3A_1981] : memref<32768x128xf32, #tpu.memory_space<vmem>>, vector<128x128xf32>
    tpu.vector_store %arg4[%swap3A_1980, %swap3A_1981], %exp3A_1979 {strides = array<i32>} : memref<32768x128xf32, #tpu.memory_space<vmem>>, vector<128x128xf32>,
    %slice3A_1983 = vector.extract_strided_slice %transpose3A {offsets = [0, 104], sizes = [128, 1], strides = [1, 1]} : vector<128x256xf32> to vector<128x1xf32>
    %get3A_1984 = arith.constant 0 : index
    %get3A_1985 = arith.constant 0 : index
    %get3A_1986 = vector.load %arg2[%get3A_1984, %get3A_1985] : memref<1x128xf32, #tpu.memory_space<vmem>>, vector<1x128xf32>
    %sub3A_1987 = vector.broadcast %slice3A_1983 : vector<128x1xf32> to vector<128x128xf32>
    %sub3A_1988 = vector.broadcast %get3A_1986 : vector<1x128xf32> to vector<128x128xf32>
    %sub3A_1989 = arith.subf %sub3A_1987, %sub3A_1988 : vector<128x128xf32>
    %mul3A_1990 = vector.broadcast %div3A_5 : vector<1x128xf32> to vector<128x128xf32>
    %mul3A_1991 = arith.mulf %sub3A_1989, %mul3A_1990 : vector<128x128xf32>
    %mul3A_1992 = arith.mulf %mul3A_1991, %mul3A_1991 : vector<128x128xf32>
    %mul3A_1993 = arith.constant 5.000000e-01 : f32
    %mul3A_1994 = vector.broadcast %mul3A_1993 : f32 to vector<128x128xf32>
    %mul3A_1995 = arith.mulf %mul3A_1994, %mul3A_1992 : vector<128x128xf32>
    %sub3A_1996 = vector.broadcast %log3A : vector<1x128xf32> to vector<128x128xf32>
    %sub3A_1997 = arith.subf %sub3A_1996, %mul3A_1995 : vector<128x128xf32>
    %exp3A_1998 = math.exp %sub3A_1997 : vector<128x128xf32>
    %swap3A_1999 = arith.constant 13312 : index
    %swap3A_2000 = arith.constant 0 : index
    %swap3A_2001 = vector.load %arg4[%swap3A_1999, %swap3A_2000] : memref<32768x128xf32, #tpu.memory_space<vmem>>, vector<128x128xf32>
    tpu.vector_store %arg4[%swap3A_1999, %swap3A_2000], %exp3A_1998 {strides = array<i32>} : memref<32768x128xf32, #tpu.memory_space<vmem>>, vector<128x128xf32>,
    %slice3A_2002 = vector.extract_strided_slice %transpose3A {offsets = [0, 105], sizes = [128, 1], strides = [1, 1]} : vector<128x256xf32> to vector<128x1xf32>
    %get3A_2003 = arith.constant 0 : index
    %get3A_2004 = arith.constant 0 : index
    %get3A_2005 = vector.load %arg2[%get3A_2003, %get3A_2004] : memref<1x128xf32, #tpu.memory_space<vmem>>, vector<1x128xf32>
    %sub3A_2006 = vector.broadcast %slice3A_2002 : vector<128x1xf32> to vector<128x128xf32>
    %sub3A_2007 = vector.broadcast %get3A_2005 : vector<1x128xf32> to vector<128x128xf32>
    %sub3A_2008 = arith.subf %sub3A_2006, %sub3A_2007 : vector<128x128xf32>
    %mul3A_2009 = vector.broadcast %div3A_5 : vector<1x128xf32> to vector<128x128xf32>
    %mul3A_2010 = arith.mulf %sub3A_2008, %mul3A_2009 : vector<128x128xf32>
    %mul3A_2011 = arith.mulf %mul3A_2010, %mul3A_2010 : vector<128x128xf32>
    %mul3A_2012 = arith.constant 5.000000e-01 : f32
    %mul3A_2013 = vector.broadcast %mul3A_2012 : f32 to vector<128x128xf32>
    %mul3A_2014 = arith.mulf %mul3A_2013, %mul3A_2011 : vector<128x128xf32>
    %sub3A_2015 = vector.broadcast %log3A : vector<1x128xf32> to vector<128x128xf32>
    %sub3A_2016 = arith.subf %sub3A_2015, %mul3A_2014 : vector<128x128xf32>
    %exp3A_2017 = math.exp %sub3A_2016 : vector<128x128xf32>
    %swap3A_2018 = arith.constant 13440 : index
    %swap3A_2019 = arith.constant 0 : index
    %swap3A_2020 = vector.load %arg4[%swap3A_2018, %swap3A_2019] : memref<32768x128xf32, #tpu.memory_space<vmem>>, vector<128x128xf32>
    tpu.vector_store %arg4[%swap3A_2018, %swap3A_2019], %exp3A_2017 {strides = array<i32>} : memref<32768x128xf32, #tpu.memory_space<vmem>>, vector<128x128xf32>,
    %slice3A_2021 = vector.extract_strided_slice %transpose3A {offsets = [0, 106], sizes = [128, 1], strides = [1, 1]} : vector<128x256xf32> to vector<128x1xf32>
    %get3A_2022 = arith.constant 0 : index
    %get3A_2023 = arith.constant 0 : index
    %get3A_2024 = vector.load %arg2[%get3A_2022, %get3A_2023] : memref<1x128xf32, #tpu.memory_space<vmem>>, vector<1x128xf32>
    %sub3A_2025 = vector.broadcast %slice3A_2021 : vector<128x1xf32> to vector<128x128xf32>
    %sub3A_2026 = vector.broadcast %get3A_2024 : vector<1x128xf32> to vector<128x128xf32>
    %sub3A_2027 = arith.subf %sub3A_2025, %sub3A_2026 : vector<128x128xf32>
    %mul3A_2028 = vector.broadcast %div3A_5 : vector<1x128xf32> to vector<128x128xf32>
    %mul3A_2029 = arith.mulf %sub3A_2027, %mul3A_2028 : vector<128x128xf32>
    %mul3A_2030 = arith.mulf %mul3A_2029, %mul3A_2029 : vector<128x128xf32>
    %mul3A_2031 = arith.constant 5.000000e-01 : f32
    %mul3A_2032 = vector.broadcast %mul3A_2031 : f32 to vector<128x128xf32>
    %mul3A_2033 = arith.mulf %mul3A_2032, %mul3A_2030 : vector<128x128xf32>
    %sub3A_2034 = vector.broadcast %log3A : vector<1x128xf32> to vector<128x128xf32>
    %sub3A_2035 = arith.subf %sub3A_2034, %mul3A_2033 : vector<128x128xf32>
    %exp3A_2036 = math.exp %sub3A_2035 : vector<128x128xf32>
    %swap3A_2037 = arith.constant 13568 : index
    %swap3A_2038 = arith.constant 0 : index
    %swap3A_2039 = vector.load %arg4[%swap3A_2037, %swap3A_2038] : memref<32768x128xf32, #tpu.memory_space<vmem>>, vector<128x128xf32>
    tpu.vector_store %arg4[%swap3A_2037, %swap3A_2038], %exp3A_2036 {strides = array<i32>} : memref<32768x128xf32, #tpu.memory_space<vmem>>, vector<128x128xf32>,
    %slice3A_2040 = vector.extract_strided_slice %transpose3A {offsets = [0, 107], sizes = [128, 1], strides = [1, 1]} : vector<128x256xf32> to vector<128x1xf32>
    %get3A_2041 = arith.constant 0 : index
    %get3A_2042 = arith.constant 0 : index
    %get3A_2043 = vector.load %arg2[%get3A_2041, %get3A_2042] : memref<1x128xf32, #tpu.memory_space<vmem>>, vector<1x128xf32>
    %sub3A_2044 = vector.broadcast %slice3A_2040 : vector<128x1xf32> to vector<128x128xf32>
    %sub3A_2045 = vector.broadcast %get3A_2043 : vector<1x128xf32> to vector<128x128xf32>
    %sub3A_2046 = arith.subf %sub3A_2044, %sub3A_2045 : vector<128x128xf32>
    %mul3A_2047 = vector.broadcast %div3A_5 : vector<1x128xf32> to vector<128x128xf32>
    %mul3A_2048 = arith.mulf %sub3A_2046, %mul3A_2047 : vector<128x128xf32>
    %mul3A_2049 = arith.mulf %mul3A_2048, %mul3A_2048 : vector<128x128xf32>
    %mul3A_2050 = arith.constant 5.000000e-01 : f32
    %mul3A_2051 = vector.broadcast %mul3A_2050 : f32 to vector<128x128xf32>
    %mul3A_2052 = arith.mulf %mul3A_2051, %mul3A_2049 : vector<128x128xf32>
    %sub3A_2053 = vector.broadcast %log3A : vector<1x128xf32> to vector<128x128xf32>
    %sub3A_2054 = arith.subf %sub3A_2053, %mul3A_2052 : vector<128x128xf32>
    %exp3A_2055 = math.exp %sub3A_2054 : vector<128x128xf32>
    %swap3A_2056 = arith.constant 13696 : index
    %swap3A_2057 = arith.constant 0 : index
    %swap3A_2058 = vector.load %arg4[%swap3A_2056, %swap3A_2057] : memref<32768x128xf32, #tpu.memory_space<vmem>>, vector<128x128xf32>
    tpu.vector_store %arg4[%swap3A_2056, %swap3A_2057], %exp3A_2055 {strides = array<i32>} : memref<32768x128xf32, #tpu.memory_space<vmem>>, vector<128x128xf32>,
    %slice3A_2059 = vector.extract_strided_slice %transpose3A {offsets = [0, 108], sizes = [128, 1], strides = [1, 1]} : vector<128x256xf32> to vector<128x1xf32>
    %get3A_2060 = arith.constant 0 : index
    %get3A_2061 = arith.constant 0 : index
    %get3A_2062 = vector.load %arg2[%get3A_2060, %get3A_2061] : memref<1x128xf32, #tpu.memory_space<vmem>>, vector<1x128xf32>
    %sub3A_2063 = vector.broadcast %slice3A_2059 : vector<128x1xf32> to vector<128x128xf32>
    %sub3A_2064 = vector.broadcast %get3A_2062 : vector<1x128xf32> to vector<128x128xf32>
    %sub3A_2065 = arith.subf %sub3A_2063, %sub3A_2064 : vector<128x128xf32>
    %mul3A_2066 = vector.broadcast %div3A_5 : vector<1x128xf32> to vector<128x128xf32>
    %mul3A_2067 = arith.mulf %sub3A_2065, %mul3A_2066 : vector<128x128xf32>
    %mul3A_2068 = arith.mulf %mul3A_2067, %mul3A_2067 : vector<128x128xf32>
    %mul3A_2069 = arith.constant 5.000000e-01 : f32
    %mul3A_2070 = vector.broadcast %mul3A_2069 : f32 to vector<128x128xf32>
    %mul3A_2071 = arith.mulf %mul3A_2070, %mul3A_2068 : vector<128x128xf32>
    %sub3A_2072 = vector.broadcast %log3A : vector<1x128xf32> to vector<128x128xf32>
    %sub3A_2073 = arith.subf %sub3A_2072, %mul3A_2071 : vector<128x128xf32>
    %exp3A_2074 = math.exp %sub3A_2073 : vector<128x128xf32>
    %swap3A_2075 = arith.constant 13824 : index
    %swap3A_2076 = arith.constant 0 : index
    %swap3A_2077 = vector.load %arg4[%swap3A_2075, %swap3A_2076] : memref<32768x128xf32, #tpu.memory_space<vmem>>, vector<128x128xf32>
    tpu.vector_store %arg4[%swap3A_2075, %swap3A_2076], %exp3A_2074 {strides = array<i32>} : memref<32768x128xf32, #tpu.memory_space<vmem>>, vector<128x128xf32>,
    %slice3A_2078 = vector.extract_strided_slice %transpose3A {offsets = [0, 109], sizes = [128, 1], strides = [1, 1]} : vector<128x256xf32> to vector<128x1xf32>
    %get3A_2079 = arith.constant 0 : index
    %get3A_2080 = arith.constant 0 : index
    %get3A_2081 = vector.load %arg2[%get3A_2079, %get3A_2080] : memref<1x128xf32, #tpu.memory_space<vmem>>, vector<1x128xf32>
    %sub3A_2082 = vector.broadcast %slice3A_2078 : vector<128x1xf32> to vector<128x128xf32>
    %sub3A_2083 = vector.broadcast %get3A_2081 : vector<1x128xf32> to vector<128x128xf32>
    %sub3A_2084 = arith.subf %sub3A_2082, %sub3A_2083 : vector<128x128xf32>
    %mul3A_2085 = vector.broadcast %div3A_5 : vector<1x128xf32> to vector<128x128xf32>
    %mul3A_2086 = arith.mulf %sub3A_2084, %mul3A_2085 : vector<128x128xf32>
    %mul3A_2087 = arith.mulf %mul3A_2086, %mul3A_2086 : vector<128x128xf32>
    %mul3A_2088 = arith.constant 5.000000e-01 : f32
    %mul3A_2089 = vector.broadcast %mul3A_2088 : f32 to vector<128x128xf32>
    %mul3A_2090 = arith.mulf %mul3A_2089, %mul3A_2087 : vector<128x128xf32>
    %sub3A_2091 = vector.broadcast %log3A : vector<1x128xf32> to vector<128x128xf32>
    %sub3A_2092 = arith.subf %sub3A_2091, %mul3A_2090 : vector<128x128xf32>
    %exp3A_2093 = math.exp %sub3A_2092 : vector<128x128xf32>
    %swap3A_2094 = arith.constant 13952 : index
    %swap3A_2095 = arith.constant 0 : index
    %swap3A_2096 = vector.load %arg4[%swap3A_2094, %swap3A_2095] : memref<32768x128xf32, #tpu.memory_space<vmem>>, vector<128x128xf32>
    tpu.vector_store %arg4[%swap3A_2094, %swap3A_2095], %exp3A_2093 {strides = array<i32>} : memref<32768x128xf32, #tpu.memory_space<vmem>>, vector<128x128xf32>,
    %slice3A_2097 = vector.extract_strided_slice %transpose3A {offsets = [0, 110], sizes = [128, 1], strides = [1, 1]} : vector<128x256xf32> to vector<128x1xf32>
    %get3A_2098 = arith.constant 0 : index
    %get3A_2099 = arith.constant 0 : index
    %get3A_2100 = vector.load %arg2[%get3A_2098, %get3A_2099] : memref<1x128xf32, #tpu.memory_space<vmem>>, vector<1x128xf32>
    %sub3A_2101 = vector.broadcast %slice3A_2097 : vector<128x1xf32> to vector<128x128xf32>
    %sub3A_2102 = vector.broadcast %get3A_2100 : vector<1x128xf32> to vector<128x128xf32>
    %sub3A_2103 = arith.subf %sub3A_2101, %sub3A_2102 : vector<128x128xf32>
    %mul3A_2104 = vector.broadcast %div3A_5 : vector<1x128xf32> to vector<128x128xf32>
    %mul3A_2105 = arith.mulf %sub3A_2103, %mul3A_2104 : vector<128x128xf32>
    %mul3A_2106 = arith.mulf %mul3A_2105, %mul3A_2105 : vector<128x128xf32>
    %mul3A_2107 = arith.constant 5.000000e-01 : f32
    %mul3A_2108 = vector.broadcast %mul3A_2107 : f32 to vector<128x128xf32>
    %mul3A_2109 = arith.mulf %mul3A_2108, %mul3A_2106 : vector<128x128xf32>
    %sub3A_2110 = vector.broadcast %log3A : vector<1x128xf32> to vector<128x128xf32>
    %sub3A_2111 = arith.subf %sub3A_2110, %mul3A_2109 : vector<128x128xf32>
    %exp3A_2112 = math.exp %sub3A_2111 : vector<128x128xf32>
    %swap3A_2113 = arith.constant 14080 : index
    %swap3A_2114 = arith.constant 0 : index
    %swap3A_2115 = vector.load %arg4[%swap3A_2113, %swap3A_2114] : memref<32768x128xf32, #tpu.memory_space<vmem>>, vector<128x128xf32>
    tpu.vector_store %arg4[%swap3A_2113, %swap3A_2114], %exp3A_2112 {strides = array<i32>} : memref<32768x128xf32, #tpu.memory_space<vmem>>, vector<128x128xf32>,
    %slice3A_2116 = vector.extract_strided_slice %transpose3A {offsets = [0, 111], sizes = [128, 1], strides = [1, 1]} : vector<128x256xf32> to vector<128x1xf32>
    %get3A_2117 = arith.constant 0 : index
    %get3A_2118 = arith.constant 0 : index
    %get3A_2119 = vector.load %arg2[%get3A_2117, %get3A_2118] : memref<1x128xf32, #tpu.memory_space<vmem>>, vector<1x128xf32>
    %sub3A_2120 = vector.broadcast %slice3A_2116 : vector<128x1xf32> to vector<128x128xf32>
    %sub3A_2121 = vector.broadcast %get3A_2119 : vector<1x128xf32> to vector<128x128xf32>
    %sub3A_2122 = arith.subf %sub3A_2120, %sub3A_2121 : vector<128x128xf32>
    %mul3A_2123 = vector.broadcast %div3A_5 : vector<1x128xf32> to vector<128x128xf32>
    %mul3A_2124 = arith.mulf %sub3A_2122, %mul3A_2123 : vector<128x128xf32>
    %mul3A_2125 = arith.mulf %mul3A_2124, %mul3A_2124 : vector<128x128xf32>
    %mul3A_2126 = arith.constant 5.000000e-01 : f32
    %mul3A_2127 = vector.broadcast %mul3A_2126 : f32 to vector<128x128xf32>
    %mul3A_2128 = arith.mulf %mul3A_2127, %mul3A_2125 : vector<128x128xf32>
    %sub3A_2129 = vector.broadcast %log3A : vector<1x128xf32> to vector<128x128xf32>
    %sub3A_2130 = arith.subf %sub3A_2129, %mul3A_2128 : vector<128x128xf32>
    %exp3A_2131 = math.exp %sub3A_2130 : vector<128x128xf32>
    %swap3A_2132 = arith.constant 14208 : index
    %swap3A_2133 = arith.constant 0 : index
    %swap3A_2134 = vector.load %arg4[%swap3A_2132, %swap3A_2133] : memref<32768x128xf32, #tpu.memory_space<vmem>>, vector<128x128xf32>
    tpu.vector_store %arg4[%swap3A_2132, %swap3A_2133], %exp3A_2131 {strides = array<i32>} : memref<32768x128xf32, #tpu.memory_space<vmem>>, vector<128x128xf32>,
    %slice3A_2135 = vector.extract_strided_slice %transpose3A {offsets = [0, 112], sizes = [128, 1], strides = [1, 1]} : vector<128x256xf32> to vector<128x1xf32>
    %get3A_2136 = arith.constant 0 : index
    %get3A_2137 = arith.constant 0 : index
    %get3A_2138 = vector.load %arg2[%get3A_2136, %get3A_2137] : memref<1x128xf32, #tpu.memory_space<vmem>>, vector<1x128xf32>
    %sub3A_2139 = vector.broadcast %slice3A_2135 : vector<128x1xf32> to vector<128x128xf32>
    %sub3A_2140 = vector.broadcast %get3A_2138 : vector<1x128xf32> to vector<128x128xf32>
    %sub3A_2141 = arith.subf %sub3A_2139, %sub3A_2140 : vector<128x128xf32>
    %mul3A_2142 = vector.broadcast %div3A_5 : vector<1x128xf32> to vector<128x128xf32>
    %mul3A_2143 = arith.mulf %sub3A_2141, %mul3A_2142 : vector<128x128xf32>
    %mul3A_2144 = arith.mulf %mul3A_2143, %mul3A_2143 : vector<128x128xf32>
    %mul3A_2145 = arith.constant 5.000000e-01 : f32
    %mul3A_2146 = vector.broadcast %mul3A_2145 : f32 to vector<128x128xf32>
    %mul3A_2147 = arith.mulf %mul3A_2146, %mul3A_2144 : vector<128x128xf32>
    %sub3A_2148 = vector.broadcast %log3A : vector<1x128xf32> to vector<128x128xf32>
    %sub3A_2149 = arith.subf %sub3A_2148, %mul3A_2147 : vector<128x128xf32>
    %exp3A_2150 = math.exp %sub3A_2149 : vector<128x128xf32>
    %swap3A_2151 = arith.constant 14336 : index
    %swap3A_2152 = arith.constant 0 : index
    %swap3A_2153 = vector.load %arg4[%swap3A_2151, %swap3A_2152] : memref<32768x128xf32, #tpu.memory_space<vmem>>, vector<128x128xf32>
    tpu.vector_store %arg4[%swap3A_2151, %swap3A_2152], %exp3A_2150 {strides = array<i32>} : memref<32768x128xf32, #tpu.memory_space<vmem>>, vector<128x128xf32>,
    %slice3A_2154 = vector.extract_strided_slice %transpose3A {offsets = [0, 113], sizes = [128, 1], strides = [1, 1]} : vector<128x256xf32> to vector<128x1xf32>
    %get3A_2155 = arith.constant 0 : index
    %get3A_2156 = arith.constant 0 : index
    %get3A_2157 = vector.load %arg2[%get3A_2155, %get3A_2156] : memref<1x128xf32, #tpu.memory_space<vmem>>, vector<1x128xf32>
    %sub3A_2158 = vector.broadcast %slice3A_2154 : vector<128x1xf32> to vector<128x128xf32>
    %sub3A_2159 = vector.broadcast %get3A_2157 : vector<1x128xf32> to vector<128x128xf32>
    %sub3A_2160 = arith.subf %sub3A_2158, %sub3A_2159 : vector<128x128xf32>
    %mul3A_2161 = vector.broadcast %div3A_5 : vector<1x128xf32> to vector<128x128xf32>
    %mul3A_2162 = arith.mulf %sub3A_2160, %mul3A_2161 : vector<128x128xf32>
    %mul3A_2163 = arith.mulf %mul3A_2162, %mul3A_2162 : vector<128x128xf32>
    %mul3A_2164 = arith.constant 5.000000e-01 : f32
    %mul3A_2165 = vector.broadcast %mul3A_2164 : f32 to vector<128x128xf32>
    %mul3A_2166 = arith.mulf %mul3A_2165, %mul3A_2163 : vector<128x128xf32>
    %sub3A_2167 = vector.broadcast %log3A : vector<1x128xf32> to vector<128x128xf32>
    %sub3A_2168 = arith.subf %sub3A_2167, %mul3A_2166 : vector<128x128xf32>
    %exp3A_2169 = math.exp %sub3A_2168 : vector<128x128xf32>
    %swap3A_2170 = arith.constant 14464 : index
    %swap3A_2171 = arith.constant 0 : index
    %swap3A_2172 = vector.load %arg4[%swap3A_2170, %swap3A_2171] : memref<32768x128xf32, #tpu.memory_space<vmem>>, vector<128x128xf32>
    tpu.vector_store %arg4[%swap3A_2170, %swap3A_2171], %exp3A_2169 {strides = array<i32>} : memref<32768x128xf32, #tpu.memory_space<vmem>>, vector<128x128xf32>,
    %slice3A_2173 = vector.extract_strided_slice %transpose3A {offsets = [0, 114], sizes = [128, 1], strides = [1, 1]} : vector<128x256xf32> to vector<128x1xf32>
    %get3A_2174 = arith.constant 0 : index
    %get3A_2175 = arith.constant 0 : index
    %get3A_2176 = vector.load %arg2[%get3A_2174, %get3A_2175] : memref<1x128xf32, #tpu.memory_space<vmem>>, vector<1x128xf32>
    %sub3A_2177 = vector.broadcast %slice3A_2173 : vector<128x1xf32> to vector<128x128xf32>
    %sub3A_2178 = vector.broadcast %get3A_2176 : vector<1x128xf32> to vector<128x128xf32>
    %sub3A_2179 = arith.subf %sub3A_2177, %sub3A_2178 : vector<128x128xf32>
    %mul3A_2180 = vector.broadcast %div3A_5 : vector<1x128xf32> to vector<128x128xf32>
    %mul3A_2181 = arith.mulf %sub3A_2179, %mul3A_2180 : vector<128x128xf32>
    %mul3A_2182 = arith.mulf %mul3A_2181, %mul3A_2181 : vector<128x128xf32>
    %mul3A_2183 = arith.constant 5.000000e-01 : f32
    %mul3A_2184 = vector.broadcast %mul3A_2183 : f32 to vector<128x128xf32>
    %mul3A_2185 = arith.mulf %mul3A_2184, %mul3A_2182 : vector<128x128xf32>
    %sub3A_2186 = vector.broadcast %log3A : vector<1x128xf32> to vector<128x128xf32>
    %sub3A_2187 = arith.subf %sub3A_2186, %mul3A_2185 : vector<128x128xf32>
    %exp3A_2188 = math.exp %sub3A_2187 : vector<128x128xf32>
    %swap3A_2189 = arith.constant 14592 : index
    %swap3A_2190 = arith.constant 0 : index
    %swap3A_2191 = vector.load %arg4[%swap3A_2189, %swap3A_2190] : memref<32768x128xf32, #tpu.memory_space<vmem>>, vector<128x128xf32>
    tpu.vector_store %arg4[%swap3A_2189, %swap3A_2190], %exp3A_2188 {strides = array<i32>} : memref<32768x128xf32, #tpu.memory_space<vmem>>, vector<128x128xf32>,
    %slice3A_2192 = vector.extract_strided_slice %transpose3A {offsets = [0, 115], sizes = [128, 1], strides = [1, 1]} : vector<128x256xf32> to vector<128x1xf32>
    %get3A_2193 = arith.constant 0 : index
    %get3A_2194 = arith.constant 0 : index
    %get3A_2195 = vector.load %arg2[%get3A_2193, %get3A_2194] : memref<1x128xf32, #tpu.memory_space<vmem>>, vector<1x128xf32>
    %sub3A_2196 = vector.broadcast %slice3A_2192 : vector<128x1xf32> to vector<128x128xf32>
    %sub3A_2197 = vector.broadcast %get3A_2195 : vector<1x128xf32> to vector<128x128xf32>
    %sub3A_2198 = arith.subf %sub3A_2196, %sub3A_2197 : vector<128x128xf32>
    %mul3A_2199 = vector.broadcast %div3A_5 : vector<1x128xf32> to vector<128x128xf32>
    %mul3A_2200 = arith.mulf %sub3A_2198, %mul3A_2199 : vector<128x128xf32>
    %mul3A_2201 = arith.mulf %mul3A_2200, %mul3A_2200 : vector<128x128xf32>
    %mul3A_2202 = arith.constant 5.000000e-01 : f32
    %mul3A_2203 = vector.broadcast %mul3A_2202 : f32 to vector<128x128xf32>
    %mul3A_2204 = arith.mulf %mul3A_2203, %mul3A_2201 : vector<128x128xf32>
    %sub3A_2205 = vector.broadcast %log3A : vector<1x128xf32> to vector<128x128xf32>
    %sub3A_2206 = arith.subf %sub3A_2205, %mul3A_2204 : vector<128x128xf32>
    %exp3A_2207 = math.exp %sub3A_2206 : vector<128x128xf32>
    %swap3A_2208 = arith.constant 14720 : index
    %swap3A_2209 = arith.constant 0 : index
    %swap3A_2210 = vector.load %arg4[%swap3A_2208, %swap3A_2209] : memref<32768x128xf32, #tpu.memory_space<vmem>>, vector<128x128xf32>
    tpu.vector_store %arg4[%swap3A_2208, %swap3A_2209], %exp3A_2207 {strides = array<i32>} : memref<32768x128xf32, #tpu.memory_space<vmem>>, vector<128x128xf32>,
    %slice3A_2211 = vector.extract_strided_slice %transpose3A {offsets = [0, 116], sizes = [128, 1], strides = [1, 1]} : vector<128x256xf32> to vector<128x1xf32>
    %get3A_2212 = arith.constant 0 : index
    %get3A_2213 = arith.constant 0 : index
    %get3A_2214 = vector.load %arg2[%get3A_2212, %get3A_2213] : memref<1x128xf32, #tpu.memory_space<vmem>>, vector<1x128xf32>
    %sub3A_2215 = vector.broadcast %slice3A_2211 : vector<128x1xf32> to vector<128x128xf32>
    %sub3A_2216 = vector.broadcast %get3A_2214 : vector<1x128xf32> to vector<128x128xf32>
    %sub3A_2217 = arith.subf %sub3A_2215, %sub3A_2216 : vector<128x128xf32>
    %mul3A_2218 = vector.broadcast %div3A_5 : vector<1x128xf32> to vector<128x128xf32>
    %mul3A_2219 = arith.mulf %sub3A_2217, %mul3A_2218 : vector<128x128xf32>
    %mul3A_2220 = arith.mulf %mul3A_2219, %mul3A_2219 : vector<128x128xf32>
    %mul3A_2221 = arith.constant 5.000000e-01 : f32
    %mul3A_2222 = vector.broadcast %mul3A_2221 : f32 to vector<128x128xf32>
    %mul3A_2223 = arith.mulf %mul3A_2222, %mul3A_2220 : vector<128x128xf32>
    %sub3A_2224 = vector.broadcast %log3A : vector<1x128xf32> to vector<128x128xf32>
    %sub3A_2225 = arith.subf %sub3A_2224, %mul3A_2223 : vector<128x128xf32>
    %exp3A_2226 = math.exp %sub3A_2225 : vector<128x128xf32>
    %swap3A_2227 = arith.constant 14848 : index
    %swap3A_2228 = arith.constant 0 : index
    %swap3A_2229 = vector.load %arg4[%swap3A_2227, %swap3A_2228] : memref<32768x128xf32, #tpu.memory_space<vmem>>, vector<128x128xf32>
    tpu.vector_store %arg4[%swap3A_2227, %swap3A_2228], %exp3A_2226 {strides = array<i32>} : memref<32768x128xf32, #tpu.memory_space<vmem>>, vector<128x128xf32>,
    %slice3A_2230 = vector.extract_strided_slice %transpose3A {offsets = [0, 117], sizes = [128, 1], strides = [1, 1]} : vector<128x256xf32> to vector<128x1xf32>
    %get3A_2231 = arith.constant 0 : index
    %get3A_2232 = arith.constant 0 : index
    %get3A_2233 = vector.load %arg2[%get3A_2231, %get3A_2232] : memref<1x128xf32, #tpu.memory_space<vmem>>, vector<1x128xf32>
    %sub3A_2234 = vector.broadcast %slice3A_2230 : vector<128x1xf32> to vector<128x128xf32>
    %sub3A_2235 = vector.broadcast %get3A_2233 : vector<1x128xf32> to vector<128x128xf32>
    %sub3A_2236 = arith.subf %sub3A_2234, %sub3A_2235 : vector<128x128xf32>
    %mul3A_2237 = vector.broadcast %div3A_5 : vector<1x128xf32> to vector<128x128xf32>
    %mul3A_2238 = arith.mulf %sub3A_2236, %mul3A_2237 : vector<128x128xf32>
    %mul3A_2239 = arith.mulf %mul3A_2238, %mul3A_2238 : vector<128x128xf32>
    %mul3A_2240 = arith.constant 5.000000e-01 : f32
    %mul3A_2241 = vector.broadcast %mul3A_2240 : f32 to vector<128x128xf32>
    %mul3A_2242 = arith.mulf %mul3A_2241, %mul3A_2239 : vector<128x128xf32>
    %sub3A_2243 = vector.broadcast %log3A : vector<1x128xf32> to vector<128x128xf32>
    %sub3A_2244 = arith.subf %sub3A_2243, %mul3A_2242 : vector<128x128xf32>
    %exp3A_2245 = math.exp %sub3A_2244 : vector<128x128xf32>
    %swap3A_2246 = arith.constant 14976 : index
    %swap3A_2247 = arith.constant 0 : index
    %swap3A_2248 = vector.load %arg4[%swap3A_2246, %swap3A_2247] : memref<32768x128xf32, #tpu.memory_space<vmem>>, vector<128x128xf32>
    tpu.vector_store %arg4[%swap3A_2246, %swap3A_2247], %exp3A_2245 {strides = array<i32>} : memref<32768x128xf32, #tpu.memory_space<vmem>>, vector<128x128xf32>,
    %slice3A_2249 = vector.extract_strided_slice %transpose3A {offsets = [0, 118], sizes = [128, 1], strides = [1, 1]} : vector<128x256xf32> to vector<128x1xf32>
    %get3A_2250 = arith.constant 0 : index
    %get3A_2251 = arith.constant 0 : index
    %get3A_2252 = vector.load %arg2[%get3A_2250, %get3A_2251] : memref<1x128xf32, #tpu.memory_space<vmem>>, vector<1x128xf32>
    %sub3A_2253 = vector.broadcast %slice3A_2249 : vector<128x1xf32> to vector<128x128xf32>
    %sub3A_2254 = vector.broadcast %get3A_2252 : vector<1x128xf32> to vector<128x128xf32>
    %sub3A_2255 = arith.subf %sub3A_2253, %sub3A_2254 : vector<128x128xf32>
    %mul3A_2256 = vector.broadcast %div3A_5 : vector<1x128xf32> to vector<128x128xf32>
    %mul3A_2257 = arith.mulf %sub3A_2255, %mul3A_2256 : vector<128x128xf32>
    %mul3A_2258 = arith.mulf %mul3A_2257, %mul3A_2257 : vector<128x128xf32>
    %mul3A_2259 = arith.constant 5.000000e-01 : f32
    %mul3A_2260 = vector.broadcast %mul3A_2259 : f32 to vector<128x128xf32>
    %mul3A_2261 = arith.mulf %mul3A_2260, %mul3A_2258 : vector<128x128xf32>
    %sub3A_2262 = vector.broadcast %log3A : vector<1x128xf32> to vector<128x128xf32>
    %sub3A_2263 = arith.subf %sub3A_2262, %mul3A_2261 : vector<128x128xf32>
    %exp3A_2264 = math.exp %sub3A_2263 : vector<128x128xf32>
    %swap3A_2265 = arith.constant 15104 : index
    %swap3A_2266 = arith.constant 0 : index
    %swap3A_2267 = vector.load %arg4[%swap3A_2265, %swap3A_2266] : memref<32768x128xf32, #tpu.memory_space<vmem>>, vector<128x128xf32>
    tpu.vector_store %arg4[%swap3A_2265, %swap3A_2266], %exp3A_2264 {strides = array<i32>} : memref<32768x128xf32, #tpu.memory_space<vmem>>, vector<128x128xf32>,
    %slice3A_2268 = vector.extract_strided_slice %transpose3A {offsets = [0, 119], sizes = [128, 1], strides = [1, 1]} : vector<128x256xf32> to vector<128x1xf32>
    %get3A_2269 = arith.constant 0 : index
    %get3A_2270 = arith.constant 0 : index
    %get3A_2271 = vector.load %arg2[%get3A_2269, %get3A_2270] : memref<1x128xf32, #tpu.memory_space<vmem>>, vector<1x128xf32>
    %sub3A_2272 = vector.broadcast %slice3A_2268 : vector<128x1xf32> to vector<128x128xf32>
    %sub3A_2273 = vector.broadcast %get3A_2271 : vector<1x128xf32> to vector<128x128xf32>
    %sub3A_2274 = arith.subf %sub3A_2272, %sub3A_2273 : vector<128x128xf32>
    %mul3A_2275 = vector.broadcast %div3A_5 : vector<1x128xf32> to vector<128x128xf32>
    %mul3A_2276 = arith.mulf %sub3A_2274, %mul3A_2275 : vector<128x128xf32>
    %mul3A_2277 = arith.mulf %mul3A_2276, %mul3A_2276 : vector<128x128xf32>
    %mul3A_2278 = arith.constant 5.000000e-01 : f32
    %mul3A_2279 = vector.broadcast %mul3A_2278 : f32 to vector<128x128xf32>
    %mul3A_2280 = arith.mulf %mul3A_2279, %mul3A_2277 : vector<128x128xf32>
    %sub3A_2281 = vector.broadcast %log3A : vector<1x128xf32> to vector<128x128xf32>
    %sub3A_2282 = arith.subf %sub3A_2281, %mul3A_2280 : vector<128x128xf32>
    %exp3A_2283 = math.exp %sub3A_2282 : vector<128x128xf32>
    %swap3A_2284 = arith.constant 15232 : index
    %swap3A_2285 = arith.constant 0 : index
    %swap3A_2286 = vector.load %arg4[%swap3A_2284, %swap3A_2285] : memref<32768x128xf32, #tpu.memory_space<vmem>>, vector<128x128xf32>
    tpu.vector_store %arg4[%swap3A_2284, %swap3A_2285], %exp3A_2283 {strides = array<i32>} : memref<32768x128xf32, #tpu.memory_space<vmem>>, vector<128x128xf32>,
    %slice3A_2287 = vector.extract_strided_slice %transpose3A {offsets = [0, 120], sizes = [128, 1], strides = [1, 1]} : vector<128x256xf32> to vector<128x1xf32>
    %get3A_2288 = arith.constant 0 : index
    %get3A_2289 = arith.constant 0 : index
    %get3A_2290 = vector.load %arg2[%get3A_2288, %get3A_2289] : memref<1x128xf32, #tpu.memory_space<vmem>>, vector<1x128xf32>
    %sub3A_2291 = vector.broadcast %slice3A_2287 : vector<128x1xf32> to vector<128x128xf32>
    %sub3A_2292 = vector.broadcast %get3A_2290 : vector<1x128xf32> to vector<128x128xf32>
    %sub3A_2293 = arith.subf %sub3A_2291, %sub3A_2292 : vector<128x128xf32>
    %mul3A_2294 = vector.broadcast %div3A_5 : vector<1x128xf32> to vector<128x128xf32>
    %mul3A_2295 = arith.mulf %sub3A_2293, %mul3A_2294 : vector<128x128xf32>
    %mul3A_2296 = arith.mulf %mul3A_2295, %mul3A_2295 : vector<128x128xf32>
    %mul3A_2297 = arith.constant 5.000000e-01 : f32
    %mul3A_2298 = vector.broadcast %mul3A_2297 : f32 to vector<128x128xf32>
    %mul3A_2299 = arith.mulf %mul3A_2298, %mul3A_2296 : vector<128x128xf32>
    %sub3A_2300 = vector.broadcast %log3A : vector<1x128xf32> to vector<128x128xf32>
    %sub3A_2301 = arith.subf %sub3A_2300, %mul3A_2299 : vector<128x128xf32>
    %exp3A_2302 = math.exp %sub3A_2301 : vector<128x128xf32>
    %swap3A_2303 = arith.constant 15360 : index
    %swap3A_2304 = arith.constant 0 : index
    %swap3A_2305 = vector.load %arg4[%swap3A_2303, %swap3A_2304] : memref<32768x128xf32, #tpu.memory_space<vmem>>, vector<128x128xf32>
    tpu.vector_store %arg4[%swap3A_2303, %swap3A_2304], %exp3A_2302 {strides = array<i32>} : memref<32768x128xf32, #tpu.memory_space<vmem>>, vector<128x128xf32>,
    %slice3A_2306 = vector.extract_strided_slice %transpose3A {offsets = [0, 121], sizes = [128, 1], strides = [1, 1]} : vector<128x256xf32> to vector<128x1xf32>
    %get3A_2307 = arith.constant 0 : index
    %get3A_2308 = arith.constant 0 : index
    %get3A_2309 = vector.load %arg2[%get3A_2307, %get3A_2308] : memref<1x128xf32, #tpu.memory_space<vmem>>, vector<1x128xf32>
    %sub3A_2310 = vector.broadcast %slice3A_2306 : vector<128x1xf32> to vector<128x128xf32>
    %sub3A_2311 = vector.broadcast %get3A_2309 : vector<1x128xf32> to vector<128x128xf32>
    %sub3A_2312 = arith.subf %sub3A_2310, %sub3A_2311 : vector<128x128xf32>
    %mul3A_2313 = vector.broadcast %div3A_5 : vector<1x128xf32> to vector<128x128xf32>
    %mul3A_2314 = arith.mulf %sub3A_2312, %mul3A_2313 : vector<128x128xf32>
    %mul3A_2315 = arith.mulf %mul3A_2314, %mul3A_2314 : vector<128x128xf32>
    %mul3A_2316 = arith.constant 5.000000e-01 : f32
    %mul3A_2317 = vector.broadcast %mul3A_2316 : f32 to vector<128x128xf32>
    %mul3A_2318 = arith.mulf %mul3A_2317, %mul3A_2315 : vector<128x128xf32>
    %sub3A_2319 = vector.broadcast %log3A : vector<1x128xf32> to vector<128x128xf32>
    %sub3A_2320 = arith.subf %sub3A_2319, %mul3A_2318 : vector<128x128xf32>
    %exp3A_2321 = math.exp %sub3A_2320 : vector<128x128xf32>
    %swap3A_2322 = arith.constant 15488 : index
    %swap3A_2323 = arith.constant 0 : index
    %swap3A_2324 = vector.load %arg4[%swap3A_2322, %swap3A_2323] : memref<32768x128xf32, #tpu.memory_space<vmem>>, vector<128x128xf32>
    tpu.vector_store %arg4[%swap3A_2322, %swap3A_2323], %exp3A_2321 {strides = array<i32>} : memref<32768x128xf32, #tpu.memory_space<vmem>>, vector<128x128xf32>,
    %slice3A_2325 = vector.extract_strided_slice %transpose3A {offsets = [0, 122], sizes = [128, 1], strides = [1, 1]} : vector<128x256xf32> to vector<128x1xf32>
    %get3A_2326 = arith.constant 0 : index
    %get3A_2327 = arith.constant 0 : index
    %get3A_2328 = vector.load %arg2[%get3A_2326, %get3A_2327] : memref<1x128xf32, #tpu.memory_space<vmem>>, vector<1x128xf32>
    %sub3A_2329 = vector.broadcast %slice3A_2325 : vector<128x1xf32> to vector<128x128xf32>
    %sub3A_2330 = vector.broadcast %get3A_2328 : vector<1x128xf32> to vector<128x128xf32>
    %sub3A_2331 = arith.subf %sub3A_2329, %sub3A_2330 : vector<128x128xf32>
    %mul3A_2332 = vector.broadcast %div3A_5 : vector<1x128xf32> to vector<128x128xf32>
    %mul3A_2333 = arith.mulf %sub3A_2331, %mul3A_2332 : vector<128x128xf32>
    %mul3A_2334 = arith.mulf %mul3A_2333, %mul3A_2333 : vector<128x128xf32>
    %mul3A_2335 = arith.constant 5.000000e-01 : f32
    %mul3A_2336 = vector.broadcast %mul3A_2335 : f32 to vector<128x128xf32>
    %mul3A_2337 = arith.mulf %mul3A_2336, %mul3A_2334 : vector<128x128xf32>
    %sub3A_2338 = vector.broadcast %log3A : vector<1x128xf32> to vector<128x128xf32>
    %sub3A_2339 = arith.subf %sub3A_2338, %mul3A_2337 : vector<128x128xf32>
    %exp3A_2340 = math.exp %sub3A_2339 : vector<128x128xf32>
    %swap3A_2341 = arith.constant 15616 : index
    %swap3A_2342 = arith.constant 0 : index
    %swap3A_2343 = vector.load %arg4[%swap3A_2341, %swap3A_2342] : memref<32768x128xf32, #tpu.memory_space<vmem>>, vector<128x128xf32>
    tpu.vector_store %arg4[%swap3A_2341, %swap3A_2342], %exp3A_2340 {strides = array<i32>} : memref<32768x128xf32, #tpu.memory_space<vmem>>, vector<128x128xf32>,
    %slice3A_2344 = vector.extract_strided_slice %transpose3A {offsets = [0, 123], sizes = [128, 1], strides = [1, 1]} : vector<128x256xf32> to vector<128x1xf32>
    %get3A_2345 = arith.constant 0 : index
    %get3A_2346 = arith.constant 0 : index
    %get3A_2347 = vector.load %arg2[%get3A_2345, %get3A_2346] : memref<1x128xf32, #tpu.memory_space<vmem>>, vector<1x128xf32>
    %sub3A_2348 = vector.broadcast %slice3A_2344 : vector<128x1xf32> to vector<128x128xf32>
    %sub3A_2349 = vector.broadcast %get3A_2347 : vector<1x128xf32> to vector<128x128xf32>
    %sub3A_2350 = arith.subf %sub3A_2348, %sub3A_2349 : vector<128x128xf32>
    %mul3A_2351 = vector.broadcast %div3A_5 : vector<1x128xf32> to vector<128x128xf32>
    %mul3A_2352 = arith.mulf %sub3A_2350, %mul3A_2351 : vector<128x128xf32>
    %mul3A_2353 = arith.mulf %mul3A_2352, %mul3A_2352 : vector<128x128xf32>
    %mul3A_2354 = arith.constant 5.000000e-01 : f32
    %mul3A_2355 = vector.broadcast %mul3A_2354 : f32 to vector<128x128xf32>
    %mul3A_2356 = arith.mulf %mul3A_2355, %mul3A_2353 : vector<128x128xf32>
    %sub3A_2357 = vector.broadcast %log3A : vector<1x128xf32> to vector<128x128xf32>
    %sub3A_2358 = arith.subf %sub3A_2357, %mul3A_2356 : vector<128x128xf32>
    %exp3A_2359 = math.exp %sub3A_2358 : vector<128x128xf32>
    %swap3A_2360 = arith.constant 15744 : index
    %swap3A_2361 = arith.constant 0 : index
    %swap3A_2362 = vector.load %arg4[%swap3A_2360, %swap3A_2361] : memref<32768x128xf32, #tpu.memory_space<vmem>>, vector<128x128xf32>
    tpu.vector_store %arg4[%swap3A_2360, %swap3A_2361], %exp3A_2359 {strides = array<i32>} : memref<32768x128xf32, #tpu.memory_space<vmem>>, vector<128x128xf32>,
    %slice3A_2363 = vector.extract_strided_slice %transpose3A {offsets = [0, 124], sizes = [128, 1], strides = [1, 1]} : vector<128x256xf32> to vector<128x1xf32>
    %get3A_2364 = arith.constant 0 : index
    %get3A_2365 = arith.constant 0 : index
    %get3A_2366 = vector.load %arg2[%get3A_2364, %get3A_2365] : memref<1x128xf32, #tpu.memory_space<vmem>>, vector<1x128xf32>
    %sub3A_2367 = vector.broadcast %slice3A_2363 : vector<128x1xf32> to vector<128x128xf32>
    %sub3A_2368 = vector.broadcast %get3A_2366 : vector<1x128xf32> to vector<128x128xf32>
    %sub3A_2369 = arith.subf %sub3A_2367, %sub3A_2368 : vector<128x128xf32>
    %mul3A_2370 = vector.broadcast %div3A_5 : vector<1x128xf32> to vector<128x128xf32>
    %mul3A_2371 = arith.mulf %sub3A_2369, %mul3A_2370 : vector<128x128xf32>
    %mul3A_2372 = arith.mulf %mul3A_2371, %mul3A_2371 : vector<128x128xf32>
    %mul3A_2373 = arith.constant 5.000000e-01 : f32
    %mul3A_2374 = vector.broadcast %mul3A_2373 : f32 to vector<128x128xf32>
    %mul3A_2375 = arith.mulf %mul3A_2374, %mul3A_2372 : vector<128x128xf32>
    %sub3A_2376 = vector.broadcast %log3A : vector<1x128xf32> to vector<128x128xf32>
    %sub3A_2377 = arith.subf %sub3A_2376, %mul3A_2375 : vector<128x128xf32>
    %exp3A_2378 = math.exp %sub3A_2377 : vector<128x128xf32>
    %swap3A_2379 = arith.constant 15872 : index
    %swap3A_2380 = arith.constant 0 : index
    %swap3A_2381 = vector.load %arg4[%swap3A_2379, %swap3A_2380] : memref<32768x128xf32, #tpu.memory_space<vmem>>, vector<128x128xf32>
    tpu.vector_store %arg4[%swap3A_2379, %swap3A_2380], %exp3A_2378 {strides = array<i32>} : memref<32768x128xf32, #tpu.memory_space<vmem>>, vector<128x128xf32>,
    %slice3A_2382 = vector.extract_strided_slice %transpose3A {offsets = [0, 125], sizes = [128, 1], strides = [1, 1]} : vector<128x256xf32> to vector<128x1xf32>
    %get3A_2383 = arith.constant 0 : index
    %get3A_2384 = arith.constant 0 : index
    %get3A_2385 = vector.load %arg2[%get3A_2383, %get3A_2384] : memref<1x128xf32, #tpu.memory_space<vmem>>, vector<1x128xf32>
    %sub3A_2386 = vector.broadcast %slice3A_2382 : vector<128x1xf32> to vector<128x128xf32>
    %sub3A_2387 = vector.broadcast %get3A_2385 : vector<1x128xf32> to vector<128x128xf32>
    %sub3A_2388 = arith.subf %sub3A_2386, %sub3A_2387 : vector<128x128xf32>
    %mul3A_2389 = vector.broadcast %div3A_5 : vector<1x128xf32> to vector<128x128xf32>
    %mul3A_2390 = arith.mulf %sub3A_2388, %mul3A_2389 : vector<128x128xf32>
    %mul3A_2391 = arith.mulf %mul3A_2390, %mul3A_2390 : vector<128x128xf32>
    %mul3A_2392 = arith.constant 5.000000e-01 : f32
    %mul3A_2393 = vector.broadcast %mul3A_2392 : f32 to vector<128x128xf32>
    %mul3A_2394 = arith.mulf %mul3A_2393, %mul3A_2391 : vector<128x128xf32>
    %sub3A_2395 = vector.broadcast %log3A : vector<1x128xf32> to vector<128x128xf32>
    %sub3A_2396 = arith.subf %sub3A_2395, %mul3A_2394 : vector<128x128xf32>
    %exp3A_2397 = math.exp %sub3A_2396 : vector<128x128xf32>
    %swap3A_2398 = arith.constant 16000 : index
    %swap3A_2399 = arith.constant 0 : index
    %swap3A_2400 = vector.load %arg4[%swap3A_2398, %swap3A_2399] : memref<32768x128xf32, #tpu.memory_space<vmem>>, vector<128x128xf32>
    tpu.vector_store %arg4[%swap3A_2398, %swap3A_2399], %exp3A_2397 {strides = array<i32>} : memref<32768x128xf32, #tpu.memory_space<vmem>>, vector<128x128xf32>,
    %slice3A_2401 = vector.extract_strided_slice %transpose3A {offsets = [0, 126], sizes = [128, 1], strides = [1, 1]} : vector<128x256xf32> to vector<128x1xf32>
    %get3A_2402 = arith.constant 0 : index
    %get3A_2403 = arith.constant 0 : index
    %get3A_2404 = vector.load %arg2[%get3A_2402, %get3A_2403] : memref<1x128xf32, #tpu.memory_space<vmem>>, vector<1x128xf32>
    %sub3A_2405 = vector.broadcast %slice3A_2401 : vector<128x1xf32> to vector<128x128xf32>
    %sub3A_2406 = vector.broadcast %get3A_2404 : vector<1x128xf32> to vector<128x128xf32>
    %sub3A_2407 = arith.subf %sub3A_2405, %sub3A_2406 : vector<128x128xf32>
    %mul3A_2408 = vector.broadcast %div3A_5 : vector<1x128xf32> to vector<128x128xf32>
    %mul3A_2409 = arith.mulf %sub3A_2407, %mul3A_2408 : vector<128x128xf32>
    %mul3A_2410 = arith.mulf %mul3A_2409, %mul3A_2409 : vector<128x128xf32>
    %mul3A_2411 = arith.constant 5.000000e-01 : f32
    %mul3A_2412 = vector.broadcast %mul3A_2411 : f32 to vector<128x128xf32>
    %mul3A_2413 = arith.mulf %mul3A_2412, %mul3A_2410 : vector<128x128xf32>
    %sub3A_2414 = vector.broadcast %log3A : vector<1x128xf32> to vector<128x128xf32>
    %sub3A_2415 = arith.subf %sub3A_2414, %mul3A_2413 : vector<128x128xf32>
    %exp3A_2416 = math.exp %sub3A_2415 : vector<128x128xf32>
    %swap3A_2417 = arith.constant 16128 : index
    %swap3A_2418 = arith.constant 0 : index
    %swap3A_2419 = vector.load %arg4[%swap3A_2417, %swap3A_2418] : memref<32768x128xf32, #tpu.memory_space<vmem>>, vector<128x128xf32>
    tpu.vector_store %arg4[%swap3A_2417, %swap3A_2418], %exp3A_2416 {strides = array<i32>} : memref<32768x128xf32, #tpu.memory_space<vmem>>, vector<128x128xf32>,
    %slice3A_2420 = vector.extract_strided_slice %transpose3A {offsets = [0, 127], sizes = [128, 1], strides = [1, 1]} : vector<128x256xf32> to vector<128x1xf32>
    %get3A_2421 = arith.constant 0 : index
    %get3A_2422 = arith.constant 0 : index
    %get3A_2423 = vector.load %arg2[%get3A_2421, %get3A_2422] : memref<1x128xf32, #tpu.memory_space<vmem>>, vector<1x128xf32>
    %sub3A_2424 = vector.broadcast %slice3A_2420 : vector<128x1xf32> to vector<128x128xf32>
    %sub3A_2425 = vector.broadcast %get3A_2423 : vector<1x128xf32> to vector<128x128xf32>
    %sub3A_2426 = arith.subf %sub3A_2424, %sub3A_2425 : vector<128x128xf32>
    %mul3A_2427 = vector.broadcast %div3A_5 : vector<1x128xf32> to vector<128x128xf32>
    %mul3A_2428 = arith.mulf %sub3A_2426, %mul3A_2427 : vector<128x128xf32>
    %mul3A_2429 = arith.mulf %mul3A_2428, %mul3A_2428 : vector<128x128xf32>
    %mul3A_2430 = arith.constant 5.000000e-01 : f32
    %mul3A_2431 = vector.broadcast %mul3A_2430 : f32 to vector<128x128xf32>
    %mul3A_2432 = arith.mulf %mul3A_2431, %mul3A_2429 : vector<128x128xf32>
    %sub3A_2433 = vector.broadcast %log3A : vector<1x128xf32> to vector<128x128xf32>
    %sub3A_2434 = arith.subf %sub3A_2433, %mul3A_2432 : vector<128x128xf32>
    %exp3A_2435 = math.exp %sub3A_2434 : vector<128x128xf32>
    %swap3A_2436 = arith.constant 16256 : index
    %swap3A_2437 = arith.constant 0 : index
    %swap3A_2438 = vector.load %arg4[%swap3A_2436, %swap3A_2437] : memref<32768x128xf32, #tpu.memory_space<vmem>>, vector<128x128xf32>
    tpu.vector_store %arg4[%swap3A_2436, %swap3A_2437], %exp3A_2435 {strides = array<i32>} : memref<32768x128xf32, #tpu.memory_space<vmem>>, vector<128x128xf32>,
    %slice3A_2439 = vector.extract_strided_slice %transpose3A {offsets = [0, 128], sizes = [128, 1], strides = [1, 1]} : vector<128x256xf32> to vector<128x1xf32>
    %get3A_2440 = arith.constant 0 : index
    %get3A_2441 = arith.constant 0 : index
    %get3A_2442 = vector.load %arg2[%get3A_2440, %get3A_2441] : memref<1x128xf32, #tpu.memory_space<vmem>>, vector<1x128xf32>
    %sub3A_2443 = vector.broadcast %slice3A_2439 : vector<128x1xf32> to vector<128x128xf32>
    %sub3A_2444 = vector.broadcast %get3A_2442 : vector<1x128xf32> to vector<128x128xf32>
    %sub3A_2445 = arith.subf %sub3A_2443, %sub3A_2444 : vector<128x128xf32>
    %mul3A_2446 = vector.broadcast %div3A_5 : vector<1x128xf32> to vector<128x128xf32>
    %mul3A_2447 = arith.mulf %sub3A_2445, %mul3A_2446 : vector<128x128xf32>
    %mul3A_2448 = arith.mulf %mul3A_2447, %mul3A_2447 : vector<128x128xf32>
    %mul3A_2449 = arith.constant 5.000000e-01 : f32
    %mul3A_2450 = vector.broadcast %mul3A_2449 : f32 to vector<128x128xf32>
    %mul3A_2451 = arith.mulf %mul3A_2450, %mul3A_2448 : vector<128x128xf32>
    %sub3A_2452 = vector.broadcast %log3A : vector<1x128xf32> to vector<128x128xf32>
    %sub3A_2453 = arith.subf %sub3A_2452, %mul3A_2451 : vector<128x128xf32>
    %exp3A_2454 = math.exp %sub3A_2453 : vector<128x128xf32>
    %swap3A_2455 = arith.constant 16384 : index
    %swap3A_2456 = arith.constant 0 : index
    %swap3A_2457 = vector.load %arg4[%swap3A_2455, %swap3A_2456] : memref<32768x128xf32, #tpu.memory_space<vmem>>, vector<128x128xf32>
    tpu.vector_store %arg4[%swap3A_2455, %swap3A_2456], %exp3A_2454 {strides = array<i32>} : memref<32768x128xf32, #tpu.memory_space<vmem>>, vector<128x128xf32>,
    %slice3A_2458 = vector.extract_strided_slice %transpose3A {offsets = [0, 129], sizes = [128, 1], strides = [1, 1]} : vector<128x256xf32> to vector<128x1xf32>
    %get3A_2459 = arith.constant 0 : index
    %get3A_2460 = arith.constant 0 : index
    %get3A_2461 = vector.load %arg2[%get3A_2459, %get3A_2460] : memref<1x128xf32, #tpu.memory_space<vmem>>, vector<1x128xf32>
    %sub3A_2462 = vector.broadcast %slice3A_2458 : vector<128x1xf32> to vector<128x128xf32>
    %sub3A_2463 = vector.broadcast %get3A_2461 : vector<1x128xf32> to vector<128x128xf32>
    %sub3A_2464 = arith.subf %sub3A_2462, %sub3A_2463 : vector<128x128xf32>
    %mul3A_2465 = vector.broadcast %div3A_5 : vector<1x128xf32> to vector<128x128xf32>
    %mul3A_2466 = arith.mulf %sub3A_2464, %mul3A_2465 : vector<128x128xf32>
    %mul3A_2467 = arith.mulf %mul3A_2466, %mul3A_2466 : vector<128x128xf32>
    %mul3A_2468 = arith.constant 5.000000e-01 : f32
    %mul3A_2469 = vector.broadcast %mul3A_2468 : f32 to vector<128x128xf32>
    %mul3A_2470 = arith.mulf %mul3A_2469, %mul3A_2467 : vector<128x128xf32>
    %sub3A_2471 = vector.broadcast %log3A : vector<1x128xf32> to vector<128x128xf32>
    %sub3A_2472 = arith.subf %sub3A_2471, %mul3A_2470 : vector<128x128xf32>
    %exp3A_2473 = math.exp %sub3A_2472 : vector<128x128xf32>
    %swap3A_2474 = arith.constant 16512 : index
    %swap3A_2475 = arith.constant 0 : index
    %swap3A_2476 = vector.load %arg4[%swap3A_2474, %swap3A_2475] : memref<32768x128xf32, #tpu.memory_space<vmem>>, vector<128x128xf32>
    tpu.vector_store %arg4[%swap3A_2474, %swap3A_2475], %exp3A_2473 {strides = array<i32>} : memref<32768x128xf32, #tpu.memory_space<vmem>>, vector<128x128xf32>,
    %slice3A_2477 = vector.extract_strided_slice %transpose3A {offsets = [0, 130], sizes = [128, 1], strides = [1, 1]} : vector<128x256xf32> to vector<128x1xf32>
    %get3A_2478 = arith.constant 0 : index
    %get3A_2479 = arith.constant 0 : index
    %get3A_2480 = vector.load %arg2[%get3A_2478, %get3A_2479] : memref<1x128xf32, #tpu.memory_space<vmem>>, vector<1x128xf32>
    %sub3A_2481 = vector.broadcast %slice3A_2477 : vector<128x1xf32> to vector<128x128xf32>
    %sub3A_2482 = vector.broadcast %get3A_2480 : vector<1x128xf32> to vector<128x128xf32>
    %sub3A_2483 = arith.subf %sub3A_2481, %sub3A_2482 : vector<128x128xf32>
    %mul3A_2484 = vector.broadcast %div3A_5 : vector<1x128xf32> to vector<128x128xf32>
    %mul3A_2485 = arith.mulf %sub3A_2483, %mul3A_2484 : vector<128x128xf32>
    %mul3A_2486 = arith.mulf %mul3A_2485, %mul3A_2485 : vector<128x128xf32>
    %mul3A_2487 = arith.constant 5.000000e-01 : f32
    %mul3A_2488 = vector.broadcast %mul3A_2487 : f32 to vector<128x128xf32>
    %mul3A_2489 = arith.mulf %mul3A_2488, %mul3A_2486 : vector<128x128xf32>
    %sub3A_2490 = vector.broadcast %log3A : vector<1x128xf32> to vector<128x128xf32>
    %sub3A_2491 = arith.subf %sub3A_2490, %mul3A_2489 : vector<128x128xf32>
    %exp3A_2492 = math.exp %sub3A_2491 : vector<128x128xf32>
    %swap3A_2493 = arith.constant 16640 : index
    %swap3A_2494 = arith.constant 0 : index
    %swap3A_2495 = vector.load %arg4[%swap3A_2493, %swap3A_2494] : memref<32768x128xf32, #tpu.memory_space<vmem>>, vector<128x128xf32>
    tpu.vector_store %arg4[%swap3A_2493, %swap3A_2494], %exp3A_2492 {strides = array<i32>} : memref<32768x128xf32, #tpu.memory_space<vmem>>, vector<128x128xf32>,
    %slice3A_2496 = vector.extract_strided_slice %transpose3A {offsets = [0, 131], sizes = [128, 1], strides = [1, 1]} : vector<128x256xf32> to vector<128x1xf32>
    %get3A_2497 = arith.constant 0 : index
    %get3A_2498 = arith.constant 0 : index
    %get3A_2499 = vector.load %arg2[%get3A_2497, %get3A_2498] : memref<1x128xf32, #tpu.memory_space<vmem>>, vector<1x128xf32>
    %sub3A_2500 = vector.broadcast %slice3A_2496 : vector<128x1xf32> to vector<128x128xf32>
    %sub3A_2501 = vector.broadcast %get3A_2499 : vector<1x128xf32> to vector<128x128xf32>
    %sub3A_2502 = arith.subf %sub3A_2500, %sub3A_2501 : vector<128x128xf32>
    %mul3A_2503 = vector.broadcast %div3A_5 : vector<1x128xf32> to vector<128x128xf32>
    %mul3A_2504 = arith.mulf %sub3A_2502, %mul3A_2503 : vector<128x128xf32>
    %mul3A_2505 = arith.mulf %mul3A_2504, %mul3A_2504 : vector<128x128xf32>
    %mul3A_2506 = arith.constant 5.000000e-01 : f32
    %mul3A_2507 = vector.broadcast %mul3A_2506 : f32 to vector<128x128xf32>
    %mul3A_2508 = arith.mulf %mul3A_2507, %mul3A_2505 : vector<128x128xf32>
    %sub3A_2509 = vector.broadcast %log3A : vector<1x128xf32> to vector<128x128xf32>
    %sub3A_2510 = arith.subf %sub3A_2509, %mul3A_2508 : vector<128x128xf32>
    %exp3A_2511 = math.exp %sub3A_2510 : vector<128x128xf32>
    %swap3A_2512 = arith.constant 16768 : index
    %swap3A_2513 = arith.constant 0 : index
    %swap3A_2514 = vector.load %arg4[%swap3A_2512, %swap3A_2513] : memref<32768x128xf32, #tpu.memory_space<vmem>>, vector<128x128xf32>
    tpu.vector_store %arg4[%swap3A_2512, %swap3A_2513], %exp3A_2511 {strides = array<i32>} : memref<32768x128xf32, #tpu.memory_space<vmem>>, vector<128x128xf32>,
    %slice3A_2515 = vector.extract_strided_slice %transpose3A {offsets = [0, 132], sizes = [128, 1], strides = [1, 1]} : vector<128x256xf32> to vector<128x1xf32>
    %get3A_2516 = arith.constant 0 : index
    %get3A_2517 = arith.constant 0 : index
    %get3A_2518 = vector.load %arg2[%get3A_2516, %get3A_2517] : memref<1x128xf32, #tpu.memory_space<vmem>>, vector<1x128xf32>
    %sub3A_2519 = vector.broadcast %slice3A_2515 : vector<128x1xf32> to vector<128x128xf32>
    %sub3A_2520 = vector.broadcast %get3A_2518 : vector<1x128xf32> to vector<128x128xf32>
    %sub3A_2521 = arith.subf %sub3A_2519, %sub3A_2520 : vector<128x128xf32>
    %mul3A_2522 = vector.broadcast %div3A_5 : vector<1x128xf32> to vector<128x128xf32>
    %mul3A_2523 = arith.mulf %sub3A_2521, %mul3A_2522 : vector<128x128xf32>
    %mul3A_2524 = arith.mulf %mul3A_2523, %mul3A_2523 : vector<128x128xf32>
    %mul3A_2525 = arith.constant 5.000000e-01 : f32
    %mul3A_2526 = vector.broadcast %mul3A_2525 : f32 to vector<128x128xf32>
    %mul3A_2527 = arith.mulf %mul3A_2526, %mul3A_2524 : vector<128x128xf32>
    %sub3A_2528 = vector.broadcast %log3A : vector<1x128xf32> to vector<128x128xf32>
    %sub3A_2529 = arith.subf %sub3A_2528, %mul3A_2527 : vector<128x128xf32>
    %exp3A_2530 = math.exp %sub3A_2529 : vector<128x128xf32>
    %swap3A_2531 = arith.constant 16896 : index
    %swap3A_2532 = arith.constant 0 : index
    %swap3A_2533 = vector.load %arg4[%swap3A_2531, %swap3A_2532] : memref<32768x128xf32, #tpu.memory_space<vmem>>, vector<128x128xf32>
    tpu.vector_store %arg4[%swap3A_2531, %swap3A_2532], %exp3A_2530 {strides = array<i32>} : memref<32768x128xf32, #tpu.memory_space<vmem>>, vector<128x128xf32>,
    %slice3A_2534 = vector.extract_strided_slice %transpose3A {offsets = [0, 133], sizes = [128, 1], strides = [1, 1]} : vector<128x256xf32> to vector<128x1xf32>
    %get3A_2535 = arith.constant 0 : index
    %get3A_2536 = arith.constant 0 : index
    %get3A_2537 = vector.load %arg2[%get3A_2535, %get3A_2536] : memref<1x128xf32, #tpu.memory_space<vmem>>, vector<1x128xf32>
    %sub3A_2538 = vector.broadcast %slice3A_2534 : vector<128x1xf32> to vector<128x128xf32>
    %sub3A_2539 = vector.broadcast %get3A_2537 : vector<1x128xf32> to vector<128x128xf32>
    %sub3A_2540 = arith.subf %sub3A_2538, %sub3A_2539 : vector<128x128xf32>
    %mul3A_2541 = vector.broadcast %div3A_5 : vector<1x128xf32> to vector<128x128xf32>
    %mul3A_2542 = arith.mulf %sub3A_2540, %mul3A_2541 : vector<128x128xf32>
    %mul3A_2543 = arith.mulf %mul3A_2542, %mul3A_2542 : vector<128x128xf32>
    %mul3A_2544 = arith.constant 5.000000e-01 : f32
    %mul3A_2545 = vector.broadcast %mul3A_2544 : f32 to vector<128x128xf32>
    %mul3A_2546 = arith.mulf %mul3A_2545, %mul3A_2543 : vector<128x128xf32>
    %sub3A_2547 = vector.broadcast %log3A : vector<1x128xf32> to vector<128x128xf32>
    %sub3A_2548 = arith.subf %sub3A_2547, %mul3A_2546 : vector<128x128xf32>
    %exp3A_2549 = math.exp %sub3A_2548 : vector<128x128xf32>
    %swap3A_2550 = arith.constant 17024 : index
    %swap3A_2551 = arith.constant 0 : index
    %swap3A_2552 = vector.load %arg4[%swap3A_2550, %swap3A_2551] : memref<32768x128xf32, #tpu.memory_space<vmem>>, vector<128x128xf32>
    tpu.vector_store %arg4[%swap3A_2550, %swap3A_2551], %exp3A_2549 {strides = array<i32>} : memref<32768x128xf32, #tpu.memory_space<vmem>>, vector<128x128xf32>,
    %slice3A_2553 = vector.extract_strided_slice %transpose3A {offsets = [0, 134], sizes = [128, 1], strides = [1, 1]} : vector<128x256xf32> to vector<128x1xf32>
    %get3A_2554 = arith.constant 0 : index
    %get3A_2555 = arith.constant 0 : index
    %get3A_2556 = vector.load %arg2[%get3A_2554, %get3A_2555] : memref<1x128xf32, #tpu.memory_space<vmem>>, vector<1x128xf32>
    %sub3A_2557 = vector.broadcast %slice3A_2553 : vector<128x1xf32> to vector<128x128xf32>
    %sub3A_2558 = vector.broadcast %get3A_2556 : vector<1x128xf32> to vector<128x128xf32>
    %sub3A_2559 = arith.subf %sub3A_2557, %sub3A_2558 : vector<128x128xf32>
    %mul3A_2560 = vector.broadcast %div3A_5 : vector<1x128xf32> to vector<128x128xf32>
    %mul3A_2561 = arith.mulf %sub3A_2559, %mul3A_2560 : vector<128x128xf32>
    %mul3A_2562 = arith.mulf %mul3A_2561, %mul3A_2561 : vector<128x128xf32>
    %mul3A_2563 = arith.constant 5.000000e-01 : f32
    %mul3A_2564 = vector.broadcast %mul3A_2563 : f32 to vector<128x128xf32>
    %mul3A_2565 = arith.mulf %mul3A_2564, %mul3A_2562 : vector<128x128xf32>
    %sub3A_2566 = vector.broadcast %log3A : vector<1x128xf32> to vector<128x128xf32>
    %sub3A_2567 = arith.subf %sub3A_2566, %mul3A_2565 : vector<128x128xf32>
    %exp3A_2568 = math.exp %sub3A_2567 : vector<128x128xf32>
    %swap3A_2569 = arith.constant 17152 : index
    %swap3A_2570 = arith.constant 0 : index
    %swap3A_2571 = vector.load %arg4[%swap3A_2569, %swap3A_2570] : memref<32768x128xf32, #tpu.memory_space<vmem>>, vector<128x128xf32>
    tpu.vector_store %arg4[%swap3A_2569, %swap3A_2570], %exp3A_2568 {strides = array<i32>} : memref<32768x128xf32, #tpu.memory_space<vmem>>, vector<128x128xf32>,
    %slice3A_2572 = vector.extract_strided_slice %transpose3A {offsets = [0, 135], sizes = [128, 1], strides = [1, 1]} : vector<128x256xf32> to vector<128x1xf32>
    %get3A_2573 = arith.constant 0 : index
    %get3A_2574 = arith.constant 0 : index
    %get3A_2575 = vector.load %arg2[%get3A_2573, %get3A_2574] : memref<1x128xf32, #tpu.memory_space<vmem>>, vector<1x128xf32>
    %sub3A_2576 = vector.broadcast %slice3A_2572 : vector<128x1xf32> to vector<128x128xf32>
    %sub3A_2577 = vector.broadcast %get3A_2575 : vector<1x128xf32> to vector<128x128xf32>
    %sub3A_2578 = arith.subf %sub3A_2576, %sub3A_2577 : vector<128x128xf32>
    %mul3A_2579 = vector.broadcast %div3A_5 : vector<1x128xf32> to vector<128x128xf32>
    %mul3A_2580 = arith.mulf %sub3A_2578, %mul3A_2579 : vector<128x128xf32>
    %mul3A_2581 = arith.mulf %mul3A_2580, %mul3A_2580 : vector<128x128xf32>
    %mul3A_2582 = arith.constant 5.000000e-01 : f32
    %mul3A_2583 = vector.broadcast %mul3A_2582 : f32 to vector<128x128xf32>
    %mul3A_2584 = arith.mulf %mul3A_2583, %mul3A_2581 : vector<128x128xf32>
    %sub3A_2585 = vector.broadcast %log3A : vector<1x128xf32> to vector<128x128xf32>
    %sub3A_2586 = arith.subf %sub3A_2585, %mul3A_2584 : vector<128x128xf32>
    %exp3A_2587 = math.exp %sub3A_2586 : vector<128x128xf32>
    %swap3A_2588 = arith.constant 17280 : index
    %swap3A_2589 = arith.constant 0 : index
    %swap3A_2590 = vector.load %arg4[%swap3A_2588, %swap3A_2589] : memref<32768x128xf32, #tpu.memory_space<vmem>>, vector<128x128xf32>
    tpu.vector_store %arg4[%swap3A_2588, %swap3A_2589], %exp3A_2587 {strides = array<i32>} : memref<32768x128xf32, #tpu.memory_space<vmem>>, vector<128x128xf32>,
    %slice3A_2591 = vector.extract_strided_slice %transpose3A {offsets = [0, 136], sizes = [128, 1], strides = [1, 1]} : vector<128x256xf32> to vector<128x1xf32>
    %get3A_2592 = arith.constant 0 : index
    %get3A_2593 = arith.constant 0 : index
    %get3A_2594 = vector.load %arg2[%get3A_2592, %get3A_2593] : memref<1x128xf32, #tpu.memory_space<vmem>>, vector<1x128xf32>
    %sub3A_2595 = vector.broadcast %slice3A_2591 : vector<128x1xf32> to vector<128x128xf32>
    %sub3A_2596 = vector.broadcast %get3A_2594 : vector<1x128xf32> to vector<128x128xf32>
    %sub3A_2597 = arith.subf %sub3A_2595, %sub3A_2596 : vector<128x128xf32>
    %mul3A_2598 = vector.broadcast %div3A_5 : vector<1x128xf32> to vector<128x128xf32>
    %mul3A_2599 = arith.mulf %sub3A_2597, %mul3A_2598 : vector<128x128xf32>
    %mul3A_2600 = arith.mulf %mul3A_2599, %mul3A_2599 : vector<128x128xf32>
    %mul3A_2601 = arith.constant 5.000000e-01 : f32
    %mul3A_2602 = vector.broadcast %mul3A_2601 : f32 to vector<128x128xf32>
    %mul3A_2603 = arith.mulf %mul3A_2602, %mul3A_2600 : vector<128x128xf32>
    %sub3A_2604 = vector.broadcast %log3A : vector<1x128xf32> to vector<128x128xf32>
    %sub3A_2605 = arith.subf %sub3A_2604, %mul3A_2603 : vector<128x128xf32>
    %exp3A_2606 = math.exp %sub3A_2605 : vector<128x128xf32>
    %swap3A_2607 = arith.constant 17408 : index
    %swap3A_2608 = arith.constant 0 : index
    %swap3A_2609 = vector.load %arg4[%swap3A_2607, %swap3A_2608] : memref<32768x128xf32, #tpu.memory_space<vmem>>, vector<128x128xf32>
    tpu.vector_store %arg4[%swap3A_2607, %swap3A_2608], %exp3A_2606 {strides = array<i32>} : memref<32768x128xf32, #tpu.memory_space<vmem>>, vector<128x128xf32>,
    %slice3A_2610 = vector.extract_strided_slice %transpose3A {offsets = [0, 137], sizes = [128, 1], strides = [1, 1]} : vector<128x256xf32> to vector<128x1xf32>
    %get3A_2611 = arith.constant 0 : index
    %get3A_2612 = arith.constant 0 : index
    %get3A_2613 = vector.load %arg2[%get3A_2611, %get3A_2612] : memref<1x128xf32, #tpu.memory_space<vmem>>, vector<1x128xf32>
    %sub3A_2614 = vector.broadcast %slice3A_2610 : vector<128x1xf32> to vector<128x128xf32>
    %sub3A_2615 = vector.broadcast %get3A_2613 : vector<1x128xf32> to vector<128x128xf32>
    %sub3A_2616 = arith.subf %sub3A_2614, %sub3A_2615 : vector<128x128xf32>
    %mul3A_2617 = vector.broadcast %div3A_5 : vector<1x128xf32> to vector<128x128xf32>
    %mul3A_2618 = arith.mulf %sub3A_2616, %mul3A_2617 : vector<128x128xf32>
    %mul3A_2619 = arith.mulf %mul3A_2618, %mul3A_2618 : vector<128x128xf32>
    %mul3A_2620 = arith.constant 5.000000e-01 : f32
    %mul3A_2621 = vector.broadcast %mul3A_2620 : f32 to vector<128x128xf32>
    %mul3A_2622 = arith.mulf %mul3A_2621, %mul3A_2619 : vector<128x128xf32>
    %sub3A_2623 = vector.broadcast %log3A : vector<1x128xf32> to vector<128x128xf32>
    %sub3A_2624 = arith.subf %sub3A_2623, %mul3A_2622 : vector<128x128xf32>
    %exp3A_2625 = math.exp %sub3A_2624 : vector<128x128xf32>
    %swap3A_2626 = arith.constant 17536 : index
    %swap3A_2627 = arith.constant 0 : index
    %swap3A_2628 = vector.load %arg4[%swap3A_2626, %swap3A_2627] : memref<32768x128xf32, #tpu.memory_space<vmem>>, vector<128x128xf32>
    tpu.vector_store %arg4[%swap3A_2626, %swap3A_2627], %exp3A_2625 {strides = array<i32>} : memref<32768x128xf32, #tpu.memory_space<vmem>>, vector<128x128xf32>,
    %slice3A_2629 = vector.extract_strided_slice %transpose3A {offsets = [0, 138], sizes = [128, 1], strides = [1, 1]} : vector<128x256xf32> to vector<128x1xf32>
    %get3A_2630 = arith.constant 0 : index
    %get3A_2631 = arith.constant 0 : index
    %get3A_2632 = vector.load %arg2[%get3A_2630, %get3A_2631] : memref<1x128xf32, #tpu.memory_space<vmem>>, vector<1x128xf32>
    %sub3A_2633 = vector.broadcast %slice3A_2629 : vector<128x1xf32> to vector<128x128xf32>
    %sub3A_2634 = vector.broadcast %get3A_2632 : vector<1x128xf32> to vector<128x128xf32>
    %sub3A_2635 = arith.subf %sub3A_2633, %sub3A_2634 : vector<128x128xf32>
    %mul3A_2636 = vector.broadcast %div3A_5 : vector<1x128xf32> to vector<128x128xf32>
    %mul3A_2637 = arith.mulf %sub3A_2635, %mul3A_2636 : vector<128x128xf32>
    %mul3A_2638 = arith.mulf %mul3A_2637, %mul3A_2637 : vector<128x128xf32>
    %mul3A_2639 = arith.constant 5.000000e-01 : f32
    %mul3A_2640 = vector.broadcast %mul3A_2639 : f32 to vector<128x128xf32>
    %mul3A_2641 = arith.mulf %mul3A_2640, %mul3A_2638 : vector<128x128xf32>
    %sub3A_2642 = vector.broadcast %log3A : vector<1x128xf32> to vector<128x128xf32>
    %sub3A_2643 = arith.subf %sub3A_2642, %mul3A_2641 : vector<128x128xf32>
    %exp3A_2644 = math.exp %sub3A_2643 : vector<128x128xf32>
    %swap3A_2645 = arith.constant 17664 : index
    %swap3A_2646 = arith.constant 0 : index
    %swap3A_2647 = vector.load %arg4[%swap3A_2645, %swap3A_2646] : memref<32768x128xf32, #tpu.memory_space<vmem>>, vector<128x128xf32>
    tpu.vector_store %arg4[%swap3A_2645, %swap3A_2646], %exp3A_2644 {strides = array<i32>} : memref<32768x128xf32, #tpu.memory_space<vmem>>, vector<128x128xf32>,
    %slice3A_2648 = vector.extract_strided_slice %transpose3A {offsets = [0, 139], sizes = [128, 1], strides = [1, 1]} : vector<128x256xf32> to vector<128x1xf32>
    %get3A_2649 = arith.constant 0 : index
    %get3A_2650 = arith.constant 0 : index
    %get3A_2651 = vector.load %arg2[%get3A_2649, %get3A_2650] : memref<1x128xf32, #tpu.memory_space<vmem>>, vector<1x128xf32>
    %sub3A_2652 = vector.broadcast %slice3A_2648 : vector<128x1xf32> to vector<128x128xf32>
    %sub3A_2653 = vector.broadcast %get3A_2651 : vector<1x128xf32> to vector<128x128xf32>
    %sub3A_2654 = arith.subf %sub3A_2652, %sub3A_2653 : vector<128x128xf32>
    %mul3A_2655 = vector.broadcast %div3A_5 : vector<1x128xf32> to vector<128x128xf32>
    %mul3A_2656 = arith.mulf %sub3A_2654, %mul3A_2655 : vector<128x128xf32>
    %mul3A_2657 = arith.mulf %mul3A_2656, %mul3A_2656 : vector<128x128xf32>
    %mul3A_2658 = arith.constant 5.000000e-01 : f32
    %mul3A_2659 = vector.broadcast %mul3A_2658 : f32 to vector<128x128xf32>
    %mul3A_2660 = arith.mulf %mul3A_2659, %mul3A_2657 : vector<128x128xf32>
    %sub3A_2661 = vector.broadcast %log3A : vector<1x128xf32> to vector<128x128xf32>
    %sub3A_2662 = arith.subf %sub3A_2661, %mul3A_2660 : vector<128x128xf32>
    %exp3A_2663 = math.exp %sub3A_2662 : vector<128x128xf32>
    %swap3A_2664 = arith.constant 17792 : index
    %swap3A_2665 = arith.constant 0 : index
    %swap3A_2666 = vector.load %arg4[%swap3A_2664, %swap3A_2665] : memref<32768x128xf32, #tpu.memory_space<vmem>>, vector<128x128xf32>
    tpu.vector_store %arg4[%swap3A_2664, %swap3A_2665], %exp3A_2663 {strides = array<i32>} : memref<32768x128xf32, #tpu.memory_space<vmem>>, vector<128x128xf32>,
    %slice3A_2667 = vector.extract_strided_slice %transpose3A {offsets = [0, 140], sizes = [128, 1], strides = [1, 1]} : vector<128x256xf32> to vector<128x1xf32>
    %get3A_2668 = arith.constant 0 : index
    %get3A_2669 = arith.constant 0 : index
    %get3A_2670 = vector.load %arg2[%get3A_2668, %get3A_2669] : memref<1x128xf32, #tpu.memory_space<vmem>>, vector<1x128xf32>
    %sub3A_2671 = vector.broadcast %slice3A_2667 : vector<128x1xf32> to vector<128x128xf32>
    %sub3A_2672 = vector.broadcast %get3A_2670 : vector<1x128xf32> to vector<128x128xf32>
    %sub3A_2673 = arith.subf %sub3A_2671, %sub3A_2672 : vector<128x128xf32>
    %mul3A_2674 = vector.broadcast %div3A_5 : vector<1x128xf32> to vector<128x128xf32>
    %mul3A_2675 = arith.mulf %sub3A_2673, %mul3A_2674 : vector<128x128xf32>
    %mul3A_2676 = arith.mulf %mul3A_2675, %mul3A_2675 : vector<128x128xf32>
    %mul3A_2677 = arith.constant 5.000000e-01 : f32
    %mul3A_2678 = vector.broadcast %mul3A_2677 : f32 to vector<128x128xf32>
    %mul3A_2679 = arith.mulf %mul3A_2678, %mul3A_2676 : vector<128x128xf32>
    %sub3A_2680 = vector.broadcast %log3A : vector<1x128xf32> to vector<128x128xf32>
    %sub3A_2681 = arith.subf %sub3A_2680, %mul3A_2679 : vector<128x128xf32>
    %exp3A_2682 = math.exp %sub3A_2681 : vector<128x128xf32>
    %swap3A_2683 = arith.constant 17920 : index
    %swap3A_2684 = arith.constant 0 : index
    %swap3A_2685 = vector.load %arg4[%swap3A_2683, %swap3A_2684] : memref<32768x128xf32, #tpu.memory_space<vmem>>, vector<128x128xf32>
    tpu.vector_store %arg4[%swap3A_2683, %swap3A_2684], %exp3A_2682 {strides = array<i32>} : memref<32768x128xf32, #tpu.memory_space<vmem>>, vector<128x128xf32>,
    %slice3A_2686 = vector.extract_strided_slice %transpose3A {offsets = [0, 141], sizes = [128, 1], strides = [1, 1]} : vector<128x256xf32> to vector<128x1xf32>
    %get3A_2687 = arith.constant 0 : index
    %get3A_2688 = arith.constant 0 : index
    %get3A_2689 = vector.load %arg2[%get3A_2687, %get3A_2688] : memref<1x128xf32, #tpu.memory_space<vmem>>, vector<1x128xf32>
    %sub3A_2690 = vector.broadcast %slice3A_2686 : vector<128x1xf32> to vector<128x128xf32>
    %sub3A_2691 = vector.broadcast %get3A_2689 : vector<1x128xf32> to vector<128x128xf32>
    %sub3A_2692 = arith.subf %sub3A_2690, %sub3A_2691 : vector<128x128xf32>
    %mul3A_2693 = vector.broadcast %div3A_5 : vector<1x128xf32> to vector<128x128xf32>
    %mul3A_2694 = arith.mulf %sub3A_2692, %mul3A_2693 : vector<128x128xf32>
    %mul3A_2695 = arith.mulf %mul3A_2694, %mul3A_2694 : vector<128x128xf32>
    %mul3A_2696 = arith.constant 5.000000e-01 : f32
    %mul3A_2697 = vector.broadcast %mul3A_2696 : f32 to vector<128x128xf32>
    %mul3A_2698 = arith.mulf %mul3A_2697, %mul3A_2695 : vector<128x128xf32>
    %sub3A_2699 = vector.broadcast %log3A : vector<1x128xf32> to vector<128x128xf32>
    %sub3A_2700 = arith.subf %sub3A_2699, %mul3A_2698 : vector<128x128xf32>
    %exp3A_2701 = math.exp %sub3A_2700 : vector<128x128xf32>
    %swap3A_2702 = arith.constant 18048 : index
    %swap3A_2703 = arith.constant 0 : index
    %swap3A_2704 = vector.load %arg4[%swap3A_2702, %swap3A_2703] : memref<32768x128xf32, #tpu.memory_space<vmem>>, vector<128x128xf32>
    tpu.vector_store %arg4[%swap3A_2702, %swap3A_2703], %exp3A_2701 {strides = array<i32>} : memref<32768x128xf32, #tpu.memory_space<vmem>>, vector<128x128xf32>,
    %slice3A_2705 = vector.extract_strided_slice %transpose3A {offsets = [0, 142], sizes = [128, 1], strides = [1, 1]} : vector<128x256xf32> to vector<128x1xf32>
    %get3A_2706 = arith.constant 0 : index
    %get3A_2707 = arith.constant 0 : index
    %get3A_2708 = vector.load %arg2[%get3A_2706, %get3A_2707] : memref<1x128xf32, #tpu.memory_space<vmem>>, vector<1x128xf32>
    %sub3A_2709 = vector.broadcast %slice3A_2705 : vector<128x1xf32> to vector<128x128xf32>
    %sub3A_2710 = vector.broadcast %get3A_2708 : vector<1x128xf32> to vector<128x128xf32>
    %sub3A_2711 = arith.subf %sub3A_2709, %sub3A_2710 : vector<128x128xf32>
    %mul3A_2712 = vector.broadcast %div3A_5 : vector<1x128xf32> to vector<128x128xf32>
    %mul3A_2713 = arith.mulf %sub3A_2711, %mul3A_2712 : vector<128x128xf32>
    %mul3A_2714 = arith.mulf %mul3A_2713, %mul3A_2713 : vector<128x128xf32>
    %mul3A_2715 = arith.constant 5.000000e-01 : f32
    %mul3A_2716 = vector.broadcast %mul3A_2715 : f32 to vector<128x128xf32>
    %mul3A_2717 = arith.mulf %mul3A_2716, %mul3A_2714 : vector<128x128xf32>
    %sub3A_2718 = vector.broadcast %log3A : vector<1x128xf32> to vector<128x128xf32>
    %sub3A_2719 = arith.subf %sub3A_2718, %mul3A_2717 : vector<128x128xf32>
    %exp3A_2720 = math.exp %sub3A_2719 : vector<128x128xf32>
    %swap3A_2721 = arith.constant 18176 : index
    %swap3A_2722 = arith.constant 0 : index
    %swap3A_2723 = vector.load %arg4[%swap3A_2721, %swap3A_2722] : memref<32768x128xf32, #tpu.memory_space<vmem>>, vector<128x128xf32>
    tpu.vector_store %arg4[%swap3A_2721, %swap3A_2722], %exp3A_2720 {strides = array<i32>} : memref<32768x128xf32, #tpu.memory_space<vmem>>, vector<128x128xf32>,
    %slice3A_2724 = vector.extract_strided_slice %transpose3A {offsets = [0, 143], sizes = [128, 1], strides = [1, 1]} : vector<128x256xf32> to vector<128x1xf32>
    %get3A_2725 = arith.constant 0 : index
    %get3A_2726 = arith.constant 0 : index
    %get3A_2727 = vector.load %arg2[%get3A_2725, %get3A_2726] : memref<1x128xf32, #tpu.memory_space<vmem>>, vector<1x128xf32>
    %sub3A_2728 = vector.broadcast %slice3A_2724 : vector<128x1xf32> to vector<128x128xf32>
    %sub3A_2729 = vector.broadcast %get3A_2727 : vector<1x128xf32> to vector<128x128xf32>
    %sub3A_2730 = arith.subf %sub3A_2728, %sub3A_2729 : vector<128x128xf32>
    %mul3A_2731 = vector.broadcast %div3A_5 : vector<1x128xf32> to vector<128x128xf32>
    %mul3A_2732 = arith.mulf %sub3A_2730, %mul3A_2731 : vector<128x128xf32>
    %mul3A_2733 = arith.mulf %mul3A_2732, %mul3A_2732 : vector<128x128xf32>
    %mul3A_2734 = arith.constant 5.000000e-01 : f32
    %mul3A_2735 = vector.broadcast %mul3A_2734 : f32 to vector<128x128xf32>
    %mul3A_2736 = arith.mulf %mul3A_2735, %mul3A_2733 : vector<128x128xf32>
    %sub3A_2737 = vector.broadcast %log3A : vector<1x128xf32> to vector<128x128xf32>
    %sub3A_2738 = arith.subf %sub3A_2737, %mul3A_2736 : vector<128x128xf32>
    %exp3A_2739 = math.exp %sub3A_2738 : vector<128x128xf32>
    %swap3A_2740 = arith.constant 18304 : index
    %swap3A_2741 = arith.constant 0 : index
    %swap3A_2742 = vector.load %arg4[%swap3A_2740, %swap3A_2741] : memref<32768x128xf32, #tpu.memory_space<vmem>>, vector<128x128xf32>
    tpu.vector_store %arg4[%swap3A_2740, %swap3A_2741], %exp3A_2739 {strides = array<i32>} : memref<32768x128xf32, #tpu.memory_space<vmem>>, vector<128x128xf32>,
    %slice3A_2743 = vector.extract_strided_slice %transpose3A {offsets = [0, 144], sizes = [128, 1], strides = [1, 1]} : vector<128x256xf32> to vector<128x1xf32>
    %get3A_2744 = arith.constant 0 : index
    %get3A_2745 = arith.constant 0 : index
    %get3A_2746 = vector.load %arg2[%get3A_2744, %get3A_2745] : memref<1x128xf32, #tpu.memory_space<vmem>>, vector<1x128xf32>
    %sub3A_2747 = vector.broadcast %slice3A_2743 : vector<128x1xf32> to vector<128x128xf32>
    %sub3A_2748 = vector.broadcast %get3A_2746 : vector<1x128xf32> to vector<128x128xf32>
    %sub3A_2749 = arith.subf %sub3A_2747, %sub3A_2748 : vector<128x128xf32>
    %mul3A_2750 = vector.broadcast %div3A_5 : vector<1x128xf32> to vector<128x128xf32>
    %mul3A_2751 = arith.mulf %sub3A_2749, %mul3A_2750 : vector<128x128xf32>
    %mul3A_2752 = arith.mulf %mul3A_2751, %mul3A_2751 : vector<128x128xf32>
    %mul3A_2753 = arith.constant 5.000000e-01 : f32
    %mul3A_2754 = vector.broadcast %mul3A_2753 : f32 to vector<128x128xf32>
    %mul3A_2755 = arith.mulf %mul3A_2754, %mul3A_2752 : vector<128x128xf32>
    %sub3A_2756 = vector.broadcast %log3A : vector<1x128xf32> to vector<128x128xf32>
    %sub3A_2757 = arith.subf %sub3A_2756, %mul3A_2755 : vector<128x128xf32>
    %exp3A_2758 = math.exp %sub3A_2757 : vector<128x128xf32>
    %swap3A_2759 = arith.constant 18432 : index
    %swap3A_2760 = arith.constant 0 : index
    %swap3A_2761 = vector.load %arg4[%swap3A_2759, %swap3A_2760] : memref<32768x128xf32, #tpu.memory_space<vmem>>, vector<128x128xf32>
    tpu.vector_store %arg4[%swap3A_2759, %swap3A_2760], %exp3A_2758 {strides = array<i32>} : memref<32768x128xf32, #tpu.memory_space<vmem>>, vector<128x128xf32>,
    %slice3A_2762 = vector.extract_strided_slice %transpose3A {offsets = [0, 145], sizes = [128, 1], strides = [1, 1]} : vector<128x256xf32> to vector<128x1xf32>
    %get3A_2763 = arith.constant 0 : index
    %get3A_2764 = arith.constant 0 : index
    %get3A_2765 = vector.load %arg2[%get3A_2763, %get3A_2764] : memref<1x128xf32, #tpu.memory_space<vmem>>, vector<1x128xf32>
    %sub3A_2766 = vector.broadcast %slice3A_2762 : vector<128x1xf32> to vector<128x128xf32>
    %sub3A_2767 = vector.broadcast %get3A_2765 : vector<1x128xf32> to vector<128x128xf32>
    %sub3A_2768 = arith.subf %sub3A_2766, %sub3A_2767 : vector<128x128xf32>
    %mul3A_2769 = vector.broadcast %div3A_5 : vector<1x128xf32> to vector<128x128xf32>
    %mul3A_2770 = arith.mulf %sub3A_2768, %mul3A_2769 : vector<128x128xf32>
    %mul3A_2771 = arith.mulf %mul3A_2770, %mul3A_2770 : vector<128x128xf32>
    %mul3A_2772 = arith.constant 5.000000e-01 : f32
    %mul3A_2773 = vector.broadcast %mul3A_2772 : f32 to vector<128x128xf32>
    %mul3A_2774 = arith.mulf %mul3A_2773, %mul3A_2771 : vector<128x128xf32>
    %sub3A_2775 = vector.broadcast %log3A : vector<1x128xf32> to vector<128x128xf32>
    %sub3A_2776 = arith.subf %sub3A_2775, %mul3A_2774 : vector<128x128xf32>
    %exp3A_2777 = math.exp %sub3A_2776 : vector<128x128xf32>
    %swap3A_2778 = arith.constant 18560 : index
    %swap3A_2779 = arith.constant 0 : index
    %swap3A_2780 = vector.load %arg4[%swap3A_2778, %swap3A_2779] : memref<32768x128xf32, #tpu.memory_space<vmem>>, vector<128x128xf32>
    tpu.vector_store %arg4[%swap3A_2778, %swap3A_2779], %exp3A_2777 {strides = array<i32>} : memref<32768x128xf32, #tpu.memory_space<vmem>>, vector<128x128xf32>,
    %slice3A_2781 = vector.extract_strided_slice %transpose3A {offsets = [0, 146], sizes = [128, 1], strides = [1, 1]} : vector<128x256xf32> to vector<128x1xf32>
    %get3A_2782 = arith.constant 0 : index
    %get3A_2783 = arith.constant 0 : index
    %get3A_2784 = vector.load %arg2[%get3A_2782, %get3A_2783] : memref<1x128xf32, #tpu.memory_space<vmem>>, vector<1x128xf32>
    %sub3A_2785 = vector.broadcast %slice3A_2781 : vector<128x1xf32> to vector<128x128xf32>
    %sub3A_2786 = vector.broadcast %get3A_2784 : vector<1x128xf32> to vector<128x128xf32>
    %sub3A_2787 = arith.subf %sub3A_2785, %sub3A_2786 : vector<128x128xf32>
    %mul3A_2788 = vector.broadcast %div3A_5 : vector<1x128xf32> to vector<128x128xf32>
    %mul3A_2789 = arith.mulf %sub3A_2787, %mul3A_2788 : vector<128x128xf32>
    %mul3A_2790 = arith.mulf %mul3A_2789, %mul3A_2789 : vector<128x128xf32>
    %mul3A_2791 = arith.constant 5.000000e-01 : f32
    %mul3A_2792 = vector.broadcast %mul3A_2791 : f32 to vector<128x128xf32>
    %mul3A_2793 = arith.mulf %mul3A_2792, %mul3A_2790 : vector<128x128xf32>
    %sub3A_2794 = vector.broadcast %log3A : vector<1x128xf32> to vector<128x128xf32>
    %sub3A_2795 = arith.subf %sub3A_2794, %mul3A_2793 : vector<128x128xf32>
    %exp3A_2796 = math.exp %sub3A_2795 : vector<128x128xf32>
    %swap3A_2797 = arith.constant 18688 : index
    %swap3A_2798 = arith.constant 0 : index
    %swap3A_2799 = vector.load %arg4[%swap3A_2797, %swap3A_2798] : memref<32768x128xf32, #tpu.memory_space<vmem>>, vector<128x128xf32>
    tpu.vector_store %arg4[%swap3A_2797, %swap3A_2798], %exp3A_2796 {strides = array<i32>} : memref<32768x128xf32, #tpu.memory_space<vmem>>, vector<128x128xf32>,
    %slice3A_2800 = vector.extract_strided_slice %transpose3A {offsets = [0, 147], sizes = [128, 1], strides = [1, 1]} : vector<128x256xf32> to vector<128x1xf32>
    %get3A_2801 = arith.constant 0 : index
    %get3A_2802 = arith.constant 0 : index
    %get3A_2803 = vector.load %arg2[%get3A_2801, %get3A_2802] : memref<1x128xf32, #tpu.memory_space<vmem>>, vector<1x128xf32>
    %sub3A_2804 = vector.broadcast %slice3A_2800 : vector<128x1xf32> to vector<128x128xf32>
    %sub3A_2805 = vector.broadcast %get3A_2803 : vector<1x128xf32> to vector<128x128xf32>
    %sub3A_2806 = arith.subf %sub3A_2804, %sub3A_2805 : vector<128x128xf32>
    %mul3A_2807 = vector.broadcast %div3A_5 : vector<1x128xf32> to vector<128x128xf32>
    %mul3A_2808 = arith.mulf %sub3A_2806, %mul3A_2807 : vector<128x128xf32>
    %mul3A_2809 = arith.mulf %mul3A_2808, %mul3A_2808 : vector<128x128xf32>
    %mul3A_2810 = arith.constant 5.000000e-01 : f32
    %mul3A_2811 = vector.broadcast %mul3A_2810 : f32 to vector<128x128xf32>
    %mul3A_2812 = arith.mulf %mul3A_2811, %mul3A_2809 : vector<128x128xf32>
    %sub3A_2813 = vector.broadcast %log3A : vector<1x128xf32> to vector<128x128xf32>
    %sub3A_2814 = arith.subf %sub3A_2813, %mul3A_2812 : vector<128x128xf32>
    %exp3A_2815 = math.exp %sub3A_2814 : vector<128x128xf32>
    %swap3A_2816 = arith.constant 18816 : index
    %swap3A_2817 = arith.constant 0 : index
    %swap3A_2818 = vector.load %arg4[%swap3A_2816, %swap3A_2817] : memref<32768x128xf32, #tpu.memory_space<vmem>>, vector<128x128xf32>
    tpu.vector_store %arg4[%swap3A_2816, %swap3A_2817], %exp3A_2815 {strides = array<i32>} : memref<32768x128xf32, #tpu.memory_space<vmem>>, vector<128x128xf32>,
    %slice3A_2819 = vector.extract_strided_slice %transpose3A {offsets = [0, 148], sizes = [128, 1], strides = [1, 1]} : vector<128x256xf32> to vector<128x1xf32>
    %get3A_2820 = arith.constant 0 : index
    %get3A_2821 = arith.constant 0 : index
    %get3A_2822 = vector.load %arg2[%get3A_2820, %get3A_2821] : memref<1x128xf32, #tpu.memory_space<vmem>>, vector<1x128xf32>
    %sub3A_2823 = vector.broadcast %slice3A_2819 : vector<128x1xf32> to vector<128x128xf32>
    %sub3A_2824 = vector.broadcast %get3A_2822 : vector<1x128xf32> to vector<128x128xf32>
    %sub3A_2825 = arith.subf %sub3A_2823, %sub3A_2824 : vector<128x128xf32>
    %mul3A_2826 = vector.broadcast %div3A_5 : vector<1x128xf32> to vector<128x128xf32>
    %mul3A_2827 = arith.mulf %sub3A_2825, %mul3A_2826 : vector<128x128xf32>
    %mul3A_2828 = arith.mulf %mul3A_2827, %mul3A_2827 : vector<128x128xf32>
    %mul3A_2829 = arith.constant 5.000000e-01 : f32
    %mul3A_2830 = vector.broadcast %mul3A_2829 : f32 to vector<128x128xf32>
    %mul3A_2831 = arith.mulf %mul3A_2830, %mul3A_2828 : vector<128x128xf32>
    %sub3A_2832 = vector.broadcast %log3A : vector<1x128xf32> to vector<128x128xf32>
    %sub3A_2833 = arith.subf %sub3A_2832, %mul3A_2831 : vector<128x128xf32>
    %exp3A_2834 = math.exp %sub3A_2833 : vector<128x128xf32>
    %swap3A_2835 = arith.constant 18944 : index
    %swap3A_2836 = arith.constant 0 : index
    %swap3A_2837 = vector.load %arg4[%swap3A_2835, %swap3A_2836] : memref<32768x128xf32, #tpu.memory_space<vmem>>, vector<128x128xf32>
    tpu.vector_store %arg4[%swap3A_2835, %swap3A_2836], %exp3A_2834 {strides = array<i32>} : memref<32768x128xf32, #tpu.memory_space<vmem>>, vector<128x128xf32>,
    %slice3A_2838 = vector.extract_strided_slice %transpose3A {offsets = [0, 149], sizes = [128, 1], strides = [1, 1]} : vector<128x256xf32> to vector<128x1xf32>
    %get3A_2839 = arith.constant 0 : index
    %get3A_2840 = arith.constant 0 : index
    %get3A_2841 = vector.load %arg2[%get3A_2839, %get3A_2840] : memref<1x128xf32, #tpu.memory_space<vmem>>, vector<1x128xf32>
    %sub3A_2842 = vector.broadcast %slice3A_2838 : vector<128x1xf32> to vector<128x128xf32>
    %sub3A_2843 = vector.broadcast %get3A_2841 : vector<1x128xf32> to vector<128x128xf32>
    %sub3A_2844 = arith.subf %sub3A_2842, %sub3A_2843 : vector<128x128xf32>
    %mul3A_2845 = vector.broadcast %div3A_5 : vector<1x128xf32> to vector<128x128xf32>
    %mul3A_2846 = arith.mulf %sub3A_2844, %mul3A_2845 : vector<128x128xf32>
    %mul3A_2847 = arith.mulf %mul3A_2846, %mul3A_2846 : vector<128x128xf32>
    %mul3A_2848 = arith.constant 5.000000e-01 : f32
    %mul3A_2849 = vector.broadcast %mul3A_2848 : f32 to vector<128x128xf32>
    %mul3A_2850 = arith.mulf %mul3A_2849, %mul3A_2847 : vector<128x128xf32>
    %sub3A_2851 = vector.broadcast %log3A : vector<1x128xf32> to vector<128x128xf32>
    %sub3A_2852 = arith.subf %sub3A_2851, %mul3A_2850 : vector<128x128xf32>
    %exp3A_2853 = math.exp %sub3A_2852 : vector<128x128xf32>
    %swap3A_2854 = arith.constant 19072 : index
    %swap3A_2855 = arith.constant 0 : index
    %swap3A_2856 = vector.load %arg4[%swap3A_2854, %swap3A_2855] : memref<32768x128xf32, #tpu.memory_space<vmem>>, vector<128x128xf32>
    tpu.vector_store %arg4[%swap3A_2854, %swap3A_2855], %exp3A_2853 {strides = array<i32>} : memref<32768x128xf32, #tpu.memory_space<vmem>>, vector<128x128xf32>,
    %slice3A_2857 = vector.extract_strided_slice %transpose3A {offsets = [0, 150], sizes = [128, 1], strides = [1, 1]} : vector<128x256xf32> to vector<128x1xf32>
    %get3A_2858 = arith.constant 0 : index
    %get3A_2859 = arith.constant 0 : index
    %get3A_2860 = vector.load %arg2[%get3A_2858, %get3A_2859] : memref<1x128xf32, #tpu.memory_space<vmem>>, vector<1x128xf32>
    %sub3A_2861 = vector.broadcast %slice3A_2857 : vector<128x1xf32> to vector<128x128xf32>
    %sub3A_2862 = vector.broadcast %get3A_2860 : vector<1x128xf32> to vector<128x128xf32>
    %sub3A_2863 = arith.subf %sub3A_2861, %sub3A_2862 : vector<128x128xf32>
    %mul3A_2864 = vector.broadcast %div3A_5 : vector<1x128xf32> to vector<128x128xf32>
    %mul3A_2865 = arith.mulf %sub3A_2863, %mul3A_2864 : vector<128x128xf32>
    %mul3A_2866 = arith.mulf %mul3A_2865, %mul3A_2865 : vector<128x128xf32>
    %mul3A_2867 = arith.constant 5.000000e-01 : f32
    %mul3A_2868 = vector.broadcast %mul3A_2867 : f32 to vector<128x128xf32>
    %mul3A_2869 = arith.mulf %mul3A_2868, %mul3A_2866 : vector<128x128xf32>
    %sub3A_2870 = vector.broadcast %log3A : vector<1x128xf32> to vector<128x128xf32>
    %sub3A_2871 = arith.subf %sub3A_2870, %mul3A_2869 : vector<128x128xf32>
    %exp3A_2872 = math.exp %sub3A_2871 : vector<128x128xf32>
    %swap3A_2873 = arith.constant 19200 : index
    %swap3A_2874 = arith.constant 0 : index
    %swap3A_2875 = vector.load %arg4[%swap3A_2873, %swap3A_2874] : memref<32768x128xf32, #tpu.memory_space<vmem>>, vector<128x128xf32>
    tpu.vector_store %arg4[%swap3A_2873, %swap3A_2874], %exp3A_2872 {strides = array<i32>} : memref<32768x128xf32, #tpu.memory_space<vmem>>, vector<128x128xf32>,
    %slice3A_2876 = vector.extract_strided_slice %transpose3A {offsets = [0, 151], sizes = [128, 1], strides = [1, 1]} : vector<128x256xf32> to vector<128x1xf32>
    %get3A_2877 = arith.constant 0 : index
    %get3A_2878 = arith.constant 0 : index
    %get3A_2879 = vector.load %arg2[%get3A_2877, %get3A_2878] : memref<1x128xf32, #tpu.memory_space<vmem>>, vector<1x128xf32>
    %sub3A_2880 = vector.broadcast %slice3A_2876 : vector<128x1xf32> to vector<128x128xf32>
    %sub3A_2881 = vector.broadcast %get3A_2879 : vector<1x128xf32> to vector<128x128xf32>
    %sub3A_2882 = arith.subf %sub3A_2880, %sub3A_2881 : vector<128x128xf32>
    %mul3A_2883 = vector.broadcast %div3A_5 : vector<1x128xf32> to vector<128x128xf32>
    %mul3A_2884 = arith.mulf %sub3A_2882, %mul3A_2883 : vector<128x128xf32>
    %mul3A_2885 = arith.mulf %mul3A_2884, %mul3A_2884 : vector<128x128xf32>
    %mul3A_2886 = arith.constant 5.000000e-01 : f32
    %mul3A_2887 = vector.broadcast %mul3A_2886 : f32 to vector<128x128xf32>
    %mul3A_2888 = arith.mulf %mul3A_2887, %mul3A_2885 : vector<128x128xf32>
    %sub3A_2889 = vector.broadcast %log3A : vector<1x128xf32> to vector<128x128xf32>
    %sub3A_2890 = arith.subf %sub3A_2889, %mul3A_2888 : vector<128x128xf32>
    %exp3A_2891 = math.exp %sub3A_2890 : vector<128x128xf32>
    %swap3A_2892 = arith.constant 19328 : index
    %swap3A_2893 = arith.constant 0 : index
    %swap3A_2894 = vector.load %arg4[%swap3A_2892, %swap3A_2893] : memref<32768x128xf32, #tpu.memory_space<vmem>>, vector<128x128xf32>
    tpu.vector_store %arg4[%swap3A_2892, %swap3A_2893], %exp3A_2891 {strides = array<i32>} : memref<32768x128xf32, #tpu.memory_space<vmem>>, vector<128x128xf32>,
    %slice3A_2895 = vector.extract_strided_slice %transpose3A {offsets = [0, 152], sizes = [128, 1], strides = [1, 1]} : vector<128x256xf32> to vector<128x1xf32>
    %get3A_2896 = arith.constant 0 : index
    %get3A_2897 = arith.constant 0 : index
    %get3A_2898 = vector.load %arg2[%get3A_2896, %get3A_2897] : memref<1x128xf32, #tpu.memory_space<vmem>>, vector<1x128xf32>
    %sub3A_2899 = vector.broadcast %slice3A_2895 : vector<128x1xf32> to vector<128x128xf32>
    %sub3A_2900 = vector.broadcast %get3A_2898 : vector<1x128xf32> to vector<128x128xf32>
    %sub3A_2901 = arith.subf %sub3A_2899, %sub3A_2900 : vector<128x128xf32>
    %mul3A_2902 = vector.broadcast %div3A_5 : vector<1x128xf32> to vector<128x128xf32>
    %mul3A_2903 = arith.mulf %sub3A_2901, %mul3A_2902 : vector<128x128xf32>
    %mul3A_2904 = arith.mulf %mul3A_2903, %mul3A_2903 : vector<128x128xf32>
    %mul3A_2905 = arith.constant 5.000000e-01 : f32
    %mul3A_2906 = vector.broadcast %mul3A_2905 : f32 to vector<128x128xf32>
    %mul3A_2907 = arith.mulf %mul3A_2906, %mul3A_2904 : vector<128x128xf32>
    %sub3A_2908 = vector.broadcast %log3A : vector<1x128xf32> to vector<128x128xf32>
    %sub3A_2909 = arith.subf %sub3A_2908, %mul3A_2907 : vector<128x128xf32>
    %exp3A_2910 = math.exp %sub3A_2909 : vector<128x128xf32>
    %swap3A_2911 = arith.constant 19456 : index
    %swap3A_2912 = arith.constant 0 : index
    %swap3A_2913 = vector.load %arg4[%swap3A_2911, %swap3A_2912] : memref<32768x128xf32, #tpu.memory_space<vmem>>, vector<128x128xf32>
    tpu.vector_store %arg4[%swap3A_2911, %swap3A_2912], %exp3A_2910 {strides = array<i32>} : memref<32768x128xf32, #tpu.memory_space<vmem>>, vector<128x128xf32>,
    %slice3A_2914 = vector.extract_strided_slice %transpose3A {offsets = [0, 153], sizes = [128, 1], strides = [1, 1]} : vector<128x256xf32> to vector<128x1xf32>
    %get3A_2915 = arith.constant 0 : index
    %get3A_2916 = arith.constant 0 : index
    %get3A_2917 = vector.load %arg2[%get3A_2915, %get3A_2916] : memref<1x128xf32, #tpu.memory_space<vmem>>, vector<1x128xf32>
    %sub3A_2918 = vector.broadcast %slice3A_2914 : vector<128x1xf32> to vector<128x128xf32>
    %sub3A_2919 = vector.broadcast %get3A_2917 : vector<1x128xf32> to vector<128x128xf32>
    %sub3A_2920 = arith.subf %sub3A_2918, %sub3A_2919 : vector<128x128xf32>
    %mul3A_2921 = vector.broadcast %div3A_5 : vector<1x128xf32> to vector<128x128xf32>
    %mul3A_2922 = arith.mulf %sub3A_2920, %mul3A_2921 : vector<128x128xf32>
    %mul3A_2923 = arith.mulf %mul3A_2922, %mul3A_2922 : vector<128x128xf32>
    %mul3A_2924 = arith.constant 5.000000e-01 : f32
    %mul3A_2925 = vector.broadcast %mul3A_2924 : f32 to vector<128x128xf32>
    %mul3A_2926 = arith.mulf %mul3A_2925, %mul3A_2923 : vector<128x128xf32>
    %sub3A_2927 = vector.broadcast %log3A : vector<1x128xf32> to vector<128x128xf32>
    %sub3A_2928 = arith.subf %sub3A_2927, %mul3A_2926 : vector<128x128xf32>
    %exp3A_2929 = math.exp %sub3A_2928 : vector<128x128xf32>
    %swap3A_2930 = arith.constant 19584 : index
    %swap3A_2931 = arith.constant 0 : index
    %swap3A_2932 = vector.load %arg4[%swap3A_2930, %swap3A_2931] : memref<32768x128xf32, #tpu.memory_space<vmem>>, vector<128x128xf32>
    tpu.vector_store %arg4[%swap3A_2930, %swap3A_2931], %exp3A_2929 {strides = array<i32>} : memref<32768x128xf32, #tpu.memory_space<vmem>>, vector<128x128xf32>,
    %slice3A_2933 = vector.extract_strided_slice %transpose3A {offsets = [0, 154], sizes = [128, 1], strides = [1, 1]} : vector<128x256xf32> to vector<128x1xf32>
    %get3A_2934 = arith.constant 0 : index
    %get3A_2935 = arith.constant 0 : index
    %get3A_2936 = vector.load %arg2[%get3A_2934, %get3A_2935] : memref<1x128xf32, #tpu.memory_space<vmem>>, vector<1x128xf32>
    %sub3A_2937 = vector.broadcast %slice3A_2933 : vector<128x1xf32> to vector<128x128xf32>
    %sub3A_2938 = vector.broadcast %get3A_2936 : vector<1x128xf32> to vector<128x128xf32>
    %sub3A_2939 = arith.subf %sub3A_2937, %sub3A_2938 : vector<128x128xf32>
    %mul3A_2940 = vector.broadcast %div3A_5 : vector<1x128xf32> to vector<128x128xf32>
    %mul3A_2941 = arith.mulf %sub3A_2939, %mul3A_2940 : vector<128x128xf32>
    %mul3A_2942 = arith.mulf %mul3A_2941, %mul3A_2941 : vector<128x128xf32>
    %mul3A_2943 = arith.constant 5.000000e-01 : f32
    %mul3A_2944 = vector.broadcast %mul3A_2943 : f32 to vector<128x128xf32>
    %mul3A_2945 = arith.mulf %mul3A_2944, %mul3A_2942 : vector<128x128xf32>
    %sub3A_2946 = vector.broadcast %log3A : vector<1x128xf32> to vector<128x128xf32>
    %sub3A_2947 = arith.subf %sub3A_2946, %mul3A_2945 : vector<128x128xf32>
    %exp3A_2948 = math.exp %sub3A_2947 : vector<128x128xf32>
    %swap3A_2949 = arith.constant 19712 : index
    %swap3A_2950 = arith.constant 0 : index
    %swap3A_2951 = vector.load %arg4[%swap3A_2949, %swap3A_2950] : memref<32768x128xf32, #tpu.memory_space<vmem>>, vector<128x128xf32>
    tpu.vector_store %arg4[%swap3A_2949, %swap3A_2950], %exp3A_2948 {strides = array<i32>} : memref<32768x128xf32, #tpu.memory_space<vmem>>, vector<128x128xf32>,
    %slice3A_2952 = vector.extract_strided_slice %transpose3A {offsets = [0, 155], sizes = [128, 1], strides = [1, 1]} : vector<128x256xf32> to vector<128x1xf32>
    %get3A_2953 = arith.constant 0 : index
    %get3A_2954 = arith.constant 0 : index
    %get3A_2955 = vector.load %arg2[%get3A_2953, %get3A_2954] : memref<1x128xf32, #tpu.memory_space<vmem>>, vector<1x128xf32>
    %sub3A_2956 = vector.broadcast %slice3A_2952 : vector<128x1xf32> to vector<128x128xf32>
    %sub3A_2957 = vector.broadcast %get3A_2955 : vector<1x128xf32> to vector<128x128xf32>
    %sub3A_2958 = arith.subf %sub3A_2956, %sub3A_2957 : vector<128x128xf32>
    %mul3A_2959 = vector.broadcast %div3A_5 : vector<1x128xf32> to vector<128x128xf32>
    %mul3A_2960 = arith.mulf %sub3A_2958, %mul3A_2959 : vector<128x128xf32>
    %mul3A_2961 = arith.mulf %mul3A_2960, %mul3A_2960 : vector<128x128xf32>
    %mul3A_2962 = arith.constant 5.000000e-01 : f32
    %mul3A_2963 = vector.broadcast %mul3A_2962 : f32 to vector<128x128xf32>
    %mul3A_2964 = arith.mulf %mul3A_2963, %mul3A_2961 : vector<128x128xf32>
    %sub3A_2965 = vector.broadcast %log3A : vector<1x128xf32> to vector<128x128xf32>
    %sub3A_2966 = arith.subf %sub3A_2965, %mul3A_2964 : vector<128x128xf32>
    %exp3A_2967 = math.exp %sub3A_2966 : vector<128x128xf32>
    %swap3A_2968 = arith.constant 19840 : index
    %swap3A_2969 = arith.constant 0 : index
    %swap3A_2970 = vector.load %arg4[%swap3A_2968, %swap3A_2969] : memref<32768x128xf32, #tpu.memory_space<vmem>>, vector<128x128xf32>
    tpu.vector_store %arg4[%swap3A_2968, %swap3A_2969], %exp3A_2967 {strides = array<i32>} : memref<32768x128xf32, #tpu.memory_space<vmem>>, vector<128x128xf32>,
    %slice3A_2971 = vector.extract_strided_slice %transpose3A {offsets = [0, 156], sizes = [128, 1], strides = [1, 1]} : vector<128x256xf32> to vector<128x1xf32>
    %get3A_2972 = arith.constant 0 : index
    %get3A_2973 = arith.constant 0 : index
    %get3A_2974 = vector.load %arg2[%get3A_2972, %get3A_2973] : memref<1x128xf32, #tpu.memory_space<vmem>>, vector<1x128xf32>
    %sub3A_2975 = vector.broadcast %slice3A_2971 : vector<128x1xf32> to vector<128x128xf32>
    %sub3A_2976 = vector.broadcast %get3A_2974 : vector<1x128xf32> to vector<128x128xf32>
    %sub3A_2977 = arith.subf %sub3A_2975, %sub3A_2976 : vector<128x128xf32>
    %mul3A_2978 = vector.broadcast %div3A_5 : vector<1x128xf32> to vector<128x128xf32>
    %mul3A_2979 = arith.mulf %sub3A_2977, %mul3A_2978 : vector<128x128xf32>
    %mul3A_2980 = arith.mulf %mul3A_2979, %mul3A_2979 : vector<128x128xf32>
    %mul3A_2981 = arith.constant 5.000000e-01 : f32
    %mul3A_2982 = vector.broadcast %mul3A_2981 : f32 to vector<128x128xf32>
    %mul3A_2983 = arith.mulf %mul3A_2982, %mul3A_2980 : vector<128x128xf32>
    %sub3A_2984 = vector.broadcast %log3A : vector<1x128xf32> to vector<128x128xf32>
    %sub3A_2985 = arith.subf %sub3A_2984, %mul3A_2983 : vector<128x128xf32>
    %exp3A_2986 = math.exp %sub3A_2985 : vector<128x128xf32>
    %swap3A_2987 = arith.constant 19968 : index
    %swap3A_2988 = arith.constant 0 : index
    %swap3A_2989 = vector.load %arg4[%swap3A_2987, %swap3A_2988] : memref<32768x128xf32, #tpu.memory_space<vmem>>, vector<128x128xf32>
    tpu.vector_store %arg4[%swap3A_2987, %swap3A_2988], %exp3A_2986 {strides = array<i32>} : memref<32768x128xf32, #tpu.memory_space<vmem>>, vector<128x128xf32>,
    %slice3A_2990 = vector.extract_strided_slice %transpose3A {offsets = [0, 157], sizes = [128, 1], strides = [1, 1]} : vector<128x256xf32> to vector<128x1xf32>
    %get3A_2991 = arith.constant 0 : index
    %get3A_2992 = arith.constant 0 : index
    %get3A_2993 = vector.load %arg2[%get3A_2991, %get3A_2992] : memref<1x128xf32, #tpu.memory_space<vmem>>, vector<1x128xf32>
    %sub3A_2994 = vector.broadcast %slice3A_2990 : vector<128x1xf32> to vector<128x128xf32>
    %sub3A_2995 = vector.broadcast %get3A_2993 : vector<1x128xf32> to vector<128x128xf32>
    %sub3A_2996 = arith.subf %sub3A_2994, %sub3A_2995 : vector<128x128xf32>
    %mul3A_2997 = vector.broadcast %div3A_5 : vector<1x128xf32> to vector<128x128xf32>
    %mul3A_2998 = arith.mulf %sub3A_2996, %mul3A_2997 : vector<128x128xf32>
    %mul3A_2999 = arith.mulf %mul3A_2998, %mul3A_2998 : vector<128x128xf32>
    %mul3A_3000 = arith.constant 5.000000e-01 : f32
    %mul3A_3001 = vector.broadcast %mul3A_3000 : f32 to vector<128x128xf32>
    %mul3A_3002 = arith.mulf %mul3A_3001, %mul3A_2999 : vector<128x128xf32>
    %sub3A_3003 = vector.broadcast %log3A : vector<1x128xf32> to vector<128x128xf32>
    %sub3A_3004 = arith.subf %sub3A_3003, %mul3A_3002 : vector<128x128xf32>
    %exp3A_3005 = math.exp %sub3A_3004 : vector<128x128xf32>
    %swap3A_3006 = arith.constant 20096 : index
    %swap3A_3007 = arith.constant 0 : index
    %swap3A_3008 = vector.load %arg4[%swap3A_3006, %swap3A_3007] : memref<32768x128xf32, #tpu.memory_space<vmem>>, vector<128x128xf32>
    tpu.vector_store %arg4[%swap3A_3006, %swap3A_3007], %exp3A_3005 {strides = array<i32>} : memref<32768x128xf32, #tpu.memory_space<vmem>>, vector<128x128xf32>,
    %slice3A_3009 = vector.extract_strided_slice %transpose3A {offsets = [0, 158], sizes = [128, 1], strides = [1, 1]} : vector<128x256xf32> to vector<128x1xf32>
    %get3A_3010 = arith.constant 0 : index
    %get3A_3011 = arith.constant 0 : index
    %get3A_3012 = vector.load %arg2[%get3A_3010, %get3A_3011] : memref<1x128xf32, #tpu.memory_space<vmem>>, vector<1x128xf32>
    %sub3A_3013 = vector.broadcast %slice3A_3009 : vector<128x1xf32> to vector<128x128xf32>
    %sub3A_3014 = vector.broadcast %get3A_3012 : vector<1x128xf32> to vector<128x128xf32>
    %sub3A_3015 = arith.subf %sub3A_3013, %sub3A_3014 : vector<128x128xf32>
    %mul3A_3016 = vector.broadcast %div3A_5 : vector<1x128xf32> to vector<128x128xf32>
    %mul3A_3017 = arith.mulf %sub3A_3015, %mul3A_3016 : vector<128x128xf32>
    %mul3A_3018 = arith.mulf %mul3A_3017, %mul3A_3017 : vector<128x128xf32>
    %mul3A_3019 = arith.constant 5.000000e-01 : f32
    %mul3A_3020 = vector.broadcast %mul3A_3019 : f32 to vector<128x128xf32>
    %mul3A_3021 = arith.mulf %mul3A_3020, %mul3A_3018 : vector<128x128xf32>
    %sub3A_3022 = vector.broadcast %log3A : vector<1x128xf32> to vector<128x128xf32>
    %sub3A_3023 = arith.subf %sub3A_3022, %mul3A_3021 : vector<128x128xf32>
    %exp3A_3024 = math.exp %sub3A_3023 : vector<128x128xf32>
    %swap3A_3025 = arith.constant 20224 : index
    %swap3A_3026 = arith.constant 0 : index
    %swap3A_3027 = vector.load %arg4[%swap3A_3025, %swap3A_3026] : memref<32768x128xf32, #tpu.memory_space<vmem>>, vector<128x128xf32>
    tpu.vector_store %arg4[%swap3A_3025, %swap3A_3026], %exp3A_3024 {strides = array<i32>} : memref<32768x128xf32, #tpu.memory_space<vmem>>, vector<128x128xf32>,
    %slice3A_3028 = vector.extract_strided_slice %transpose3A {offsets = [0, 159], sizes = [128, 1], strides = [1, 1]} : vector<128x256xf32> to vector<128x1xf32>
    %get3A_3029 = arith.constant 0 : index
    %get3A_3030 = arith.constant 0 : index
    %get3A_3031 = vector.load %arg2[%get3A_3029, %get3A_3030] : memref<1x128xf32, #tpu.memory_space<vmem>>, vector<1x128xf32>
    %sub3A_3032 = vector.broadcast %slice3A_3028 : vector<128x1xf32> to vector<128x128xf32>
    %sub3A_3033 = vector.broadcast %get3A_3031 : vector<1x128xf32> to vector<128x128xf32>
    %sub3A_3034 = arith.subf %sub3A_3032, %sub3A_3033 : vector<128x128xf32>
    %mul3A_3035 = vector.broadcast %div3A_5 : vector<1x128xf32> to vector<128x128xf32>
    %mul3A_3036 = arith.mulf %sub3A_3034, %mul3A_3035 : vector<128x128xf32>
    %mul3A_3037 = arith.mulf %mul3A_3036, %mul3A_3036 : vector<128x128xf32>
    %mul3A_3038 = arith.constant 5.000000e-01 : f32
    %mul3A_3039 = vector.broadcast %mul3A_3038 : f32 to vector<128x128xf32>
    %mul3A_3040 = arith.mulf %mul3A_3039, %mul3A_3037 : vector<128x128xf32>
    %sub3A_3041 = vector.broadcast %log3A : vector<1x128xf32> to vector<128x128xf32>
    %sub3A_3042 = arith.subf %sub3A_3041, %mul3A_3040 : vector<128x128xf32>
    %exp3A_3043 = math.exp %sub3A_3042 : vector<128x128xf32>
    %swap3A_3044 = arith.constant 20352 : index
    %swap3A_3045 = arith.constant 0 : index
    %swap3A_3046 = vector.load %arg4[%swap3A_3044, %swap3A_3045] : memref<32768x128xf32, #tpu.memory_space<vmem>>, vector<128x128xf32>
    tpu.vector_store %arg4[%swap3A_3044, %swap3A_3045], %exp3A_3043 {strides = array<i32>} : memref<32768x128xf32, #tpu.memory_space<vmem>>, vector<128x128xf32>,
    %slice3A_3047 = vector.extract_strided_slice %transpose3A {offsets = [0, 160], sizes = [128, 1], strides = [1, 1]} : vector<128x256xf32> to vector<128x1xf32>
    %get3A_3048 = arith.constant 0 : index
    %get3A_3049 = arith.constant 0 : index
    %get3A_3050 = vector.load %arg2[%get3A_3048, %get3A_3049] : memref<1x128xf32, #tpu.memory_space<vmem>>, vector<1x128xf32>
    %sub3A_3051 = vector.broadcast %slice3A_3047 : vector<128x1xf32> to vector<128x128xf32>
    %sub3A_3052 = vector.broadcast %get3A_3050 : vector<1x128xf32> to vector<128x128xf32>
    %sub3A_3053 = arith.subf %sub3A_3051, %sub3A_3052 : vector<128x128xf32>
    %mul3A_3054 = vector.broadcast %div3A_5 : vector<1x128xf32> to vector<128x128xf32>
    %mul3A_3055 = arith.mulf %sub3A_3053, %mul3A_3054 : vector<128x128xf32>
    %mul3A_3056 = arith.mulf %mul3A_3055, %mul3A_3055 : vector<128x128xf32>
    %mul3A_3057 = arith.constant 5.000000e-01 : f32
    %mul3A_3058 = vector.broadcast %mul3A_3057 : f32 to vector<128x128xf32>
    %mul3A_3059 = arith.mulf %mul3A_3058, %mul3A_3056 : vector<128x128xf32>
    %sub3A_3060 = vector.broadcast %log3A : vector<1x128xf32> to vector<128x128xf32>
    %sub3A_3061 = arith.subf %sub3A_3060, %mul3A_3059 : vector<128x128xf32>
    %exp3A_3062 = math.exp %sub3A_3061 : vector<128x128xf32>
    %swap3A_3063 = arith.constant 20480 : index
    %swap3A_3064 = arith.constant 0 : index
    %swap3A_3065 = vector.load %arg4[%swap3A_3063, %swap3A_3064] : memref<32768x128xf32, #tpu.memory_space<vmem>>, vector<128x128xf32>
    tpu.vector_store %arg4[%swap3A_3063, %swap3A_3064], %exp3A_3062 {strides = array<i32>} : memref<32768x128xf32, #tpu.memory_space<vmem>>, vector<128x128xf32>,
    %slice3A_3066 = vector.extract_strided_slice %transpose3A {offsets = [0, 161], sizes = [128, 1], strides = [1, 1]} : vector<128x256xf32> to vector<128x1xf32>
    %get3A_3067 = arith.constant 0 : index
    %get3A_3068 = arith.constant 0 : index
    %get3A_3069 = vector.load %arg2[%get3A_3067, %get3A_3068] : memref<1x128xf32, #tpu.memory_space<vmem>>, vector<1x128xf32>
    %sub3A_3070 = vector.broadcast %slice3A_3066 : vector<128x1xf32> to vector<128x128xf32>
    %sub3A_3071 = vector.broadcast %get3A_3069 : vector<1x128xf32> to vector<128x128xf32>
    %sub3A_3072 = arith.subf %sub3A_3070, %sub3A_3071 : vector<128x128xf32>
    %mul3A_3073 = vector.broadcast %div3A_5 : vector<1x128xf32> to vector<128x128xf32>
    %mul3A_3074 = arith.mulf %sub3A_3072, %mul3A_3073 : vector<128x128xf32>
    %mul3A_3075 = arith.mulf %mul3A_3074, %mul3A_3074 : vector<128x128xf32>
    %mul3A_3076 = arith.constant 5.000000e-01 : f32
    %mul3A_3077 = vector.broadcast %mul3A_3076 : f32 to vector<128x128xf32>
    %mul3A_3078 = arith.mulf %mul3A_3077, %mul3A_3075 : vector<128x128xf32>
    %sub3A_3079 = vector.broadcast %log3A : vector<1x128xf32> to vector<128x128xf32>
    %sub3A_3080 = arith.subf %sub3A_3079, %mul3A_3078 : vector<128x128xf32>
    %exp3A_3081 = math.exp %sub3A_3080 : vector<128x128xf32>
    %swap3A_3082 = arith.constant 20608 : index
    %swap3A_3083 = arith.constant 0 : index
    %swap3A_3084 = vector.load %arg4[%swap3A_3082, %swap3A_3083] : memref<32768x128xf32, #tpu.memory_space<vmem>>, vector<128x128xf32>
    tpu.vector_store %arg4[%swap3A_3082, %swap3A_3083], %exp3A_3081 {strides = array<i32>} : memref<32768x128xf32, #tpu.memory_space<vmem>>, vector<128x128xf32>,
    %slice3A_3085 = vector.extract_strided_slice %transpose3A {offsets = [0, 162], sizes = [128, 1], strides = [1, 1]} : vector<128x256xf32> to vector<128x1xf32>
    %get3A_3086 = arith.constant 0 : index
    %get3A_3087 = arith.constant 0 : index
    %get3A_3088 = vector.load %arg2[%get3A_3086, %get3A_3087] : memref<1x128xf32, #tpu.memory_space<vmem>>, vector<1x128xf32>
    %sub3A_3089 = vector.broadcast %slice3A_3085 : vector<128x1xf32> to vector<128x128xf32>
    %sub3A_3090 = vector.broadcast %get3A_3088 : vector<1x128xf32> to vector<128x128xf32>
    %sub3A_3091 = arith.subf %sub3A_3089, %sub3A_3090 : vector<128x128xf32>
    %mul3A_3092 = vector.broadcast %div3A_5 : vector<1x128xf32> to vector<128x128xf32>
    %mul3A_3093 = arith.mulf %sub3A_3091, %mul3A_3092 : vector<128x128xf32>
    %mul3A_3094 = arith.mulf %mul3A_3093, %mul3A_3093 : vector<128x128xf32>
    %mul3A_3095 = arith.constant 5.000000e-01 : f32
    %mul3A_3096 = vector.broadcast %mul3A_3095 : f32 to vector<128x128xf32>
    %mul3A_3097 = arith.mulf %mul3A_3096, %mul3A_3094 : vector<128x128xf32>
    %sub3A_3098 = vector.broadcast %log3A : vector<1x128xf32> to vector<128x128xf32>
    %sub3A_3099 = arith.subf %sub3A_3098, %mul3A_3097 : vector<128x128xf32>
    %exp3A_3100 = math.exp %sub3A_3099 : vector<128x128xf32>
    %swap3A_3101 = arith.constant 20736 : index
    %swap3A_3102 = arith.constant 0 : index
    %swap3A_3103 = vector.load %arg4[%swap3A_3101, %swap3A_3102] : memref<32768x128xf32, #tpu.memory_space<vmem>>, vector<128x128xf32>
    tpu.vector_store %arg4[%swap3A_3101, %swap3A_3102], %exp3A_3100 {strides = array<i32>} : memref<32768x128xf32, #tpu.memory_space<vmem>>, vector<128x128xf32>,
    %slice3A_3104 = vector.extract_strided_slice %transpose3A {offsets = [0, 163], sizes = [128, 1], strides = [1, 1]} : vector<128x256xf32> to vector<128x1xf32>
    %get3A_3105 = arith.constant 0 : index
    %get3A_3106 = arith.constant 0 : index
    %get3A_3107 = vector.load %arg2[%get3A_3105, %get3A_3106] : memref<1x128xf32, #tpu.memory_space<vmem>>, vector<1x128xf32>
    %sub3A_3108 = vector.broadcast %slice3A_3104 : vector<128x1xf32> to vector<128x128xf32>
    %sub3A_3109 = vector.broadcast %get3A_3107 : vector<1x128xf32> to vector<128x128xf32>
    %sub3A_3110 = arith.subf %sub3A_3108, %sub3A_3109 : vector<128x128xf32>
    %mul3A_3111 = vector.broadcast %div3A_5 : vector<1x128xf32> to vector<128x128xf32>
    %mul3A_3112 = arith.mulf %sub3A_3110, %mul3A_3111 : vector<128x128xf32>
    %mul3A_3113 = arith.mulf %mul3A_3112, %mul3A_3112 : vector<128x128xf32>
    %mul3A_3114 = arith.constant 5.000000e-01 : f32
    %mul3A_3115 = vector.broadcast %mul3A_3114 : f32 to vector<128x128xf32>
    %mul3A_3116 = arith.mulf %mul3A_3115, %mul3A_3113 : vector<128x128xf32>
    %sub3A_3117 = vector.broadcast %log3A : vector<1x128xf32> to vector<128x128xf32>
    %sub3A_3118 = arith.subf %sub3A_3117, %mul3A_3116 : vector<128x128xf32>
    %exp3A_3119 = math.exp %sub3A_3118 : vector<128x128xf32>
    %swap3A_3120 = arith.constant 20864 : index
    %swap3A_3121 = arith.constant 0 : index
    %swap3A_3122 = vector.load %arg4[%swap3A_3120, %swap3A_3121] : memref<32768x128xf32, #tpu.memory_space<vmem>>, vector<128x128xf32>
    tpu.vector_store %arg4[%swap3A_3120, %swap3A_3121], %exp3A_3119 {strides = array<i32>} : memref<32768x128xf32, #tpu.memory_space<vmem>>, vector<128x128xf32>,
    %slice3A_3123 = vector.extract_strided_slice %transpose3A {offsets = [0, 164], sizes = [128, 1], strides = [1, 1]} : vector<128x256xf32> to vector<128x1xf32>
    %get3A_3124 = arith.constant 0 : index
    %get3A_3125 = arith.constant 0 : index
    %get3A_3126 = vector.load %arg2[%get3A_3124, %get3A_3125] : memref<1x128xf32, #tpu.memory_space<vmem>>, vector<1x128xf32>
    %sub3A_3127 = vector.broadcast %slice3A_3123 : vector<128x1xf32> to vector<128x128xf32>
    %sub3A_3128 = vector.broadcast %get3A_3126 : vector<1x128xf32> to vector<128x128xf32>
    %sub3A_3129 = arith.subf %sub3A_3127, %sub3A_3128 : vector<128x128xf32>
    %mul3A_3130 = vector.broadcast %div3A_5 : vector<1x128xf32> to vector<128x128xf32>
    %mul3A_3131 = arith.mulf %sub3A_3129, %mul3A_3130 : vector<128x128xf32>
    %mul3A_3132 = arith.mulf %mul3A_3131, %mul3A_3131 : vector<128x128xf32>
    %mul3A_3133 = arith.constant 5.000000e-01 : f32
    %mul3A_3134 = vector.broadcast %mul3A_3133 : f32 to vector<128x128xf32>
    %mul3A_3135 = arith.mulf %mul3A_3134, %mul3A_3132 : vector<128x128xf32>
    %sub3A_3136 = vector.broadcast %log3A : vector<1x128xf32> to vector<128x128xf32>
    %sub3A_3137 = arith.subf %sub3A_3136, %mul3A_3135 : vector<128x128xf32>
    %exp3A_3138 = math.exp %sub3A_3137 : vector<128x128xf32>
    %swap3A_3139 = arith.constant 20992 : index
    %swap3A_3140 = arith.constant 0 : index
    %swap3A_3141 = vector.load %arg4[%swap3A_3139, %swap3A_3140] : memref<32768x128xf32, #tpu.memory_space<vmem>>, vector<128x128xf32>
    tpu.vector_store %arg4[%swap3A_3139, %swap3A_3140], %exp3A_3138 {strides = array<i32>} : memref<32768x128xf32, #tpu.memory_space<vmem>>, vector<128x128xf32>,
    %slice3A_3142 = vector.extract_strided_slice %transpose3A {offsets = [0, 165], sizes = [128, 1], strides = [1, 1]} : vector<128x256xf32> to vector<128x1xf32>
    %get3A_3143 = arith.constant 0 : index
    %get3A_3144 = arith.constant 0 : index
    %get3A_3145 = vector.load %arg2[%get3A_3143, %get3A_3144] : memref<1x128xf32, #tpu.memory_space<vmem>>, vector<1x128xf32>
    %sub3A_3146 = vector.broadcast %slice3A_3142 : vector<128x1xf32> to vector<128x128xf32>
    %sub3A_3147 = vector.broadcast %get3A_3145 : vector<1x128xf32> to vector<128x128xf32>
    %sub3A_3148 = arith.subf %sub3A_3146, %sub3A_3147 : vector<128x128xf32>
    %mul3A_3149 = vector.broadcast %div3A_5 : vector<1x128xf32> to vector<128x128xf32>
    %mul3A_3150 = arith.mulf %sub3A_3148, %mul3A_3149 : vector<128x128xf32>
    %mul3A_3151 = arith.mulf %mul3A_3150, %mul3A_3150 : vector<128x128xf32>
    %mul3A_3152 = arith.constant 5.000000e-01 : f32
    %mul3A_3153 = vector.broadcast %mul3A_3152 : f32 to vector<128x128xf32>
    %mul3A_3154 = arith.mulf %mul3A_3153, %mul3A_3151 : vector<128x128xf32>
    %sub3A_3155 = vector.broadcast %log3A : vector<1x128xf32> to vector<128x128xf32>
    %sub3A_3156 = arith.subf %sub3A_3155, %mul3A_3154 : vector<128x128xf32>
    %exp3A_3157 = math.exp %sub3A_3156 : vector<128x128xf32>
    %swap3A_3158 = arith.constant 21120 : index
    %swap3A_3159 = arith.constant 0 : index
    %swap3A_3160 = vector.load %arg4[%swap3A_3158, %swap3A_3159] : memref<32768x128xf32, #tpu.memory_space<vmem>>, vector<128x128xf32>
    tpu.vector_store %arg4[%swap3A_3158, %swap3A_3159], %exp3A_3157 {strides = array<i32>} : memref<32768x128xf32, #tpu.memory_space<vmem>>, vector<128x128xf32>,
    %slice3A_3161 = vector.extract_strided_slice %transpose3A {offsets = [0, 166], sizes = [128, 1], strides = [1, 1]} : vector<128x256xf32> to vector<128x1xf32>
    %get3A_3162 = arith.constant 0 : index
    %get3A_3163 = arith.constant 0 : index
    %get3A_3164 = vector.load %arg2[%get3A_3162, %get3A_3163] : memref<1x128xf32, #tpu.memory_space<vmem>>, vector<1x128xf32>
    %sub3A_3165 = vector.broadcast %slice3A_3161 : vector<128x1xf32> to vector<128x128xf32>
    %sub3A_3166 = vector.broadcast %get3A_3164 : vector<1x128xf32> to vector<128x128xf32>
    %sub3A_3167 = arith.subf %sub3A_3165, %sub3A_3166 : vector<128x128xf32>
    %mul3A_3168 = vector.broadcast %div3A_5 : vector<1x128xf32> to vector<128x128xf32>
    %mul3A_3169 = arith.mulf %sub3A_3167, %mul3A_3168 : vector<128x128xf32>
    %mul3A_3170 = arith.mulf %mul3A_3169, %mul3A_3169 : vector<128x128xf32>
    %mul3A_3171 = arith.constant 5.000000e-01 : f32
    %mul3A_3172 = vector.broadcast %mul3A_3171 : f32 to vector<128x128xf32>
    %mul3A_3173 = arith.mulf %mul3A_3172, %mul3A_3170 : vector<128x128xf32>
    %sub3A_3174 = vector.broadcast %log3A : vector<1x128xf32> to vector<128x128xf32>
    %sub3A_3175 = arith.subf %sub3A_3174, %mul3A_3173 : vector<128x128xf32>
    %exp3A_3176 = math.exp %sub3A_3175 : vector<128x128xf32>
    %swap3A_3177 = arith.constant 21248 : index
    %swap3A_3178 = arith.constant 0 : index
    %swap3A_3179 = vector.load %arg4[%swap3A_3177, %swap3A_3178] : memref<32768x128xf32, #tpu.memory_space<vmem>>, vector<128x128xf32>
    tpu.vector_store %arg4[%swap3A_3177, %swap3A_3178], %exp3A_3176 {strides = array<i32>} : memref<32768x128xf32, #tpu.memory_space<vmem>>, vector<128x128xf32>,
    %slice3A_3180 = vector.extract_strided_slice %transpose3A {offsets = [0, 167], sizes = [128, 1], strides = [1, 1]} : vector<128x256xf32> to vector<128x1xf32>
    %get3A_3181 = arith.constant 0 : index
    %get3A_3182 = arith.constant 0 : index
    %get3A_3183 = vector.load %arg2[%get3A_3181, %get3A_3182] : memref<1x128xf32, #tpu.memory_space<vmem>>, vector<1x128xf32>
    %sub3A_3184 = vector.broadcast %slice3A_3180 : vector<128x1xf32> to vector<128x128xf32>
    %sub3A_3185 = vector.broadcast %get3A_3183 : vector<1x128xf32> to vector<128x128xf32>
    %sub3A_3186 = arith.subf %sub3A_3184, %sub3A_3185 : vector<128x128xf32>
    %mul3A_3187 = vector.broadcast %div3A_5 : vector<1x128xf32> to vector<128x128xf32>
    %mul3A_3188 = arith.mulf %sub3A_3186, %mul3A_3187 : vector<128x128xf32>
    %mul3A_3189 = arith.mulf %mul3A_3188, %mul3A_3188 : vector<128x128xf32>
    %mul3A_3190 = arith.constant 5.000000e-01 : f32
    %mul3A_3191 = vector.broadcast %mul3A_3190 : f32 to vector<128x128xf32>
    %mul3A_3192 = arith.mulf %mul3A_3191, %mul3A_3189 : vector<128x128xf32>
    %sub3A_3193 = vector.broadcast %log3A : vector<1x128xf32> to vector<128x128xf32>
    %sub3A_3194 = arith.subf %sub3A_3193, %mul3A_3192 : vector<128x128xf32>
    %exp3A_3195 = math.exp %sub3A_3194 : vector<128x128xf32>
    %swap3A_3196 = arith.constant 21376 : index
    %swap3A_3197 = arith.constant 0 : index
    %swap3A_3198 = vector.load %arg4[%swap3A_3196, %swap3A_3197] : memref<32768x128xf32, #tpu.memory_space<vmem>>, vector<128x128xf32>
    tpu.vector_store %arg4[%swap3A_3196, %swap3A_3197], %exp3A_3195 {strides = array<i32>} : memref<32768x128xf32, #tpu.memory_space<vmem>>, vector<128x128xf32>,
    %slice3A_3199 = vector.extract_strided_slice %transpose3A {offsets = [0, 168], sizes = [128, 1], strides = [1, 1]} : vector<128x256xf32> to vector<128x1xf32>
    %get3A_3200 = arith.constant 0 : index
    %get3A_3201 = arith.constant 0 : index
    %get3A_3202 = vector.load %arg2[%get3A_3200, %get3A_3201] : memref<1x128xf32, #tpu.memory_space<vmem>>, vector<1x128xf32>
    %sub3A_3203 = vector.broadcast %slice3A_3199 : vector<128x1xf32> to vector<128x128xf32>
    %sub3A_3204 = vector.broadcast %get3A_3202 : vector<1x128xf32> to vector<128x128xf32>
    %sub3A_3205 = arith.subf %sub3A_3203, %sub3A_3204 : vector<128x128xf32>
    %mul3A_3206 = vector.broadcast %div3A_5 : vector<1x128xf32> to vector<128x128xf32>
    %mul3A_3207 = arith.mulf %sub3A_3205, %mul3A_3206 : vector<128x128xf32>
    %mul3A_3208 = arith.mulf %mul3A_3207, %mul3A_3207 : vector<128x128xf32>
    %mul3A_3209 = arith.constant 5.000000e-01 : f32
    %mul3A_3210 = vector.broadcast %mul3A_3209 : f32 to vector<128x128xf32>
    %mul3A_3211 = arith.mulf %mul3A_3210, %mul3A_3208 : vector<128x128xf32>
    %sub3A_3212 = vector.broadcast %log3A : vector<1x128xf32> to vector<128x128xf32>
    %sub3A_3213 = arith.subf %sub3A_3212, %mul3A_3211 : vector<128x128xf32>
    %exp3A_3214 = math.exp %sub3A_3213 : vector<128x128xf32>
    %swap3A_3215 = arith.constant 21504 : index
    %swap3A_3216 = arith.constant 0 : index
    %swap3A_3217 = vector.load %arg4[%swap3A_3215, %swap3A_3216] : memref<32768x128xf32, #tpu.memory_space<vmem>>, vector<128x128xf32>
    tpu.vector_store %arg4[%swap3A_3215, %swap3A_3216], %exp3A_3214 {strides = array<i32>} : memref<32768x128xf32, #tpu.memory_space<vmem>>, vector<128x128xf32>,
    %slice3A_3218 = vector.extract_strided_slice %transpose3A {offsets = [0, 169], sizes = [128, 1], strides = [1, 1]} : vector<128x256xf32> to vector<128x1xf32>
    %get3A_3219 = arith.constant 0 : index
    %get3A_3220 = arith.constant 0 : index
    %get3A_3221 = vector.load %arg2[%get3A_3219, %get3A_3220] : memref<1x128xf32, #tpu.memory_space<vmem>>, vector<1x128xf32>
    %sub3A_3222 = vector.broadcast %slice3A_3218 : vector<128x1xf32> to vector<128x128xf32>
    %sub3A_3223 = vector.broadcast %get3A_3221 : vector<1x128xf32> to vector<128x128xf32>
    %sub3A_3224 = arith.subf %sub3A_3222, %sub3A_3223 : vector<128x128xf32>
    %mul3A_3225 = vector.broadcast %div3A_5 : vector<1x128xf32> to vector<128x128xf32>
    %mul3A_3226 = arith.mulf %sub3A_3224, %mul3A_3225 : vector<128x128xf32>
    %mul3A_3227 = arith.mulf %mul3A_3226, %mul3A_3226 : vector<128x128xf32>
    %mul3A_3228 = arith.constant 5.000000e-01 : f32
    %mul3A_3229 = vector.broadcast %mul3A_3228 : f32 to vector<128x128xf32>
    %mul3A_3230 = arith.mulf %mul3A_3229, %mul3A_3227 : vector<128x128xf32>
    %sub3A_3231 = vector.broadcast %log3A : vector<1x128xf32> to vector<128x128xf32>
    %sub3A_3232 = arith.subf %sub3A_3231, %mul3A_3230 : vector<128x128xf32>
    %exp3A_3233 = math.exp %sub3A_3232 : vector<128x128xf32>
    %swap3A_3234 = arith.constant 21632 : index
    %swap3A_3235 = arith.constant 0 : index
    %swap3A_3236 = vector.load %arg4[%swap3A_3234, %swap3A_3235] : memref<32768x128xf32, #tpu.memory_space<vmem>>, vector<128x128xf32>
    tpu.vector_store %arg4[%swap3A_3234, %swap3A_3235], %exp3A_3233 {strides = array<i32>} : memref<32768x128xf32, #tpu.memory_space<vmem>>, vector<128x128xf32>,
    %slice3A_3237 = vector.extract_strided_slice %transpose3A {offsets = [0, 170], sizes = [128, 1], strides = [1, 1]} : vector<128x256xf32> to vector<128x1xf32>
    %get3A_3238 = arith.constant 0 : index
    %get3A_3239 = arith.constant 0 : index
    %get3A_3240 = vector.load %arg2[%get3A_3238, %get3A_3239] : memref<1x128xf32, #tpu.memory_space<vmem>>, vector<1x128xf32>
    %sub3A_3241 = vector.broadcast %slice3A_3237 : vector<128x1xf32> to vector<128x128xf32>
    %sub3A_3242 = vector.broadcast %get3A_3240 : vector<1x128xf32> to vector<128x128xf32>
    %sub3A_3243 = arith.subf %sub3A_3241, %sub3A_3242 : vector<128x128xf32>
    %mul3A_3244 = vector.broadcast %div3A_5 : vector<1x128xf32> to vector<128x128xf32>
    %mul3A_3245 = arith.mulf %sub3A_3243, %mul3A_3244 : vector<128x128xf32>
    %mul3A_3246 = arith.mulf %mul3A_3245, %mul3A_3245 : vector<128x128xf32>
    %mul3A_3247 = arith.constant 5.000000e-01 : f32
    %mul3A_3248 = vector.broadcast %mul3A_3247 : f32 to vector<128x128xf32>
    %mul3A_3249 = arith.mulf %mul3A_3248, %mul3A_3246 : vector<128x128xf32>
    %sub3A_3250 = vector.broadcast %log3A : vector<1x128xf32> to vector<128x128xf32>
    %sub3A_3251 = arith.subf %sub3A_3250, %mul3A_3249 : vector<128x128xf32>
    %exp3A_3252 = math.exp %sub3A_3251 : vector<128x128xf32>
    %swap3A_3253 = arith.constant 21760 : index
    %swap3A_3254 = arith.constant 0 : index
    %swap3A_3255 = vector.load %arg4[%swap3A_3253, %swap3A_3254] : memref<32768x128xf32, #tpu.memory_space<vmem>>, vector<128x128xf32>
    tpu.vector_store %arg4[%swap3A_3253, %swap3A_3254], %exp3A_3252 {strides = array<i32>} : memref<32768x128xf32, #tpu.memory_space<vmem>>, vector<128x128xf32>,
    %slice3A_3256 = vector.extract_strided_slice %transpose3A {offsets = [0, 171], sizes = [128, 1], strides = [1, 1]} : vector<128x256xf32> to vector<128x1xf32>
    %get3A_3257 = arith.constant 0 : index
    %get3A_3258 = arith.constant 0 : index
    %get3A_3259 = vector.load %arg2[%get3A_3257, %get3A_3258] : memref<1x128xf32, #tpu.memory_space<vmem>>, vector<1x128xf32>
    %sub3A_3260 = vector.broadcast %slice3A_3256 : vector<128x1xf32> to vector<128x128xf32>
    %sub3A_3261 = vector.broadcast %get3A_3259 : vector<1x128xf32> to vector<128x128xf32>
    %sub3A_3262 = arith.subf %sub3A_3260, %sub3A_3261 : vector<128x128xf32>
    %mul3A_3263 = vector.broadcast %div3A_5 : vector<1x128xf32> to vector<128x128xf32>
    %mul3A_3264 = arith.mulf %sub3A_3262, %mul3A_3263 : vector<128x128xf32>
    %mul3A_3265 = arith.mulf %mul3A_3264, %mul3A_3264 : vector<128x128xf32>
    %mul3A_3266 = arith.constant 5.000000e-01 : f32
    %mul3A_3267 = vector.broadcast %mul3A_3266 : f32 to vector<128x128xf32>
    %mul3A_3268 = arith.mulf %mul3A_3267, %mul3A_3265 : vector<128x128xf32>
    %sub3A_3269 = vector.broadcast %log3A : vector<1x128xf32> to vector<128x128xf32>
    %sub3A_3270 = arith.subf %sub3A_3269, %mul3A_3268 : vector<128x128xf32>
    %exp3A_3271 = math.exp %sub3A_3270 : vector<128x128xf32>
    %swap3A_3272 = arith.constant 21888 : index
    %swap3A_3273 = arith.constant 0 : index
    %swap3A_3274 = vector.load %arg4[%swap3A_3272, %swap3A_3273] : memref<32768x128xf32, #tpu.memory_space<vmem>>, vector<128x128xf32>
    tpu.vector_store %arg4[%swap3A_3272, %swap3A_3273], %exp3A_3271 {strides = array<i32>} : memref<32768x128xf32, #tpu.memory_space<vmem>>, vector<128x128xf32>,
    %slice3A_3275 = vector.extract_strided_slice %transpose3A {offsets = [0, 172], sizes = [128, 1], strides = [1, 1]} : vector<128x256xf32> to vector<128x1xf32>
    %get3A_3276 = arith.constant 0 : index
    %get3A_3277 = arith.constant 0 : index
    %get3A_3278 = vector.load %arg2[%get3A_3276, %get3A_3277] : memref<1x128xf32, #tpu.memory_space<vmem>>, vector<1x128xf32>
    %sub3A_3279 = vector.broadcast %slice3A_3275 : vector<128x1xf32> to vector<128x128xf32>
    %sub3A_3280 = vector.broadcast %get3A_3278 : vector<1x128xf32> to vector<128x128xf32>
    %sub3A_3281 = arith.subf %sub3A_3279, %sub3A_3280 : vector<128x128xf32>
    %mul3A_3282 = vector.broadcast %div3A_5 : vector<1x128xf32> to vector<128x128xf32>
    %mul3A_3283 = arith.mulf %sub3A_3281, %mul3A_3282 : vector<128x128xf32>
    %mul3A_3284 = arith.mulf %mul3A_3283, %mul3A_3283 : vector<128x128xf32>
    %mul3A_3285 = arith.constant 5.000000e-01 : f32
    %mul3A_3286 = vector.broadcast %mul3A_3285 : f32 to vector<128x128xf32>
    %mul3A_3287 = arith.mulf %mul3A_3286, %mul3A_3284 : vector<128x128xf32>
    %sub3A_3288 = vector.broadcast %log3A : vector<1x128xf32> to vector<128x128xf32>
    %sub3A_3289 = arith.subf %sub3A_3288, %mul3A_3287 : vector<128x128xf32>
    %exp3A_3290 = math.exp %sub3A_3289 : vector<128x128xf32>
    %swap3A_3291 = arith.constant 22016 : index
    %swap3A_3292 = arith.constant 0 : index
    %swap3A_3293 = vector.load %arg4[%swap3A_3291, %swap3A_3292] : memref<32768x128xf32, #tpu.memory_space<vmem>>, vector<128x128xf32>
    tpu.vector_store %arg4[%swap3A_3291, %swap3A_3292], %exp3A_3290 {strides = array<i32>} : memref<32768x128xf32, #tpu.memory_space<vmem>>, vector<128x128xf32>,
    %slice3A_3294 = vector.extract_strided_slice %transpose3A {offsets = [0, 173], sizes = [128, 1], strides = [1, 1]} : vector<128x256xf32> to vector<128x1xf32>
    %get3A_3295 = arith.constant 0 : index
    %get3A_3296 = arith.constant 0 : index
    %get3A_3297 = vector.load %arg2[%get3A_3295, %get3A_3296] : memref<1x128xf32, #tpu.memory_space<vmem>>, vector<1x128xf32>
    %sub3A_3298 = vector.broadcast %slice3A_3294 : vector<128x1xf32> to vector<128x128xf32>
    %sub3A_3299 = vector.broadcast %get3A_3297 : vector<1x128xf32> to vector<128x128xf32>
    %sub3A_3300 = arith.subf %sub3A_3298, %sub3A_3299 : vector<128x128xf32>
    %mul3A_3301 = vector.broadcast %div3A_5 : vector<1x128xf32> to vector<128x128xf32>
    %mul3A_3302 = arith.mulf %sub3A_3300, %mul3A_3301 : vector<128x128xf32>
    %mul3A_3303 = arith.mulf %mul3A_3302, %mul3A_3302 : vector<128x128xf32>
    %mul3A_3304 = arith.constant 5.000000e-01 : f32
    %mul3A_3305 = vector.broadcast %mul3A_3304 : f32 to vector<128x128xf32>
    %mul3A_3306 = arith.mulf %mul3A_3305, %mul3A_3303 : vector<128x128xf32>
    %sub3A_3307 = vector.broadcast %log3A : vector<1x128xf32> to vector<128x128xf32>
    %sub3A_3308 = arith.subf %sub3A_3307, %mul3A_3306 : vector<128x128xf32>
    %exp3A_3309 = math.exp %sub3A_3308 : vector<128x128xf32>
    %swap3A_3310 = arith.constant 22144 : index
    %swap3A_3311 = arith.constant 0 : index
    %swap3A_3312 = vector.load %arg4[%swap3A_3310, %swap3A_3311] : memref<32768x128xf32, #tpu.memory_space<vmem>>, vector<128x128xf32>
    tpu.vector_store %arg4[%swap3A_3310, %swap3A_3311], %exp3A_3309 {strides = array<i32>} : memref<32768x128xf32, #tpu.memory_space<vmem>>, vector<128x128xf32>,
    %slice3A_3313 = vector.extract_strided_slice %transpose3A {offsets = [0, 174], sizes = [128, 1], strides = [1, 1]} : vector<128x256xf32> to vector<128x1xf32>
    %get3A_3314 = arith.constant 0 : index
    %get3A_3315 = arith.constant 0 : index
    %get3A_3316 = vector.load %arg2[%get3A_3314, %get3A_3315] : memref<1x128xf32, #tpu.memory_space<vmem>>, vector<1x128xf32>
    %sub3A_3317 = vector.broadcast %slice3A_3313 : vector<128x1xf32> to vector<128x128xf32>
    %sub3A_3318 = vector.broadcast %get3A_3316 : vector<1x128xf32> to vector<128x128xf32>
    %sub3A_3319 = arith.subf %sub3A_3317, %sub3A_3318 : vector<128x128xf32>
    %mul3A_3320 = vector.broadcast %div3A_5 : vector<1x128xf32> to vector<128x128xf32>
    %mul3A_3321 = arith.mulf %sub3A_3319, %mul3A_3320 : vector<128x128xf32>
    %mul3A_3322 = arith.mulf %mul3A_3321, %mul3A_3321 : vector<128x128xf32>
    %mul3A_3323 = arith.constant 5.000000e-01 : f32
    %mul3A_3324 = vector.broadcast %mul3A_3323 : f32 to vector<128x128xf32>
    %mul3A_3325 = arith.mulf %mul3A_3324, %mul3A_3322 : vector<128x128xf32>
    %sub3A_3326 = vector.broadcast %log3A : vector<1x128xf32> to vector<128x128xf32>
    %sub3A_3327 = arith.subf %sub3A_3326, %mul3A_3325 : vector<128x128xf32>
    %exp3A_3328 = math.exp %sub3A_3327 : vector<128x128xf32>
    %swap3A_3329 = arith.constant 22272 : index
    %swap3A_3330 = arith.constant 0 : index
    %swap3A_3331 = vector.load %arg4[%swap3A_3329, %swap3A_3330] : memref<32768x128xf32, #tpu.memory_space<vmem>>, vector<128x128xf32>
    tpu.vector_store %arg4[%swap3A_3329, %swap3A_3330], %exp3A_3328 {strides = array<i32>} : memref<32768x128xf32, #tpu.memory_space<vmem>>, vector<128x128xf32>,
    %slice3A_3332 = vector.extract_strided_slice %transpose3A {offsets = [0, 175], sizes = [128, 1], strides = [1, 1]} : vector<128x256xf32> to vector<128x1xf32>
    %get3A_3333 = arith.constant 0 : index
    %get3A_3334 = arith.constant 0 : index
    %get3A_3335 = vector.load %arg2[%get3A_3333, %get3A_3334] : memref<1x128xf32, #tpu.memory_space<vmem>>, vector<1x128xf32>
    %sub3A_3336 = vector.broadcast %slice3A_3332 : vector<128x1xf32> to vector<128x128xf32>
    %sub3A_3337 = vector.broadcast %get3A_3335 : vector<1x128xf32> to vector<128x128xf32>
    %sub3A_3338 = arith.subf %sub3A_3336, %sub3A_3337 : vector<128x128xf32>
    %mul3A_3339 = vector.broadcast %div3A_5 : vector<1x128xf32> to vector<128x128xf32>
    %mul3A_3340 = arith.mulf %sub3A_3338, %mul3A_3339 : vector<128x128xf32>
    %mul3A_3341 = arith.mulf %mul3A_3340, %mul3A_3340 : vector<128x128xf32>
    %mul3A_3342 = arith.constant 5.000000e-01 : f32
    %mul3A_3343 = vector.broadcast %mul3A_3342 : f32 to vector<128x128xf32>
    %mul3A_3344 = arith.mulf %mul3A_3343, %mul3A_3341 : vector<128x128xf32>
    %sub3A_3345 = vector.broadcast %log3A : vector<1x128xf32> to vector<128x128xf32>
    %sub3A_3346 = arith.subf %sub3A_3345, %mul3A_3344 : vector<128x128xf32>
    %exp3A_3347 = math.exp %sub3A_3346 : vector<128x128xf32>
    %swap3A_3348 = arith.constant 22400 : index
    %swap3A_3349 = arith.constant 0 : index
    %swap3A_3350 = vector.load %arg4[%swap3A_3348, %swap3A_3349] : memref<32768x128xf32, #tpu.memory_space<vmem>>, vector<128x128xf32>
    tpu.vector_store %arg4[%swap3A_3348, %swap3A_3349], %exp3A_3347 {strides = array<i32>} : memref<32768x128xf32, #tpu.memory_space<vmem>>, vector<128x128xf32>,
    %slice3A_3351 = vector.extract_strided_slice %transpose3A {offsets = [0, 176], sizes = [128, 1], strides = [1, 1]} : vector<128x256xf32> to vector<128x1xf32>
    %get3A_3352 = arith.constant 0 : index
    %get3A_3353 = arith.constant 0 : index
    %get3A_3354 = vector.load %arg2[%get3A_3352, %get3A_3353] : memref<1x128xf32, #tpu.memory_space<vmem>>, vector<1x128xf32>
    %sub3A_3355 = vector.broadcast %slice3A_3351 : vector<128x1xf32> to vector<128x128xf32>
    %sub3A_3356 = vector.broadcast %get3A_3354 : vector<1x128xf32> to vector<128x128xf32>
    %sub3A_3357 = arith.subf %sub3A_3355, %sub3A_3356 : vector<128x128xf32>
    %mul3A_3358 = vector.broadcast %div3A_5 : vector<1x128xf32> to vector<128x128xf32>
    %mul3A_3359 = arith.mulf %sub3A_3357, %mul3A_3358 : vector<128x128xf32>
    %mul3A_3360 = arith.mulf %mul3A_3359, %mul3A_3359 : vector<128x128xf32>
    %mul3A_3361 = arith.constant 5.000000e-01 : f32
    %mul3A_3362 = vector.broadcast %mul3A_3361 : f32 to vector<128x128xf32>
    %mul3A_3363 = arith.mulf %mul3A_3362, %mul3A_3360 : vector<128x128xf32>
    %sub3A_3364 = vector.broadcast %log3A : vector<1x128xf32> to vector<128x128xf32>
    %sub3A_3365 = arith.subf %sub3A_3364, %mul3A_3363 : vector<128x128xf32>
    %exp3A_3366 = math.exp %sub3A_3365 : vector<128x128xf32>
    %swap3A_3367 = arith.constant 22528 : index
    %swap3A_3368 = arith.constant 0 : index
    %swap3A_3369 = vector.load %arg4[%swap3A_3367, %swap3A_3368] : memref<32768x128xf32, #tpu.memory_space<vmem>>, vector<128x128xf32>
    tpu.vector_store %arg4[%swap3A_3367, %swap3A_3368], %exp3A_3366 {strides = array<i32>} : memref<32768x128xf32, #tpu.memory_space<vmem>>, vector<128x128xf32>,
    %slice3A_3370 = vector.extract_strided_slice %transpose3A {offsets = [0, 177], sizes = [128, 1], strides = [1, 1]} : vector<128x256xf32> to vector<128x1xf32>
    %get3A_3371 = arith.constant 0 : index
    %get3A_3372 = arith.constant 0 : index
    %get3A_3373 = vector.load %arg2[%get3A_3371, %get3A_3372] : memref<1x128xf32, #tpu.memory_space<vmem>>, vector<1x128xf32>
    %sub3A_3374 = vector.broadcast %slice3A_3370 : vector<128x1xf32> to vector<128x128xf32>
    %sub3A_3375 = vector.broadcast %get3A_3373 : vector<1x128xf32> to vector<128x128xf32>
    %sub3A_3376 = arith.subf %sub3A_3374, %sub3A_3375 : vector<128x128xf32>
    %mul3A_3377 = vector.broadcast %div3A_5 : vector<1x128xf32> to vector<128x128xf32>
    %mul3A_3378 = arith.mulf %sub3A_3376, %mul3A_3377 : vector<128x128xf32>
    %mul3A_3379 = arith.mulf %mul3A_3378, %mul3A_3378 : vector<128x128xf32>
    %mul3A_3380 = arith.constant 5.000000e-01 : f32
    %mul3A_3381 = vector.broadcast %mul3A_3380 : f32 to vector<128x128xf32>
    %mul3A_3382 = arith.mulf %mul3A_3381, %mul3A_3379 : vector<128x128xf32>
    %sub3A_3383 = vector.broadcast %log3A : vector<1x128xf32> to vector<128x128xf32>
    %sub3A_3384 = arith.subf %sub3A_3383, %mul3A_3382 : vector<128x128xf32>
    %exp3A_3385 = math.exp %sub3A_3384 : vector<128x128xf32>
    %swap3A_3386 = arith.constant 22656 : index
    %swap3A_3387 = arith.constant 0 : index
    %swap3A_3388 = vector.load %arg4[%swap3A_3386, %swap3A_3387] : memref<32768x128xf32, #tpu.memory_space<vmem>>, vector<128x128xf32>
    tpu.vector_store %arg4[%swap3A_3386, %swap3A_3387], %exp3A_3385 {strides = array<i32>} : memref<32768x128xf32, #tpu.memory_space<vmem>>, vector<128x128xf32>,
    %slice3A_3389 = vector.extract_strided_slice %transpose3A {offsets = [0, 178], sizes = [128, 1], strides = [1, 1]} : vector<128x256xf32> to vector<128x1xf32>
    %get3A_3390 = arith.constant 0 : index
    %get3A_3391 = arith.constant 0 : index
    %get3A_3392 = vector.load %arg2[%get3A_3390, %get3A_3391] : memref<1x128xf32, #tpu.memory_space<vmem>>, vector<1x128xf32>
    %sub3A_3393 = vector.broadcast %slice3A_3389 : vector<128x1xf32> to vector<128x128xf32>
    %sub3A_3394 = vector.broadcast %get3A_3392 : vector<1x128xf32> to vector<128x128xf32>
    %sub3A_3395 = arith.subf %sub3A_3393, %sub3A_3394 : vector<128x128xf32>
    %mul3A_3396 = vector.broadcast %div3A_5 : vector<1x128xf32> to vector<128x128xf32>
    %mul3A_3397 = arith.mulf %sub3A_3395, %mul3A_3396 : vector<128x128xf32>
    %mul3A_3398 = arith.mulf %mul3A_3397, %mul3A_3397 : vector<128x128xf32>
    %mul3A_3399 = arith.constant 5.000000e-01 : f32
    %mul3A_3400 = vector.broadcast %mul3A_3399 : f32 to vector<128x128xf32>
    %mul3A_3401 = arith.mulf %mul3A_3400, %mul3A_3398 : vector<128x128xf32>
    %sub3A_3402 = vector.broadcast %log3A : vector<1x128xf32> to vector<128x128xf32>
    %sub3A_3403 = arith.subf %sub3A_3402, %mul3A_3401 : vector<128x128xf32>
    %exp3A_3404 = math.exp %sub3A_3403 : vector<128x128xf32>
    %swap3A_3405 = arith.constant 22784 : index
    %swap3A_3406 = arith.constant 0 : index
    %swap3A_3407 = vector.load %arg4[%swap3A_3405, %swap3A_3406] : memref<32768x128xf32, #tpu.memory_space<vmem>>, vector<128x128xf32>
    tpu.vector_store %arg4[%swap3A_3405, %swap3A_3406], %exp3A_3404 {strides = array<i32>} : memref<32768x128xf32, #tpu.memory_space<vmem>>, vector<128x128xf32>,
    %slice3A_3408 = vector.extract_strided_slice %transpose3A {offsets = [0, 179], sizes = [128, 1], strides = [1, 1]} : vector<128x256xf32> to vector<128x1xf32>
    %get3A_3409 = arith.constant 0 : index
    %get3A_3410 = arith.constant 0 : index
    %get3A_3411 = vector.load %arg2[%get3A_3409, %get3A_3410] : memref<1x128xf32, #tpu.memory_space<vmem>>, vector<1x128xf32>
    %sub3A_3412 = vector.broadcast %slice3A_3408 : vector<128x1xf32> to vector<128x128xf32>
    %sub3A_3413 = vector.broadcast %get3A_3411 : vector<1x128xf32> to vector<128x128xf32>
    %sub3A_3414 = arith.subf %sub3A_3412, %sub3A_3413 : vector<128x128xf32>
    %mul3A_3415 = vector.broadcast %div3A_5 : vector<1x128xf32> to vector<128x128xf32>
    %mul3A_3416 = arith.mulf %sub3A_3414, %mul3A_3415 : vector<128x128xf32>
    %mul3A_3417 = arith.mulf %mul3A_3416, %mul3A_3416 : vector<128x128xf32>
    %mul3A_3418 = arith.constant 5.000000e-01 : f32
    %mul3A_3419 = vector.broadcast %mul3A_3418 : f32 to vector<128x128xf32>
    %mul3A_3420 = arith.mulf %mul3A_3419, %mul3A_3417 : vector<128x128xf32>
    %sub3A_3421 = vector.broadcast %log3A : vector<1x128xf32> to vector<128x128xf32>
    %sub3A_3422 = arith.subf %sub3A_3421, %mul3A_3420 : vector<128x128xf32>
    %exp3A_3423 = math.exp %sub3A_3422 : vector<128x128xf32>
    %swap3A_3424 = arith.constant 22912 : index
    %swap3A_3425 = arith.constant 0 : index
    %swap3A_3426 = vector.load %arg4[%swap3A_3424, %swap3A_3425] : memref<32768x128xf32, #tpu.memory_space<vmem>>, vector<128x128xf32>
    tpu.vector_store %arg4[%swap3A_3424, %swap3A_3425], %exp3A_3423 {strides = array<i32>} : memref<32768x128xf32, #tpu.memory_space<vmem>>, vector<128x128xf32>,
    %slice3A_3427 = vector.extract_strided_slice %transpose3A {offsets = [0, 180], sizes = [128, 1], strides = [1, 1]} : vector<128x256xf32> to vector<128x1xf32>
    %get3A_3428 = arith.constant 0 : index
    %get3A_3429 = arith.constant 0 : index
    %get3A_3430 = vector.load %arg2[%get3A_3428, %get3A_3429] : memref<1x128xf32, #tpu.memory_space<vmem>>, vector<1x128xf32>
    %sub3A_3431 = vector.broadcast %slice3A_3427 : vector<128x1xf32> to vector<128x128xf32>
    %sub3A_3432 = vector.broadcast %get3A_3430 : vector<1x128xf32> to vector<128x128xf32>
    %sub3A_3433 = arith.subf %sub3A_3431, %sub3A_3432 : vector<128x128xf32>
    %mul3A_3434 = vector.broadcast %div3A_5 : vector<1x128xf32> to vector<128x128xf32>
    %mul3A_3435 = arith.mulf %sub3A_3433, %mul3A_3434 : vector<128x128xf32>
    %mul3A_3436 = arith.mulf %mul3A_3435, %mul3A_3435 : vector<128x128xf32>
    %mul3A_3437 = arith.constant 5.000000e-01 : f32
    %mul3A_3438 = vector.broadcast %mul3A_3437 : f32 to vector<128x128xf32>
    %mul3A_3439 = arith.mulf %mul3A_3438, %mul3A_3436 : vector<128x128xf32>
    %sub3A_3440 = vector.broadcast %log3A : vector<1x128xf32> to vector<128x128xf32>
    %sub3A_3441 = arith.subf %sub3A_3440, %mul3A_3439 : vector<128x128xf32>
    %exp3A_3442 = math.exp %sub3A_3441 : vector<128x128xf32>
    %swap3A_3443 = arith.constant 23040 : index
    %swap3A_3444 = arith.constant 0 : index
    %swap3A_3445 = vector.load %arg4[%swap3A_3443, %swap3A_3444] : memref<32768x128xf32, #tpu.memory_space<vmem>>, vector<128x128xf32>
    tpu.vector_store %arg4[%swap3A_3443, %swap3A_3444], %exp3A_3442 {strides = array<i32>} : memref<32768x128xf32, #tpu.memory_space<vmem>>, vector<128x128xf32>,
    %slice3A_3446 = vector.extract_strided_slice %transpose3A {offsets = [0, 181], sizes = [128, 1], strides = [1, 1]} : vector<128x256xf32> to vector<128x1xf32>
    %get3A_3447 = arith.constant 0 : index
    %get3A_3448 = arith.constant 0 : index
    %get3A_3449 = vector.load %arg2[%get3A_3447, %get3A_3448] : memref<1x128xf32, #tpu.memory_space<vmem>>, vector<1x128xf32>
    %sub3A_3450 = vector.broadcast %slice3A_3446 : vector<128x1xf32> to vector<128x128xf32>
    %sub3A_3451 = vector.broadcast %get3A_3449 : vector<1x128xf32> to vector<128x128xf32>
    %sub3A_3452 = arith.subf %sub3A_3450, %sub3A_3451 : vector<128x128xf32>
    %mul3A_3453 = vector.broadcast %div3A_5 : vector<1x128xf32> to vector<128x128xf32>
    %mul3A_3454 = arith.mulf %sub3A_3452, %mul3A_3453 : vector<128x128xf32>
    %mul3A_3455 = arith.mulf %mul3A_3454, %mul3A_3454 : vector<128x128xf32>
    %mul3A_3456 = arith.constant 5.000000e-01 : f32
    %mul3A_3457 = vector.broadcast %mul3A_3456 : f32 to vector<128x128xf32>
    %mul3A_3458 = arith.mulf %mul3A_3457, %mul3A_3455 : vector<128x128xf32>
    %sub3A_3459 = vector.broadcast %log3A : vector<1x128xf32> to vector<128x128xf32>
    %sub3A_3460 = arith.subf %sub3A_3459, %mul3A_3458 : vector<128x128xf32>
    %exp3A_3461 = math.exp %sub3A_3460 : vector<128x128xf32>
    %swap3A_3462 = arith.constant 23168 : index
    %swap3A_3463 = arith.constant 0 : index
    %swap3A_3464 = vector.load %arg4[%swap3A_3462, %swap3A_3463] : memref<32768x128xf32, #tpu.memory_space<vmem>>, vector<128x128xf32>
    tpu.vector_store %arg4[%swap3A_3462, %swap3A_3463], %exp3A_3461 {strides = array<i32>} : memref<32768x128xf32, #tpu.memory_space<vmem>>, vector<128x128xf32>,
    %slice3A_3465 = vector.extract_strided_slice %transpose3A {offsets = [0, 182], sizes = [128, 1], strides = [1, 1]} : vector<128x256xf32> to vector<128x1xf32>
    %get3A_3466 = arith.constant 0 : index
    %get3A_3467 = arith.constant 0 : index
    %get3A_3468 = vector.load %arg2[%get3A_3466, %get3A_3467] : memref<1x128xf32, #tpu.memory_space<vmem>>, vector<1x128xf32>
    %sub3A_3469 = vector.broadcast %slice3A_3465 : vector<128x1xf32> to vector<128x128xf32>
    %sub3A_3470 = vector.broadcast %get3A_3468 : vector<1x128xf32> to vector<128x128xf32>
    %sub3A_3471 = arith.subf %sub3A_3469, %sub3A_3470 : vector<128x128xf32>
    %mul3A_3472 = vector.broadcast %div3A_5 : vector<1x128xf32> to vector<128x128xf32>
    %mul3A_3473 = arith.mulf %sub3A_3471, %mul3A_3472 : vector<128x128xf32>
    %mul3A_3474 = arith.mulf %mul3A_3473, %mul3A_3473 : vector<128x128xf32>
    %mul3A_3475 = arith.constant 5.000000e-01 : f32
    %mul3A_3476 = vector.broadcast %mul3A_3475 : f32 to vector<128x128xf32>
    %mul3A_3477 = arith.mulf %mul3A_3476, %mul3A_3474 : vector<128x128xf32>
    %sub3A_3478 = vector.broadcast %log3A : vector<1x128xf32> to vector<128x128xf32>
    %sub3A_3479 = arith.subf %sub3A_3478, %mul3A_3477 : vector<128x128xf32>
    %exp3A_3480 = math.exp %sub3A_3479 : vector<128x128xf32>
    %swap3A_3481 = arith.constant 23296 : index
    %swap3A_3482 = arith.constant 0 : index
    %swap3A_3483 = vector.load %arg4[%swap3A_3481, %swap3A_3482] : memref<32768x128xf32, #tpu.memory_space<vmem>>, vector<128x128xf32>
    tpu.vector_store %arg4[%swap3A_3481, %swap3A_3482], %exp3A_3480 {strides = array<i32>} : memref<32768x128xf32, #tpu.memory_space<vmem>>, vector<128x128xf32>,
    %slice3A_3484 = vector.extract_strided_slice %transpose3A {offsets = [0, 183], sizes = [128, 1], strides = [1, 1]} : vector<128x256xf32> to vector<128x1xf32>
    %get3A_3485 = arith.constant 0 : index
    %get3A_3486 = arith.constant 0 : index
    %get3A_3487 = vector.load %arg2[%get3A_3485, %get3A_3486] : memref<1x128xf32, #tpu.memory_space<vmem>>, vector<1x128xf32>
    %sub3A_3488 = vector.broadcast %slice3A_3484 : vector<128x1xf32> to vector<128x128xf32>
    %sub3A_3489 = vector.broadcast %get3A_3487 : vector<1x128xf32> to vector<128x128xf32>
    %sub3A_3490 = arith.subf %sub3A_3488, %sub3A_3489 : vector<128x128xf32>
    %mul3A_3491 = vector.broadcast %div3A_5 : vector<1x128xf32> to vector<128x128xf32>
    %mul3A_3492 = arith.mulf %sub3A_3490, %mul3A_3491 : vector<128x128xf32>
    %mul3A_3493 = arith.mulf %mul3A_3492, %mul3A_3492 : vector<128x128xf32>
    %mul3A_3494 = arith.constant 5.000000e-01 : f32
    %mul3A_3495 = vector.broadcast %mul3A_3494 : f32 to vector<128x128xf32>
    %mul3A_3496 = arith.mulf %mul3A_3495, %mul3A_3493 : vector<128x128xf32>
    %sub3A_3497 = vector.broadcast %log3A : vector<1x128xf32> to vector<128x128xf32>
    %sub3A_3498 = arith.subf %sub3A_3497, %mul3A_3496 : vector<128x128xf32>
    %exp3A_3499 = math.exp %sub3A_3498 : vector<128x128xf32>
    %swap3A_3500 = arith.constant 23424 : index
    %swap3A_3501 = arith.constant 0 : index
    %swap3A_3502 = vector.load %arg4[%swap3A_3500, %swap3A_3501] : memref<32768x128xf32, #tpu.memory_space<vmem>>, vector<128x128xf32>
    tpu.vector_store %arg4[%swap3A_3500, %swap3A_3501], %exp3A_3499 {strides = array<i32>} : memref<32768x128xf32, #tpu.memory_space<vmem>>, vector<128x128xf32>,
    %slice3A_3503 = vector.extract_strided_slice %transpose3A {offsets = [0, 184], sizes = [128, 1], strides = [1, 1]} : vector<128x256xf32> to vector<128x1xf32>
    %get3A_3504 = arith.constant 0 : index
    %get3A_3505 = arith.constant 0 : index
    %get3A_3506 = vector.load %arg2[%get3A_3504, %get3A_3505] : memref<1x128xf32, #tpu.memory_space<vmem>>, vector<1x128xf32>
    %sub3A_3507 = vector.broadcast %slice3A_3503 : vector<128x1xf32> to vector<128x128xf32>
    %sub3A_3508 = vector.broadcast %get3A_3506 : vector<1x128xf32> to vector<128x128xf32>
    %sub3A_3509 = arith.subf %sub3A_3507, %sub3A_3508 : vector<128x128xf32>
    %mul3A_3510 = vector.broadcast %div3A_5 : vector<1x128xf32> to vector<128x128xf32>
    %mul3A_3511 = arith.mulf %sub3A_3509, %mul3A_3510 : vector<128x128xf32>
    %mul3A_3512 = arith.mulf %mul3A_3511, %mul3A_3511 : vector<128x128xf32>
    %mul3A_3513 = arith.constant 5.000000e-01 : f32
    %mul3A_3514 = vector.broadcast %mul3A_3513 : f32 to vector<128x128xf32>
    %mul3A_3515 = arith.mulf %mul3A_3514, %mul3A_3512 : vector<128x128xf32>
    %sub3A_3516 = vector.broadcast %log3A : vector<1x128xf32> to vector<128x128xf32>
    %sub3A_3517 = arith.subf %sub3A_3516, %mul3A_3515 : vector<128x128xf32>
    %exp3A_3518 = math.exp %sub3A_3517 : vector<128x128xf32>
    %swap3A_3519 = arith.constant 23552 : index
    %swap3A_3520 = arith.constant 0 : index
    %swap3A_3521 = vector.load %arg4[%swap3A_3519, %swap3A_3520] : memref<32768x128xf32, #tpu.memory_space<vmem>>, vector<128x128xf32>
    tpu.vector_store %arg4[%swap3A_3519, %swap3A_3520], %exp3A_3518 {strides = array<i32>} : memref<32768x128xf32, #tpu.memory_space<vmem>>, vector<128x128xf32>,
    %slice3A_3522 = vector.extract_strided_slice %transpose3A {offsets = [0, 185], sizes = [128, 1], strides = [1, 1]} : vector<128x256xf32> to vector<128x1xf32>
    %get3A_3523 = arith.constant 0 : index
    %get3A_3524 = arith.constant 0 : index
    %get3A_3525 = vector.load %arg2[%get3A_3523, %get3A_3524] : memref<1x128xf32, #tpu.memory_space<vmem>>, vector<1x128xf32>
    %sub3A_3526 = vector.broadcast %slice3A_3522 : vector<128x1xf32> to vector<128x128xf32>
    %sub3A_3527 = vector.broadcast %get3A_3525 : vector<1x128xf32> to vector<128x128xf32>
    %sub3A_3528 = arith.subf %sub3A_3526, %sub3A_3527 : vector<128x128xf32>
    %mul3A_3529 = vector.broadcast %div3A_5 : vector<1x128xf32> to vector<128x128xf32>
    %mul3A_3530 = arith.mulf %sub3A_3528, %mul3A_3529 : vector<128x128xf32>
    %mul3A_3531 = arith.mulf %mul3A_3530, %mul3A_3530 : vector<128x128xf32>
    %mul3A_3532 = arith.constant 5.000000e-01 : f32
    %mul3A_3533 = vector.broadcast %mul3A_3532 : f32 to vector<128x128xf32>
    %mul3A_3534 = arith.mulf %mul3A_3533, %mul3A_3531 : vector<128x128xf32>
    %sub3A_3535 = vector.broadcast %log3A : vector<1x128xf32> to vector<128x128xf32>
    %sub3A_3536 = arith.subf %sub3A_3535, %mul3A_3534 : vector<128x128xf32>
    %exp3A_3537 = math.exp %sub3A_3536 : vector<128x128xf32>
    %swap3A_3538 = arith.constant 23680 : index
    %swap3A_3539 = arith.constant 0 : index
    %swap3A_3540 = vector.load %arg4[%swap3A_3538, %swap3A_3539] : memref<32768x128xf32, #tpu.memory_space<vmem>>, vector<128x128xf32>
    tpu.vector_store %arg4[%swap3A_3538, %swap3A_3539], %exp3A_3537 {strides = array<i32>} : memref<32768x128xf32, #tpu.memory_space<vmem>>, vector<128x128xf32>,
    %slice3A_3541 = vector.extract_strided_slice %transpose3A {offsets = [0, 186], sizes = [128, 1], strides = [1, 1]} : vector<128x256xf32> to vector<128x1xf32>
    %get3A_3542 = arith.constant 0 : index
    %get3A_3543 = arith.constant 0 : index
    %get3A_3544 = vector.load %arg2[%get3A_3542, %get3A_3543] : memref<1x128xf32, #tpu.memory_space<vmem>>, vector<1x128xf32>
    %sub3A_3545 = vector.broadcast %slice3A_3541 : vector<128x1xf32> to vector<128x128xf32>
    %sub3A_3546 = vector.broadcast %get3A_3544 : vector<1x128xf32> to vector<128x128xf32>
    %sub3A_3547 = arith.subf %sub3A_3545, %sub3A_3546 : vector<128x128xf32>
    %mul3A_3548 = vector.broadcast %div3A_5 : vector<1x128xf32> to vector<128x128xf32>
    %mul3A_3549 = arith.mulf %sub3A_3547, %mul3A_3548 : vector<128x128xf32>
    %mul3A_3550 = arith.mulf %mul3A_3549, %mul3A_3549 : vector<128x128xf32>
    %mul3A_3551 = arith.constant 5.000000e-01 : f32
    %mul3A_3552 = vector.broadcast %mul3A_3551 : f32 to vector<128x128xf32>
    %mul3A_3553 = arith.mulf %mul3A_3552, %mul3A_3550 : vector<128x128xf32>
    %sub3A_3554 = vector.broadcast %log3A : vector<1x128xf32> to vector<128x128xf32>
    %sub3A_3555 = arith.subf %sub3A_3554, %mul3A_3553 : vector<128x128xf32>
    %exp3A_3556 = math.exp %sub3A_3555 : vector<128x128xf32>
    %swap3A_3557 = arith.constant 23808 : index
    %swap3A_3558 = arith.constant 0 : index
    %swap3A_3559 = vector.load %arg4[%swap3A_3557, %swap3A_3558] : memref<32768x128xf32, #tpu.memory_space<vmem>>, vector<128x128xf32>
    tpu.vector_store %arg4[%swap3A_3557, %swap3A_3558], %exp3A_3556 {strides = array<i32>} : memref<32768x128xf32, #tpu.memory_space<vmem>>, vector<128x128xf32>,
    %slice3A_3560 = vector.extract_strided_slice %transpose3A {offsets = [0, 187], sizes = [128, 1], strides = [1, 1]} : vector<128x256xf32> to vector<128x1xf32>
    %get3A_3561 = arith.constant 0 : index
    %get3A_3562 = arith.constant 0 : index
    %get3A_3563 = vector.load %arg2[%get3A_3561, %get3A_3562] : memref<1x128xf32, #tpu.memory_space<vmem>>, vector<1x128xf32>
    %sub3A_3564 = vector.broadcast %slice3A_3560 : vector<128x1xf32> to vector<128x128xf32>
    %sub3A_3565 = vector.broadcast %get3A_3563 : vector<1x128xf32> to vector<128x128xf32>
    %sub3A_3566 = arith.subf %sub3A_3564, %sub3A_3565 : vector<128x128xf32>
    %mul3A_3567 = vector.broadcast %div3A_5 : vector<1x128xf32> to vector<128x128xf32>
    %mul3A_3568 = arith.mulf %sub3A_3566, %mul3A_3567 : vector<128x128xf32>
    %mul3A_3569 = arith.mulf %mul3A_3568, %mul3A_3568 : vector<128x128xf32>
    %mul3A_3570 = arith.constant 5.000000e-01 : f32
    %mul3A_3571 = vector.broadcast %mul3A_3570 : f32 to vector<128x128xf32>
    %mul3A_3572 = arith.mulf %mul3A_3571, %mul3A_3569 : vector<128x128xf32>
    %sub3A_3573 = vector.broadcast %log3A : vector<1x128xf32> to vector<128x128xf32>
    %sub3A_3574 = arith.subf %sub3A_3573, %mul3A_3572 : vector<128x128xf32>
    %exp3A_3575 = math.exp %sub3A_3574 : vector<128x128xf32>
    %swap3A_3576 = arith.constant 23936 : index
    %swap3A_3577 = arith.constant 0 : index
    %swap3A_3578 = vector.load %arg4[%swap3A_3576, %swap3A_3577] : memref<32768x128xf32, #tpu.memory_space<vmem>>, vector<128x128xf32>
    tpu.vector_store %arg4[%swap3A_3576, %swap3A_3577], %exp3A_3575 {strides = array<i32>} : memref<32768x128xf32, #tpu.memory_space<vmem>>, vector<128x128xf32>,
    %slice3A_3579 = vector.extract_strided_slice %transpose3A {offsets = [0, 188], sizes = [128, 1], strides = [1, 1]} : vector<128x256xf32> to vector<128x1xf32>
    %get3A_3580 = arith.constant 0 : index
    %get3A_3581 = arith.constant 0 : index
    %get3A_3582 = vector.load %arg2[%get3A_3580, %get3A_3581] : memref<1x128xf32, #tpu.memory_space<vmem>>, vector<1x128xf32>
    %sub3A_3583 = vector.broadcast %slice3A_3579 : vector<128x1xf32> to vector<128x128xf32>
    %sub3A_3584 = vector.broadcast %get3A_3582 : vector<1x128xf32> to vector<128x128xf32>
    %sub3A_3585 = arith.subf %sub3A_3583, %sub3A_3584 : vector<128x128xf32>
    %mul3A_3586 = vector.broadcast %div3A_5 : vector<1x128xf32> to vector<128x128xf32>
    %mul3A_3587 = arith.mulf %sub3A_3585, %mul3A_3586 : vector<128x128xf32>
    %mul3A_3588 = arith.mulf %mul3A_3587, %mul3A_3587 : vector<128x128xf32>
    %mul3A_3589 = arith.constant 5.000000e-01 : f32
    %mul3A_3590 = vector.broadcast %mul3A_3589 : f32 to vector<128x128xf32>
    %mul3A_3591 = arith.mulf %mul3A_3590, %mul3A_3588 : vector<128x128xf32>
    %sub3A_3592 = vector.broadcast %log3A : vector<1x128xf32> to vector<128x128xf32>
    %sub3A_3593 = arith.subf %sub3A_3592, %mul3A_3591 : vector<128x128xf32>
    %exp3A_3594 = math.exp %sub3A_3593 : vector<128x128xf32>
    %swap3A_3595 = arith.constant 24064 : index
    %swap3A_3596 = arith.constant 0 : index
    %swap3A_3597 = vector.load %arg4[%swap3A_3595, %swap3A_3596] : memref<32768x128xf32, #tpu.memory_space<vmem>>, vector<128x128xf32>
    tpu.vector_store %arg4[%swap3A_3595, %swap3A_3596], %exp3A_3594 {strides = array<i32>} : memref<32768x128xf32, #tpu.memory_space<vmem>>, vector<128x128xf32>,
    %slice3A_3598 = vector.extract_strided_slice %transpose3A {offsets = [0, 189], sizes = [128, 1], strides = [1, 1]} : vector<128x256xf32> to vector<128x1xf32>
    %get3A_3599 = arith.constant 0 : index
    %get3A_3600 = arith.constant 0 : index
    %get3A_3601 = vector.load %arg2[%get3A_3599, %get3A_3600] : memref<1x128xf32, #tpu.memory_space<vmem>>, vector<1x128xf32>
    %sub3A_3602 = vector.broadcast %slice3A_3598 : vector<128x1xf32> to vector<128x128xf32>
    %sub3A_3603 = vector.broadcast %get3A_3601 : vector<1x128xf32> to vector<128x128xf32>
    %sub3A_3604 = arith.subf %sub3A_3602, %sub3A_3603 : vector<128x128xf32>
    %mul3A_3605 = vector.broadcast %div3A_5 : vector<1x128xf32> to vector<128x128xf32>
    %mul3A_3606 = arith.mulf %sub3A_3604, %mul3A_3605 : vector<128x128xf32>
    %mul3A_3607 = arith.mulf %mul3A_3606, %mul3A_3606 : vector<128x128xf32>
    %mul3A_3608 = arith.constant 5.000000e-01 : f32
    %mul3A_3609 = vector.broadcast %mul3A_3608 : f32 to vector<128x128xf32>
    %mul3A_3610 = arith.mulf %mul3A_3609, %mul3A_3607 : vector<128x128xf32>
    %sub3A_3611 = vector.broadcast %log3A : vector<1x128xf32> to vector<128x128xf32>
    %sub3A_3612 = arith.subf %sub3A_3611, %mul3A_3610 : vector<128x128xf32>
    %exp3A_3613 = math.exp %sub3A_3612 : vector<128x128xf32>
    %swap3A_3614 = arith.constant 24192 : index
    %swap3A_3615 = arith.constant 0 : index
    %swap3A_3616 = vector.load %arg4[%swap3A_3614, %swap3A_3615] : memref<32768x128xf32, #tpu.memory_space<vmem>>, vector<128x128xf32>
    tpu.vector_store %arg4[%swap3A_3614, %swap3A_3615], %exp3A_3613 {strides = array<i32>} : memref<32768x128xf32, #tpu.memory_space<vmem>>, vector<128x128xf32>,
    %slice3A_3617 = vector.extract_strided_slice %transpose3A {offsets = [0, 190], sizes = [128, 1], strides = [1, 1]} : vector<128x256xf32> to vector<128x1xf32>
    %get3A_3618 = arith.constant 0 : index
    %get3A_3619 = arith.constant 0 : index
    %get3A_3620 = vector.load %arg2[%get3A_3618, %get3A_3619] : memref<1x128xf32, #tpu.memory_space<vmem>>, vector<1x128xf32>
    %sub3A_3621 = vector.broadcast %slice3A_3617 : vector<128x1xf32> to vector<128x128xf32>
    %sub3A_3622 = vector.broadcast %get3A_3620 : vector<1x128xf32> to vector<128x128xf32>
    %sub3A_3623 = arith.subf %sub3A_3621, %sub3A_3622 : vector<128x128xf32>
    %mul3A_3624 = vector.broadcast %div3A_5 : vector<1x128xf32> to vector<128x128xf32>
    %mul3A_3625 = arith.mulf %sub3A_3623, %mul3A_3624 : vector<128x128xf32>
    %mul3A_3626 = arith.mulf %mul3A_3625, %mul3A_3625 : vector<128x128xf32>
    %mul3A_3627 = arith.constant 5.000000e-01 : f32
    %mul3A_3628 = vector.broadcast %mul3A_3627 : f32 to vector<128x128xf32>
    %mul3A_3629 = arith.mulf %mul3A_3628, %mul3A_3626 : vector<128x128xf32>
    %sub3A_3630 = vector.broadcast %log3A : vector<1x128xf32> to vector<128x128xf32>
    %sub3A_3631 = arith.subf %sub3A_3630, %mul3A_3629 : vector<128x128xf32>
    %exp3A_3632 = math.exp %sub3A_3631 : vector<128x128xf32>
    %swap3A_3633 = arith.constant 24320 : index
    %swap3A_3634 = arith.constant 0 : index
    %swap3A_3635 = vector.load %arg4[%swap3A_3633, %swap3A_3634] : memref<32768x128xf32, #tpu.memory_space<vmem>>, vector<128x128xf32>
    tpu.vector_store %arg4[%swap3A_3633, %swap3A_3634], %exp3A_3632 {strides = array<i32>} : memref<32768x128xf32, #tpu.memory_space<vmem>>, vector<128x128xf32>,
    %slice3A_3636 = vector.extract_strided_slice %transpose3A {offsets = [0, 191], sizes = [128, 1], strides = [1, 1]} : vector<128x256xf32> to vector<128x1xf32>
    %get3A_3637 = arith.constant 0 : index
    %get3A_3638 = arith.constant 0 : index
    %get3A_3639 = vector.load %arg2[%get3A_3637, %get3A_3638] : memref<1x128xf32, #tpu.memory_space<vmem>>, vector<1x128xf32>
    %sub3A_3640 = vector.broadcast %slice3A_3636 : vector<128x1xf32> to vector<128x128xf32>
    %sub3A_3641 = vector.broadcast %get3A_3639 : vector<1x128xf32> to vector<128x128xf32>
    %sub3A_3642 = arith.subf %sub3A_3640, %sub3A_3641 : vector<128x128xf32>
    %mul3A_3643 = vector.broadcast %div3A_5 : vector<1x128xf32> to vector<128x128xf32>
    %mul3A_3644 = arith.mulf %sub3A_3642, %mul3A_3643 : vector<128x128xf32>
    %mul3A_3645 = arith.mulf %mul3A_3644, %mul3A_3644 : vector<128x128xf32>
    %mul3A_3646 = arith.constant 5.000000e-01 : f32
    %mul3A_3647 = vector.broadcast %mul3A_3646 : f32 to vector<128x128xf32>
    %mul3A_3648 = arith.mulf %mul3A_3647, %mul3A_3645 : vector<128x128xf32>
    %sub3A_3649 = vector.broadcast %log3A : vector<1x128xf32> to vector<128x128xf32>
    %sub3A_3650 = arith.subf %sub3A_3649, %mul3A_3648 : vector<128x128xf32>
    %exp3A_3651 = math.exp %sub3A_3650 : vector<128x128xf32>
    %swap3A_3652 = arith.constant 24448 : index
    %swap3A_3653 = arith.constant 0 : index
    %swap3A_3654 = vector.load %arg4[%swap3A_3652, %swap3A_3653] : memref<32768x128xf32, #tpu.memory_space<vmem>>, vector<128x128xf32>
    tpu.vector_store %arg4[%swap3A_3652, %swap3A_3653], %exp3A_3651 {strides = array<i32>} : memref<32768x128xf32, #tpu.memory_space<vmem>>, vector<128x128xf32>,
    %slice3A_3655 = vector.extract_strided_slice %transpose3A {offsets = [0, 192], sizes = [128, 1], strides = [1, 1]} : vector<128x256xf32> to vector<128x1xf32>
    %get3A_3656 = arith.constant 0 : index
    %get3A_3657 = arith.constant 0 : index
    %get3A_3658 = vector.load %arg2[%get3A_3656, %get3A_3657] : memref<1x128xf32, #tpu.memory_space<vmem>>, vector<1x128xf32>
    %sub3A_3659 = vector.broadcast %slice3A_3655 : vector<128x1xf32> to vector<128x128xf32>
    %sub3A_3660 = vector.broadcast %get3A_3658 : vector<1x128xf32> to vector<128x128xf32>
    %sub3A_3661 = arith.subf %sub3A_3659, %sub3A_3660 : vector<128x128xf32>
    %mul3A_3662 = vector.broadcast %div3A_5 : vector<1x128xf32> to vector<128x128xf32>
    %mul3A_3663 = arith.mulf %sub3A_3661, %mul3A_3662 : vector<128x128xf32>
    %mul3A_3664 = arith.mulf %mul3A_3663, %mul3A_3663 : vector<128x128xf32>
    %mul3A_3665 = arith.constant 5.000000e-01 : f32
    %mul3A_3666 = vector.broadcast %mul3A_3665 : f32 to vector<128x128xf32>
    %mul3A_3667 = arith.mulf %mul3A_3666, %mul3A_3664 : vector<128x128xf32>
    %sub3A_3668 = vector.broadcast %log3A : vector<1x128xf32> to vector<128x128xf32>
    %sub3A_3669 = arith.subf %sub3A_3668, %mul3A_3667 : vector<128x128xf32>
    %exp3A_3670 = math.exp %sub3A_3669 : vector<128x128xf32>
    %swap3A_3671 = arith.constant 24576 : index
    %swap3A_3672 = arith.constant 0 : index
    %swap3A_3673 = vector.load %arg4[%swap3A_3671, %swap3A_3672] : memref<32768x128xf32, #tpu.memory_space<vmem>>, vector<128x128xf32>
    tpu.vector_store %arg4[%swap3A_3671, %swap3A_3672], %exp3A_3670 {strides = array<i32>} : memref<32768x128xf32, #tpu.memory_space<vmem>>, vector<128x128xf32>,
    %slice3A_3674 = vector.extract_strided_slice %transpose3A {offsets = [0, 193], sizes = [128, 1], strides = [1, 1]} : vector<128x256xf32> to vector<128x1xf32>
    %get3A_3675 = arith.constant 0 : index
    %get3A_3676 = arith.constant 0 : index
    %get3A_3677 = vector.load %arg2[%get3A_3675, %get3A_3676] : memref<1x128xf32, #tpu.memory_space<vmem>>, vector<1x128xf32>
    %sub3A_3678 = vector.broadcast %slice3A_3674 : vector<128x1xf32> to vector<128x128xf32>
    %sub3A_3679 = vector.broadcast %get3A_3677 : vector<1x128xf32> to vector<128x128xf32>
    %sub3A_3680 = arith.subf %sub3A_3678, %sub3A_3679 : vector<128x128xf32>
    %mul3A_3681 = vector.broadcast %div3A_5 : vector<1x128xf32> to vector<128x128xf32>
    %mul3A_3682 = arith.mulf %sub3A_3680, %mul3A_3681 : vector<128x128xf32>
    %mul3A_3683 = arith.mulf %mul3A_3682, %mul3A_3682 : vector<128x128xf32>
    %mul3A_3684 = arith.constant 5.000000e-01 : f32
    %mul3A_3685 = vector.broadcast %mul3A_3684 : f32 to vector<128x128xf32>
    %mul3A_3686 = arith.mulf %mul3A_3685, %mul3A_3683 : vector<128x128xf32>
    %sub3A_3687 = vector.broadcast %log3A : vector<1x128xf32> to vector<128x128xf32>
    %sub3A_3688 = arith.subf %sub3A_3687, %mul3A_3686 : vector<128x128xf32>
    %exp3A_3689 = math.exp %sub3A_3688 : vector<128x128xf32>
    %swap3A_3690 = arith.constant 24704 : index
    %swap3A_3691 = arith.constant 0 : index
    %swap3A_3692 = vector.load %arg4[%swap3A_3690, %swap3A_3691] : memref<32768x128xf32, #tpu.memory_space<vmem>>, vector<128x128xf32>
    tpu.vector_store %arg4[%swap3A_3690, %swap3A_3691], %exp3A_3689 {strides = array<i32>} : memref<32768x128xf32, #tpu.memory_space<vmem>>, vector<128x128xf32>,
    %slice3A_3693 = vector.extract_strided_slice %transpose3A {offsets = [0, 194], sizes = [128, 1], strides = [1, 1]} : vector<128x256xf32> to vector<128x1xf32>
    %get3A_3694 = arith.constant 0 : index
    %get3A_3695 = arith.constant 0 : index
    %get3A_3696 = vector.load %arg2[%get3A_3694, %get3A_3695] : memref<1x128xf32, #tpu.memory_space<vmem>>, vector<1x128xf32>
    %sub3A_3697 = vector.broadcast %slice3A_3693 : vector<128x1xf32> to vector<128x128xf32>
    %sub3A_3698 = vector.broadcast %get3A_3696 : vector<1x128xf32> to vector<128x128xf32>
    %sub3A_3699 = arith.subf %sub3A_3697, %sub3A_3698 : vector<128x128xf32>
    %mul3A_3700 = vector.broadcast %div3A_5 : vector<1x128xf32> to vector<128x128xf32>
    %mul3A_3701 = arith.mulf %sub3A_3699, %mul3A_3700 : vector<128x128xf32>
    %mul3A_3702 = arith.mulf %mul3A_3701, %mul3A_3701 : vector<128x128xf32>
    %mul3A_3703 = arith.constant 5.000000e-01 : f32
    %mul3A_3704 = vector.broadcast %mul3A_3703 : f32 to vector<128x128xf32>
    %mul3A_3705 = arith.mulf %mul3A_3704, %mul3A_3702 : vector<128x128xf32>
    %sub3A_3706 = vector.broadcast %log3A : vector<1x128xf32> to vector<128x128xf32>
    %sub3A_3707 = arith.subf %sub3A_3706, %mul3A_3705 : vector<128x128xf32>
    %exp3A_3708 = math.exp %sub3A_3707 : vector<128x128xf32>
    %swap3A_3709 = arith.constant 24832 : index
    %swap3A_3710 = arith.constant 0 : index
    %swap3A_3711 = vector.load %arg4[%swap3A_3709, %swap3A_3710] : memref<32768x128xf32, #tpu.memory_space<vmem>>, vector<128x128xf32>
    tpu.vector_store %arg4[%swap3A_3709, %swap3A_3710], %exp3A_3708 {strides = array<i32>} : memref<32768x128xf32, #tpu.memory_space<vmem>>, vector<128x128xf32>,
    %slice3A_3712 = vector.extract_strided_slice %transpose3A {offsets = [0, 195], sizes = [128, 1], strides = [1, 1]} : vector<128x256xf32> to vector<128x1xf32>
    %get3A_3713 = arith.constant 0 : index
    %get3A_3714 = arith.constant 0 : index
    %get3A_3715 = vector.load %arg2[%get3A_3713, %get3A_3714] : memref<1x128xf32, #tpu.memory_space<vmem>>, vector<1x128xf32>
    %sub3A_3716 = vector.broadcast %slice3A_3712 : vector<128x1xf32> to vector<128x128xf32>
    %sub3A_3717 = vector.broadcast %get3A_3715 : vector<1x128xf32> to vector<128x128xf32>
    %sub3A_3718 = arith.subf %sub3A_3716, %sub3A_3717 : vector<128x128xf32>
    %mul3A_3719 = vector.broadcast %div3A_5 : vector<1x128xf32> to vector<128x128xf32>
    %mul3A_3720 = arith.mulf %sub3A_3718, %mul3A_3719 : vector<128x128xf32>
    %mul3A_3721 = arith.mulf %mul3A_3720, %mul3A_3720 : vector<128x128xf32>
    %mul3A_3722 = arith.constant 5.000000e-01 : f32
    %mul3A_3723 = vector.broadcast %mul3A_3722 : f32 to vector<128x128xf32>
    %mul3A_3724 = arith.mulf %mul3A_3723, %mul3A_3721 : vector<128x128xf32>
    %sub3A_3725 = vector.broadcast %log3A : vector<1x128xf32> to vector<128x128xf32>
    %sub3A_3726 = arith.subf %sub3A_3725, %mul3A_3724 : vector<128x128xf32>
    %exp3A_3727 = math.exp %sub3A_3726 : vector<128x128xf32>
    %swap3A_3728 = arith.constant 24960 : index
    %swap3A_3729 = arith.constant 0 : index
    %swap3A_3730 = vector.load %arg4[%swap3A_3728, %swap3A_3729] : memref<32768x128xf32, #tpu.memory_space<vmem>>, vector<128x128xf32>
    tpu.vector_store %arg4[%swap3A_3728, %swap3A_3729], %exp3A_3727 {strides = array<i32>} : memref<32768x128xf32, #tpu.memory_space<vmem>>, vector<128x128xf32>,
    %slice3A_3731 = vector.extract_strided_slice %transpose3A {offsets = [0, 196], sizes = [128, 1], strides = [1, 1]} : vector<128x256xf32> to vector<128x1xf32>
    %get3A_3732 = arith.constant 0 : index
    %get3A_3733 = arith.constant 0 : index
    %get3A_3734 = vector.load %arg2[%get3A_3732, %get3A_3733] : memref<1x128xf32, #tpu.memory_space<vmem>>, vector<1x128xf32>
    %sub3A_3735 = vector.broadcast %slice3A_3731 : vector<128x1xf32> to vector<128x128xf32>
    %sub3A_3736 = vector.broadcast %get3A_3734 : vector<1x128xf32> to vector<128x128xf32>
    %sub3A_3737 = arith.subf %sub3A_3735, %sub3A_3736 : vector<128x128xf32>
    %mul3A_3738 = vector.broadcast %div3A_5 : vector<1x128xf32> to vector<128x128xf32>
    %mul3A_3739 = arith.mulf %sub3A_3737, %mul3A_3738 : vector<128x128xf32>
    %mul3A_3740 = arith.mulf %mul3A_3739, %mul3A_3739 : vector<128x128xf32>
    %mul3A_3741 = arith.constant 5.000000e-01 : f32
    %mul3A_3742 = vector.broadcast %mul3A_3741 : f32 to vector<128x128xf32>
    %mul3A_3743 = arith.mulf %mul3A_3742, %mul3A_3740 : vector<128x128xf32>
    %sub3A_3744 = vector.broadcast %log3A : vector<1x128xf32> to vector<128x128xf32>
    %sub3A_3745 = arith.subf %sub3A_3744, %mul3A_3743 : vector<128x128xf32>
    %exp3A_3746 = math.exp %sub3A_3745 : vector<128x128xf32>
    %swap3A_3747 = arith.constant 25088 : index
    %swap3A_3748 = arith.constant 0 : index
    %swap3A_3749 = vector.load %arg4[%swap3A_3747, %swap3A_3748] : memref<32768x128xf32, #tpu.memory_space<vmem>>, vector<128x128xf32>
    tpu.vector_store %arg4[%swap3A_3747, %swap3A_3748], %exp3A_3746 {strides = array<i32>} : memref<32768x128xf32, #tpu.memory_space<vmem>>, vector<128x128xf32>,
    %slice3A_3750 = vector.extract_strided_slice %transpose3A {offsets = [0, 197], sizes = [128, 1], strides = [1, 1]} : vector<128x256xf32> to vector<128x1xf32>
    %get3A_3751 = arith.constant 0 : index
    %get3A_3752 = arith.constant 0 : index
    %get3A_3753 = vector.load %arg2[%get3A_3751, %get3A_3752] : memref<1x128xf32, #tpu.memory_space<vmem>>, vector<1x128xf32>
    %sub3A_3754 = vector.broadcast %slice3A_3750 : vector<128x1xf32> to vector<128x128xf32>
    %sub3A_3755 = vector.broadcast %get3A_3753 : vector<1x128xf32> to vector<128x128xf32>
    %sub3A_3756 = arith.subf %sub3A_3754, %sub3A_3755 : vector<128x128xf32>
    %mul3A_3757 = vector.broadcast %div3A_5 : vector<1x128xf32> to vector<128x128xf32>
    %mul3A_3758 = arith.mulf %sub3A_3756, %mul3A_3757 : vector<128x128xf32>
    %mul3A_3759 = arith.mulf %mul3A_3758, %mul3A_3758 : vector<128x128xf32>
    %mul3A_3760 = arith.constant 5.000000e-01 : f32
    %mul3A_3761 = vector.broadcast %mul3A_3760 : f32 to vector<128x128xf32>
    %mul3A_3762 = arith.mulf %mul3A_3761, %mul3A_3759 : vector<128x128xf32>
    %sub3A_3763 = vector.broadcast %log3A : vector<1x128xf32> to vector<128x128xf32>
    %sub3A_3764 = arith.subf %sub3A_3763, %mul3A_3762 : vector<128x128xf32>
    %exp3A_3765 = math.exp %sub3A_3764 : vector<128x128xf32>
    %swap3A_3766 = arith.constant 25216 : index
    %swap3A_3767 = arith.constant 0 : index
    %swap3A_3768 = vector.load %arg4[%swap3A_3766, %swap3A_3767] : memref<32768x128xf32, #tpu.memory_space<vmem>>, vector<128x128xf32>
    tpu.vector_store %arg4[%swap3A_3766, %swap3A_3767], %exp3A_3765 {strides = array<i32>} : memref<32768x128xf32, #tpu.memory_space<vmem>>, vector<128x128xf32>,
    %slice3A_3769 = vector.extract_strided_slice %transpose3A {offsets = [0, 198], sizes = [128, 1], strides = [1, 1]} : vector<128x256xf32> to vector<128x1xf32>
    %get3A_3770 = arith.constant 0 : index
    %get3A_3771 = arith.constant 0 : index
    %get3A_3772 = vector.load %arg2[%get3A_3770, %get3A_3771] : memref<1x128xf32, #tpu.memory_space<vmem>>, vector<1x128xf32>
    %sub3A_3773 = vector.broadcast %slice3A_3769 : vector<128x1xf32> to vector<128x128xf32>
    %sub3A_3774 = vector.broadcast %get3A_3772 : vector<1x128xf32> to vector<128x128xf32>
    %sub3A_3775 = arith.subf %sub3A_3773, %sub3A_3774 : vector<128x128xf32>
    %mul3A_3776 = vector.broadcast %div3A_5 : vector<1x128xf32> to vector<128x128xf32>
    %mul3A_3777 = arith.mulf %sub3A_3775, %mul3A_3776 : vector<128x128xf32>
    %mul3A_3778 = arith.mulf %mul3A_3777, %mul3A_3777 : vector<128x128xf32>
    %mul3A_3779 = arith.constant 5.000000e-01 : f32
    %mul3A_3780 = vector.broadcast %mul3A_3779 : f32 to vector<128x128xf32>
    %mul3A_3781 = arith.mulf %mul3A_3780, %mul3A_3778 : vector<128x128xf32>
    %sub3A_3782 = vector.broadcast %log3A : vector<1x128xf32> to vector<128x128xf32>
    %sub3A_3783 = arith.subf %sub3A_3782, %mul3A_3781 : vector<128x128xf32>
    %exp3A_3784 = math.exp %sub3A_3783 : vector<128x128xf32>
    %swap3A_3785 = arith.constant 25344 : index
    %swap3A_3786 = arith.constant 0 : index
    %swap3A_3787 = vector.load %arg4[%swap3A_3785, %swap3A_3786] : memref<32768x128xf32, #tpu.memory_space<vmem>>, vector<128x128xf32>
    tpu.vector_store %arg4[%swap3A_3785, %swap3A_3786], %exp3A_3784 {strides = array<i32>} : memref<32768x128xf32, #tpu.memory_space<vmem>>, vector<128x128xf32>,
    %slice3A_3788 = vector.extract_strided_slice %transpose3A {offsets = [0, 199], sizes = [128, 1], strides = [1, 1]} : vector<128x256xf32> to vector<128x1xf32>
    %get3A_3789 = arith.constant 0 : index
    %get3A_3790 = arith.constant 0 : index
    %get3A_3791 = vector.load %arg2[%get3A_3789, %get3A_3790] : memref<1x128xf32, #tpu.memory_space<vmem>>, vector<1x128xf32>
    %sub3A_3792 = vector.broadcast %slice3A_3788 : vector<128x1xf32> to vector<128x128xf32>
    %sub3A_3793 = vector.broadcast %get3A_3791 : vector<1x128xf32> to vector<128x128xf32>
    %sub3A_3794 = arith.subf %sub3A_3792, %sub3A_3793 : vector<128x128xf32>
    %mul3A_3795 = vector.broadcast %div3A_5 : vector<1x128xf32> to vector<128x128xf32>
    %mul3A_3796 = arith.mulf %sub3A_3794, %mul3A_3795 : vector<128x128xf32>
    %mul3A_3797 = arith.mulf %mul3A_3796, %mul3A_3796 : vector<128x128xf32>
    %mul3A_3798 = arith.constant 5.000000e-01 : f32
    %mul3A_3799 = vector.broadcast %mul3A_3798 : f32 to vector<128x128xf32>
    %mul3A_3800 = arith.mulf %mul3A_3799, %mul3A_3797 : vector<128x128xf32>
    %sub3A_3801 = vector.broadcast %log3A : vector<1x128xf32> to vector<128x128xf32>
    %sub3A_3802 = arith.subf %sub3A_3801, %mul3A_3800 : vector<128x128xf32>
    %exp3A_3803 = math.exp %sub3A_3802 : vector<128x128xf32>
    %swap3A_3804 = arith.constant 25472 : index
    %swap3A_3805 = arith.constant 0 : index
    %swap3A_3806 = vector.load %arg4[%swap3A_3804, %swap3A_3805] : memref<32768x128xf32, #tpu.memory_space<vmem>>, vector<128x128xf32>
    tpu.vector_store %arg4[%swap3A_3804, %swap3A_3805], %exp3A_3803 {strides = array<i32>} : memref<32768x128xf32, #tpu.memory_space<vmem>>, vector<128x128xf32>,
    %slice3A_3807 = vector.extract_strided_slice %transpose3A {offsets = [0, 200], sizes = [128, 1], strides = [1, 1]} : vector<128x256xf32> to vector<128x1xf32>
    %get3A_3808 = arith.constant 0 : index
    %get3A_3809 = arith.constant 0 : index
    %get3A_3810 = vector.load %arg2[%get3A_3808, %get3A_3809] : memref<1x128xf32, #tpu.memory_space<vmem>>, vector<1x128xf32>
    %sub3A_3811 = vector.broadcast %slice3A_3807 : vector<128x1xf32> to vector<128x128xf32>
    %sub3A_3812 = vector.broadcast %get3A_3810 : vector<1x128xf32> to vector<128x128xf32>
    %sub3A_3813 = arith.subf %sub3A_3811, %sub3A_3812 : vector<128x128xf32>
    %mul3A_3814 = vector.broadcast %div3A_5 : vector<1x128xf32> to vector<128x128xf32>
    %mul3A_3815 = arith.mulf %sub3A_3813, %mul3A_3814 : vector<128x128xf32>
    %mul3A_3816 = arith.mulf %mul3A_3815, %mul3A_3815 : vector<128x128xf32>
    %mul3A_3817 = arith.constant 5.000000e-01 : f32
    %mul3A_3818 = vector.broadcast %mul3A_3817 : f32 to vector<128x128xf32>
    %mul3A_3819 = arith.mulf %mul3A_3818, %mul3A_3816 : vector<128x128xf32>
    %sub3A_3820 = vector.broadcast %log3A : vector<1x128xf32> to vector<128x128xf32>
    %sub3A_3821 = arith.subf %sub3A_3820, %mul3A_3819 : vector<128x128xf32>
    %exp3A_3822 = math.exp %sub3A_3821 : vector<128x128xf32>
    %swap3A_3823 = arith.constant 25600 : index
    %swap3A_3824 = arith.constant 0 : index
    %swap3A_3825 = vector.load %arg4[%swap3A_3823, %swap3A_3824] : memref<32768x128xf32, #tpu.memory_space<vmem>>, vector<128x128xf32>
    tpu.vector_store %arg4[%swap3A_3823, %swap3A_3824], %exp3A_3822 {strides = array<i32>} : memref<32768x128xf32, #tpu.memory_space<vmem>>, vector<128x128xf32>,
    %slice3A_3826 = vector.extract_strided_slice %transpose3A {offsets = [0, 201], sizes = [128, 1], strides = [1, 1]} : vector<128x256xf32> to vector<128x1xf32>
    %get3A_3827 = arith.constant 0 : index
    %get3A_3828 = arith.constant 0 : index
    %get3A_3829 = vector.load %arg2[%get3A_3827, %get3A_3828] : memref<1x128xf32, #tpu.memory_space<vmem>>, vector<1x128xf32>
    %sub3A_3830 = vector.broadcast %slice3A_3826 : vector<128x1xf32> to vector<128x128xf32>
    %sub3A_3831 = vector.broadcast %get3A_3829 : vector<1x128xf32> to vector<128x128xf32>
    %sub3A_3832 = arith.subf %sub3A_3830, %sub3A_3831 : vector<128x128xf32>
    %mul3A_3833 = vector.broadcast %div3A_5 : vector<1x128xf32> to vector<128x128xf32>
    %mul3A_3834 = arith.mulf %sub3A_3832, %mul3A_3833 : vector<128x128xf32>
    %mul3A_3835 = arith.mulf %mul3A_3834, %mul3A_3834 : vector<128x128xf32>
    %mul3A_3836 = arith.constant 5.000000e-01 : f32
    %mul3A_3837 = vector.broadcast %mul3A_3836 : f32 to vector<128x128xf32>
    %mul3A_3838 = arith.mulf %mul3A_3837, %mul3A_3835 : vector<128x128xf32>
    %sub3A_3839 = vector.broadcast %log3A : vector<1x128xf32> to vector<128x128xf32>
    %sub3A_3840 = arith.subf %sub3A_3839, %mul3A_3838 : vector<128x128xf32>
    %exp3A_3841 = math.exp %sub3A_3840 : vector<128x128xf32>
    %swap3A_3842 = arith.constant 25728 : index
    %swap3A_3843 = arith.constant 0 : index
    %swap3A_3844 = vector.load %arg4[%swap3A_3842, %swap3A_3843] : memref<32768x128xf32, #tpu.memory_space<vmem>>, vector<128x128xf32>
    tpu.vector_store %arg4[%swap3A_3842, %swap3A_3843], %exp3A_3841 {strides = array<i32>} : memref<32768x128xf32, #tpu.memory_space<vmem>>, vector<128x128xf32>,
    %slice3A_3845 = vector.extract_strided_slice %transpose3A {offsets = [0, 202], sizes = [128, 1], strides = [1, 1]} : vector<128x256xf32> to vector<128x1xf32>
    %get3A_3846 = arith.constant 0 : index
    %get3A_3847 = arith.constant 0 : index
    %get3A_3848 = vector.load %arg2[%get3A_3846, %get3A_3847] : memref<1x128xf32, #tpu.memory_space<vmem>>, vector<1x128xf32>
    %sub3A_3849 = vector.broadcast %slice3A_3845 : vector<128x1xf32> to vector<128x128xf32>
    %sub3A_3850 = vector.broadcast %get3A_3848 : vector<1x128xf32> to vector<128x128xf32>
    %sub3A_3851 = arith.subf %sub3A_3849, %sub3A_3850 : vector<128x128xf32>
    %mul3A_3852 = vector.broadcast %div3A_5 : vector<1x128xf32> to vector<128x128xf32>
    %mul3A_3853 = arith.mulf %sub3A_3851, %mul3A_3852 : vector<128x128xf32>
    %mul3A_3854 = arith.mulf %mul3A_3853, %mul3A_3853 : vector<128x128xf32>
    %mul3A_3855 = arith.constant 5.000000e-01 : f32
    %mul3A_3856 = vector.broadcast %mul3A_3855 : f32 to vector<128x128xf32>
    %mul3A_3857 = arith.mulf %mul3A_3856, %mul3A_3854 : vector<128x128xf32>
    %sub3A_3858 = vector.broadcast %log3A : vector<1x128xf32> to vector<128x128xf32>
    %sub3A_3859 = arith.subf %sub3A_3858, %mul3A_3857 : vector<128x128xf32>
    %exp3A_3860 = math.exp %sub3A_3859 : vector<128x128xf32>
    %swap3A_3861 = arith.constant 25856 : index
    %swap3A_3862 = arith.constant 0 : index
    %swap3A_3863 = vector.load %arg4[%swap3A_3861, %swap3A_3862] : memref<32768x128xf32, #tpu.memory_space<vmem>>, vector<128x128xf32>
    tpu.vector_store %arg4[%swap3A_3861, %swap3A_3862], %exp3A_3860 {strides = array<i32>} : memref<32768x128xf32, #tpu.memory_space<vmem>>, vector<128x128xf32>,
    %slice3A_3864 = vector.extract_strided_slice %transpose3A {offsets = [0, 203], sizes = [128, 1], strides = [1, 1]} : vector<128x256xf32> to vector<128x1xf32>
    %get3A_3865 = arith.constant 0 : index
    %get3A_3866 = arith.constant 0 : index
    %get3A_3867 = vector.load %arg2[%get3A_3865, %get3A_3866] : memref<1x128xf32, #tpu.memory_space<vmem>>, vector<1x128xf32>
    %sub3A_3868 = vector.broadcast %slice3A_3864 : vector<128x1xf32> to vector<128x128xf32>
    %sub3A_3869 = vector.broadcast %get3A_3867 : vector<1x128xf32> to vector<128x128xf32>
    %sub3A_3870 = arith.subf %sub3A_3868, %sub3A_3869 : vector<128x128xf32>
    %mul3A_3871 = vector.broadcast %div3A_5 : vector<1x128xf32> to vector<128x128xf32>
    %mul3A_3872 = arith.mulf %sub3A_3870, %mul3A_3871 : vector<128x128xf32>
    %mul3A_3873 = arith.mulf %mul3A_3872, %mul3A_3872 : vector<128x128xf32>
    %mul3A_3874 = arith.constant 5.000000e-01 : f32
    %mul3A_3875 = vector.broadcast %mul3A_3874 : f32 to vector<128x128xf32>
    %mul3A_3876 = arith.mulf %mul3A_3875, %mul3A_3873 : vector<128x128xf32>
    %sub3A_3877 = vector.broadcast %log3A : vector<1x128xf32> to vector<128x128xf32>
    %sub3A_3878 = arith.subf %sub3A_3877, %mul3A_3876 : vector<128x128xf32>
    %exp3A_3879 = math.exp %sub3A_3878 : vector<128x128xf32>
    %swap3A_3880 = arith.constant 25984 : index
    %swap3A_3881 = arith.constant 0 : index
    %swap3A_3882 = vector.load %arg4[%swap3A_3880, %swap3A_3881] : memref<32768x128xf32, #tpu.memory_space<vmem>>, vector<128x128xf32>
    tpu.vector_store %arg4[%swap3A_3880, %swap3A_3881], %exp3A_3879 {strides = array<i32>} : memref<32768x128xf32, #tpu.memory_space<vmem>>, vector<128x128xf32>,
    %slice3A_3883 = vector.extract_strided_slice %transpose3A {offsets = [0, 204], sizes = [128, 1], strides = [1, 1]} : vector<128x256xf32> to vector<128x1xf32>
    %get3A_3884 = arith.constant 0 : index
    %get3A_3885 = arith.constant 0 : index
    %get3A_3886 = vector.load %arg2[%get3A_3884, %get3A_3885] : memref<1x128xf32, #tpu.memory_space<vmem>>, vector<1x128xf32>
    %sub3A_3887 = vector.broadcast %slice3A_3883 : vector<128x1xf32> to vector<128x128xf32>
    %sub3A_3888 = vector.broadcast %get3A_3886 : vector<1x128xf32> to vector<128x128xf32>
    %sub3A_3889 = arith.subf %sub3A_3887, %sub3A_3888 : vector<128x128xf32>
    %mul3A_3890 = vector.broadcast %div3A_5 : vector<1x128xf32> to vector<128x128xf32>
    %mul3A_3891 = arith.mulf %sub3A_3889, %mul3A_3890 : vector<128x128xf32>
    %mul3A_3892 = arith.mulf %mul3A_3891, %mul3A_3891 : vector<128x128xf32>
    %mul3A_3893 = arith.constant 5.000000e-01 : f32
    %mul3A_3894 = vector.broadcast %mul3A_3893 : f32 to vector<128x128xf32>
    %mul3A_3895 = arith.mulf %mul3A_3894, %mul3A_3892 : vector<128x128xf32>
    %sub3A_3896 = vector.broadcast %log3A : vector<1x128xf32> to vector<128x128xf32>
    %sub3A_3897 = arith.subf %sub3A_3896, %mul3A_3895 : vector<128x128xf32>
    %exp3A_3898 = math.exp %sub3A_3897 : vector<128x128xf32>
    %swap3A_3899 = arith.constant 26112 : index
    %swap3A_3900 = arith.constant 0 : index
    %swap3A_3901 = vector.load %arg4[%swap3A_3899, %swap3A_3900] : memref<32768x128xf32, #tpu.memory_space<vmem>>, vector<128x128xf32>
    tpu.vector_store %arg4[%swap3A_3899, %swap3A_3900], %exp3A_3898 {strides = array<i32>} : memref<32768x128xf32, #tpu.memory_space<vmem>>, vector<128x128xf32>,
    %slice3A_3902 = vector.extract_strided_slice %transpose3A {offsets = [0, 205], sizes = [128, 1], strides = [1, 1]} : vector<128x256xf32> to vector<128x1xf32>
    %get3A_3903 = arith.constant 0 : index
    %get3A_3904 = arith.constant 0 : index
    %get3A_3905 = vector.load %arg2[%get3A_3903, %get3A_3904] : memref<1x128xf32, #tpu.memory_space<vmem>>, vector<1x128xf32>
    %sub3A_3906 = vector.broadcast %slice3A_3902 : vector<128x1xf32> to vector<128x128xf32>
    %sub3A_3907 = vector.broadcast %get3A_3905 : vector<1x128xf32> to vector<128x128xf32>
    %sub3A_3908 = arith.subf %sub3A_3906, %sub3A_3907 : vector<128x128xf32>
    %mul3A_3909 = vector.broadcast %div3A_5 : vector<1x128xf32> to vector<128x128xf32>
    %mul3A_3910 = arith.mulf %sub3A_3908, %mul3A_3909 : vector<128x128xf32>
    %mul3A_3911 = arith.mulf %mul3A_3910, %mul3A_3910 : vector<128x128xf32>
    %mul3A_3912 = arith.constant 5.000000e-01 : f32
    %mul3A_3913 = vector.broadcast %mul3A_3912 : f32 to vector<128x128xf32>
    %mul3A_3914 = arith.mulf %mul3A_3913, %mul3A_3911 : vector<128x128xf32>
    %sub3A_3915 = vector.broadcast %log3A : vector<1x128xf32> to vector<128x128xf32>
    %sub3A_3916 = arith.subf %sub3A_3915, %mul3A_3914 : vector<128x128xf32>
    %exp3A_3917 = math.exp %sub3A_3916 : vector<128x128xf32>
    %swap3A_3918 = arith.constant 26240 : index
    %swap3A_3919 = arith.constant 0 : index
    %swap3A_3920 = vector.load %arg4[%swap3A_3918, %swap3A_3919] : memref<32768x128xf32, #tpu.memory_space<vmem>>, vector<128x128xf32>
    tpu.vector_store %arg4[%swap3A_3918, %swap3A_3919], %exp3A_3917 {strides = array<i32>} : memref<32768x128xf32, #tpu.memory_space<vmem>>, vector<128x128xf32>,
    %slice3A_3921 = vector.extract_strided_slice %transpose3A {offsets = [0, 206], sizes = [128, 1], strides = [1, 1]} : vector<128x256xf32> to vector<128x1xf32>
    %get3A_3922 = arith.constant 0 : index
    %get3A_3923 = arith.constant 0 : index
    %get3A_3924 = vector.load %arg2[%get3A_3922, %get3A_3923] : memref<1x128xf32, #tpu.memory_space<vmem>>, vector<1x128xf32>
    %sub3A_3925 = vector.broadcast %slice3A_3921 : vector<128x1xf32> to vector<128x128xf32>
    %sub3A_3926 = vector.broadcast %get3A_3924 : vector<1x128xf32> to vector<128x128xf32>
    %sub3A_3927 = arith.subf %sub3A_3925, %sub3A_3926 : vector<128x128xf32>
    %mul3A_3928 = vector.broadcast %div3A_5 : vector<1x128xf32> to vector<128x128xf32>
    %mul3A_3929 = arith.mulf %sub3A_3927, %mul3A_3928 : vector<128x128xf32>
    %mul3A_3930 = arith.mulf %mul3A_3929, %mul3A_3929 : vector<128x128xf32>
    %mul3A_3931 = arith.constant 5.000000e-01 : f32
    %mul3A_3932 = vector.broadcast %mul3A_3931 : f32 to vector<128x128xf32>
    %mul3A_3933 = arith.mulf %mul3A_3932, %mul3A_3930 : vector<128x128xf32>
    %sub3A_3934 = vector.broadcast %log3A : vector<1x128xf32> to vector<128x128xf32>
    %sub3A_3935 = arith.subf %sub3A_3934, %mul3A_3933 : vector<128x128xf32>
    %exp3A_3936 = math.exp %sub3A_3935 : vector<128x128xf32>
    %swap3A_3937 = arith.constant 26368 : index
    %swap3A_3938 = arith.constant 0 : index
    %swap3A_3939 = vector.load %arg4[%swap3A_3937, %swap3A_3938] : memref<32768x128xf32, #tpu.memory_space<vmem>>, vector<128x128xf32>
    tpu.vector_store %arg4[%swap3A_3937, %swap3A_3938], %exp3A_3936 {strides = array<i32>} : memref<32768x128xf32, #tpu.memory_space<vmem>>, vector<128x128xf32>,
    %slice3A_3940 = vector.extract_strided_slice %transpose3A {offsets = [0, 207], sizes = [128, 1], strides = [1, 1]} : vector<128x256xf32> to vector<128x1xf32>
    %get3A_3941 = arith.constant 0 : index
    %get3A_3942 = arith.constant 0 : index
    %get3A_3943 = vector.load %arg2[%get3A_3941, %get3A_3942] : memref<1x128xf32, #tpu.memory_space<vmem>>, vector<1x128xf32>
    %sub3A_3944 = vector.broadcast %slice3A_3940 : vector<128x1xf32> to vector<128x128xf32>
    %sub3A_3945 = vector.broadcast %get3A_3943 : vector<1x128xf32> to vector<128x128xf32>
    %sub3A_3946 = arith.subf %sub3A_3944, %sub3A_3945 : vector<128x128xf32>
    %mul3A_3947 = vector.broadcast %div3A_5 : vector<1x128xf32> to vector<128x128xf32>
    %mul3A_3948 = arith.mulf %sub3A_3946, %mul3A_3947 : vector<128x128xf32>
    %mul3A_3949 = arith.mulf %mul3A_3948, %mul3A_3948 : vector<128x128xf32>
    %mul3A_3950 = arith.constant 5.000000e-01 : f32
    %mul3A_3951 = vector.broadcast %mul3A_3950 : f32 to vector<128x128xf32>
    %mul3A_3952 = arith.mulf %mul3A_3951, %mul3A_3949 : vector<128x128xf32>
    %sub3A_3953 = vector.broadcast %log3A : vector<1x128xf32> to vector<128x128xf32>
    %sub3A_3954 = arith.subf %sub3A_3953, %mul3A_3952 : vector<128x128xf32>
    %exp3A_3955 = math.exp %sub3A_3954 : vector<128x128xf32>
    %swap3A_3956 = arith.constant 26496 : index
    %swap3A_3957 = arith.constant 0 : index
    %swap3A_3958 = vector.load %arg4[%swap3A_3956, %swap3A_3957] : memref<32768x128xf32, #tpu.memory_space<vmem>>, vector<128x128xf32>
    tpu.vector_store %arg4[%swap3A_3956, %swap3A_3957], %exp3A_3955 {strides = array<i32>} : memref<32768x128xf32, #tpu.memory_space<vmem>>, vector<128x128xf32>,
    %slice3A_3959 = vector.extract_strided_slice %transpose3A {offsets = [0, 208], sizes = [128, 1], strides = [1, 1]} : vector<128x256xf32> to vector<128x1xf32>
    %get3A_3960 = arith.constant 0 : index
    %get3A_3961 = arith.constant 0 : index
    %get3A_3962 = vector.load %arg2[%get3A_3960, %get3A_3961] : memref<1x128xf32, #tpu.memory_space<vmem>>, vector<1x128xf32>
    %sub3A_3963 = vector.broadcast %slice3A_3959 : vector<128x1xf32> to vector<128x128xf32>
    %sub3A_3964 = vector.broadcast %get3A_3962 : vector<1x128xf32> to vector<128x128xf32>
    %sub3A_3965 = arith.subf %sub3A_3963, %sub3A_3964 : vector<128x128xf32>
    %mul3A_3966 = vector.broadcast %div3A_5 : vector<1x128xf32> to vector<128x128xf32>
    %mul3A_3967 = arith.mulf %sub3A_3965, %mul3A_3966 : vector<128x128xf32>
    %mul3A_3968 = arith.mulf %mul3A_3967, %mul3A_3967 : vector<128x128xf32>
    %mul3A_3969 = arith.constant 5.000000e-01 : f32
    %mul3A_3970 = vector.broadcast %mul3A_3969 : f32 to vector<128x128xf32>
    %mul3A_3971 = arith.mulf %mul3A_3970, %mul3A_3968 : vector<128x128xf32>
    %sub3A_3972 = vector.broadcast %log3A : vector<1x128xf32> to vector<128x128xf32>
    %sub3A_3973 = arith.subf %sub3A_3972, %mul3A_3971 : vector<128x128xf32>
    %exp3A_3974 = math.exp %sub3A_3973 : vector<128x128xf32>
    %swap3A_3975 = arith.constant 26624 : index
    %swap3A_3976 = arith.constant 0 : index
    %swap3A_3977 = vector.load %arg4[%swap3A_3975, %swap3A_3976] : memref<32768x128xf32, #tpu.memory_space<vmem>>, vector<128x128xf32>
    tpu.vector_store %arg4[%swap3A_3975, %swap3A_3976], %exp3A_3974 {strides = array<i32>} : memref<32768x128xf32, #tpu.memory_space<vmem>>, vector<128x128xf32>,
    %slice3A_3978 = vector.extract_strided_slice %transpose3A {offsets = [0, 209], sizes = [128, 1], strides = [1, 1]} : vector<128x256xf32> to vector<128x1xf32>
    %get3A_3979 = arith.constant 0 : index
    %get3A_3980 = arith.constant 0 : index
    %get3A_3981 = vector.load %arg2[%get3A_3979, %get3A_3980] : memref<1x128xf32, #tpu.memory_space<vmem>>, vector<1x128xf32>
    %sub3A_3982 = vector.broadcast %slice3A_3978 : vector<128x1xf32> to vector<128x128xf32>
    %sub3A_3983 = vector.broadcast %get3A_3981 : vector<1x128xf32> to vector<128x128xf32>
    %sub3A_3984 = arith.subf %sub3A_3982, %sub3A_3983 : vector<128x128xf32>
    %mul3A_3985 = vector.broadcast %div3A_5 : vector<1x128xf32> to vector<128x128xf32>
    %mul3A_3986 = arith.mulf %sub3A_3984, %mul3A_3985 : vector<128x128xf32>
    %mul3A_3987 = arith.mulf %mul3A_3986, %mul3A_3986 : vector<128x128xf32>
    %mul3A_3988 = arith.constant 5.000000e-01 : f32
    %mul3A_3989 = vector.broadcast %mul3A_3988 : f32 to vector<128x128xf32>
    %mul3A_3990 = arith.mulf %mul3A_3989, %mul3A_3987 : vector<128x128xf32>
    %sub3A_3991 = vector.broadcast %log3A : vector<1x128xf32> to vector<128x128xf32>
    %sub3A_3992 = arith.subf %sub3A_3991, %mul3A_3990 : vector<128x128xf32>
    %exp3A_3993 = math.exp %sub3A_3992 : vector<128x128xf32>
    %swap3A_3994 = arith.constant 26752 : index
    %swap3A_3995 = arith.constant 0 : index
    %swap3A_3996 = vector.load %arg4[%swap3A_3994, %swap3A_3995] : memref<32768x128xf32, #tpu.memory_space<vmem>>, vector<128x128xf32>
    tpu.vector_store %arg4[%swap3A_3994, %swap3A_3995], %exp3A_3993 {strides = array<i32>} : memref<32768x128xf32, #tpu.memory_space<vmem>>, vector<128x128xf32>,
    %slice3A_3997 = vector.extract_strided_slice %transpose3A {offsets = [0, 210], sizes = [128, 1], strides = [1, 1]} : vector<128x256xf32> to vector<128x1xf32>
    %get3A_3998 = arith.constant 0 : index
    %get3A_3999 = arith.constant 0 : index
    %get3A_4000 = vector.load %arg2[%get3A_3998, %get3A_3999] : memref<1x128xf32, #tpu.memory_space<vmem>>, vector<1x128xf32>
    %sub3A_4001 = vector.broadcast %slice3A_3997 : vector<128x1xf32> to vector<128x128xf32>
    %sub3A_4002 = vector.broadcast %get3A_4000 : vector<1x128xf32> to vector<128x128xf32>
    %sub3A_4003 = arith.subf %sub3A_4001, %sub3A_4002 : vector<128x128xf32>
    %mul3A_4004 = vector.broadcast %div3A_5 : vector<1x128xf32> to vector<128x128xf32>
    %mul3A_4005 = arith.mulf %sub3A_4003, %mul3A_4004 : vector<128x128xf32>
    %mul3A_4006 = arith.mulf %mul3A_4005, %mul3A_4005 : vector<128x128xf32>
    %mul3A_4007 = arith.constant 5.000000e-01 : f32
    %mul3A_4008 = vector.broadcast %mul3A_4007 : f32 to vector<128x128xf32>
    %mul3A_4009 = arith.mulf %mul3A_4008, %mul3A_4006 : vector<128x128xf32>
    %sub3A_4010 = vector.broadcast %log3A : vector<1x128xf32> to vector<128x128xf32>
    %sub3A_4011 = arith.subf %sub3A_4010, %mul3A_4009 : vector<128x128xf32>
    %exp3A_4012 = math.exp %sub3A_4011 : vector<128x128xf32>
    %swap3A_4013 = arith.constant 26880 : index
    %swap3A_4014 = arith.constant 0 : index
    %swap3A_4015 = vector.load %arg4[%swap3A_4013, %swap3A_4014] : memref<32768x128xf32, #tpu.memory_space<vmem>>, vector<128x128xf32>
    tpu.vector_store %arg4[%swap3A_4013, %swap3A_4014], %exp3A_4012 {strides = array<i32>} : memref<32768x128xf32, #tpu.memory_space<vmem>>, vector<128x128xf32>,
    %slice3A_4016 = vector.extract_strided_slice %transpose3A {offsets = [0, 211], sizes = [128, 1], strides = [1, 1]} : vector<128x256xf32> to vector<128x1xf32>
    %get3A_4017 = arith.constant 0 : index
    %get3A_4018 = arith.constant 0 : index
    %get3A_4019 = vector.load %arg2[%get3A_4017, %get3A_4018] : memref<1x128xf32, #tpu.memory_space<vmem>>, vector<1x128xf32>
    %sub3A_4020 = vector.broadcast %slice3A_4016 : vector<128x1xf32> to vector<128x128xf32>
    %sub3A_4021 = vector.broadcast %get3A_4019 : vector<1x128xf32> to vector<128x128xf32>
    %sub3A_4022 = arith.subf %sub3A_4020, %sub3A_4021 : vector<128x128xf32>
    %mul3A_4023 = vector.broadcast %div3A_5 : vector<1x128xf32> to vector<128x128xf32>
    %mul3A_4024 = arith.mulf %sub3A_4022, %mul3A_4023 : vector<128x128xf32>
    %mul3A_4025 = arith.mulf %mul3A_4024, %mul3A_4024 : vector<128x128xf32>
    %mul3A_4026 = arith.constant 5.000000e-01 : f32
    %mul3A_4027 = vector.broadcast %mul3A_4026 : f32 to vector<128x128xf32>
    %mul3A_4028 = arith.mulf %mul3A_4027, %mul3A_4025 : vector<128x128xf32>
    %sub3A_4029 = vector.broadcast %log3A : vector<1x128xf32> to vector<128x128xf32>
    %sub3A_4030 = arith.subf %sub3A_4029, %mul3A_4028 : vector<128x128xf32>
    %exp3A_4031 = math.exp %sub3A_4030 : vector<128x128xf32>
    %swap3A_4032 = arith.constant 27008 : index
    %swap3A_4033 = arith.constant 0 : index
    %swap3A_4034 = vector.load %arg4[%swap3A_4032, %swap3A_4033] : memref<32768x128xf32, #tpu.memory_space<vmem>>, vector<128x128xf32>
    tpu.vector_store %arg4[%swap3A_4032, %swap3A_4033], %exp3A_4031 {strides = array<i32>} : memref<32768x128xf32, #tpu.memory_space<vmem>>, vector<128x128xf32>,
    %slice3A_4035 = vector.extract_strided_slice %transpose3A {offsets = [0, 212], sizes = [128, 1], strides = [1, 1]} : vector<128x256xf32> to vector<128x1xf32>
    %get3A_4036 = arith.constant 0 : index
    %get3A_4037 = arith.constant 0 : index
    %get3A_4038 = vector.load %arg2[%get3A_4036, %get3A_4037] : memref<1x128xf32, #tpu.memory_space<vmem>>, vector<1x128xf32>
    %sub3A_4039 = vector.broadcast %slice3A_4035 : vector<128x1xf32> to vector<128x128xf32>
    %sub3A_4040 = vector.broadcast %get3A_4038 : vector<1x128xf32> to vector<128x128xf32>
    %sub3A_4041 = arith.subf %sub3A_4039, %sub3A_4040 : vector<128x128xf32>
    %mul3A_4042 = vector.broadcast %div3A_5 : vector<1x128xf32> to vector<128x128xf32>
    %mul3A_4043 = arith.mulf %sub3A_4041, %mul3A_4042 : vector<128x128xf32>
    %mul3A_4044 = arith.mulf %mul3A_4043, %mul3A_4043 : vector<128x128xf32>
    %mul3A_4045 = arith.constant 5.000000e-01 : f32
    %mul3A_4046 = vector.broadcast %mul3A_4045 : f32 to vector<128x128xf32>
    %mul3A_4047 = arith.mulf %mul3A_4046, %mul3A_4044 : vector<128x128xf32>
    %sub3A_4048 = vector.broadcast %log3A : vector<1x128xf32> to vector<128x128xf32>
    %sub3A_4049 = arith.subf %sub3A_4048, %mul3A_4047 : vector<128x128xf32>
    %exp3A_4050 = math.exp %sub3A_4049 : vector<128x128xf32>
    %swap3A_4051 = arith.constant 27136 : index
    %swap3A_4052 = arith.constant 0 : index
    %swap3A_4053 = vector.load %arg4[%swap3A_4051, %swap3A_4052] : memref<32768x128xf32, #tpu.memory_space<vmem>>, vector<128x128xf32>
    tpu.vector_store %arg4[%swap3A_4051, %swap3A_4052], %exp3A_4050 {strides = array<i32>} : memref<32768x128xf32, #tpu.memory_space<vmem>>, vector<128x128xf32>,
    %slice3A_4054 = vector.extract_strided_slice %transpose3A {offsets = [0, 213], sizes = [128, 1], strides = [1, 1]} : vector<128x256xf32> to vector<128x1xf32>
    %get3A_4055 = arith.constant 0 : index
    %get3A_4056 = arith.constant 0 : index
    %get3A_4057 = vector.load %arg2[%get3A_4055, %get3A_4056] : memref<1x128xf32, #tpu.memory_space<vmem>>, vector<1x128xf32>
    %sub3A_4058 = vector.broadcast %slice3A_4054 : vector<128x1xf32> to vector<128x128xf32>
    %sub3A_4059 = vector.broadcast %get3A_4057 : vector<1x128xf32> to vector<128x128xf32>
    %sub3A_4060 = arith.subf %sub3A_4058, %sub3A_4059 : vector<128x128xf32>
    %mul3A_4061 = vector.broadcast %div3A_5 : vector<1x128xf32> to vector<128x128xf32>
    %mul3A_4062 = arith.mulf %sub3A_4060, %mul3A_4061 : vector<128x128xf32>
    %mul3A_4063 = arith.mulf %mul3A_4062, %mul3A_4062 : vector<128x128xf32>
    %mul3A_4064 = arith.constant 5.000000e-01 : f32
    %mul3A_4065 = vector.broadcast %mul3A_4064 : f32 to vector<128x128xf32>
    %mul3A_4066 = arith.mulf %mul3A_4065, %mul3A_4063 : vector<128x128xf32>
    %sub3A_4067 = vector.broadcast %log3A : vector<1x128xf32> to vector<128x128xf32>
    %sub3A_4068 = arith.subf %sub3A_4067, %mul3A_4066 : vector<128x128xf32>
    %exp3A_4069 = math.exp %sub3A_4068 : vector<128x128xf32>
    %swap3A_4070 = arith.constant 27264 : index
    %swap3A_4071 = arith.constant 0 : index
    %swap3A_4072 = vector.load %arg4[%swap3A_4070, %swap3A_4071] : memref<32768x128xf32, #tpu.memory_space<vmem>>, vector<128x128xf32>
    tpu.vector_store %arg4[%swap3A_4070, %swap3A_4071], %exp3A_4069 {strides = array<i32>} : memref<32768x128xf32, #tpu.memory_space<vmem>>, vector<128x128xf32>,
    %slice3A_4073 = vector.extract_strided_slice %transpose3A {offsets = [0, 214], sizes = [128, 1], strides = [1, 1]} : vector<128x256xf32> to vector<128x1xf32>
    %get3A_4074 = arith.constant 0 : index
    %get3A_4075 = arith.constant 0 : index
    %get3A_4076 = vector.load %arg2[%get3A_4074, %get3A_4075] : memref<1x128xf32, #tpu.memory_space<vmem>>, vector<1x128xf32>
    %sub3A_4077 = vector.broadcast %slice3A_4073 : vector<128x1xf32> to vector<128x128xf32>
    %sub3A_4078 = vector.broadcast %get3A_4076 : vector<1x128xf32> to vector<128x128xf32>
    %sub3A_4079 = arith.subf %sub3A_4077, %sub3A_4078 : vector<128x128xf32>
    %mul3A_4080 = vector.broadcast %div3A_5 : vector<1x128xf32> to vector<128x128xf32>
    %mul3A_4081 = arith.mulf %sub3A_4079, %mul3A_4080 : vector<128x128xf32>
    %mul3A_4082 = arith.mulf %mul3A_4081, %mul3A_4081 : vector<128x128xf32>
    %mul3A_4083 = arith.constant 5.000000e-01 : f32
    %mul3A_4084 = vector.broadcast %mul3A_4083 : f32 to vector<128x128xf32>
    %mul3A_4085 = arith.mulf %mul3A_4084, %mul3A_4082 : vector<128x128xf32>
    %sub3A_4086 = vector.broadcast %log3A : vector<1x128xf32> to vector<128x128xf32>
    %sub3A_4087 = arith.subf %sub3A_4086, %mul3A_4085 : vector<128x128xf32>
    %exp3A_4088 = math.exp %sub3A_4087 : vector<128x128xf32>
    %swap3A_4089 = arith.constant 27392 : index
    %swap3A_4090 = arith.constant 0 : index
    %swap3A_4091 = vector.load %arg4[%swap3A_4089, %swap3A_4090] : memref<32768x128xf32, #tpu.memory_space<vmem>>, vector<128x128xf32>
    tpu.vector_store %arg4[%swap3A_4089, %swap3A_4090], %exp3A_4088 {strides = array<i32>} : memref<32768x128xf32, #tpu.memory_space<vmem>>, vector<128x128xf32>,
    %slice3A_4092 = vector.extract_strided_slice %transpose3A {offsets = [0, 215], sizes = [128, 1], strides = [1, 1]} : vector<128x256xf32> to vector<128x1xf32>
    %get3A_4093 = arith.constant 0 : index
    %get3A_4094 = arith.constant 0 : index
    %get3A_4095 = vector.load %arg2[%get3A_4093, %get3A_4094] : memref<1x128xf32, #tpu.memory_space<vmem>>, vector<1x128xf32>
    %sub3A_4096 = vector.broadcast %slice3A_4092 : vector<128x1xf32> to vector<128x128xf32>
    %sub3A_4097 = vector.broadcast %get3A_4095 : vector<1x128xf32> to vector<128x128xf32>
    %sub3A_4098 = arith.subf %sub3A_4096, %sub3A_4097 : vector<128x128xf32>
    %mul3A_4099 = vector.broadcast %div3A_5 : vector<1x128xf32> to vector<128x128xf32>
    %mul3A_4100 = arith.mulf %sub3A_4098, %mul3A_4099 : vector<128x128xf32>
    %mul3A_4101 = arith.mulf %mul3A_4100, %mul3A_4100 : vector<128x128xf32>
    %mul3A_4102 = arith.constant 5.000000e-01 : f32
    %mul3A_4103 = vector.broadcast %mul3A_4102 : f32 to vector<128x128xf32>
    %mul3A_4104 = arith.mulf %mul3A_4103, %mul3A_4101 : vector<128x128xf32>
    %sub3A_4105 = vector.broadcast %log3A : vector<1x128xf32> to vector<128x128xf32>
    %sub3A_4106 = arith.subf %sub3A_4105, %mul3A_4104 : vector<128x128xf32>
    %exp3A_4107 = math.exp %sub3A_4106 : vector<128x128xf32>
    %swap3A_4108 = arith.constant 27520 : index
    %swap3A_4109 = arith.constant 0 : index
    %swap3A_4110 = vector.load %arg4[%swap3A_4108, %swap3A_4109] : memref<32768x128xf32, #tpu.memory_space<vmem>>, vector<128x128xf32>
    tpu.vector_store %arg4[%swap3A_4108, %swap3A_4109], %exp3A_4107 {strides = array<i32>} : memref<32768x128xf32, #tpu.memory_space<vmem>>, vector<128x128xf32>,
    %slice3A_4111 = vector.extract_strided_slice %transpose3A {offsets = [0, 216], sizes = [128, 1], strides = [1, 1]} : vector<128x256xf32> to vector<128x1xf32>
    %get3A_4112 = arith.constant 0 : index
    %get3A_4113 = arith.constant 0 : index
    %get3A_4114 = vector.load %arg2[%get3A_4112, %get3A_4113] : memref<1x128xf32, #tpu.memory_space<vmem>>, vector<1x128xf32>
    %sub3A_4115 = vector.broadcast %slice3A_4111 : vector<128x1xf32> to vector<128x128xf32>
    %sub3A_4116 = vector.broadcast %get3A_4114 : vector<1x128xf32> to vector<128x128xf32>
    %sub3A_4117 = arith.subf %sub3A_4115, %sub3A_4116 : vector<128x128xf32>
    %mul3A_4118 = vector.broadcast %div3A_5 : vector<1x128xf32> to vector<128x128xf32>
    %mul3A_4119 = arith.mulf %sub3A_4117, %mul3A_4118 : vector<128x128xf32>
    %mul3A_4120 = arith.mulf %mul3A_4119, %mul3A_4119 : vector<128x128xf32>
    %mul3A_4121 = arith.constant 5.000000e-01 : f32
    %mul3A_4122 = vector.broadcast %mul3A_4121 : f32 to vector<128x128xf32>
    %mul3A_4123 = arith.mulf %mul3A_4122, %mul3A_4120 : vector<128x128xf32>
    %sub3A_4124 = vector.broadcast %log3A : vector<1x128xf32> to vector<128x128xf32>
    %sub3A_4125 = arith.subf %sub3A_4124, %mul3A_4123 : vector<128x128xf32>
    %exp3A_4126 = math.exp %sub3A_4125 : vector<128x128xf32>
    %swap3A_4127 = arith.constant 27648 : index
    %swap3A_4128 = arith.constant 0 : index
    %swap3A_4129 = vector.load %arg4[%swap3A_4127, %swap3A_4128] : memref<32768x128xf32, #tpu.memory_space<vmem>>, vector<128x128xf32>
    tpu.vector_store %arg4[%swap3A_4127, %swap3A_4128], %exp3A_4126 {strides = array<i32>} : memref<32768x128xf32, #tpu.memory_space<vmem>>, vector<128x128xf32>,
    %slice3A_4130 = vector.extract_strided_slice %transpose3A {offsets = [0, 217], sizes = [128, 1], strides = [1, 1]} : vector<128x256xf32> to vector<128x1xf32>
    %get3A_4131 = arith.constant 0 : index
    %get3A_4132 = arith.constant 0 : index
    %get3A_4133 = vector.load %arg2[%get3A_4131, %get3A_4132] : memref<1x128xf32, #tpu.memory_space<vmem>>, vector<1x128xf32>
    %sub3A_4134 = vector.broadcast %slice3A_4130 : vector<128x1xf32> to vector<128x128xf32>
    %sub3A_4135 = vector.broadcast %get3A_4133 : vector<1x128xf32> to vector<128x128xf32>
    %sub3A_4136 = arith.subf %sub3A_4134, %sub3A_4135 : vector<128x128xf32>
    %mul3A_4137 = vector.broadcast %div3A_5 : vector<1x128xf32> to vector<128x128xf32>
    %mul3A_4138 = arith.mulf %sub3A_4136, %mul3A_4137 : vector<128x128xf32>
    %mul3A_4139 = arith.mulf %mul3A_4138, %mul3A_4138 : vector<128x128xf32>
    %mul3A_4140 = arith.constant 5.000000e-01 : f32
    %mul3A_4141 = vector.broadcast %mul3A_4140 : f32 to vector<128x128xf32>
    %mul3A_4142 = arith.mulf %mul3A_4141, %mul3A_4139 : vector<128x128xf32>
    %sub3A_4143 = vector.broadcast %log3A : vector<1x128xf32> to vector<128x128xf32>
    %sub3A_4144 = arith.subf %sub3A_4143, %mul3A_4142 : vector<128x128xf32>
    %exp3A_4145 = math.exp %sub3A_4144 : vector<128x128xf32>
    %swap3A_4146 = arith.constant 27776 : index
    %swap3A_4147 = arith.constant 0 : index
    %swap3A_4148 = vector.load %arg4[%swap3A_4146, %swap3A_4147] : memref<32768x128xf32, #tpu.memory_space<vmem>>, vector<128x128xf32>
    tpu.vector_store %arg4[%swap3A_4146, %swap3A_4147], %exp3A_4145 {strides = array<i32>} : memref<32768x128xf32, #tpu.memory_space<vmem>>, vector<128x128xf32>,
    %slice3A_4149 = vector.extract_strided_slice %transpose3A {offsets = [0, 218], sizes = [128, 1], strides = [1, 1]} : vector<128x256xf32> to vector<128x1xf32>
    %get3A_4150 = arith.constant 0 : index
    %get3A_4151 = arith.constant 0 : index
    %get3A_4152 = vector.load %arg2[%get3A_4150, %get3A_4151] : memref<1x128xf32, #tpu.memory_space<vmem>>, vector<1x128xf32>
    %sub3A_4153 = vector.broadcast %slice3A_4149 : vector<128x1xf32> to vector<128x128xf32>
    %sub3A_4154 = vector.broadcast %get3A_4152 : vector<1x128xf32> to vector<128x128xf32>
    %sub3A_4155 = arith.subf %sub3A_4153, %sub3A_4154 : vector<128x128xf32>
    %mul3A_4156 = vector.broadcast %div3A_5 : vector<1x128xf32> to vector<128x128xf32>
    %mul3A_4157 = arith.mulf %sub3A_4155, %mul3A_4156 : vector<128x128xf32>
    %mul3A_4158 = arith.mulf %mul3A_4157, %mul3A_4157 : vector<128x128xf32>
    %mul3A_4159 = arith.constant 5.000000e-01 : f32
    %mul3A_4160 = vector.broadcast %mul3A_4159 : f32 to vector<128x128xf32>
    %mul3A_4161 = arith.mulf %mul3A_4160, %mul3A_4158 : vector<128x128xf32>
    %sub3A_4162 = vector.broadcast %log3A : vector<1x128xf32> to vector<128x128xf32>
    %sub3A_4163 = arith.subf %sub3A_4162, %mul3A_4161 : vector<128x128xf32>
    %exp3A_4164 = math.exp %sub3A_4163 : vector<128x128xf32>
    %swap3A_4165 = arith.constant 27904 : index
    %swap3A_4166 = arith.constant 0 : index
    %swap3A_4167 = vector.load %arg4[%swap3A_4165, %swap3A_4166] : memref<32768x128xf32, #tpu.memory_space<vmem>>, vector<128x128xf32>
    tpu.vector_store %arg4[%swap3A_4165, %swap3A_4166], %exp3A_4164 {strides = array<i32>} : memref<32768x128xf32, #tpu.memory_space<vmem>>, vector<128x128xf32>,
    %slice3A_4168 = vector.extract_strided_slice %transpose3A {offsets = [0, 219], sizes = [128, 1], strides = [1, 1]} : vector<128x256xf32> to vector<128x1xf32>
    %get3A_4169 = arith.constant 0 : index
    %get3A_4170 = arith.constant 0 : index
    %get3A_4171 = vector.load %arg2[%get3A_4169, %get3A_4170] : memref<1x128xf32, #tpu.memory_space<vmem>>, vector<1x128xf32>
    %sub3A_4172 = vector.broadcast %slice3A_4168 : vector<128x1xf32> to vector<128x128xf32>
    %sub3A_4173 = vector.broadcast %get3A_4171 : vector<1x128xf32> to vector<128x128xf32>
    %sub3A_4174 = arith.subf %sub3A_4172, %sub3A_4173 : vector<128x128xf32>
    %mul3A_4175 = vector.broadcast %div3A_5 : vector<1x128xf32> to vector<128x128xf32>
    %mul3A_4176 = arith.mulf %sub3A_4174, %mul3A_4175 : vector<128x128xf32>
    %mul3A_4177 = arith.mulf %mul3A_4176, %mul3A_4176 : vector<128x128xf32>
    %mul3A_4178 = arith.constant 5.000000e-01 : f32
    %mul3A_4179 = vector.broadcast %mul3A_4178 : f32 to vector<128x128xf32>
    %mul3A_4180 = arith.mulf %mul3A_4179, %mul3A_4177 : vector<128x128xf32>
    %sub3A_4181 = vector.broadcast %log3A : vector<1x128xf32> to vector<128x128xf32>
    %sub3A_4182 = arith.subf %sub3A_4181, %mul3A_4180 : vector<128x128xf32>
    %exp3A_4183 = math.exp %sub3A_4182 : vector<128x128xf32>
    %swap3A_4184 = arith.constant 28032 : index
    %swap3A_4185 = arith.constant 0 : index
    %swap3A_4186 = vector.load %arg4[%swap3A_4184, %swap3A_4185] : memref<32768x128xf32, #tpu.memory_space<vmem>>, vector<128x128xf32>
    tpu.vector_store %arg4[%swap3A_4184, %swap3A_4185], %exp3A_4183 {strides = array<i32>} : memref<32768x128xf32, #tpu.memory_space<vmem>>, vector<128x128xf32>,
    %slice3A_4187 = vector.extract_strided_slice %transpose3A {offsets = [0, 220], sizes = [128, 1], strides = [1, 1]} : vector<128x256xf32> to vector<128x1xf32>
    %get3A_4188 = arith.constant 0 : index
    %get3A_4189 = arith.constant 0 : index
    %get3A_4190 = vector.load %arg2[%get3A_4188, %get3A_4189] : memref<1x128xf32, #tpu.memory_space<vmem>>, vector<1x128xf32>
    %sub3A_4191 = vector.broadcast %slice3A_4187 : vector<128x1xf32> to vector<128x128xf32>
    %sub3A_4192 = vector.broadcast %get3A_4190 : vector<1x128xf32> to vector<128x128xf32>
    %sub3A_4193 = arith.subf %sub3A_4191, %sub3A_4192 : vector<128x128xf32>
    %mul3A_4194 = vector.broadcast %div3A_5 : vector<1x128xf32> to vector<128x128xf32>
    %mul3A_4195 = arith.mulf %sub3A_4193, %mul3A_4194 : vector<128x128xf32>
    %mul3A_4196 = arith.mulf %mul3A_4195, %mul3A_4195 : vector<128x128xf32>
    %mul3A_4197 = arith.constant 5.000000e-01 : f32
    %mul3A_4198 = vector.broadcast %mul3A_4197 : f32 to vector<128x128xf32>
    %mul3A_4199 = arith.mulf %mul3A_4198, %mul3A_4196 : vector<128x128xf32>
    %sub3A_4200 = vector.broadcast %log3A : vector<1x128xf32> to vector<128x128xf32>
    %sub3A_4201 = arith.subf %sub3A_4200, %mul3A_4199 : vector<128x128xf32>
    %exp3A_4202 = math.exp %sub3A_4201 : vector<128x128xf32>
    %swap3A_4203 = arith.constant 28160 : index
    %swap3A_4204 = arith.constant 0 : index
    %swap3A_4205 = vector.load %arg4[%swap3A_4203, %swap3A_4204] : memref<32768x128xf32, #tpu.memory_space<vmem>>, vector<128x128xf32>
    tpu.vector_store %arg4[%swap3A_4203, %swap3A_4204], %exp3A_4202 {strides = array<i32>} : memref<32768x128xf32, #tpu.memory_space<vmem>>, vector<128x128xf32>,
    %slice3A_4206 = vector.extract_strided_slice %transpose3A {offsets = [0, 221], sizes = [128, 1], strides = [1, 1]} : vector<128x256xf32> to vector<128x1xf32>
    %get3A_4207 = arith.constant 0 : index
    %get3A_4208 = arith.constant 0 : index
    %get3A_4209 = vector.load %arg2[%get3A_4207, %get3A_4208] : memref<1x128xf32, #tpu.memory_space<vmem>>, vector<1x128xf32>
    %sub3A_4210 = vector.broadcast %slice3A_4206 : vector<128x1xf32> to vector<128x128xf32>
    %sub3A_4211 = vector.broadcast %get3A_4209 : vector<1x128xf32> to vector<128x128xf32>
    %sub3A_4212 = arith.subf %sub3A_4210, %sub3A_4211 : vector<128x128xf32>
    %mul3A_4213 = vector.broadcast %div3A_5 : vector<1x128xf32> to vector<128x128xf32>
    %mul3A_4214 = arith.mulf %sub3A_4212, %mul3A_4213 : vector<128x128xf32>
    %mul3A_4215 = arith.mulf %mul3A_4214, %mul3A_4214 : vector<128x128xf32>
    %mul3A_4216 = arith.constant 5.000000e-01 : f32
    %mul3A_4217 = vector.broadcast %mul3A_4216 : f32 to vector<128x128xf32>
    %mul3A_4218 = arith.mulf %mul3A_4217, %mul3A_4215 : vector<128x128xf32>
    %sub3A_4219 = vector.broadcast %log3A : vector<1x128xf32> to vector<128x128xf32>
    %sub3A_4220 = arith.subf %sub3A_4219, %mul3A_4218 : vector<128x128xf32>
    %exp3A_4221 = math.exp %sub3A_4220 : vector<128x128xf32>
    %swap3A_4222 = arith.constant 28288 : index
    %swap3A_4223 = arith.constant 0 : index
    %swap3A_4224 = vector.load %arg4[%swap3A_4222, %swap3A_4223] : memref<32768x128xf32, #tpu.memory_space<vmem>>, vector<128x128xf32>
    tpu.vector_store %arg4[%swap3A_4222, %swap3A_4223], %exp3A_4221 {strides = array<i32>} : memref<32768x128xf32, #tpu.memory_space<vmem>>, vector<128x128xf32>,
    %slice3A_4225 = vector.extract_strided_slice %transpose3A {offsets = [0, 222], sizes = [128, 1], strides = [1, 1]} : vector<128x256xf32> to vector<128x1xf32>
    %get3A_4226 = arith.constant 0 : index
    %get3A_4227 = arith.constant 0 : index
    %get3A_4228 = vector.load %arg2[%get3A_4226, %get3A_4227] : memref<1x128xf32, #tpu.memory_space<vmem>>, vector<1x128xf32>
    %sub3A_4229 = vector.broadcast %slice3A_4225 : vector<128x1xf32> to vector<128x128xf32>
    %sub3A_4230 = vector.broadcast %get3A_4228 : vector<1x128xf32> to vector<128x128xf32>
    %sub3A_4231 = arith.subf %sub3A_4229, %sub3A_4230 : vector<128x128xf32>
    %mul3A_4232 = vector.broadcast %div3A_5 : vector<1x128xf32> to vector<128x128xf32>
    %mul3A_4233 = arith.mulf %sub3A_4231, %mul3A_4232 : vector<128x128xf32>
    %mul3A_4234 = arith.mulf %mul3A_4233, %mul3A_4233 : vector<128x128xf32>
    %mul3A_4235 = arith.constant 5.000000e-01 : f32
    %mul3A_4236 = vector.broadcast %mul3A_4235 : f32 to vector<128x128xf32>
    %mul3A_4237 = arith.mulf %mul3A_4236, %mul3A_4234 : vector<128x128xf32>
    %sub3A_4238 = vector.broadcast %log3A : vector<1x128xf32> to vector<128x128xf32>
    %sub3A_4239 = arith.subf %sub3A_4238, %mul3A_4237 : vector<128x128xf32>
    %exp3A_4240 = math.exp %sub3A_4239 : vector<128x128xf32>
    %swap3A_4241 = arith.constant 28416 : index
    %swap3A_4242 = arith.constant 0 : index
    %swap3A_4243 = vector.load %arg4[%swap3A_4241, %swap3A_4242] : memref<32768x128xf32, #tpu.memory_space<vmem>>, vector<128x128xf32>
    tpu.vector_store %arg4[%swap3A_4241, %swap3A_4242], %exp3A_4240 {strides = array<i32>} : memref<32768x128xf32, #tpu.memory_space<vmem>>, vector<128x128xf32>,
    %slice3A_4244 = vector.extract_strided_slice %transpose3A {offsets = [0, 223], sizes = [128, 1], strides = [1, 1]} : vector<128x256xf32> to vector<128x1xf32>
    %get3A_4245 = arith.constant 0 : index
    %get3A_4246 = arith.constant 0 : index
    %get3A_4247 = vector.load %arg2[%get3A_4245, %get3A_4246] : memref<1x128xf32, #tpu.memory_space<vmem>>, vector<1x128xf32>
    %sub3A_4248 = vector.broadcast %slice3A_4244 : vector<128x1xf32> to vector<128x128xf32>
    %sub3A_4249 = vector.broadcast %get3A_4247 : vector<1x128xf32> to vector<128x128xf32>
    %sub3A_4250 = arith.subf %sub3A_4248, %sub3A_4249 : vector<128x128xf32>
    %mul3A_4251 = vector.broadcast %div3A_5 : vector<1x128xf32> to vector<128x128xf32>
    %mul3A_4252 = arith.mulf %sub3A_4250, %mul3A_4251 : vector<128x128xf32>
    %mul3A_4253 = arith.mulf %mul3A_4252, %mul3A_4252 : vector<128x128xf32>
    %mul3A_4254 = arith.constant 5.000000e-01 : f32
    %mul3A_4255 = vector.broadcast %mul3A_4254 : f32 to vector<128x128xf32>
    %mul3A_4256 = arith.mulf %mul3A_4255, %mul3A_4253 : vector<128x128xf32>
    %sub3A_4257 = vector.broadcast %log3A : vector<1x128xf32> to vector<128x128xf32>
    %sub3A_4258 = arith.subf %sub3A_4257, %mul3A_4256 : vector<128x128xf32>
    %exp3A_4259 = math.exp %sub3A_4258 : vector<128x128xf32>
    %swap3A_4260 = arith.constant 28544 : index
    %swap3A_4261 = arith.constant 0 : index
    %swap3A_4262 = vector.load %arg4[%swap3A_4260, %swap3A_4261] : memref<32768x128xf32, #tpu.memory_space<vmem>>, vector<128x128xf32>
    tpu.vector_store %arg4[%swap3A_4260, %swap3A_4261], %exp3A_4259 {strides = array<i32>} : memref<32768x128xf32, #tpu.memory_space<vmem>>, vector<128x128xf32>,
    %slice3A_4263 = vector.extract_strided_slice %transpose3A {offsets = [0, 224], sizes = [128, 1], strides = [1, 1]} : vector<128x256xf32> to vector<128x1xf32>
    %get3A_4264 = arith.constant 0 : index
    %get3A_4265 = arith.constant 0 : index
    %get3A_4266 = vector.load %arg2[%get3A_4264, %get3A_4265] : memref<1x128xf32, #tpu.memory_space<vmem>>, vector<1x128xf32>
    %sub3A_4267 = vector.broadcast %slice3A_4263 : vector<128x1xf32> to vector<128x128xf32>
    %sub3A_4268 = vector.broadcast %get3A_4266 : vector<1x128xf32> to vector<128x128xf32>
    %sub3A_4269 = arith.subf %sub3A_4267, %sub3A_4268 : vector<128x128xf32>
    %mul3A_4270 = vector.broadcast %div3A_5 : vector<1x128xf32> to vector<128x128xf32>
    %mul3A_4271 = arith.mulf %sub3A_4269, %mul3A_4270 : vector<128x128xf32>
    %mul3A_4272 = arith.mulf %mul3A_4271, %mul3A_4271 : vector<128x128xf32>
    %mul3A_4273 = arith.constant 5.000000e-01 : f32
    %mul3A_4274 = vector.broadcast %mul3A_4273 : f32 to vector<128x128xf32>
    %mul3A_4275 = arith.mulf %mul3A_4274, %mul3A_4272 : vector<128x128xf32>
    %sub3A_4276 = vector.broadcast %log3A : vector<1x128xf32> to vector<128x128xf32>
    %sub3A_4277 = arith.subf %sub3A_4276, %mul3A_4275 : vector<128x128xf32>
    %exp3A_4278 = math.exp %sub3A_4277 : vector<128x128xf32>
    %swap3A_4279 = arith.constant 28672 : index
    %swap3A_4280 = arith.constant 0 : index
    %swap3A_4281 = vector.load %arg4[%swap3A_4279, %swap3A_4280] : memref<32768x128xf32, #tpu.memory_space<vmem>>, vector<128x128xf32>
    tpu.vector_store %arg4[%swap3A_4279, %swap3A_4280], %exp3A_4278 {strides = array<i32>} : memref<32768x128xf32, #tpu.memory_space<vmem>>, vector<128x128xf32>,
    %slice3A_4282 = vector.extract_strided_slice %transpose3A {offsets = [0, 225], sizes = [128, 1], strides = [1, 1]} : vector<128x256xf32> to vector<128x1xf32>
    %get3A_4283 = arith.constant 0 : index
    %get3A_4284 = arith.constant 0 : index
    %get3A_4285 = vector.load %arg2[%get3A_4283, %get3A_4284] : memref<1x128xf32, #tpu.memory_space<vmem>>, vector<1x128xf32>
    %sub3A_4286 = vector.broadcast %slice3A_4282 : vector<128x1xf32> to vector<128x128xf32>
    %sub3A_4287 = vector.broadcast %get3A_4285 : vector<1x128xf32> to vector<128x128xf32>
    %sub3A_4288 = arith.subf %sub3A_4286, %sub3A_4287 : vector<128x128xf32>
    %mul3A_4289 = vector.broadcast %div3A_5 : vector<1x128xf32> to vector<128x128xf32>
    %mul3A_4290 = arith.mulf %sub3A_4288, %mul3A_4289 : vector<128x128xf32>
    %mul3A_4291 = arith.mulf %mul3A_4290, %mul3A_4290 : vector<128x128xf32>
    %mul3A_4292 = arith.constant 5.000000e-01 : f32
    %mul3A_4293 = vector.broadcast %mul3A_4292 : f32 to vector<128x128xf32>
    %mul3A_4294 = arith.mulf %mul3A_4293, %mul3A_4291 : vector<128x128xf32>
    %sub3A_4295 = vector.broadcast %log3A : vector<1x128xf32> to vector<128x128xf32>
    %sub3A_4296 = arith.subf %sub3A_4295, %mul3A_4294 : vector<128x128xf32>
    %exp3A_4297 = math.exp %sub3A_4296 : vector<128x128xf32>
    %swap3A_4298 = arith.constant 28800 : index
    %swap3A_4299 = arith.constant 0 : index
    %swap3A_4300 = vector.load %arg4[%swap3A_4298, %swap3A_4299] : memref<32768x128xf32, #tpu.memory_space<vmem>>, vector<128x128xf32>
    tpu.vector_store %arg4[%swap3A_4298, %swap3A_4299], %exp3A_4297 {strides = array<i32>} : memref<32768x128xf32, #tpu.memory_space<vmem>>, vector<128x128xf32>,
    %slice3A_4301 = vector.extract_strided_slice %transpose3A {offsets = [0, 226], sizes = [128, 1], strides = [1, 1]} : vector<128x256xf32> to vector<128x1xf32>
    %get3A_4302 = arith.constant 0 : index
    %get3A_4303 = arith.constant 0 : index
    %get3A_4304 = vector.load %arg2[%get3A_4302, %get3A_4303] : memref<1x128xf32, #tpu.memory_space<vmem>>, vector<1x128xf32>
    %sub3A_4305 = vector.broadcast %slice3A_4301 : vector<128x1xf32> to vector<128x128xf32>
    %sub3A_4306 = vector.broadcast %get3A_4304 : vector<1x128xf32> to vector<128x128xf32>
    %sub3A_4307 = arith.subf %sub3A_4305, %sub3A_4306 : vector<128x128xf32>
    %mul3A_4308 = vector.broadcast %div3A_5 : vector<1x128xf32> to vector<128x128xf32>
    %mul3A_4309 = arith.mulf %sub3A_4307, %mul3A_4308 : vector<128x128xf32>
    %mul3A_4310 = arith.mulf %mul3A_4309, %mul3A_4309 : vector<128x128xf32>
    %mul3A_4311 = arith.constant 5.000000e-01 : f32
    %mul3A_4312 = vector.broadcast %mul3A_4311 : f32 to vector<128x128xf32>
    %mul3A_4313 = arith.mulf %mul3A_4312, %mul3A_4310 : vector<128x128xf32>
    %sub3A_4314 = vector.broadcast %log3A : vector<1x128xf32> to vector<128x128xf32>
    %sub3A_4315 = arith.subf %sub3A_4314, %mul3A_4313 : vector<128x128xf32>
    %exp3A_4316 = math.exp %sub3A_4315 : vector<128x128xf32>
    %swap3A_4317 = arith.constant 28928 : index
    %swap3A_4318 = arith.constant 0 : index
    %swap3A_4319 = vector.load %arg4[%swap3A_4317, %swap3A_4318] : memref<32768x128xf32, #tpu.memory_space<vmem>>, vector<128x128xf32>
    tpu.vector_store %arg4[%swap3A_4317, %swap3A_4318], %exp3A_4316 {strides = array<i32>} : memref<32768x128xf32, #tpu.memory_space<vmem>>, vector<128x128xf32>,
    %slice3A_4320 = vector.extract_strided_slice %transpose3A {offsets = [0, 227], sizes = [128, 1], strides = [1, 1]} : vector<128x256xf32> to vector<128x1xf32>
    %get3A_4321 = arith.constant 0 : index
    %get3A_4322 = arith.constant 0 : index
    %get3A_4323 = vector.load %arg2[%get3A_4321, %get3A_4322] : memref<1x128xf32, #tpu.memory_space<vmem>>, vector<1x128xf32>
    %sub3A_4324 = vector.broadcast %slice3A_4320 : vector<128x1xf32> to vector<128x128xf32>
    %sub3A_4325 = vector.broadcast %get3A_4323 : vector<1x128xf32> to vector<128x128xf32>
    %sub3A_4326 = arith.subf %sub3A_4324, %sub3A_4325 : vector<128x128xf32>
    %mul3A_4327 = vector.broadcast %div3A_5 : vector<1x128xf32> to vector<128x128xf32>
    %mul3A_4328 = arith.mulf %sub3A_4326, %mul3A_4327 : vector<128x128xf32>
    %mul3A_4329 = arith.mulf %mul3A_4328, %mul3A_4328 : vector<128x128xf32>
    %mul3A_4330 = arith.constant 5.000000e-01 : f32
    %mul3A_4331 = vector.broadcast %mul3A_4330 : f32 to vector<128x128xf32>
    %mul3A_4332 = arith.mulf %mul3A_4331, %mul3A_4329 : vector<128x128xf32>
    %sub3A_4333 = vector.broadcast %log3A : vector<1x128xf32> to vector<128x128xf32>
    %sub3A_4334 = arith.subf %sub3A_4333, %mul3A_4332 : vector<128x128xf32>
    %exp3A_4335 = math.exp %sub3A_4334 : vector<128x128xf32>
    %swap3A_4336 = arith.constant 29056 : index
    %swap3A_4337 = arith.constant 0 : index
    %swap3A_4338 = vector.load %arg4[%swap3A_4336, %swap3A_4337] : memref<32768x128xf32, #tpu.memory_space<vmem>>, vector<128x128xf32>
    tpu.vector_store %arg4[%swap3A_4336, %swap3A_4337], %exp3A_4335 {strides = array<i32>} : memref<32768x128xf32, #tpu.memory_space<vmem>>, vector<128x128xf32>,
    %slice3A_4339 = vector.extract_strided_slice %transpose3A {offsets = [0, 228], sizes = [128, 1], strides = [1, 1]} : vector<128x256xf32> to vector<128x1xf32>
    %get3A_4340 = arith.constant 0 : index
    %get3A_4341 = arith.constant 0 : index
    %get3A_4342 = vector.load %arg2[%get3A_4340, %get3A_4341] : memref<1x128xf32, #tpu.memory_space<vmem>>, vector<1x128xf32>
    %sub3A_4343 = vector.broadcast %slice3A_4339 : vector<128x1xf32> to vector<128x128xf32>
    %sub3A_4344 = vector.broadcast %get3A_4342 : vector<1x128xf32> to vector<128x128xf32>
    %sub3A_4345 = arith.subf %sub3A_4343, %sub3A_4344 : vector<128x128xf32>
    %mul3A_4346 = vector.broadcast %div3A_5 : vector<1x128xf32> to vector<128x128xf32>
    %mul3A_4347 = arith.mulf %sub3A_4345, %mul3A_4346 : vector<128x128xf32>
    %mul3A_4348 = arith.mulf %mul3A_4347, %mul3A_4347 : vector<128x128xf32>
    %mul3A_4349 = arith.constant 5.000000e-01 : f32
    %mul3A_4350 = vector.broadcast %mul3A_4349 : f32 to vector<128x128xf32>
    %mul3A_4351 = arith.mulf %mul3A_4350, %mul3A_4348 : vector<128x128xf32>
    %sub3A_4352 = vector.broadcast %log3A : vector<1x128xf32> to vector<128x128xf32>
    %sub3A_4353 = arith.subf %sub3A_4352, %mul3A_4351 : vector<128x128xf32>
    %exp3A_4354 = math.exp %sub3A_4353 : vector<128x128xf32>
    %swap3A_4355 = arith.constant 29184 : index
    %swap3A_4356 = arith.constant 0 : index
    %swap3A_4357 = vector.load %arg4[%swap3A_4355, %swap3A_4356] : memref<32768x128xf32, #tpu.memory_space<vmem>>, vector<128x128xf32>
    tpu.vector_store %arg4[%swap3A_4355, %swap3A_4356], %exp3A_4354 {strides = array<i32>} : memref<32768x128xf32, #tpu.memory_space<vmem>>, vector<128x128xf32>,
    %slice3A_4358 = vector.extract_strided_slice %transpose3A {offsets = [0, 229], sizes = [128, 1], strides = [1, 1]} : vector<128x256xf32> to vector<128x1xf32>
    %get3A_4359 = arith.constant 0 : index
    %get3A_4360 = arith.constant 0 : index
    %get3A_4361 = vector.load %arg2[%get3A_4359, %get3A_4360] : memref<1x128xf32, #tpu.memory_space<vmem>>, vector<1x128xf32>
    %sub3A_4362 = vector.broadcast %slice3A_4358 : vector<128x1xf32> to vector<128x128xf32>
    %sub3A_4363 = vector.broadcast %get3A_4361 : vector<1x128xf32> to vector<128x128xf32>
    %sub3A_4364 = arith.subf %sub3A_4362, %sub3A_4363 : vector<128x128xf32>
    %mul3A_4365 = vector.broadcast %div3A_5 : vector<1x128xf32> to vector<128x128xf32>
    %mul3A_4366 = arith.mulf %sub3A_4364, %mul3A_4365 : vector<128x128xf32>
    %mul3A_4367 = arith.mulf %mul3A_4366, %mul3A_4366 : vector<128x128xf32>
    %mul3A_4368 = arith.constant 5.000000e-01 : f32
    %mul3A_4369 = vector.broadcast %mul3A_4368 : f32 to vector<128x128xf32>
    %mul3A_4370 = arith.mulf %mul3A_4369, %mul3A_4367 : vector<128x128xf32>
    %sub3A_4371 = vector.broadcast %log3A : vector<1x128xf32> to vector<128x128xf32>
    %sub3A_4372 = arith.subf %sub3A_4371, %mul3A_4370 : vector<128x128xf32>
    %exp3A_4373 = math.exp %sub3A_4372 : vector<128x128xf32>
    %swap3A_4374 = arith.constant 29312 : index
    %swap3A_4375 = arith.constant 0 : index
    %swap3A_4376 = vector.load %arg4[%swap3A_4374, %swap3A_4375] : memref<32768x128xf32, #tpu.memory_space<vmem>>, vector<128x128xf32>
    tpu.vector_store %arg4[%swap3A_4374, %swap3A_4375], %exp3A_4373 {strides = array<i32>} : memref<32768x128xf32, #tpu.memory_space<vmem>>, vector<128x128xf32>,
    %slice3A_4377 = vector.extract_strided_slice %transpose3A {offsets = [0, 230], sizes = [128, 1], strides = [1, 1]} : vector<128x256xf32> to vector<128x1xf32>
    %get3A_4378 = arith.constant 0 : index
    %get3A_4379 = arith.constant 0 : index
    %get3A_4380 = vector.load %arg2[%get3A_4378, %get3A_4379] : memref<1x128xf32, #tpu.memory_space<vmem>>, vector<1x128xf32>
    %sub3A_4381 = vector.broadcast %slice3A_4377 : vector<128x1xf32> to vector<128x128xf32>
    %sub3A_4382 = vector.broadcast %get3A_4380 : vector<1x128xf32> to vector<128x128xf32>
    %sub3A_4383 = arith.subf %sub3A_4381, %sub3A_4382 : vector<128x128xf32>
    %mul3A_4384 = vector.broadcast %div3A_5 : vector<1x128xf32> to vector<128x128xf32>
    %mul3A_4385 = arith.mulf %sub3A_4383, %mul3A_4384 : vector<128x128xf32>
    %mul3A_4386 = arith.mulf %mul3A_4385, %mul3A_4385 : vector<128x128xf32>
    %mul3A_4387 = arith.constant 5.000000e-01 : f32
    %mul3A_4388 = vector.broadcast %mul3A_4387 : f32 to vector<128x128xf32>
    %mul3A_4389 = arith.mulf %mul3A_4388, %mul3A_4386 : vector<128x128xf32>
    %sub3A_4390 = vector.broadcast %log3A : vector<1x128xf32> to vector<128x128xf32>
    %sub3A_4391 = arith.subf %sub3A_4390, %mul3A_4389 : vector<128x128xf32>
    %exp3A_4392 = math.exp %sub3A_4391 : vector<128x128xf32>
    %swap3A_4393 = arith.constant 29440 : index
    %swap3A_4394 = arith.constant 0 : index
    %swap3A_4395 = vector.load %arg4[%swap3A_4393, %swap3A_4394] : memref<32768x128xf32, #tpu.memory_space<vmem>>, vector<128x128xf32>
    tpu.vector_store %arg4[%swap3A_4393, %swap3A_4394], %exp3A_4392 {strides = array<i32>} : memref<32768x128xf32, #tpu.memory_space<vmem>>, vector<128x128xf32>,
    %slice3A_4396 = vector.extract_strided_slice %transpose3A {offsets = [0, 231], sizes = [128, 1], strides = [1, 1]} : vector<128x256xf32> to vector<128x1xf32>
    %get3A_4397 = arith.constant 0 : index
    %get3A_4398 = arith.constant 0 : index
    %get3A_4399 = vector.load %arg2[%get3A_4397, %get3A_4398] : memref<1x128xf32, #tpu.memory_space<vmem>>, vector<1x128xf32>
    %sub3A_4400 = vector.broadcast %slice3A_4396 : vector<128x1xf32> to vector<128x128xf32>
    %sub3A_4401 = vector.broadcast %get3A_4399 : vector<1x128xf32> to vector<128x128xf32>
    %sub3A_4402 = arith.subf %sub3A_4400, %sub3A_4401 : vector<128x128xf32>
    %mul3A_4403 = vector.broadcast %div3A_5 : vector<1x128xf32> to vector<128x128xf32>
    %mul3A_4404 = arith.mulf %sub3A_4402, %mul3A_4403 : vector<128x128xf32>
    %mul3A_4405 = arith.mulf %mul3A_4404, %mul3A_4404 : vector<128x128xf32>
    %mul3A_4406 = arith.constant 5.000000e-01 : f32
    %mul3A_4407 = vector.broadcast %mul3A_4406 : f32 to vector<128x128xf32>
    %mul3A_4408 = arith.mulf %mul3A_4407, %mul3A_4405 : vector<128x128xf32>
    %sub3A_4409 = vector.broadcast %log3A : vector<1x128xf32> to vector<128x128xf32>
    %sub3A_4410 = arith.subf %sub3A_4409, %mul3A_4408 : vector<128x128xf32>
    %exp3A_4411 = math.exp %sub3A_4410 : vector<128x128xf32>
    %swap3A_4412 = arith.constant 29568 : index
    %swap3A_4413 = arith.constant 0 : index
    %swap3A_4414 = vector.load %arg4[%swap3A_4412, %swap3A_4413] : memref<32768x128xf32, #tpu.memory_space<vmem>>, vector<128x128xf32>
    tpu.vector_store %arg4[%swap3A_4412, %swap3A_4413], %exp3A_4411 {strides = array<i32>} : memref<32768x128xf32, #tpu.memory_space<vmem>>, vector<128x128xf32>,
    %slice3A_4415 = vector.extract_strided_slice %transpose3A {offsets = [0, 232], sizes = [128, 1], strides = [1, 1]} : vector<128x256xf32> to vector<128x1xf32>
    %get3A_4416 = arith.constant 0 : index
    %get3A_4417 = arith.constant 0 : index
    %get3A_4418 = vector.load %arg2[%get3A_4416, %get3A_4417] : memref<1x128xf32, #tpu.memory_space<vmem>>, vector<1x128xf32>
    %sub3A_4419 = vector.broadcast %slice3A_4415 : vector<128x1xf32> to vector<128x128xf32>
    %sub3A_4420 = vector.broadcast %get3A_4418 : vector<1x128xf32> to vector<128x128xf32>
    %sub3A_4421 = arith.subf %sub3A_4419, %sub3A_4420 : vector<128x128xf32>
    %mul3A_4422 = vector.broadcast %div3A_5 : vector<1x128xf32> to vector<128x128xf32>
    %mul3A_4423 = arith.mulf %sub3A_4421, %mul3A_4422 : vector<128x128xf32>
    %mul3A_4424 = arith.mulf %mul3A_4423, %mul3A_4423 : vector<128x128xf32>
    %mul3A_4425 = arith.constant 5.000000e-01 : f32
    %mul3A_4426 = vector.broadcast %mul3A_4425 : f32 to vector<128x128xf32>
    %mul3A_4427 = arith.mulf %mul3A_4426, %mul3A_4424 : vector<128x128xf32>
    %sub3A_4428 = vector.broadcast %log3A : vector<1x128xf32> to vector<128x128xf32>
    %sub3A_4429 = arith.subf %sub3A_4428, %mul3A_4427 : vector<128x128xf32>
    %exp3A_4430 = math.exp %sub3A_4429 : vector<128x128xf32>
    %swap3A_4431 = arith.constant 29696 : index
    %swap3A_4432 = arith.constant 0 : index
    %swap3A_4433 = vector.load %arg4[%swap3A_4431, %swap3A_4432] : memref<32768x128xf32, #tpu.memory_space<vmem>>, vector<128x128xf32>
    tpu.vector_store %arg4[%swap3A_4431, %swap3A_4432], %exp3A_4430 {strides = array<i32>} : memref<32768x128xf32, #tpu.memory_space<vmem>>, vector<128x128xf32>,
    %slice3A_4434 = vector.extract_strided_slice %transpose3A {offsets = [0, 233], sizes = [128, 1], strides = [1, 1]} : vector<128x256xf32> to vector<128x1xf32>
    %get3A_4435 = arith.constant 0 : index
    %get3A_4436 = arith.constant 0 : index
    %get3A_4437 = vector.load %arg2[%get3A_4435, %get3A_4436] : memref<1x128xf32, #tpu.memory_space<vmem>>, vector<1x128xf32>
    %sub3A_4438 = vector.broadcast %slice3A_4434 : vector<128x1xf32> to vector<128x128xf32>
    %sub3A_4439 = vector.broadcast %get3A_4437 : vector<1x128xf32> to vector<128x128xf32>
    %sub3A_4440 = arith.subf %sub3A_4438, %sub3A_4439 : vector<128x128xf32>
    %mul3A_4441 = vector.broadcast %div3A_5 : vector<1x128xf32> to vector<128x128xf32>
    %mul3A_4442 = arith.mulf %sub3A_4440, %mul3A_4441 : vector<128x128xf32>
    %mul3A_4443 = arith.mulf %mul3A_4442, %mul3A_4442 : vector<128x128xf32>
    %mul3A_4444 = arith.constant 5.000000e-01 : f32
    %mul3A_4445 = vector.broadcast %mul3A_4444 : f32 to vector<128x128xf32>
    %mul3A_4446 = arith.mulf %mul3A_4445, %mul3A_4443 : vector<128x128xf32>
    %sub3A_4447 = vector.broadcast %log3A : vector<1x128xf32> to vector<128x128xf32>
    %sub3A_4448 = arith.subf %sub3A_4447, %mul3A_4446 : vector<128x128xf32>
    %exp3A_4449 = math.exp %sub3A_4448 : vector<128x128xf32>
    %swap3A_4450 = arith.constant 29824 : index
    %swap3A_4451 = arith.constant 0 : index
    %swap3A_4452 = vector.load %arg4[%swap3A_4450, %swap3A_4451] : memref<32768x128xf32, #tpu.memory_space<vmem>>, vector<128x128xf32>
    tpu.vector_store %arg4[%swap3A_4450, %swap3A_4451], %exp3A_4449 {strides = array<i32>} : memref<32768x128xf32, #tpu.memory_space<vmem>>, vector<128x128xf32>,
    %slice3A_4453 = vector.extract_strided_slice %transpose3A {offsets = [0, 234], sizes = [128, 1], strides = [1, 1]} : vector<128x256xf32> to vector<128x1xf32>
    %get3A_4454 = arith.constant 0 : index
    %get3A_4455 = arith.constant 0 : index
    %get3A_4456 = vector.load %arg2[%get3A_4454, %get3A_4455] : memref<1x128xf32, #tpu.memory_space<vmem>>, vector<1x128xf32>
    %sub3A_4457 = vector.broadcast %slice3A_4453 : vector<128x1xf32> to vector<128x128xf32>
    %sub3A_4458 = vector.broadcast %get3A_4456 : vector<1x128xf32> to vector<128x128xf32>
    %sub3A_4459 = arith.subf %sub3A_4457, %sub3A_4458 : vector<128x128xf32>
    %mul3A_4460 = vector.broadcast %div3A_5 : vector<1x128xf32> to vector<128x128xf32>
    %mul3A_4461 = arith.mulf %sub3A_4459, %mul3A_4460 : vector<128x128xf32>
    %mul3A_4462 = arith.mulf %mul3A_4461, %mul3A_4461 : vector<128x128xf32>
    %mul3A_4463 = arith.constant 5.000000e-01 : f32
    %mul3A_4464 = vector.broadcast %mul3A_4463 : f32 to vector<128x128xf32>
    %mul3A_4465 = arith.mulf %mul3A_4464, %mul3A_4462 : vector<128x128xf32>
    %sub3A_4466 = vector.broadcast %log3A : vector<1x128xf32> to vector<128x128xf32>
    %sub3A_4467 = arith.subf %sub3A_4466, %mul3A_4465 : vector<128x128xf32>
    %exp3A_4468 = math.exp %sub3A_4467 : vector<128x128xf32>
    %swap3A_4469 = arith.constant 29952 : index
    %swap3A_4470 = arith.constant 0 : index
    %swap3A_4471 = vector.load %arg4[%swap3A_4469, %swap3A_4470] : memref<32768x128xf32, #tpu.memory_space<vmem>>, vector<128x128xf32>
    tpu.vector_store %arg4[%swap3A_4469, %swap3A_4470], %exp3A_4468 {strides = array<i32>} : memref<32768x128xf32, #tpu.memory_space<vmem>>, vector<128x128xf32>,
    %slice3A_4472 = vector.extract_strided_slice %transpose3A {offsets = [0, 235], sizes = [128, 1], strides = [1, 1]} : vector<128x256xf32> to vector<128x1xf32>
    %get3A_4473 = arith.constant 0 : index
    %get3A_4474 = arith.constant 0 : index
    %get3A_4475 = vector.load %arg2[%get3A_4473, %get3A_4474] : memref<1x128xf32, #tpu.memory_space<vmem>>, vector<1x128xf32>
    %sub3A_4476 = vector.broadcast %slice3A_4472 : vector<128x1xf32> to vector<128x128xf32>
    %sub3A_4477 = vector.broadcast %get3A_4475 : vector<1x128xf32> to vector<128x128xf32>
    %sub3A_4478 = arith.subf %sub3A_4476, %sub3A_4477 : vector<128x128xf32>
    %mul3A_4479 = vector.broadcast %div3A_5 : vector<1x128xf32> to vector<128x128xf32>
    %mul3A_4480 = arith.mulf %sub3A_4478, %mul3A_4479 : vector<128x128xf32>
    %mul3A_4481 = arith.mulf %mul3A_4480, %mul3A_4480 : vector<128x128xf32>
    %mul3A_4482 = arith.constant 5.000000e-01 : f32
    %mul3A_4483 = vector.broadcast %mul3A_4482 : f32 to vector<128x128xf32>
    %mul3A_4484 = arith.mulf %mul3A_4483, %mul3A_4481 : vector<128x128xf32>
    %sub3A_4485 = vector.broadcast %log3A : vector<1x128xf32> to vector<128x128xf32>
    %sub3A_4486 = arith.subf %sub3A_4485, %mul3A_4484 : vector<128x128xf32>
    %exp3A_4487 = math.exp %sub3A_4486 : vector<128x128xf32>
    %swap3A_4488 = arith.constant 30080 : index
    %swap3A_4489 = arith.constant 0 : index
    %swap3A_4490 = vector.load %arg4[%swap3A_4488, %swap3A_4489] : memref<32768x128xf32, #tpu.memory_space<vmem>>, vector<128x128xf32>
    tpu.vector_store %arg4[%swap3A_4488, %swap3A_4489], %exp3A_4487 {strides = array<i32>} : memref<32768x128xf32, #tpu.memory_space<vmem>>, vector<128x128xf32>,
    %slice3A_4491 = vector.extract_strided_slice %transpose3A {offsets = [0, 236], sizes = [128, 1], strides = [1, 1]} : vector<128x256xf32> to vector<128x1xf32>
    %get3A_4492 = arith.constant 0 : index
    %get3A_4493 = arith.constant 0 : index
    %get3A_4494 = vector.load %arg2[%get3A_4492, %get3A_4493] : memref<1x128xf32, #tpu.memory_space<vmem>>, vector<1x128xf32>
    %sub3A_4495 = vector.broadcast %slice3A_4491 : vector<128x1xf32> to vector<128x128xf32>
    %sub3A_4496 = vector.broadcast %get3A_4494 : vector<1x128xf32> to vector<128x128xf32>
    %sub3A_4497 = arith.subf %sub3A_4495, %sub3A_4496 : vector<128x128xf32>
    %mul3A_4498 = vector.broadcast %div3A_5 : vector<1x128xf32> to vector<128x128xf32>
    %mul3A_4499 = arith.mulf %sub3A_4497, %mul3A_4498 : vector<128x128xf32>
    %mul3A_4500 = arith.mulf %mul3A_4499, %mul3A_4499 : vector<128x128xf32>
    %mul3A_4501 = arith.constant 5.000000e-01 : f32
    %mul3A_4502 = vector.broadcast %mul3A_4501 : f32 to vector<128x128xf32>
    %mul3A_4503 = arith.mulf %mul3A_4502, %mul3A_4500 : vector<128x128xf32>
    %sub3A_4504 = vector.broadcast %log3A : vector<1x128xf32> to vector<128x128xf32>
    %sub3A_4505 = arith.subf %sub3A_4504, %mul3A_4503 : vector<128x128xf32>
    %exp3A_4506 = math.exp %sub3A_4505 : vector<128x128xf32>
    %swap3A_4507 = arith.constant 30208 : index
    %swap3A_4508 = arith.constant 0 : index
    %swap3A_4509 = vector.load %arg4[%swap3A_4507, %swap3A_4508] : memref<32768x128xf32, #tpu.memory_space<vmem>>, vector<128x128xf32>
    tpu.vector_store %arg4[%swap3A_4507, %swap3A_4508], %exp3A_4506 {strides = array<i32>} : memref<32768x128xf32, #tpu.memory_space<vmem>>, vector<128x128xf32>,
    %slice3A_4510 = vector.extract_strided_slice %transpose3A {offsets = [0, 237], sizes = [128, 1], strides = [1, 1]} : vector<128x256xf32> to vector<128x1xf32>
    %get3A_4511 = arith.constant 0 : index
    %get3A_4512 = arith.constant 0 : index
    %get3A_4513 = vector.load %arg2[%get3A_4511, %get3A_4512] : memref<1x128xf32, #tpu.memory_space<vmem>>, vector<1x128xf32>
    %sub3A_4514 = vector.broadcast %slice3A_4510 : vector<128x1xf32> to vector<128x128xf32>
    %sub3A_4515 = vector.broadcast %get3A_4513 : vector<1x128xf32> to vector<128x128xf32>
    %sub3A_4516 = arith.subf %sub3A_4514, %sub3A_4515 : vector<128x128xf32>
    %mul3A_4517 = vector.broadcast %div3A_5 : vector<1x128xf32> to vector<128x128xf32>
    %mul3A_4518 = arith.mulf %sub3A_4516, %mul3A_4517 : vector<128x128xf32>
    %mul3A_4519 = arith.mulf %mul3A_4518, %mul3A_4518 : vector<128x128xf32>
    %mul3A_4520 = arith.constant 5.000000e-01 : f32
    %mul3A_4521 = vector.broadcast %mul3A_4520 : f32 to vector<128x128xf32>
    %mul3A_4522 = arith.mulf %mul3A_4521, %mul3A_4519 : vector<128x128xf32>
    %sub3A_4523 = vector.broadcast %log3A : vector<1x128xf32> to vector<128x128xf32>
    %sub3A_4524 = arith.subf %sub3A_4523, %mul3A_4522 : vector<128x128xf32>
    %exp3A_4525 = math.exp %sub3A_4524 : vector<128x128xf32>
    %swap3A_4526 = arith.constant 30336 : index
    %swap3A_4527 = arith.constant 0 : index
    %swap3A_4528 = vector.load %arg4[%swap3A_4526, %swap3A_4527] : memref<32768x128xf32, #tpu.memory_space<vmem>>, vector<128x128xf32>
    tpu.vector_store %arg4[%swap3A_4526, %swap3A_4527], %exp3A_4525 {strides = array<i32>} : memref<32768x128xf32, #tpu.memory_space<vmem>>, vector<128x128xf32>,
    %slice3A_4529 = vector.extract_strided_slice %transpose3A {offsets = [0, 238], sizes = [128, 1], strides = [1, 1]} : vector<128x256xf32> to vector<128x1xf32>
    %get3A_4530 = arith.constant 0 : index
    %get3A_4531 = arith.constant 0 : index
    %get3A_4532 = vector.load %arg2[%get3A_4530, %get3A_4531] : memref<1x128xf32, #tpu.memory_space<vmem>>, vector<1x128xf32>
    %sub3A_4533 = vector.broadcast %slice3A_4529 : vector<128x1xf32> to vector<128x128xf32>
    %sub3A_4534 = vector.broadcast %get3A_4532 : vector<1x128xf32> to vector<128x128xf32>
    %sub3A_4535 = arith.subf %sub3A_4533, %sub3A_4534 : vector<128x128xf32>
    %mul3A_4536 = vector.broadcast %div3A_5 : vector<1x128xf32> to vector<128x128xf32>
    %mul3A_4537 = arith.mulf %sub3A_4535, %mul3A_4536 : vector<128x128xf32>
    %mul3A_4538 = arith.mulf %mul3A_4537, %mul3A_4537 : vector<128x128xf32>
    %mul3A_4539 = arith.constant 5.000000e-01 : f32
    %mul3A_4540 = vector.broadcast %mul3A_4539 : f32 to vector<128x128xf32>
    %mul3A_4541 = arith.mulf %mul3A_4540, %mul3A_4538 : vector<128x128xf32>
    %sub3A_4542 = vector.broadcast %log3A : vector<1x128xf32> to vector<128x128xf32>
    %sub3A_4543 = arith.subf %sub3A_4542, %mul3A_4541 : vector<128x128xf32>
    %exp3A_4544 = math.exp %sub3A_4543 : vector<128x128xf32>
    %swap3A_4545 = arith.constant 30464 : index
    %swap3A_4546 = arith.constant 0 : index
    %swap3A_4547 = vector.load %arg4[%swap3A_4545, %swap3A_4546] : memref<32768x128xf32, #tpu.memory_space<vmem>>, vector<128x128xf32>
    tpu.vector_store %arg4[%swap3A_4545, %swap3A_4546], %exp3A_4544 {strides = array<i32>} : memref<32768x128xf32, #tpu.memory_space<vmem>>, vector<128x128xf32>,
    %slice3A_4548 = vector.extract_strided_slice %transpose3A {offsets = [0, 239], sizes = [128, 1], strides = [1, 1]} : vector<128x256xf32> to vector<128x1xf32>
    %get3A_4549 = arith.constant 0 : index
    %get3A_4550 = arith.constant 0 : index
    %get3A_4551 = vector.load %arg2[%get3A_4549, %get3A_4550] : memref<1x128xf32, #tpu.memory_space<vmem>>, vector<1x128xf32>
    %sub3A_4552 = vector.broadcast %slice3A_4548 : vector<128x1xf32> to vector<128x128xf32>
    %sub3A_4553 = vector.broadcast %get3A_4551 : vector<1x128xf32> to vector<128x128xf32>
    %sub3A_4554 = arith.subf %sub3A_4552, %sub3A_4553 : vector<128x128xf32>
    %mul3A_4555 = vector.broadcast %div3A_5 : vector<1x128xf32> to vector<128x128xf32>
    %mul3A_4556 = arith.mulf %sub3A_4554, %mul3A_4555 : vector<128x128xf32>
    %mul3A_4557 = arith.mulf %mul3A_4556, %mul3A_4556 : vector<128x128xf32>
    %mul3A_4558 = arith.constant 5.000000e-01 : f32
    %mul3A_4559 = vector.broadcast %mul3A_4558 : f32 to vector<128x128xf32>
    %mul3A_4560 = arith.mulf %mul3A_4559, %mul3A_4557 : vector<128x128xf32>
    %sub3A_4561 = vector.broadcast %log3A : vector<1x128xf32> to vector<128x128xf32>
    %sub3A_4562 = arith.subf %sub3A_4561, %mul3A_4560 : vector<128x128xf32>
    %exp3A_4563 = math.exp %sub3A_4562 : vector<128x128xf32>
    %swap3A_4564 = arith.constant 30592 : index
    %swap3A_4565 = arith.constant 0 : index
    %swap3A_4566 = vector.load %arg4[%swap3A_4564, %swap3A_4565] : memref<32768x128xf32, #tpu.memory_space<vmem>>, vector<128x128xf32>
    tpu.vector_store %arg4[%swap3A_4564, %swap3A_4565], %exp3A_4563 {strides = array<i32>} : memref<32768x128xf32, #tpu.memory_space<vmem>>, vector<128x128xf32>,
    %slice3A_4567 = vector.extract_strided_slice %transpose3A {offsets = [0, 240], sizes = [128, 1], strides = [1, 1]} : vector<128x256xf32> to vector<128x1xf32>
    %get3A_4568 = arith.constant 0 : index
    %get3A_4569 = arith.constant 0 : index
    %get3A_4570 = vector.load %arg2[%get3A_4568, %get3A_4569] : memref<1x128xf32, #tpu.memory_space<vmem>>, vector<1x128xf32>
    %sub3A_4571 = vector.broadcast %slice3A_4567 : vector<128x1xf32> to vector<128x128xf32>
    %sub3A_4572 = vector.broadcast %get3A_4570 : vector<1x128xf32> to vector<128x128xf32>
    %sub3A_4573 = arith.subf %sub3A_4571, %sub3A_4572 : vector<128x128xf32>
    %mul3A_4574 = vector.broadcast %div3A_5 : vector<1x128xf32> to vector<128x128xf32>
    %mul3A_4575 = arith.mulf %sub3A_4573, %mul3A_4574 : vector<128x128xf32>
    %mul3A_4576 = arith.mulf %mul3A_4575, %mul3A_4575 : vector<128x128xf32>
    %mul3A_4577 = arith.constant 5.000000e-01 : f32
    %mul3A_4578 = vector.broadcast %mul3A_4577 : f32 to vector<128x128xf32>
    %mul3A_4579 = arith.mulf %mul3A_4578, %mul3A_4576 : vector<128x128xf32>
    %sub3A_4580 = vector.broadcast %log3A : vector<1x128xf32> to vector<128x128xf32>
    %sub3A_4581 = arith.subf %sub3A_4580, %mul3A_4579 : vector<128x128xf32>
    %exp3A_4582 = math.exp %sub3A_4581 : vector<128x128xf32>
    %swap3A_4583 = arith.constant 30720 : index
    %swap3A_4584 = arith.constant 0 : index
    %swap3A_4585 = vector.load %arg4[%swap3A_4583, %swap3A_4584] : memref<32768x128xf32, #tpu.memory_space<vmem>>, vector<128x128xf32>
    tpu.vector_store %arg4[%swap3A_4583, %swap3A_4584], %exp3A_4582 {strides = array<i32>} : memref<32768x128xf32, #tpu.memory_space<vmem>>, vector<128x128xf32>,
    %slice3A_4586 = vector.extract_strided_slice %transpose3A {offsets = [0, 241], sizes = [128, 1], strides = [1, 1]} : vector<128x256xf32> to vector<128x1xf32>
    %get3A_4587 = arith.constant 0 : index
    %get3A_4588 = arith.constant 0 : index
    %get3A_4589 = vector.load %arg2[%get3A_4587, %get3A_4588] : memref<1x128xf32, #tpu.memory_space<vmem>>, vector<1x128xf32>
    %sub3A_4590 = vector.broadcast %slice3A_4586 : vector<128x1xf32> to vector<128x128xf32>
    %sub3A_4591 = vector.broadcast %get3A_4589 : vector<1x128xf32> to vector<128x128xf32>
    %sub3A_4592 = arith.subf %sub3A_4590, %sub3A_4591 : vector<128x128xf32>
    %mul3A_4593 = vector.broadcast %div3A_5 : vector<1x128xf32> to vector<128x128xf32>
    %mul3A_4594 = arith.mulf %sub3A_4592, %mul3A_4593 : vector<128x128xf32>
    %mul3A_4595 = arith.mulf %mul3A_4594, %mul3A_4594 : vector<128x128xf32>
    %mul3A_4596 = arith.constant 5.000000e-01 : f32
    %mul3A_4597 = vector.broadcast %mul3A_4596 : f32 to vector<128x128xf32>
    %mul3A_4598 = arith.mulf %mul3A_4597, %mul3A_4595 : vector<128x128xf32>
    %sub3A_4599 = vector.broadcast %log3A : vector<1x128xf32> to vector<128x128xf32>
    %sub3A_4600 = arith.subf %sub3A_4599, %mul3A_4598 : vector<128x128xf32>
    %exp3A_4601 = math.exp %sub3A_4600 : vector<128x128xf32>
    %swap3A_4602 = arith.constant 30848 : index
    %swap3A_4603 = arith.constant 0 : index
    %swap3A_4604 = vector.load %arg4[%swap3A_4602, %swap3A_4603] : memref<32768x128xf32, #tpu.memory_space<vmem>>, vector<128x128xf32>
    tpu.vector_store %arg4[%swap3A_4602, %swap3A_4603], %exp3A_4601 {strides = array<i32>} : memref<32768x128xf32, #tpu.memory_space<vmem>>, vector<128x128xf32>,
    %slice3A_4605 = vector.extract_strided_slice %transpose3A {offsets = [0, 242], sizes = [128, 1], strides = [1, 1]} : vector<128x256xf32> to vector<128x1xf32>
    %get3A_4606 = arith.constant 0 : index
    %get3A_4607 = arith.constant 0 : index
    %get3A_4608 = vector.load %arg2[%get3A_4606, %get3A_4607] : memref<1x128xf32, #tpu.memory_space<vmem>>, vector<1x128xf32>
    %sub3A_4609 = vector.broadcast %slice3A_4605 : vector<128x1xf32> to vector<128x128xf32>
    %sub3A_4610 = vector.broadcast %get3A_4608 : vector<1x128xf32> to vector<128x128xf32>
    %sub3A_4611 = arith.subf %sub3A_4609, %sub3A_4610 : vector<128x128xf32>
    %mul3A_4612 = vector.broadcast %div3A_5 : vector<1x128xf32> to vector<128x128xf32>
    %mul3A_4613 = arith.mulf %sub3A_4611, %mul3A_4612 : vector<128x128xf32>
    %mul3A_4614 = arith.mulf %mul3A_4613, %mul3A_4613 : vector<128x128xf32>
    %mul3A_4615 = arith.constant 5.000000e-01 : f32
    %mul3A_4616 = vector.broadcast %mul3A_4615 : f32 to vector<128x128xf32>
    %mul3A_4617 = arith.mulf %mul3A_4616, %mul3A_4614 : vector<128x128xf32>
    %sub3A_4618 = vector.broadcast %log3A : vector<1x128xf32> to vector<128x128xf32>
    %sub3A_4619 = arith.subf %sub3A_4618, %mul3A_4617 : vector<128x128xf32>
    %exp3A_4620 = math.exp %sub3A_4619 : vector<128x128xf32>
    %swap3A_4621 = arith.constant 30976 : index
    %swap3A_4622 = arith.constant 0 : index
    %swap3A_4623 = vector.load %arg4[%swap3A_4621, %swap3A_4622] : memref<32768x128xf32, #tpu.memory_space<vmem>>, vector<128x128xf32>
    tpu.vector_store %arg4[%swap3A_4621, %swap3A_4622], %exp3A_4620 {strides = array<i32>} : memref<32768x128xf32, #tpu.memory_space<vmem>>, vector<128x128xf32>,
    %slice3A_4624 = vector.extract_strided_slice %transpose3A {offsets = [0, 243], sizes = [128, 1], strides = [1, 1]} : vector<128x256xf32> to vector<128x1xf32>
    %get3A_4625 = arith.constant 0 : index
    %get3A_4626 = arith.constant 0 : index
    %get3A_4627 = vector.load %arg2[%get3A_4625, %get3A_4626] : memref<1x128xf32, #tpu.memory_space<vmem>>, vector<1x128xf32>
    %sub3A_4628 = vector.broadcast %slice3A_4624 : vector<128x1xf32> to vector<128x128xf32>
    %sub3A_4629 = vector.broadcast %get3A_4627 : vector<1x128xf32> to vector<128x128xf32>
    %sub3A_4630 = arith.subf %sub3A_4628, %sub3A_4629 : vector<128x128xf32>
    %mul3A_4631 = vector.broadcast %div3A_5 : vector<1x128xf32> to vector<128x128xf32>
    %mul3A_4632 = arith.mulf %sub3A_4630, %mul3A_4631 : vector<128x128xf32>
    %mul3A_4633 = arith.mulf %mul3A_4632, %mul3A_4632 : vector<128x128xf32>
    %mul3A_4634 = arith.constant 5.000000e-01 : f32
    %mul3A_4635 = vector.broadcast %mul3A_4634 : f32 to vector<128x128xf32>
    %mul3A_4636 = arith.mulf %mul3A_4635, %mul3A_4633 : vector<128x128xf32>
    %sub3A_4637 = vector.broadcast %log3A : vector<1x128xf32> to vector<128x128xf32>
    %sub3A_4638 = arith.subf %sub3A_4637, %mul3A_4636 : vector<128x128xf32>
    %exp3A_4639 = math.exp %sub3A_4638 : vector<128x128xf32>
    %swap3A_4640 = arith.constant 31104 : index
    %swap3A_4641 = arith.constant 0 : index
    %swap3A_4642 = vector.load %arg4[%swap3A_4640, %swap3A_4641] : memref<32768x128xf32, #tpu.memory_space<vmem>>, vector<128x128xf32>
    tpu.vector_store %arg4[%swap3A_4640, %swap3A_4641], %exp3A_4639 {strides = array<i32>} : memref<32768x128xf32, #tpu.memory_space<vmem>>, vector<128x128xf32>,
    %slice3A_4643 = vector.extract_strided_slice %transpose3A {offsets = [0, 244], sizes = [128, 1], strides = [1, 1]} : vector<128x256xf32> to vector<128x1xf32>
    %get3A_4644 = arith.constant 0 : index
    %get3A_4645 = arith.constant 0 : index
    %get3A_4646 = vector.load %arg2[%get3A_4644, %get3A_4645] : memref<1x128xf32, #tpu.memory_space<vmem>>, vector<1x128xf32>
    %sub3A_4647 = vector.broadcast %slice3A_4643 : vector<128x1xf32> to vector<128x128xf32>
    %sub3A_4648 = vector.broadcast %get3A_4646 : vector<1x128xf32> to vector<128x128xf32>
    %sub3A_4649 = arith.subf %sub3A_4647, %sub3A_4648 : vector<128x128xf32>
    %mul3A_4650 = vector.broadcast %div3A_5 : vector<1x128xf32> to vector<128x128xf32>
    %mul3A_4651 = arith.mulf %sub3A_4649, %mul3A_4650 : vector<128x128xf32>
    %mul3A_4652 = arith.mulf %mul3A_4651, %mul3A_4651 : vector<128x128xf32>
    %mul3A_4653 = arith.constant 5.000000e-01 : f32
    %mul3A_4654 = vector.broadcast %mul3A_4653 : f32 to vector<128x128xf32>
    %mul3A_4655 = arith.mulf %mul3A_4654, %mul3A_4652 : vector<128x128xf32>
    %sub3A_4656 = vector.broadcast %log3A : vector<1x128xf32> to vector<128x128xf32>
    %sub3A_4657 = arith.subf %sub3A_4656, %mul3A_4655 : vector<128x128xf32>
    %exp3A_4658 = math.exp %sub3A_4657 : vector<128x128xf32>
    %swap3A_4659 = arith.constant 31232 : index
    %swap3A_4660 = arith.constant 0 : index
    %swap3A_4661 = vector.load %arg4[%swap3A_4659, %swap3A_4660] : memref<32768x128xf32, #tpu.memory_space<vmem>>, vector<128x128xf32>
    tpu.vector_store %arg4[%swap3A_4659, %swap3A_4660], %exp3A_4658 {strides = array<i32>} : memref<32768x128xf32, #tpu.memory_space<vmem>>, vector<128x128xf32>,
    %slice3A_4662 = vector.extract_strided_slice %transpose3A {offsets = [0, 245], sizes = [128, 1], strides = [1, 1]} : vector<128x256xf32> to vector<128x1xf32>
    %get3A_4663 = arith.constant 0 : index
    %get3A_4664 = arith.constant 0 : index
    %get3A_4665 = vector.load %arg2[%get3A_4663, %get3A_4664] : memref<1x128xf32, #tpu.memory_space<vmem>>, vector<1x128xf32>
    %sub3A_4666 = vector.broadcast %slice3A_4662 : vector<128x1xf32> to vector<128x128xf32>
    %sub3A_4667 = vector.broadcast %get3A_4665 : vector<1x128xf32> to vector<128x128xf32>
    %sub3A_4668 = arith.subf %sub3A_4666, %sub3A_4667 : vector<128x128xf32>
    %mul3A_4669 = vector.broadcast %div3A_5 : vector<1x128xf32> to vector<128x128xf32>
    %mul3A_4670 = arith.mulf %sub3A_4668, %mul3A_4669 : vector<128x128xf32>
    %mul3A_4671 = arith.mulf %mul3A_4670, %mul3A_4670 : vector<128x128xf32>
    %mul3A_4672 = arith.constant 5.000000e-01 : f32
    %mul3A_4673 = vector.broadcast %mul3A_4672 : f32 to vector<128x128xf32>
    %mul3A_4674 = arith.mulf %mul3A_4673, %mul3A_4671 : vector<128x128xf32>
    %sub3A_4675 = vector.broadcast %log3A : vector<1x128xf32> to vector<128x128xf32>
    %sub3A_4676 = arith.subf %sub3A_4675, %mul3A_4674 : vector<128x128xf32>
    %exp3A_4677 = math.exp %sub3A_4676 : vector<128x128xf32>
    %swap3A_4678 = arith.constant 31360 : index
    %swap3A_4679 = arith.constant 0 : index
    %swap3A_4680 = vector.load %arg4[%swap3A_4678, %swap3A_4679] : memref<32768x128xf32, #tpu.memory_space<vmem>>, vector<128x128xf32>
    tpu.vector_store %arg4[%swap3A_4678, %swap3A_4679], %exp3A_4677 {strides = array<i32>} : memref<32768x128xf32, #tpu.memory_space<vmem>>, vector<128x128xf32>,
    %slice3A_4681 = vector.extract_strided_slice %transpose3A {offsets = [0, 246], sizes = [128, 1], strides = [1, 1]} : vector<128x256xf32> to vector<128x1xf32>
    %get3A_4682 = arith.constant 0 : index
    %get3A_4683 = arith.constant 0 : index
    %get3A_4684 = vector.load %arg2[%get3A_4682, %get3A_4683] : memref<1x128xf32, #tpu.memory_space<vmem>>, vector<1x128xf32>
    %sub3A_4685 = vector.broadcast %slice3A_4681 : vector<128x1xf32> to vector<128x128xf32>
    %sub3A_4686 = vector.broadcast %get3A_4684 : vector<1x128xf32> to vector<128x128xf32>
    %sub3A_4687 = arith.subf %sub3A_4685, %sub3A_4686 : vector<128x128xf32>
    %mul3A_4688 = vector.broadcast %div3A_5 : vector<1x128xf32> to vector<128x128xf32>
    %mul3A_4689 = arith.mulf %sub3A_4687, %mul3A_4688 : vector<128x128xf32>
    %mul3A_4690 = arith.mulf %mul3A_4689, %mul3A_4689 : vector<128x128xf32>
    %mul3A_4691 = arith.constant 5.000000e-01 : f32
    %mul3A_4692 = vector.broadcast %mul3A_4691 : f32 to vector<128x128xf32>
    %mul3A_4693 = arith.mulf %mul3A_4692, %mul3A_4690 : vector<128x128xf32>
    %sub3A_4694 = vector.broadcast %log3A : vector<1x128xf32> to vector<128x128xf32>
    %sub3A_4695 = arith.subf %sub3A_4694, %mul3A_4693 : vector<128x128xf32>
    %exp3A_4696 = math.exp %sub3A_4695 : vector<128x128xf32>
    %swap3A_4697 = arith.constant 31488 : index
    %swap3A_4698 = arith.constant 0 : index
    %swap3A_4699 = vector.load %arg4[%swap3A_4697, %swap3A_4698] : memref<32768x128xf32, #tpu.memory_space<vmem>>, vector<128x128xf32>
    tpu.vector_store %arg4[%swap3A_4697, %swap3A_4698], %exp3A_4696 {strides = array<i32>} : memref<32768x128xf32, #tpu.memory_space<vmem>>, vector<128x128xf32>,
    %slice3A_4700 = vector.extract_strided_slice %transpose3A {offsets = [0, 247], sizes = [128, 1], strides = [1, 1]} : vector<128x256xf32> to vector<128x1xf32>
    %get3A_4701 = arith.constant 0 : index
    %get3A_4702 = arith.constant 0 : index
    %get3A_4703 = vector.load %arg2[%get3A_4701, %get3A_4702] : memref<1x128xf32, #tpu.memory_space<vmem>>, vector<1x128xf32>
    %sub3A_4704 = vector.broadcast %slice3A_4700 : vector<128x1xf32> to vector<128x128xf32>
    %sub3A_4705 = vector.broadcast %get3A_4703 : vector<1x128xf32> to vector<128x128xf32>
    %sub3A_4706 = arith.subf %sub3A_4704, %sub3A_4705 : vector<128x128xf32>
    %mul3A_4707 = vector.broadcast %div3A_5 : vector<1x128xf32> to vector<128x128xf32>
    %mul3A_4708 = arith.mulf %sub3A_4706, %mul3A_4707 : vector<128x128xf32>
    %mul3A_4709 = arith.mulf %mul3A_4708, %mul3A_4708 : vector<128x128xf32>
    %mul3A_4710 = arith.constant 5.000000e-01 : f32
    %mul3A_4711 = vector.broadcast %mul3A_4710 : f32 to vector<128x128xf32>
    %mul3A_4712 = arith.mulf %mul3A_4711, %mul3A_4709 : vector<128x128xf32>
    %sub3A_4713 = vector.broadcast %log3A : vector<1x128xf32> to vector<128x128xf32>
    %sub3A_4714 = arith.subf %sub3A_4713, %mul3A_4712 : vector<128x128xf32>
    %exp3A_4715 = math.exp %sub3A_4714 : vector<128x128xf32>
    %swap3A_4716 = arith.constant 31616 : index
    %swap3A_4717 = arith.constant 0 : index
    %swap3A_4718 = vector.load %arg4[%swap3A_4716, %swap3A_4717] : memref<32768x128xf32, #tpu.memory_space<vmem>>, vector<128x128xf32>
    tpu.vector_store %arg4[%swap3A_4716, %swap3A_4717], %exp3A_4715 {strides = array<i32>} : memref<32768x128xf32, #tpu.memory_space<vmem>>, vector<128x128xf32>,
    %slice3A_4719 = vector.extract_strided_slice %transpose3A {offsets = [0, 248], sizes = [128, 1], strides = [1, 1]} : vector<128x256xf32> to vector<128x1xf32>
    %get3A_4720 = arith.constant 0 : index
    %get3A_4721 = arith.constant 0 : index
    %get3A_4722 = vector.load %arg2[%get3A_4720, %get3A_4721] : memref<1x128xf32, #tpu.memory_space<vmem>>, vector<1x128xf32>
    %sub3A_4723 = vector.broadcast %slice3A_4719 : vector<128x1xf32> to vector<128x128xf32>
    %sub3A_4724 = vector.broadcast %get3A_4722 : vector<1x128xf32> to vector<128x128xf32>
    %sub3A_4725 = arith.subf %sub3A_4723, %sub3A_4724 : vector<128x128xf32>
    %mul3A_4726 = vector.broadcast %div3A_5 : vector<1x128xf32> to vector<128x128xf32>
    %mul3A_4727 = arith.mulf %sub3A_4725, %mul3A_4726 : vector<128x128xf32>
    %mul3A_4728 = arith.mulf %mul3A_4727, %mul3A_4727 : vector<128x128xf32>
    %mul3A_4729 = arith.constant 5.000000e-01 : f32
    %mul3A_4730 = vector.broadcast %mul3A_4729 : f32 to vector<128x128xf32>
    %mul3A_4731 = arith.mulf %mul3A_4730, %mul3A_4728 : vector<128x128xf32>
    %sub3A_4732 = vector.broadcast %log3A : vector<1x128xf32> to vector<128x128xf32>
    %sub3A_4733 = arith.subf %sub3A_4732, %mul3A_4731 : vector<128x128xf32>
    %exp3A_4734 = math.exp %sub3A_4733 : vector<128x128xf32>
    %swap3A_4735 = arith.constant 31744 : index
    %swap3A_4736 = arith.constant 0 : index
    %swap3A_4737 = vector.load %arg4[%swap3A_4735, %swap3A_4736] : memref<32768x128xf32, #tpu.memory_space<vmem>>, vector<128x128xf32>
    tpu.vector_store %arg4[%swap3A_4735, %swap3A_4736], %exp3A_4734 {strides = array<i32>} : memref<32768x128xf32, #tpu.memory_space<vmem>>, vector<128x128xf32>,
    %slice3A_4738 = vector.extract_strided_slice %transpose3A {offsets = [0, 249], sizes = [128, 1], strides = [1, 1]} : vector<128x256xf32> to vector<128x1xf32>
    %get3A_4739 = arith.constant 0 : index
    %get3A_4740 = arith.constant 0 : index
    %get3A_4741 = vector.load %arg2[%get3A_4739, %get3A_4740] : memref<1x128xf32, #tpu.memory_space<vmem>>, vector<1x128xf32>
    %sub3A_4742 = vector.broadcast %slice3A_4738 : vector<128x1xf32> to vector<128x128xf32>
    %sub3A_4743 = vector.broadcast %get3A_4741 : vector<1x128xf32> to vector<128x128xf32>
    %sub3A_4744 = arith.subf %sub3A_4742, %sub3A_4743 : vector<128x128xf32>
    %mul3A_4745 = vector.broadcast %div3A_5 : vector<1x128xf32> to vector<128x128xf32>
    %mul3A_4746 = arith.mulf %sub3A_4744, %mul3A_4745 : vector<128x128xf32>
    %mul3A_4747 = arith.mulf %mul3A_4746, %mul3A_4746 : vector<128x128xf32>
    %mul3A_4748 = arith.constant 5.000000e-01 : f32
    %mul3A_4749 = vector.broadcast %mul3A_4748 : f32 to vector<128x128xf32>
    %mul3A_4750 = arith.mulf %mul3A_4749, %mul3A_4747 : vector<128x128xf32>
    %sub3A_4751 = vector.broadcast %log3A : vector<1x128xf32> to vector<128x128xf32>
    %sub3A_4752 = arith.subf %sub3A_4751, %mul3A_4750 : vector<128x128xf32>
    %exp3A_4753 = math.exp %sub3A_4752 : vector<128x128xf32>
    %swap3A_4754 = arith.constant 31872 : index
    %swap3A_4755 = arith.constant 0 : index
    %swap3A_4756 = vector.load %arg4[%swap3A_4754, %swap3A_4755] : memref<32768x128xf32, #tpu.memory_space<vmem>>, vector<128x128xf32>
    tpu.vector_store %arg4[%swap3A_4754, %swap3A_4755], %exp3A_4753 {strides = array<i32>} : memref<32768x128xf32, #tpu.memory_space<vmem>>, vector<128x128xf32>,
    %slice3A_4757 = vector.extract_strided_slice %transpose3A {offsets = [0, 250], sizes = [128, 1], strides = [1, 1]} : vector<128x256xf32> to vector<128x1xf32>
    %get3A_4758 = arith.constant 0 : index
    %get3A_4759 = arith.constant 0 : index
    %get3A_4760 = vector.load %arg2[%get3A_4758, %get3A_4759] : memref<1x128xf32, #tpu.memory_space<vmem>>, vector<1x128xf32>
    %sub3A_4761 = vector.broadcast %slice3A_4757 : vector<128x1xf32> to vector<128x128xf32>
    %sub3A_4762 = vector.broadcast %get3A_4760 : vector<1x128xf32> to vector<128x128xf32>
    %sub3A_4763 = arith.subf %sub3A_4761, %sub3A_4762 : vector<128x128xf32>
    %mul3A_4764 = vector.broadcast %div3A_5 : vector<1x128xf32> to vector<128x128xf32>
    %mul3A_4765 = arith.mulf %sub3A_4763, %mul3A_4764 : vector<128x128xf32>
    %mul3A_4766 = arith.mulf %mul3A_4765, %mul3A_4765 : vector<128x128xf32>
    %mul3A_4767 = arith.constant 5.000000e-01 : f32
    %mul3A_4768 = vector.broadcast %mul3A_4767 : f32 to vector<128x128xf32>
    %mul3A_4769 = arith.mulf %mul3A_4768, %mul3A_4766 : vector<128x128xf32>
    %sub3A_4770 = vector.broadcast %log3A : vector<1x128xf32> to vector<128x128xf32>
    %sub3A_4771 = arith.subf %sub3A_4770, %mul3A_4769 : vector<128x128xf32>
    %exp3A_4772 = math.exp %sub3A_4771 : vector<128x128xf32>
    %swap3A_4773 = arith.constant 32000 : index
    %swap3A_4774 = arith.constant 0 : index
    %swap3A_4775 = vector.load %arg4[%swap3A_4773, %swap3A_4774] : memref<32768x128xf32, #tpu.memory_space<vmem>>, vector<128x128xf32>
    tpu.vector_store %arg4[%swap3A_4773, %swap3A_4774], %exp3A_4772 {strides = array<i32>} : memref<32768x128xf32, #tpu.memory_space<vmem>>, vector<128x128xf32>,
    %slice3A_4776 = vector.extract_strided_slice %transpose3A {offsets = [0, 251], sizes = [128, 1], strides = [1, 1]} : vector<128x256xf32> to vector<128x1xf32>
    %get3A_4777 = arith.constant 0 : index
    %get3A_4778 = arith.constant 0 : index
    %get3A_4779 = vector.load %arg2[%get3A_4777, %get3A_4778] : memref<1x128xf32, #tpu.memory_space<vmem>>, vector<1x128xf32>
    %sub3A_4780 = vector.broadcast %slice3A_4776 : vector<128x1xf32> to vector<128x128xf32>
    %sub3A_4781 = vector.broadcast %get3A_4779 : vector<1x128xf32> to vector<128x128xf32>
    %sub3A_4782 = arith.subf %sub3A_4780, %sub3A_4781 : vector<128x128xf32>
    %mul3A_4783 = vector.broadcast %div3A_5 : vector<1x128xf32> to vector<128x128xf32>
    %mul3A_4784 = arith.mulf %sub3A_4782, %mul3A_4783 : vector<128x128xf32>
    %mul3A_4785 = arith.mulf %mul3A_4784, %mul3A_4784 : vector<128x128xf32>
    %mul3A_4786 = arith.constant 5.000000e-01 : f32
    %mul3A_4787 = vector.broadcast %mul3A_4786 : f32 to vector<128x128xf32>
    %mul3A_4788 = arith.mulf %mul3A_4787, %mul3A_4785 : vector<128x128xf32>
    %sub3A_4789 = vector.broadcast %log3A : vector<1x128xf32> to vector<128x128xf32>
    %sub3A_4790 = arith.subf %sub3A_4789, %mul3A_4788 : vector<128x128xf32>
    %exp3A_4791 = math.exp %sub3A_4790 : vector<128x128xf32>
    %swap3A_4792 = arith.constant 32128 : index
    %swap3A_4793 = arith.constant 0 : index
    %swap3A_4794 = vector.load %arg4[%swap3A_4792, %swap3A_4793] : memref<32768x128xf32, #tpu.memory_space<vmem>>, vector<128x128xf32>
    tpu.vector_store %arg4[%swap3A_4792, %swap3A_4793], %exp3A_4791 {strides = array<i32>} : memref<32768x128xf32, #tpu.memory_space<vmem>>, vector<128x128xf32>,
    %slice3A_4795 = vector.extract_strided_slice %transpose3A {offsets = [0, 252], sizes = [128, 1], strides = [1, 1]} : vector<128x256xf32> to vector<128x1xf32>
    %get3A_4796 = arith.constant 0 : index
    %get3A_4797 = arith.constant 0 : index
    %get3A_4798 = vector.load %arg2[%get3A_4796, %get3A_4797] : memref<1x128xf32, #tpu.memory_space<vmem>>, vector<1x128xf32>
    %sub3A_4799 = vector.broadcast %slice3A_4795 : vector<128x1xf32> to vector<128x128xf32>
    %sub3A_4800 = vector.broadcast %get3A_4798 : vector<1x128xf32> to vector<128x128xf32>
    %sub3A_4801 = arith.subf %sub3A_4799, %sub3A_4800 : vector<128x128xf32>
    %mul3A_4802 = vector.broadcast %div3A_5 : vector<1x128xf32> to vector<128x128xf32>
    %mul3A_4803 = arith.mulf %sub3A_4801, %mul3A_4802 : vector<128x128xf32>
    %mul3A_4804 = arith.mulf %mul3A_4803, %mul3A_4803 : vector<128x128xf32>
    %mul3A_4805 = arith.constant 5.000000e-01 : f32
    %mul3A_4806 = vector.broadcast %mul3A_4805 : f32 to vector<128x128xf32>
    %mul3A_4807 = arith.mulf %mul3A_4806, %mul3A_4804 : vector<128x128xf32>
    %sub3A_4808 = vector.broadcast %log3A : vector<1x128xf32> to vector<128x128xf32>
    %sub3A_4809 = arith.subf %sub3A_4808, %mul3A_4807 : vector<128x128xf32>
    %exp3A_4810 = math.exp %sub3A_4809 : vector<128x128xf32>
    %swap3A_4811 = arith.constant 32256 : index
    %swap3A_4812 = arith.constant 0 : index
    %swap3A_4813 = vector.load %arg4[%swap3A_4811, %swap3A_4812] : memref<32768x128xf32, #tpu.memory_space<vmem>>, vector<128x128xf32>
    tpu.vector_store %arg4[%swap3A_4811, %swap3A_4812], %exp3A_4810 {strides = array<i32>} : memref<32768x128xf32, #tpu.memory_space<vmem>>, vector<128x128xf32>,
    %slice3A_4814 = vector.extract_strided_slice %transpose3A {offsets = [0, 253], sizes = [128, 1], strides = [1, 1]} : vector<128x256xf32> to vector<128x1xf32>
    %get3A_4815 = arith.constant 0 : index
    %get3A_4816 = arith.constant 0 : index
    %get3A_4817 = vector.load %arg2[%get3A_4815, %get3A_4816] : memref<1x128xf32, #tpu.memory_space<vmem>>, vector<1x128xf32>
    %sub3A_4818 = vector.broadcast %slice3A_4814 : vector<128x1xf32> to vector<128x128xf32>
    %sub3A_4819 = vector.broadcast %get3A_4817 : vector<1x128xf32> to vector<128x128xf32>
    %sub3A_4820 = arith.subf %sub3A_4818, %sub3A_4819 : vector<128x128xf32>
    %mul3A_4821 = vector.broadcast %div3A_5 : vector<1x128xf32> to vector<128x128xf32>
    %mul3A_4822 = arith.mulf %sub3A_4820, %mul3A_4821 : vector<128x128xf32>
    %mul3A_4823 = arith.mulf %mul3A_4822, %mul3A_4822 : vector<128x128xf32>
    %mul3A_4824 = arith.constant 5.000000e-01 : f32
    %mul3A_4825 = vector.broadcast %mul3A_4824 : f32 to vector<128x128xf32>
    %mul3A_4826 = arith.mulf %mul3A_4825, %mul3A_4823 : vector<128x128xf32>
    %sub3A_4827 = vector.broadcast %log3A : vector<1x128xf32> to vector<128x128xf32>
    %sub3A_4828 = arith.subf %sub3A_4827, %mul3A_4826 : vector<128x128xf32>
    %exp3A_4829 = math.exp %sub3A_4828 : vector<128x128xf32>
    %swap3A_4830 = arith.constant 32384 : index
    %swap3A_4831 = arith.constant 0 : index
    %swap3A_4832 = vector.load %arg4[%swap3A_4830, %swap3A_4831] : memref<32768x128xf32, #tpu.memory_space<vmem>>, vector<128x128xf32>
    tpu.vector_store %arg4[%swap3A_4830, %swap3A_4831], %exp3A_4829 {strides = array<i32>} : memref<32768x128xf32, #tpu.memory_space<vmem>>, vector<128x128xf32>,
    %slice3A_4833 = vector.extract_strided_slice %transpose3A {offsets = [0, 254], sizes = [128, 1], strides = [1, 1]} : vector<128x256xf32> to vector<128x1xf32>
    %get3A_4834 = arith.constant 0 : index
    %get3A_4835 = arith.constant 0 : index
    %get3A_4836 = vector.load %arg2[%get3A_4834, %get3A_4835] : memref<1x128xf32, #tpu.memory_space<vmem>>, vector<1x128xf32>
    %sub3A_4837 = vector.broadcast %slice3A_4833 : vector<128x1xf32> to vector<128x128xf32>
    %sub3A_4838 = vector.broadcast %get3A_4836 : vector<1x128xf32> to vector<128x128xf32>
    %sub3A_4839 = arith.subf %sub3A_4837, %sub3A_4838 : vector<128x128xf32>
    %mul3A_4840 = vector.broadcast %div3A_5 : vector<1x128xf32> to vector<128x128xf32>
    %mul3A_4841 = arith.mulf %sub3A_4839, %mul3A_4840 : vector<128x128xf32>
    %mul3A_4842 = arith.mulf %mul3A_4841, %mul3A_4841 : vector<128x128xf32>
    %mul3A_4843 = arith.constant 5.000000e-01 : f32
    %mul3A_4844 = vector.broadcast %mul3A_4843 : f32 to vector<128x128xf32>
    %mul3A_4845 = arith.mulf %mul3A_4844, %mul3A_4842 : vector<128x128xf32>
    %sub3A_4846 = vector.broadcast %log3A : vector<1x128xf32> to vector<128x128xf32>
    %sub3A_4847 = arith.subf %sub3A_4846, %mul3A_4845 : vector<128x128xf32>
    %exp3A_4848 = math.exp %sub3A_4847 : vector<128x128xf32>
    %swap3A_4849 = arith.constant 32512 : index
    %swap3A_4850 = arith.constant 0 : index
    %swap3A_4851 = vector.load %arg4[%swap3A_4849, %swap3A_4850] : memref<32768x128xf32, #tpu.memory_space<vmem>>, vector<128x128xf32>
    tpu.vector_store %arg4[%swap3A_4849, %swap3A_4850], %exp3A_4848 {strides = array<i32>} : memref<32768x128xf32, #tpu.memory_space<vmem>>, vector<128x128xf32>,
    %slice3A_4852 = vector.extract_strided_slice %transpose3A {offsets = [0, 255], sizes = [128, 1], strides = [1, 1]} : vector<128x256xf32> to vector<128x1xf32>
    %get3A_4853 = arith.constant 0 : index
    %get3A_4854 = arith.constant 0 : index
    %get3A_4855 = vector.load %arg2[%get3A_4853, %get3A_4854] : memref<1x128xf32, #tpu.memory_space<vmem>>, vector<1x128xf32>
    %sub3A_4856 = vector.broadcast %slice3A_4852 : vector<128x1xf32> to vector<128x128xf32>
    %sub3A_4857 = vector.broadcast %get3A_4855 : vector<1x128xf32> to vector<128x128xf32>
    %sub3A_4858 = arith.subf %sub3A_4856, %sub3A_4857 : vector<128x128xf32>
    %mul3A_4859 = vector.broadcast %div3A_5 : vector<1x128xf32> to vector<128x128xf32>
    %mul3A_4860 = arith.mulf %sub3A_4858, %mul3A_4859 : vector<128x128xf32>
    %mul3A_4861 = arith.mulf %mul3A_4860, %mul3A_4860 : vector<128x128xf32>
    %mul3A_4862 = arith.constant 5.000000e-01 : f32
    %mul3A_4863 = vector.broadcast %mul3A_4862 : f32 to vector<128x128xf32>
    %mul3A_4864 = arith.mulf %mul3A_4863, %mul3A_4861 : vector<128x128xf32>
    %sub3A_4865 = vector.broadcast %log3A : vector<1x128xf32> to vector<128x128xf32>
    %sub3A_4866 = arith.subf %sub3A_4865, %mul3A_4864 : vector<128x128xf32>
    %exp3A_4867 = math.exp %sub3A_4866 : vector<128x128xf32>
    %swap3A_4868 = arith.constant 32640 : index
    %swap3A_4869 = arith.constant 0 : index
    %swap3A_4870 = vector.load %arg4[%swap3A_4868, %swap3A_4869] : memref<32768x128xf32, #tpu.memory_space<vmem>>, vector<128x128xf32>
    tpu.vector_store %arg4[%swap3A_4868, %swap3A_4869], %exp3A_4867 {strides = array<i32>} : memref<32768x128xf32, #tpu.memory_space<vmem>>, vector<128x128xf32>,
    return
  }
  func.func @transform_0(%arg0: i32) -> (i32, i32) {
    %c0_i32 = arith.constant 0 : i32
    %c0_i32_0 = arith.constant 0 : i32
    return %arg0, %c0_i32 : i32, i32
  }
  func.func @transform_1(%arg0: i32) -> (i32, i32) {
    %c0_i32 = arith.constant 0 : i32
    %c0_i32_0 = arith.constant 0 : i32
    %c0_i32_1 = arith.constant 0 : i32
    return %c0_i32, %c0_i32_0 : i32, i32
  }
  func.func @transform_2(%arg0: i32) -> (i32, i32) {
    %c0_i32 = arith.constant 0 : i32
    %c0_i32_0 = arith.constant 0 : i32
    %c0_i32_1 = arith.constant 0 : i32
    return %c0_i32, %c0_i32_0 : i32, i32
  }
  func.func @transform_3(%arg0: i32) -> (i32, i32) {
    %c0_i32 = arith.constant 0 : i32
    %c0_i32_0 = arith.constant 0 : i32
    return %arg0, %c0_i32 : i32, i32
  }
}

</mosaic_0001>

<sc_bundles>
// kernel: kernel.4.cloned.1.call-start
scs
__scs_entry_jumppad:
0x0: {  	(pc) =	sbr.rel $0x88, $3  }
0x1: {  	(tag) =	ssettag $0x0;
	lr =	simm.s32 $0x1  }
0x2: {  	[smem:$0x3F9B] =	sst lr;
	_ =	strace $0xD0000000  }
0x3: {  	_ = 	snop  }
0x4: {  	_ = 	snop  }
0x5: {  	_ = 	snop  }
0x6: {  	_ = 	snop  }
0x7: {  	_ = 	snop  }
__scs_overlays_trampoline_lowered:
0x8: {  	[smem:$0x3FAA] =	sst s0  }
0x9: {  	[smem:$0x3FAB] =	sst s1  }
0xa: {  	[smem:$0x3FAC] =	sst s2  }
0xb: {  	[smem:$0x3FAD] =	sst s3  }
0xc: {  	[smem:$0x3FAE] =	sst s4  }
0xd: {  	[smem:$0x3FAF] =	sst s5  }
0xe: {  	[smem:$0x3FB0] =	sst s6  }
0xf: {  	[smem:$0x3FB1] =	sst s7  }
0x10: {  	[smem:$0x3FB2] =	sst s8  }
0x11: {  	[smem:$0x3FB3] =	sst s9;
	s0 =	simm.s32 @!p0 $0x0  }
0x12: {  	s1 =	sld [smem:$0x3F99];
	s0 =	simm.s32 @p0 $0x1  }
0x13: {  	[smem:$0x3FB4] =	sst s0;
	s0 =	simm.s32 @!p1 $0x0  }
0x14: {  	s2 =	sld [smem:$0x3F98];
	s0 =	simm.s32 @p1 $0x1  }
0x15: {  	[smem:$0x3FB5] =	sst s0;
	s0 =	simm.s32 @!p2 $0x0  }
0x16: {  	s3 =	sld [smem:$0x3FDB];
	s0 =	simm.s32 @p2 $0x1  }
0x17: {  	s4 =	simm.s32 $0x1BF5;
	[smem:$0x3FB7] =	sst s0  }
0x18: {  	s0 =	sld [smem:$0x3F9A];
	_ =	swait.ge [sflag:s4], $0x0  }
0x19: {  	s7 =	sld [smem:$0x3F9B]  }
0x1a: {  	s8 =	sadd.s32 $0xFFFFE003, lr  }
0x1b: {  	s9 =	sadd.s32 $0xFFFFFEF7, lr;
	s5 =	simm.s32 $0xFFFFFFFF;
	p2 =	slt.u32 s8, $0xFFFFF086  }
0x1c: {  	p1 =	slt.u32 s9, $0xF7A;
	s5 =	simm.s32 @!p2 $0x0  }
0x1d: {  	s5 =	simm.s32 @p1 $0x1;
	p0 =	seq.s32 s7, s2  }
0x1e: {  	s7 =	smul.u32 @!p0 $0xF7A, s2;
	p2 =	seq.s32 @!p0 s5, $0x0  }
0x1f: {  	s9 =	smul.u32 $0xF7A, s1;
	s8 =	simm.s32 @!p0 $0x1BF5;
	p2 =	por !p2, p0  }
0x20: {  	[sflag:s8] =	ssyncset.s32 @!p0 $0xFFFFF086;
	s6 =	sadd.s32 @!p0 s3, s7;
	s7 =	simm.s32 @!p0 $0x108  }
0x21: {  	s3 =	sadd.s32 s3, s9;
	s6 =	sadd.s32 @!p0 $0x88, s6;
	s7 =	simm.s32 @p2 $0x1082  }
0x22: {  	[simem:s7], [sflag:s8] =	dma.local @!p0 [hbm:s6], $0xF7A  }
0x23: {  	s9 =	sor.u32 $0xD0000000, s2;
	s6 =	simm.s32 $0x108;
	_ =	swait.ge @!p0 [sflag:s8], $0x0  }
0x24: {  	s3 =	sadd.s32 $0x88, s3;
	s6 =	simm.s32 @!p1 $0x1082;
	[sflag:s4] =	ssyncset.s32 $0xFFFFF086  }
0x25: {  	[simem:s6], [sflag:s4] =	dma.local [hbm:s3], $0xF7A  }
0x26: {  	[smem:$0x3F9B] =	sst s1;
	(tag) =	ssettag s2;
	_ =	strace s9  }
0x27: {  	s1 =	sld [smem:$0x3FAB]  }
0x28: {  	s2 =	sld [smem:$0x3FAC]  }
0x29: {  	s4 =	sld [smem:$0x3FAE]  }
0x2a: {  	p0 =	seq.s32 s5, $0x0;
	s5 =	sld [smem:$0x3FAF]  }
0x2b: {  	s6 =	sld [smem:$0x3FB0]  }
0x2c: {  	s7 =	sld [smem:$0x3FB1]  }
0x2d: {  	s3 =	simm.s32 $0x108;
	s8 =	sld [smem:$0x3FB2]  }
0x2e: {  	s3 =	simm.s32 @!p0 $0x1082;
	s9 =	sld [smem:$0x3FB3]  }
0x2f: {  	lr =	sadd.s32 s0, s3;
	s0 =	sld [smem:$0x3FAA]  }
0x30: {  	s3 =	sld [smem:$0x3FAD]  }
0x31: {  	[smem:$0x3FB6] =	sst s10  }
0x32: {  	s10 =	sld [smem:$0x3FB4];
	_ =	sdelay $0x3  }
0x33: {  	p0 =	seq.s32 s10, $0x1;
	s10 =	sld [smem:$0x3FB6];
	_ =	sdelay $0x3  }
0x34: {  	[smem:$0x3FB6] =	sst s10  }
0x35: {  	s10 =	sld [smem:$0x3FB5];
	_ =	sdelay $0x3  }
0x36: {  	p1 =	seq.s32 s10, $0x1;
	s10 =	sld [smem:$0x3FB6];
	_ =	sdelay $0x3  }
0x37: {  	[smem:$0x3FB6] =	sst s10  }
0x38: {  	s10 =	sld [smem:$0x3FB7]  }
0x39: {  	_ = 	snop;
	(pc) =	sbr.ind lr, $3  }
0x3a: {  	_ = 	snop  }
0x3b: {  	_ = 	snop  }
0x3c: {  	p2 =	seq.s32 s10, $0x1;
	s10 =	sld [smem:$0x3FB6]  }
0x3d: {  	_ =	shalt  }
0x3e: {  	_ =	shalt  }
0x3f: {  	_ =	shalt  }
0x40: {  	_ =	shalt  }
0x41: {  	_ =	shalt  }
0x42: {  	_ =	shalt  }
0x43: {  	_ =	shalt  }
0x44: {  	_ =	shalt  }
0x45: {  	_ =	shalt  }
0x46: {  	_ =	shalt  }
0x47: {  	_ =	shalt  }
0x48: {  	_ =	shalt  }
0x49: {  	_ =	shalt  }
0x4a: {  	_ =	shalt  }
0x4b: {  	_ =	shalt  }
0x4c: {  	_ =	shalt  }
0x4d: {  	_ =	shalt  }
0x4e: {  	_ =	shalt  }
0x4f: {  	_ =	shalt  }
0x50: {  	_ =	shalt  }
0x51: {  	_ =	shalt  }
0x52: {  	_ =	shalt  }
0x53: {  	_ =	shalt  }
0x54: {  	_ =	shalt  }
0x55: {  	_ =	shalt  }
0x56: {  	_ =	shalt  }
0x57: {  	_ =	shalt  }
0x58: {  	_ =	shalt  }
0x59: {  	_ =	shalt  }
0x5a: {  	_ =	shalt  }
0x5b: {  	_ =	shalt  }
0x5c: {  	_ =	shalt  }
0x5d: {  	_ =	shalt  }
0x5e: {  	_ =	shalt  }
0x5f: {  	_ =	shalt  }
0x60: {  	_ =	shalt  }
0x61: {  	_ =	shalt  }
0x62: {  	_ =	shalt  }
0x63: {  	_ =	shalt  }
0x64: {  	_ =	shalt  }
0x65: {  	_ =	shalt  }
0x66: {  	_ =	shalt  }
0x67: {  	_ =	shalt  }
0x68: {  	_ =	shalt  }
0x69: {  	_ =	shalt  }
0x6a: {  	_ =	shalt  }
0x6b: {  	_ =	shalt  }
0x6c: {  	_ =	shalt  }
0x6d: {  	_ =	shalt  }
0x6e: {  	_ =	shalt  }
0x6f: {  	_ =	shalt  }
0x70: {  	_ =	shalt  }
0x71: {  	_ =	shalt  }
0x72: {  	_ =	shalt  }
0x73: {  	_ =	shalt  }
0x74: {  	_ =	shalt  }
0x75: {  	_ =	shalt  }
0x76: {  	_ =	shalt  }
0x77: {  	_ =	shalt  }
0x78: {  	_ =	shalt  }
0x79: {  	_ =	shalt  }
0x7a: {  	_ =	shalt  }
0x7b: {  	_ =	shalt  }
0x7c: {  	_ =	shalt  }
0x7d: {  	_ =	shalt  }
0x7e: {  	_ =	shalt  }
0x7f: {  	_ =	shalt  }
0x80: {  	_ =	shalt  }
0x81: {  	_ =	shalt  }
0x82: {  	_ =	shalt  }
0x83: {  	_ =	shalt  }
0x84: {  	_ =	shalt  }
0x85: {  	_ =	shalt  }
0x86: {  	_ =	shalt  }
0x87: {  	_ =	shalt  }
.Lfunc_end0:
.L_simem_size_0:
called_computation_lowered:
.L_overlay_start_0:
0x88: {  	s2 =	sld [smem:$0x3FD9]  }
0x89: {  	s3 =	sld [smem:$0x3FFE];
	_ =	sdelay $0x1  }
0x8a: {  	s1 =	srdreg.scid  }
0x8b: {  	s0 =	sand.u32 $0x1, s1  }
0x8c: {  	s17 =	sshll.u32 s0, $0xA;
	s2 =	sadd.s32 s3, s2  }
0x8d: {  	s2 =	sadd.s32 s2, s17  }
0x8e: {  	[smem:$0x3FC2] =	sst s2  }
0x8f: {  	_ = 	snop  }
0x90: {  	s2 =	sld [smem:$0x3FD0];
	(tm) =	ssettm $0x1  }
0x91: {  	s18 =	sld [smem:$0x3FFB];
	_ =	sdelay $0x3  }
0x92: {  	_ =	strace s18  }
0x93: {  	s3 =	sld [smem:$0x3FFC];
	_ =	sdelay $0x3  }
0x94: {  	_ =	strace s3  }
0x95: {  	s3 =	sld [smem:$0x3FFD];
	_ =	sdelay $0x3  }
0x96: {  	_ =	strace s3  }
0x97: {  	_ =	strace $0x8FFFFFFF  }
0x98: {  	s19 =	sld [smem:$0x3FDB];
	_ =	sdelay $0x1  }
0x99: {  	s4 =	simm.s32 $_scs_section_size  }
0x9a: {  	s5 =	simm.s32 $_size__tile_overlayer_lowered;
	s6 =	simm.s32 $_tile_overlayer_lowered  }
0x9b: {  	s22 =	simm.s32 $0x1BFF;
	s21 =	sshll.u32 s6, $0x1;
	s3 =	sadd.s32 s4, s19  }
0x9c: {  	s7 =	simm.s32 $0x0;
	s20 =	sshll.u32 s5, $0x1;
	s5 =	sadd.s32 s21, s3  }
0x9d: {  	[timem:s7], [sflag:s22] =	dma.local [hbm:s5], s20  }
0x9e: {  	_ =	swait.ge [sflag:s22], s20  }
0x9f: {  	s4 =	ssub.s32 $0x0, s20;
	[sflag:s22] =	ssyncset.done $0x0  }
0xa0: {  	[sflag:s22] =	ssyncadd.s32 s4;
	_ =	sdelay $0x1  }
0xa1: {  	s23 =	simm.s32 $0x1B8B  }
0xa2: {  	_ =	swait.ge [sflag:s23], $0x1  }
0xa3: {  	[sflag:s23] =	ssyncset.done $0x0  }
0xa4: {  	s25 =	simm.s32 $0x1B8E;
	s24 =	sld [smem:$0x3FFE];
	[sflag:s23] =	ssyncadd.s32 $0xFFFFFFFF  }
0xa5: {  	s26 =	simm.s32 $execute0_lowered;
	[smem:$0x3FD2] =	sst s25  }
0xa6: {  	s5 =	sshll.u32 s26, $0x1;
	_ =	strace $0x80000046;
	[dreg:$0x1] =	wrdreg $0xFFFFFFFF  }
0xa7: {  	s28 =	simm.s32 $_size_execute0_lowered;
	s3 =	sadd.s32 s3, s5;
	[dreg:$0x0] =	wrdreg $0x0  }
0xa8: {  	s5 =	sshll.u32 s28, $0x1;
	[dreg:$0x2] =	wrdreg s3  }
0xa9: {  	[dreg:$0x3] =	wrdreg s5  }
0xaa: {  	[dreg:$0x4] =	wrdreg $0xC0  }
0xab: {  	_ =	task [dreg:s7], $0x5FFFF  }
0xac: {  	[dreg:$0x1] =	wrdreg $0xFFFFFFFF  }
0xad: {  	[dreg:$0x0] =	wrdreg $0x60  }
0xae: {  	[dreg:$0x2] =	wrdreg s2  }
0xaf: {  	[dreg:$0x3] =	wrdreg s24  }
0xb0: {  	[dreg:$0x4] =	wrdreg $0x9  }
0xb1: {  	_ =	task.clear_ibuf [dreg:s7], $0x5FFFF;
	_ =	strace $0x90000046  }
0xb2: {  	s29 =	simm.s32 $0x9;
	_ =	strace $0x80000048  }
0xb3: {  	_ =	swait.ge [sflag:s29], $0x1  }
0xb4: {  	[sflag:s29] =	ssyncadd.s32 $0xFFFFFFFF  }
0xb5: {  	_ =	strace $0x90000048  }
0xb6: {  	_ =	sfence  }
0xb7: {  	s30 =	sld [smem:$0x0];
	_ =	sdelay $0x2  }
0xb8: {  	s31 =	sshll.u32 s1, $0xD;
	s1 =	sshrl.u32 s1, $0x2  }
0xb9: {  	s3 =	sand.u32 $0x4000, s31;
	s1 =	sadd.s32 s1, s30  }
0xba: {  	s0 =	sor.u32 s3, s0;
	s1 =	sshll.u32 s1, $0x11  }
0xbb: {  	s0 =	sor.u32 s1, s0  }
0xbc: {  	s0 =	sadd.s32 $0x8F2B, s0  }
0xbd: {  	[sflag:s0] =	ssyncadd.remote.s32 $0x1  }
0xbe: {  	_ =	sfence.sel $0xFFFF  }
0xbf: {  	[dreg:$0x0] =	wrdreg $0xFFFFFFFF;
	(pc) =	sbr.abs _section_cstart, $3  }
0xc0: {  	[dreg:$0x1] =	wrdreg $0xFFFFFFFF  }
0xc1: {  	_ =	task.clear_ibuf [dreg:s7], $0x2FFFF;
	_ =	strace $0x9FFFFFFF  }
0xc2: {  	(tm) =	ssettm $0x7FFFFFFF  }
0xc3: {  	_ =	shalt  }
tec
execute0_lowered:
.L_overlay_start_1:
0x0: {  	(tag) =	ssettag $0x1  }
0x1: {  	s5 =	rddreg [dreg:$0x0]  }
0x2: {  	s6 =	rddreg [dreg:$0x1]  }
0x3: {  	s0 =	rddreg [dreg:$0x2];
	s1 =	simm.s32 $0x0  }
0x4: {  	s4 =	srdreg.scid;
	s2 =	stileid.u32;
	s11 =	simm.s32 $0x6600  }
0x5: {  	s12 =	simm.s32 $0x2000;
	s13 =	simm.s32 $0x4000;
	s14 =	simm.s32 $0x1  }
0x6: {  	s15 =	simm.s32 $0x6C00;
	s16 =	simm.s32 $0x2;
	s17 =	simm.s32 $0x0  }
0x7: {  	[smem:$0x7FF] =	sst s1;
	s3 =	sadd.s32 $0x400, s6;
	s4 =	sand.u32 $0x1, s4  }
0x8: {  	s7 =	sshll.u32 s2, $0xB;
	s8 =	sshll.u32 s4, $0xA;
	s9 =	ssub.s32 $0x2, s4  }
0x9: {  	_ =	strace $0x80000047;
	s7 =	sor.u32 s8, s7;
	s31 =	sshrl.u32 s9, $0x1  }
0xa: {  	s4 =	sadd.s32 $0x600, s6;
	s10 =	sadd.s32 s7, s6;
	s9 =	ssub.s32 s9, s31  }
0xb: {  	s5 =	sadd.s32 s5, s7;
	s6 =	sadd.s32 $0x8800, s10;
	s7 =	sadd.s32 $0x800, s10  }
0xc: {  	s8 =	sadd.s32 $0x10800, s10;
	s9 =	smax.u32 s9, $0x1;
	s10 =	simm.s32 $0x6000  }
.LBB2_1:
0xd: {  	[tilespmem:s10], [sflag:$0x1] =	stream.linear.gather [hbm4b:s3+s1], $0x600, $0x38;
	[tilespmem:$0x8C00] =	vst v63  }
0xe: {  	_ = 	snop  }
0xf: {  	[tilespmem:s11], [sflag:$0x1] =	stream.linear.gather [hbm4b:s4+s1], $0x600, $0x38;
	[tilespmem:$0x8C00] =	vst v63  }
0x10: {  	_ = 	snop  }
0x11: {  	[tilespmem:s1], [sflag:$0x1] =	stream.linear.gather [hbm4b:s5+s1], $0x2000, $0x38;
	[tilespmem:$0x8C00] =	vst v63  }
0x12: {  	_ = 	snop  }
0x13: {  	[tilespmem:s12], [sflag:$0x1] =	stream.linear.gather [hbm4b:s6+s1], $0x2000, $0x38;
	[tilespmem:$0x8C00] =	vst v63  }
0x14: {  	_ = 	snop  }
0x15: {  	[tilespmem:s13], [sflag:$0x1] =	stream.linear.gather [hbm4b:s7+s1], $0x2000, $0x38;
	[tilespmem:$0x8C00] =	vst v63  }
0x16: {  	_ =	swait.ge [sflag:s14], $0x600  }
0x17: {  	[sflag:s14] =	ssyncset.done $0x0  }
0x18: {  	[sflag:s14] =	ssyncadd.s32 $0xFFFFFA00  }
0x19: {  	_ =	swait.ge [sflag:s14], $0x600  }
0x1a: {  	[sflag:s14] =	ssyncset.done $0x0  }
0x1b: {  	[sflag:s14] =	ssyncadd.s32 $0xFFFFFA00  }
0x1c: {  	_ =	swait.ge [sflag:s14], $0x2000  }
0x1d: {  	[sflag:s14] =	ssyncset.done $0x0  }
0x1e: {  	[sflag:s14] =	ssyncadd.s32 $0xFFFFE000  }
0x1f: {  	_ =	swait.ge [sflag:s14], $0x2000  }
0x20: {  	[sflag:s14] =	ssyncset.done $0x0  }
0x21: {  	[sflag:s14] =	ssyncadd.s32 $0xFFFFE000  }
0x22: {  	_ =	swait.ge [sflag:s14], $0x2000  }
0x23: {  	[sflag:s14] =	ssyncset.done $0x0  }
0x24: {  	s20 =	simm.s32 $0x2080;
	[sflag:s14] =	ssyncadd.s32 $0xFFFFE000  }
0x25: {  	v0 =	vld [tilespmem:s20+$0x70];
	_ =	sdelay $0x4  }
0x26: {  	s18 =	simm.s32 $0x4080  }
0x27: {  	v1 =	vld [tilespmem:s18+$0x70]  }
0x28: {  	v2 =	vld [tilespmem:s18+$0xFFFFFF80]  }
0x29: {  	v8 =	vld.idx.msk [tilespmem:v0+s10+$0x0], $0xffff  }
0x2a: {  	v3 =	vld [tilespmem:s20+$0xFFFFFF90]  }
0x2b: {  	v4 =	vld [tilespmem:s18+$0xFFFFFF90]  }
0x2c: {  	v5 =	vld [tilespmem:s20+$0xFFFFFFA0]  }
0x2d: {  	v6 =	vld [tilespmem:s18+$0xFFFFFFA0]  }
0x2e: {  	v7 =	vld [tilespmem:s20+$0xFFFFFFB0];
	[tilespmem:$0x1FFB0] =	vst v8  }
0x2f: {  	v8 =	vld.idx.msk [tilespmem:v1+s10+$0x0], $0xffff;
	_ =	sdelay $0x4  }
0x30: {  	[tilespmem:$0x1FFC0] =	vst v8  }
0x31: {  	v0 =	vld.idx.msk [tilespmem:v0+s11+$0x0], $0xffff;
	_ =	sdelay $0x4  }
0x32: {  	s19 =	simm.s32 $0x80;
	[tilespmem:$0x1FFD0] =	vst v0  }
0x33: {  	v0 =	vld [tilespmem:s19+$0x70];
	_ =	sdelay $0x4  }
0x34: {  	v1 =	vld.idx.msk [tilespmem:v1+s11+$0x0], $0xffff;
	[tilespmem:$0x1FFE0] =	vst v0  }
0x35: {  	v11 =	vld [tilespmem:s18+$0xFFFFFFB0]  }
0x36: {  	v12 =	vld [tilespmem:s20+$0xFFFFFFC0]  }
0x37: {  	v13 =	vld [tilespmem:s18+$0xFFFFFFC0]  }
0x38: {  	v14 =	vld [tilespmem:s20+$0xFFFFFFD0]  }
0x39: {  	v15 =	vld [tilespmem:s18+$0xFFFFFFD0]  }
0x3a: {  	v16 =	vld [tilespmem:s20+$0xFFFFFFE0]  }
0x3b: {  	v17 =	vld [tilespmem:s18+$0xFFFFFFE0]  }
0x3c: {  	v18 =	vld [tilespmem:s20+$0xFFFFFFF0]  }
0x3d: {  	v19 =	vld [tilespmem:s18+$0xFFFFFFF0]  }
0x3e: {  	v20 =	vld [tilespmem:s20+$0x0]  }
0x3f: {  	v21 =	vld [tilespmem:s18+$0x0]  }
0x40: {  	v22 =	vld [tilespmem:s20+$0x10]  }
0x41: {  	v23 =	vld [tilespmem:s18+$0x10]  }
0x42: {  	v24 =	vld [tilespmem:s20+$0x20]  }
0x43: {  	v25 =	vld [tilespmem:s18+$0x20]  }
0x44: {  	v26 =	vld [tilespmem:s20+$0x30]  }
0x45: {  	v27 =	vld [tilespmem:s18+$0x30]  }
0x46: {  	v28 =	vld [tilespmem:s20+$0x40]  }
0x47: {  	v29 =	vld [tilespmem:s18+$0x40]  }
0x48: {  	v0 =	vld.idx.msk [tilespmem:v2+s10+$0x0], $0xffff  }
0x49: {  	v30 =	vld [tilespmem:s20+$0x50]  }
0x4a: {  	v31 =	vld [tilespmem:s18+$0x50]  }
0x4b: {  	v32 =	vld [tilespmem:s20+$0x60]  }
0x4c: {  	v33 =	vld [tilespmem:s18+$0x60]  }
0x4d: {  	v34 =	vld [tilespmem:s20+$0xFFFFFF80];
	[tilespmem:$0x1FFF0] =	vst v0  }
0x4e: {  	v36 =	vld.idx.msk [tilespmem:v3+s10+$0x0], $0xffff  }
0x4f: {  	v37 =	vld.idx.msk [tilespmem:v4+s10+$0x0], $0xffff  }
0x50: {  	v38 =	vld.idx.msk [tilespmem:v5+s10+$0x0], $0xffff  }
0x51: {  	v39 =	vld.idx.msk [tilespmem:v6+s10+$0x0], $0xffff  }
0x52: {  	v40 =	vld.idx.msk [tilespmem:v7+s10+$0x0], $0xffff  }
0x53: {  	v10 =	vld.idx.msk [tilespmem:v2+s11+$0x0], $0xffff  }
0x54: {  	v9 =	vld.idx.msk [tilespmem:v3+s11+$0x0], $0xffff  }
0x55: {  	v8 =	vld.idx.msk [tilespmem:v4+s11+$0x0], $0xffff  }
0x56: {  	v7 =	vld.idx.msk [tilespmem:v7+s11+$0x0], $0xffff  }
0x57: {  	v2 =	vld [tilespmem:$0x1FFB0]  }
0x58: {  	v3 =	vld [tilespmem:$0x1FFC0]  }
0x59: {  	v41 =	vld.idx.msk [tilespmem:v11+s10+$0x0], $0xffff  }
0x5a: {  	v42 =	vld.idx.msk [tilespmem:v34+s10+$0x0], $0xffff  }
0x5b: {  	v43 =	vld.idx.msk [tilespmem:v12+s10+$0x0], $0xffff  }
0x5c: {  	v44 =	vld.idx.msk [tilespmem:v13+s10+$0x0], $0xffff  }
0x5d: {  	v45 =	vld.idx.msk [tilespmem:v14+s10+$0x0], $0xffff  }
0x5e: {  	v46 =	vld.idx.msk [tilespmem:v15+s10+$0x0], $0xffff  }
0x5f: {  	v47 =	vld.idx.msk [tilespmem:v16+s10+$0x0], $0xffff  }
0x60: {  	v48 =	vld.idx.msk [tilespmem:v17+s10+$0x0], $0xffff  }
0x61: {  	v49 =	vld.idx.msk [tilespmem:v18+s10+$0x0], $0xffff  }
0x62: {  	v50 =	vld.idx.msk [tilespmem:v19+s10+$0x0], $0xffff  }
0x63: {  	v51 =	vld.idx.msk [tilespmem:v20+s10+$0x0], $0xffff  }
0x64: {  	v52 =	vld.idx.msk [tilespmem:v21+s10+$0x0], $0xffff  }
0x65: {  	v53 =	vld.idx.msk [tilespmem:v22+s10+$0x0], $0xffff  }
0x66: {  	v54 =	vld.idx.msk [tilespmem:v23+s10+$0x0], $0xffff  }
0x67: {  	v55 =	vld.idx.msk [tilespmem:v24+s10+$0x0], $0xffff  }
0x68: {  	v56 =	vld.idx.msk [tilespmem:v25+s10+$0x0], $0xffff  }
0x69: {  	v57 =	vld.idx.msk [tilespmem:v26+s10+$0x0], $0xffff  }
0x6a: {  	v58 =	vld.idx.msk [tilespmem:v27+s10+$0x0], $0xffff  }
0x6b: {  	v59 =	vld.idx.msk [tilespmem:v28+s10+$0x0], $0xffff  }
0x6c: {  	v60 =	vld.idx.msk [tilespmem:v29+s10+$0x0], $0xffff  }
0x6d: {  	v61 =	vld.idx.msk [tilespmem:v30+s10+$0x0], $0xffff  }
0x6e: {  	v62 =	vld.idx.msk [tilespmem:v31+s10+$0x0], $0xffff  }
0x6f: {  	v63 =	vld.idx.msk [tilespmem:v32+s10+$0x0], $0xffff  }
0x70: {  	v35 =	vld.idx.msk [tilespmem:v34+s11+$0x0], $0xffff  }
0x71: {  	v34 =	vld.idx.msk [tilespmem:v5+s11+$0x0], $0xffff  }
0x72: {  	v5 =	vld.idx.msk [tilespmem:v6+s11+$0x0], $0xffff  }
0x73: {  	v11 =	vld.idx.msk [tilespmem:v11+s11+$0x0], $0xffff  }
0x74: {  	v12 =	vld.idx.msk [tilespmem:v12+s11+$0x0], $0xffff  }
0x75: {  	v13 =	vld.idx.msk [tilespmem:v13+s11+$0x0], $0xffff  }
0x76: {  	v14 =	vld.idx.msk [tilespmem:v14+s11+$0x0], $0xffff  }
0x77: {  	v15 =	vld.idx.msk [tilespmem:v15+s11+$0x0], $0xffff  }
0x78: {  	v16 =	vld.idx.msk [tilespmem:v16+s11+$0x0], $0xffff  }
0x79: {  	v17 =	vld.idx.msk [tilespmem:v17+s11+$0x0], $0xffff  }
0x7a: {  	v18 =	vld.idx.msk [tilespmem:v18+s11+$0x0], $0xffff  }
0x7b: {  	v19 =	vld.idx.msk [tilespmem:v19+s11+$0x0], $0xffff  }
0x7c: {  	v20 =	vld.idx.msk [tilespmem:v20+s11+$0x0], $0xffff  }
0x7d: {  	v21 =	vld.idx.msk [tilespmem:v21+s11+$0x0], $0xffff  }
0x7e: {  	v22 =	vld.idx.msk [tilespmem:v22+s11+$0x0], $0xffff  }
0x7f: {  	v2 =	vadd.f32 v3, v2;
	v3 =	vld [tilespmem:$0x1FFD0]  }
0x80: {  	v23 =	vld.idx.msk [tilespmem:v23+s11+$0x0], $0xffff  }
0x81: {  	v24 =	vld.idx.msk [tilespmem:v24+s11+$0x0], $0xffff  }
0x82: {  	v0 =	vld.idx.msk [tilespmem:v33+s10+$0x0], $0xffff  }
0x83: {  	v25 =	vld.idx.msk [tilespmem:v25+s11+$0x0], $0xffff  }
0x84: {  	v1 =	vadd.f32 v1, v3;
	v3 =	vld [tilespmem:$0x1FFE0]  }
0x85: {  	v26 =	vld.idx.msk [tilespmem:v26+s11+$0x0], $0xffff  }
0x86: {  	v27 =	vld.idx.msk [tilespmem:v27+s11+$0x0], $0xffff  }
0x87: {  	v28 =	vld.idx.msk [tilespmem:v28+s11+$0x0], $0xffff  }
0x88: {  	v29 =	vld.idx.msk [tilespmem:v29+s11+$0x0], $0xffff  }
0x89: {  	v30 =	vld.idx.msk [tilespmem:v30+s11+$0x0], $0xffff;
	v36 =	vadd.f32 v37, v36;
	v2 =	vmul.f32 v3, v2  }
0x8a: {  	v31 =	vld.idx.msk [tilespmem:v31+s11+$0x0], $0xffff;
	v37 =	vadd.f32 v39, v38;
	v8 =	vadd.f32 v8, v9  }
0x8b: {  	v38 =	vadd.f32 v41, v40;
	v6 =	vadd.f32 v2, v1;
	v1 =	vld [tilespmem:$0x1FFF0]  }
0x8c: {  	v32 =	vld.idx.msk [tilespmem:v32+s11+$0x0], $0xffff;
	v40 =	vadd.f32 v44, v43;
	v41 =	vadd.f32 v46, v45  }
0x8d: {  	v43 =	vadd.f32 v50, v49;
	v2 =	vadd.f32 v60, v59;
	v60 =	vld [tilespmem:s19+$0xFFFFFF90]  }
0x8e: {  	v52 =	vadd.f32 v52, v51;
	v4 =	vadd.f32 v56, v55;
	v56 =	vld [tilespmem:s19+$0xFFFFFF80]  }
0x8f: {  	v9 =	vld [tilespmem:s19+$0xFFFFFFB0];
	v54 =	vadd.f32 v54, v53;
	v0 =	vadd.f32 v0, v63  }
0x90: {  	v39 =	vadd.f32 v1, v42;
	v1 =	vadd.f32 v62, v61;
	v61 =	vld [tilespmem:s19+$0xFFFFFFA0]  }
0x91: {  	v10 =	vadd.f32 v10, v35;
	v13 =	vadd.f32 v13, v12;
	v12 =	vld [tilespmem:s19+$0xFFFFFFD0]  }
0x92: {  	v14 =	vadd.f32 v15, v14;
	v15 =	vadd.f32 v17, v16;
	v62 =	vld [tilespmem:s19+$0xFFFFFFC0];
	v17 =	vmul.f32 v60, v36  }
0x93: {  	v33 =	vld.idx.msk [tilespmem:v33+s11+$0x0], $0xffff;
	v34 =	vadd.f32 v5, v34;
	v11 =	vadd.f32 v11, v7;
	v7 =	vmul.f32 v56, v39  }
0x94: {  	s20 =	simm.s32 $0x6C80;
	v16 =	vadd.f32 v19, v18;
	v18 =	vld [tilespmem:s19+$0xFFFFFFE0];
	v9 =	vmul.f32 v9, v38;
	v17 =	vadd.f32 v17, v8  }
0x95: {  	v5 =	vadd.f32 v21, v20;
	v20 =	vld [tilespmem:s19+$0xFFFFFFF0];
	[tilespmem:s20+$0x70] =	vst v6;
	v10 =	vadd.f32 v7, v10;
	v19 =	vmul.f32 v61, v37  }
0x96: {  	v21 =	vld [tilespmem:s19+$0x0];
	v11 =	vadd.f32 v9, v11;
	v6 =	vadd.f32 v23, v22;
	[tilespmem:s20+$0xFFFFFF90] =	vst v17;
	v17 =	vmul.f32 v12, v41  }
0x97: {  	v22 =	vld [tilespmem:s19+$0x10];
	v42 =	vadd.f32 v48, v47;
	[tilespmem:s20+$0xFFFFFF80] =	vst v10;
	v10 =	vadd.f32 v19, v34;
	v19 =	vmul.f32 v62, v40  }
0x98: {  	v9 =	vadd.f32 v29, v28;
	v12 =	vld [tilespmem:s19+$0x20];
	v23 =	vadd.f32 v17, v14  }
0x99: {  	v3 =	vadd.f32 v58, v57;
	[tilespmem:s20+$0xFFFFFFB0] =	vst v11;
	v18 =	vmul.f32 v18, v42;
	v19 =	vadd.f32 v19, v13;
	v13 =	vld [tilespmem:s19+$0x30]  }
0x9a: {  	v63 =	vmul.f32 v20, v43;
	v11 =	vadd.f32 v33, v32;
	v8 =	vadd.f32 v27, v26;
	v14 =	vld [tilespmem:s19+$0x40];
	[tilespmem:s20+$0xFFFFFFD0] =	vst v23  }
0x9b: {  	v20 =	vmul.f32 v21, v52;
	v7 =	vadd.f32 v25, v24;
	v17 =	vadd.f32 v18, v15;
	v15 =	vld [tilespmem:s19+$0x50];
	[tilespmem:s20+$0xFFFFFFA0] =	vst v10  }
0x9c: {  	s21 =	simm.s32 $0x0;
	s22 =	simm.s32 $0x2180;
	v18 =	vadd.f32 v63, v16;
	v16 =	vld [tilespmem:s19+$0x60];
	v10 =	vadd.f32 v31, v30;
	[tilespmem:s20+$0xFFFFFFC0] =	vst v19;
	v19 =	vmul.f32 v22, v54  }
.LBB2_2:
0x9d: {  	v21 =	vld [tilespmem:s22+$0x70];
	[tilespmem:s20+$0xFFFFFFE0] =	vst v17;
	v17 =	vadd.f32 v20, v5;
	v4 =	vmul.f32 v12, v4;
	s18 =	sadd.s32 $0x100, s18  }
0x9e: {  	s21 =	sadd.s32 $0x10, s21;
	v12 =	vld [tilespmem:s18+$0x70];
	[tilespmem:s20+$0xFFFFFFF0] =	vst v18;
	v18 =	vadd.f32 v19, v6;
	v3 =	vmul.f32 v13, v3  }
0x9f: {  	p0 =	slt.u32 s21, $0x1F0;
	v5 =	vld [tilespmem:s18+$0xFFFFFF80];
	[tilespmem:s20+$0x0] =	vst v17;
	v4 =	vadd.f32 v4, v7;
	v2 =	vmul.f32 v14, v2  }
0xa0: {  	v6 =	vld [tilespmem:s22+$0xFFFFFF90];
	[tilespmem:s20+$0x10] =	vst v18;
	v3 =	vadd.f32 v3, v8;
	v7 =	vmul.f32 v15, v1  }
0xa1: {  	v1 =	vld [tilespmem:s18+$0xFFFFFF90];
	[tilespmem:s20+$0x20] =	vst v4;
	v2 =	vadd.f32 v2, v9;
	v4 =	vmul.f32 v16, v0  }
0xa2: {  	v0 =	vld [tilespmem:s22+$0xFFFFFFA0];
	[tilespmem:s20+$0x30] =	vst v3;
	v3 =	vadd.f32 v7, v10  }
0xa3: {  	v7 =	vld [tilespmem:s18+$0xFFFFFFA0];
	[tilespmem:s20+$0x40] =	vst v2;
	v2 =	vadd.f32 v4, v11  }
0xa4: {  	v8 =	vld [tilespmem:s22+$0xFFFFFFB0];
	[tilespmem:s20+$0x50] =	vst v3  }
0xa5: {  	v3 =	vld.idx.msk [tilespmem:v21+s10+$0x0], $0xffff;
	[tilespmem:s20+$0x60] =	vst v2  }
0xa6: {  	v2 =	vld.idx.msk [tilespmem:v12+s10+$0x0], $0xffff  }
0xa7: {  	v4 =	vld.idx.msk [tilespmem:v21+s11+$0x0], $0xffff  }
0xa8: {  	s19 =	sadd.s32 $0x100, s19;
	v9 =	vld.idx.msk [tilespmem:v12+s11+$0x0], $0xffff  }
0xa9: {  	v10 =	vld [tilespmem:s19+$0x70]  }
0xaa: {  	v23 =	vld [tilespmem:s18+$0xFFFFFFB0]  }
0xab: {  	v24 =	vld [tilespmem:s22+$0xFFFFFFC0]  }
0xac: {  	v2 =	vadd.f32 v2, v3;
	v19 =	vld [tilespmem:s18+$0xFFFFFFC0]  }
0xad: {  	v25 =	vld [tilespmem:s22+$0xFFFFFFD0]  }
0xae: {  	v3 =	vadd.f32 v9, v4;
	v20 =	vld [tilespmem:s18+$0xFFFFFFD0];
	v2 =	vmul.f32 v10, v2  }
0xaf: {  	v29 =	vld [tilespmem:s22+$0xFFFFFFE0]  }
0xb0: {  	v26 =	vld [tilespmem:s18+$0xFFFFFFE0];
	v2 =	vadd.f32 v2, v3  }
0xb1: {  	s20 =	sadd.s32 $0x100, s20;
	v30 =	vld [tilespmem:s22+$0xFFFFFFF0]  }
0xb2: {  	v31 =	vld [tilespmem:s18+$0xFFFFFFF0];
	[tilespmem:s20+$0x70] =	vst v2  }
0xb3: {  	v38 =	vld [tilespmem:s22+$0x0]  }
0xb4: {  	v32 =	vld [tilespmem:s18+$0x0]  }
0xb5: {  	v33 =	vld [tilespmem:s22+$0x10]  }
0xb6: {  	v27 =	vld [tilespmem:s18+$0x10]  }
0xb7: {  	v28 =	vld [tilespmem:s22+$0x20]  }
0xb8: {  	v21 =	vld [tilespmem:s18+$0x20]  }
0xb9: {  	v22 =	vld [tilespmem:s22+$0x30]  }
0xba: {  	v16 =	vld [tilespmem:s18+$0x30]  }
0xbb: {  	v17 =	vld [tilespmem:s22+$0x40]  }
0xbc: {  	v13 =	vld [tilespmem:s18+$0x40]  }
0xbd: {  	v14 =	vld [tilespmem:s22+$0x50]  }
0xbe: {  	v10 =	vld [tilespmem:s18+$0x50]  }
0xbf: {  	v11 =	vld [tilespmem:s22+$0x60]  }
0xc0: {  	v9 =	vld [tilespmem:s18+$0x60]  }
0xc1: {  	v2 =	vld [tilespmem:s22+$0xFFFFFF80]  }
0xc2: {  	v3 =	vld.idx.msk [tilespmem:v5+s10+$0x0], $0xffff  }
0xc3: {  	v4 =	vld.idx.msk [tilespmem:v6+s10+$0x0], $0xffff  }
0xc4: {  	v12 =	vld.idx.msk [tilespmem:v1+s10+$0x0], $0xffff  }
0xc5: {  	v15 =	vld.idx.msk [tilespmem:v0+s10+$0x0], $0xffff  }
0xc6: {  	v18 =	vld.idx.msk [tilespmem:v7+s10+$0x0], $0xffff  }
0xc7: {  	v34 =	vld.idx.msk [tilespmem:v8+s10+$0x0], $0xffff  }
0xc8: {  	v35 =	vld.idx.msk [tilespmem:v23+s10+$0x0], $0xffff  }
0xc9: {  	v36 =	vld.idx.msk [tilespmem:v2+s10+$0x0], $0xffff  }
0xca: {  	v12 =	vadd.f32 v12, v4;
	v4 =	vld.idx.msk [tilespmem:v24+s10+$0x0], $0xffff  }
0xcb: {  	v37 =	vld.idx.msk [tilespmem:v19+s10+$0x0], $0xffff  }
0xcc: {  	v15 =	vadd.f32 v18, v15;
	v39 =	vld.idx.msk [tilespmem:v25+s10+$0x0], $0xffff  }
0xcd: {  	v40 =	vld.idx.msk [tilespmem:v20+s10+$0x0], $0xffff  }
0xce: {  	v18 =	vadd.f32 v35, v34;
	v42 =	vld.idx.msk [tilespmem:v29+s10+$0x0], $0xffff  }
0xcf: {  	v41 =	vadd.f32 v3, v36;
	v3 =	vld.idx.msk [tilespmem:v26+s10+$0x0], $0xffff  }
0xd0: {  	v43 =	vld.idx.msk [tilespmem:v30+s10+$0x0], $0xffff  }
0xd1: {  	v34 =	vadd.f32 v37, v4;
	v4 =	vld.idx.msk [tilespmem:v31+s10+$0x0], $0xffff  }
0xd2: {  	v44 =	vld.idx.msk [tilespmem:v38+s10+$0x0], $0xffff  }
0xd3: {  	v35 =	vadd.f32 v40, v39;
	v39 =	vld.idx.msk [tilespmem:v32+s10+$0x0], $0xffff  }
0xd4: {  	v40 =	vld.idx.msk [tilespmem:v33+s10+$0x0], $0xffff  }
0xd5: {  	v36 =	vadd.f32 v3, v42;
	v3 =	vld.idx.msk [tilespmem:v27+s10+$0x0], $0xffff  }
0xd6: {  	v42 =	vld.idx.msk [tilespmem:v28+s10+$0x0], $0xffff  }
0xd7: {  	v37 =	vadd.f32 v4, v43;
	v4 =	vld.idx.msk [tilespmem:v21+s10+$0x0], $0xffff  }
0xd8: {  	v43 =	vld.idx.msk [tilespmem:v22+s10+$0x0], $0xffff  }
0xd9: {  	v39 =	vadd.f32 v39, v44;
	v44 =	vld.idx.msk [tilespmem:v16+s10+$0x0], $0xffff  }
0xda: {  	v45 =	vld.idx.msk [tilespmem:v17+s10+$0x0], $0xffff  }
0xdb: {  	v40 =	vadd.f32 v3, v40;
	v46 =	vld.idx.msk [tilespmem:v13+s10+$0x0], $0xffff  }
0xdc: {  	v47 =	vld.idx.msk [tilespmem:v14+s10+$0x0], $0xffff  }
0xdd: {  	v4 =	vadd.f32 v4, v42;
	v42 =	vld.idx.msk [tilespmem:v10+s10+$0x0], $0xffff  }
0xde: {  	v48 =	vld.idx.msk [tilespmem:v11+s10+$0x0], $0xffff  }
0xdf: {  	v3 =	vadd.f32 v44, v43;
	v43 =	vld.idx.msk [tilespmem:v9+s10+$0x0], $0xffff  }
0xe0: {  	v44 =	vld.idx.msk [tilespmem:v2+s11+$0x0], $0xffff  }
0xe1: {  	v2 =	vadd.f32 v46, v45;
	v5 =	vld.idx.msk [tilespmem:v5+s11+$0x0], $0xffff  }
0xe2: {  	v6 =	vld.idx.msk [tilespmem:v6+s11+$0x0], $0xffff  }
0xe3: {  	v45 =	vld.idx.msk [tilespmem:v1+s11+$0x0], $0xffff;
	v1 =	vadd.f32 v42, v47  }
0xe4: {  	v42 =	vld.idx.msk [tilespmem:v0+s11+$0x0], $0xffff  }
0xe5: {  	v0 =	vadd.f32 v43, v48;
	v7 =	vld.idx.msk [tilespmem:v7+s11+$0x0], $0xffff  }
0xe6: {  	v8 =	vld.idx.msk [tilespmem:v8+s11+$0x0], $0xffff  }
0xe7: {  	v43 =	vadd.f32 v5, v44;
	v5 =	vld.idx.msk [tilespmem:v23+s11+$0x0], $0xffff  }
0xe8: {  	v23 =	vld.idx.msk [tilespmem:v24+s11+$0x0], $0xffff  }
0xe9: {  	v24 =	vadd.f32 v45, v6;
	v6 =	vld.idx.msk [tilespmem:v19+s11+$0x0], $0xffff  }
0xea: {  	v19 =	vld.idx.msk [tilespmem:v25+s11+$0x0], $0xffff  }
0xeb: {  	v25 =	vadd.f32 v7, v42;
	v7 =	vld.idx.msk [tilespmem:v20+s11+$0x0], $0xffff  }
0xec: {  	v20 =	vld.idx.msk [tilespmem:v29+s11+$0x0], $0xffff  }
0xed: {  	v29 =	vadd.f32 v5, v8;
	v5 =	vld.idx.msk [tilespmem:v26+s11+$0x0], $0xffff  }
0xee: {  	v8 =	vld.idx.msk [tilespmem:v30+s11+$0x0], $0xffff  }
0xef: {  	v23 =	vadd.f32 v6, v23;
	v6 =	vld.idx.msk [tilespmem:v31+s11+$0x0], $0xffff  }
0xf0: {  	v26 =	vld.idx.msk [tilespmem:v38+s11+$0x0], $0xffff  }
0xf1: {  	v19 =	vadd.f32 v7, v19;
	v7 =	vld.idx.msk [tilespmem:v32+s11+$0x0], $0xffff  }
0xf2: {  	v30 =	vld.idx.msk [tilespmem:v33+s11+$0x0], $0xffff  }
0xf3: {  	v20 =	vadd.f32 v5, v20;
	v27 =	vld.idx.msk [tilespmem:v27+s11+$0x0], $0xffff  }
0xf4: {  	v28 =	vld.idx.msk [tilespmem:v28+s11+$0x0], $0xffff  }
0xf5: {  	v31 =	vadd.f32 v6, v8;
	v8 =	vld.idx.msk [tilespmem:v21+s11+$0x0], $0xffff  }
0xf6: {  	v21 =	vld.idx.msk [tilespmem:v22+s11+$0x0], $0xffff  }
0xf7: {  	v5 =	vadd.f32 v7, v26;
	v16 =	vld.idx.msk [tilespmem:v16+s11+$0x0], $0xffff  }
0xf8: {  	v17 =	vld.idx.msk [tilespmem:v17+s11+$0x0], $0xffff  }
0xf9: {  	v6 =	vadd.f32 v27, v30;
	v13 =	vld.idx.msk [tilespmem:v13+s11+$0x0], $0xffff  }
0xfa: {  	v14 =	vld.idx.msk [tilespmem:v14+s11+$0x0], $0xffff  }
0xfb: {  	v7 =	vadd.f32 v8, v28;
	v10 =	vld.idx.msk [tilespmem:v10+s11+$0x0], $0xffff  }
0xfc: {  	v11 =	vld.idx.msk [tilespmem:v11+s11+$0x0], $0xffff  }
0xfd: {  	v8 =	vadd.f32 v16, v21;
	v16 =	vld.idx.msk [tilespmem:v9+s11+$0x0], $0xffff  }
0xfe: {  	v21 =	vld [tilespmem:s19+$0xFFFFFF80]  }
0xff: {  	v9 =	vadd.f32 v13, v17;
	v22 =	vld [tilespmem:s19+$0xFFFFFF90]  }
0x100: {  	v13 =	vld [tilespmem:s19+$0xFFFFFFA0]  }
0x101: {  	v10 =	vadd.f32 v10, v14;
	v17 =	vld [tilespmem:s19+$0xFFFFFFB0]  }
0x102: {  	v14 =	vld [tilespmem:s19+$0xFFFFFFC0]  }
0x103: {  	v11 =	vadd.f32 v16, v11;
	v21 =	vmul.f32 v21, v41;
	v26 =	vld [tilespmem:s19+$0xFFFFFFD0]  }
0x104: {  	v12 =	vmul.f32 v22, v12;
	v16 =	vld [tilespmem:s19+$0xFFFFFFE0]  }
0x105: {  	v21 =	vadd.f32 v21, v43;
	v13 =	vmul.f32 v13, v15;
	v15 =	vld [tilespmem:s19+$0xFFFFFFF0]  }
0x106: {  	v12 =	vadd.f32 v12, v24;
	v17 =	vmul.f32 v17, v18;
	v18 =	vld [tilespmem:s19+$0x0]  }
0x107: {  	[tilespmem:s20+$0xFFFFFF80] =	vst v21;
	v13 =	vadd.f32 v13, v25;
	v14 =	vmul.f32 v14, v34;
	v21 =	vld [tilespmem:s19+$0x10]  }
.Ltmp0:
0x108: {  	[tilespmem:s20+$0xFFFFFF90] =	vst v12;
	v17 =	vadd.f32 v17, v29;
	v22 =	vmul.f32 v26, v35;
	v12 =	vld [tilespmem:s19+$0x20];
	(pc) =	sbr.rel @p0 .LBB2_2-.Ltmp0, $4  }
0x109: {  	[tilespmem:s20+$0xFFFFFFA0] =	vst v13;
	v23 =	vadd.f32 v14, v23;
	v16 =	vmul.f32 v16, v36;
	v13 =	vld [tilespmem:s19+$0x30]  }
0x10a: {  	[tilespmem:s20+$0xFFFFFFB0] =	vst v17;
	v19 =	vadd.f32 v22, v19;
	v22 =	vmul.f32 v15, v37;
	v14 =	vld [tilespmem:s19+$0x40]  }
0x10b: {  	[tilespmem:s20+$0xFFFFFFC0] =	vst v23;
	v17 =	vadd.f32 v16, v20;
	v20 =	vmul.f32 v18, v39;
	v15 =	vld [tilespmem:s19+$0x50]  }
0x10c: {  	s22 =	sadd.s32 $0x100, s22;
	[tilespmem:s20+$0xFFFFFFD0] =	vst v19;
	v18 =	vadd.f32 v22, v31;
	v19 =	vmul.f32 v21, v40;
	v16 =	vld [tilespmem:s19+$0x60]  }
0x10d: {  	[tilespmem:s20+$0xFFFFFFE0] =	vst v17;
	v5 =	vadd.f32 v20, v5;
	v4 =	vmul.f32 v12, v4  }
0x10e: {  	[tilespmem:s20+$0xFFFFFFF0] =	vst v18;
	v6 =	vadd.f32 v19, v6;
	v3 =	vmul.f32 v13, v3  }
0x10f: {  	[tilespmem:s20+$0x0] =	vst v5;
	v4 =	vadd.f32 v4, v7;
	v2 =	vmul.f32 v14, v2  }
0x110: {  	[tilespmem:s20+$0x10] =	vst v6;
	v3 =	vadd.f32 v3, v8;
	v1 =	vmul.f32 v15, v1  }
0x111: {  	[tilespmem:s20+$0x20] =	vst v4;
	v2 =	vadd.f32 v2, v9;
	v0 =	vmul.f32 v16, v0  }
0x112: {  	[tilespmem:s20+$0x30] =	vst v3;
	v1 =	vadd.f32 v1, v10  }
0x113: {  	s17 =	sadd.s32 $0x1, s17;
	[tilespmem:s20+$0x40] =	vst v2;
	v0 =	vadd.f32 v0, v11  }
0x114: {  	p0 =	sne.s32 s17, s9;
	[tilespmem:s20+$0x50] =	vst v1  }
.Ltmp1:
0x115: {  	[tilespmem:s20+$0x60] =	vst v0;
	(pc) =	sbr.rel @p0 .LBB2_1-.Ltmp1, $4  }
0x116: {  	[hbm4b:s8+s1] =	stream.linear.scatter [tilespmem:s15], [sflag:$0x2], $0x2000, $0x38;
	[tilespmem:$0x8C00] =	vst v63  }
0x117: {  	_ =	swait.ge [sflag:s16], $0x2000  }
0x118: {  	[sflag:s16] =	ssyncset.done $0x0  }
0x119: {  	[sflag:s16] =	ssyncadd.s32 $0xFFFFE000  }
0x11a: {  	_ =	sfence.sel $0x180000  }
0x11b: {  	[bflag:$0x0] =	sbarrier.arrive $0xFFFF  }
0x11c: {  	p0 =	sne.s32 s2, $0x0;
	_ =	strace $0x90000047  }
0x11d: {  	s0 =	sadd.s32 @!p0 $0x100000, s0;
	[bflag:$0x2] =	sbarrier.arrive $0xFFFF  }
0x11e: {  	[sflag:s0] =	ssyncadd.tile.s32 @!p0 $0x1;
	_ =	shalt  }
.Lfunc_end2:
_tile_overlayer_lowered:
.L_overlay_start_2:
0x11f: {  	(tag) =	ssettag $0x2  }
0x120: {  	s0 =	rddreg [dreg:$0x0];
	s2 =	stileid.u32  }
0x121: {  	s1 =	rddreg [dreg:$0x1];
	p0 =	sne.s32 s2, $0x0  }
0x122: {  	s3 =	rddreg [dreg:$0x2];
	[bflag:$0x3] =	sbarrier.arrive $0xFFFF;
	s2 =	simm.s32 @!p0 $0x1C02  }
0x123: {  	[timem:s3], [sflag:s2] =	dma.local @!p0 [hbm:s0], s1  }
0x124: {  	s0 =	simm.s32 @!p0 $0x2  }
0x125: {  	_ =	swait.ge @!p0 [sflag:s0], s1  }
0x126: {  	s1 =	ssub.s32 @!p0 $0x0, s1;
	[sflag:s0] =	ssyncset.done @!p0 $0x0  }
0x127: {  	[sflag:s0] =	ssyncadd.s32 @!p0 s1  }
0x128: {  	[bflag:$0x3] =	sbarrier.arrive $0xFFFF  }
0x129: {  	_ =	shalt  }

</sc_bundles>
